<compile_context>
chip_gen: v7x
topology: tpu7x:2x2x1
jax: 0.10.2.dev20260603
libtpu: 0.0.44.dev20260713+nightly
codegen_flags: <defaults>
</compile_context>

<pallas_src>
import functools

import jax
import jax.numpy as jnp
from jax import lax
from jax.experimental import pallas as pl
from jax.experimental.pallas import tpu as pltpu
from jax.experimental.pallas import tpu_sc as plsc

N = 10000
N_PAD = 10240
HD = 128
ZD = 64
NC, NS = 2, 16
NW = NC * NS
RP = N_PAD // NS
BR = 1024
GRID = N_PAD // BR

_MESH = plsc.VectorSubcoreMesh(core_axis_name="c", subcore_axis_name="s")



def _chunking(E):
    epw = -(-E // NW)
    epw += (-epw) % 4
    for cb in range(min(128, epw), 63, -1):
        if epw % cb == 0 and (epw // cb) % 4 == 0:
            return cb, epw // cb, epw
    epw += (-epw) % 512
    return 128, epw // 128, epw


def _make_spmv(nchunk, CB):
    assert nchunk % 4 == 0
    half = nchunk // 2

    @functools.partial(
        pl.kernel, mesh=_MESH,
        out_type=jax.ShapeDtypeStruct((NC * N_PAD, HD), jnp.float32),
        scratch_types=[
            pltpu.VMEM((half, CB), jnp.int32),
            pltpu.VMEM((half, CB), jnp.int32),
            pltpu.VMEM((CB, HD), jnp.float32),
            pltpu.VMEM((CB, HD), jnp.float32),
            pltpu.SemaphoreType.DMA,
            pltpu.SemaphoreType.DMA,
            pltpu.SemaphoreType.DMA,
            pltpu.SemaphoreType.DMA,
            pltpu.VMEM_SHARED((N_PAD, HD), jnp.float32),
        ])
    def spmv(x_hbm, src_hbm, dst_hbm, zeros_hbm, out_hbm,
             src_v, dst_v, b0, b1, g0, g1, s0, s1, acc):
        c = lax.axis_index("c")
        s = lax.axis_index("s")
        w = s * NC + c
        pltpu.async_copy(zeros_hbm, acc.at[pl.ds(s * RP, RP)], s0)
        pltpu.async_copy(src_hbm.at[pl.ds(w * nchunk, half)], src_v, g0)
        pltpu.async_copy(dst_hbm.at[pl.ds(w * nchunk, half)], dst_v, g1)
        pltpu.make_async_copy(zeros_hbm, acc.at[pl.ds(s * RP, RP)], s0).wait()
        pltpu.make_async_copy(src_hbm.at[pl.ds(w * nchunk, half)], src_v,
                              g0).wait()
        pltpu.make_async_copy(dst_hbm.at[pl.ds(w * nchunk, half)], dst_v,
                              g1).wait()
        plsc.subcore_barrier()
        bufs = (b0, b1)
        gsems = (g0, g1)
        ssems = (s0, s1)

        for phase in range(2):
            base = w * nchunk + phase * half
            if phase:
                pltpu.sync_copy(src_hbm.at[pl.ds(base, half)], src_v)
                pltpu.sync_copy(dst_hbm.at[pl.ds(base, half)], dst_v)
            pltpu.async_copy(x_hbm.at[src_v.at[0]], b0, g0)
            pltpu.async_copy(x_hbm.at[src_v.at[1]], b1, g1)

            def body(j2, carry):
                j = j2 * 2
                for k in range(2):
                    pltpu.make_async_copy(x_hbm.at[src_v.at[j + k]],
                                          bufs[k], gsems[k]).wait()
                    pltpu.async_copy(bufs[k], acc.at[dst_v.at[j + k]],
                                     ssems[k], add=True)
                for k in range(2):
                    @pl.when(j + 2 + k < half)
                    def _():
                        pltpu.make_async_copy(bufs[k],
                                              acc.at[dst_v.at[j + k]],
                                              ssems[k]).wait()
                        pltpu.async_copy(x_hbm.at[src_v.at[j + 2 + k]],
                                         bufs[k], gsems[k])
                return carry

            lax.fori_loop(0, half // 2, body, 0)
            pltpu.make_async_copy(b0, acc.at[dst_v.at[half - 2]], s0).wait()
            pltpu.make_async_copy(b1, acc.at[dst_v.at[half - 1]], s1).wait()

        plsc.subcore_barrier()
        pltpu.sync_copy(acc.at[pl.ds(s * RP, RP)],
                        out_hbm.at[pl.ds(c * N_PAD + s * RP, RP)])

    return spmv


def _make_deg(nchunk, CB):

    @functools.partial(
        pl.kernel, mesh=_MESH,
        out_type=jax.ShapeDtypeStruct((NC * N_PAD, HD), jnp.float32),
        scratch_types=[
            pltpu.VMEM((nchunk, CB), jnp.int32),
            pltpu.VMEM((CB, HD), jnp.float32),
            pltpu.SemaphoreType.DMA,
            pltpu.VMEM_SHARED((N_PAD, HD), jnp.float32),
        ])
    def deg(dst_hbm, ones_hbm, zeros_hbm, out_hbm, dst_v, ones_v, sem, acc):
        c = lax.axis_index("c")
        s = lax.axis_index("s")
        w = s * NC + c
        pltpu.async_copy(zeros_hbm, acc.at[pl.ds(s * RP, RP)], sem)
        pltpu.async_copy(dst_hbm.at[pl.ds(w * nchunk, nchunk)], dst_v, sem)
        pltpu.async_copy(ones_hbm, ones_v, sem)
        pltpu.make_async_copy(zeros_hbm, acc.at[pl.ds(s * RP, RP)], sem).wait()
        pltpu.make_async_copy(dst_hbm.at[pl.ds(w * nchunk, nchunk)], dst_v,
                              sem).wait()
        pltpu.make_async_copy(ones_hbm, ones_v, sem).wait()
        plsc.subcore_barrier()

        def body(j, carry):
            pltpu.async_copy(ones_v, acc.at[dst_v.at[j]], sem, add=True)
            return carry

        lax.fori_loop(0, nchunk, body, 0)

        def drain(j, carry):
            pltpu.make_async_copy(ones_v, acc.at[dst_v.at[0]], sem).wait()
            return carry

        lax.fori_loop(0, nchunk, drain, 0)
        plsc.subcore_barrier()
        pltpu.sync_copy(acc.at[pl.ds(s * RP, RP)],
                        out_hbm.at[pl.ds(c * N_PAD + s * RP, RP)])

    return deg



def _softplus(v):
    return jnp.log1p(jnp.exp(-jnp.abs(v))) + jnp.maximum(v, 0.0)


def _row(cols):
    return pl.BlockSpec((BR, cols), lambda i: (i, 0))


def _full(shape):
    return pl.BlockSpec(shape, lambda i: tuple(0 for _ in shape))


def _part_spec(cols):
    return pl.BlockSpec((NC, BR, cols), lambda i: (0, i, 0))


def _mm(a, b):
    return jnp.dot(a, b, preferred_element_type=jnp.float32)


def _d1_body(x_ref, h0_ref, wpx, bpx, wpr, bpr, wpm, bpm, wps, bps,
             phi_x_ref, pm_ref, ps_ref):
    x = x_ref[...]
    h0 = h0_ref[...]
    phi_x_ref[...] = jnp.maximum(_mm(x, wpx[...]) + bpx[...], 0.0)
    pt = jnp.maximum(_mm(h0, wpr[...]) + bpr[...], 0.0)
    pm_ref[...] = _mm(pt, wpm[...]) + bpm[...]
    ps_ref[...] = _softplus(_mm(pt, wps[...]) + bps[...])


def _d2_body(degp_ref, phi_x_ref, h0_ref, wea, web, dinv_ref, u1_ref):
    deg = degp_ref[0, :, 0:1] + degp_ref[1, :, 0:1] + 1.0
    dinv = 1.0 / jnp.sqrt(jnp.clip(deg, 1.0))
    dinv_ref[...] = jnp.broadcast_to(dinv, dinv_ref.shape)
    u1_ref[...] = dinv * (_mm(phi_x_ref[...], wea[...]) +
                          _mm(h0_ref[...], web[...]))


def _d3_body(s1_ref, u1_ref, dinv_ref, wem, wes, benc, u2_ref):
    dinv = dinv_ref[:, 0:1]
    enc = dinv * (s1_ref[0] + s1_ref[1] + u1_ref[...]) + benc[...]
    u2_ref[...] = dinv * jnp.concatenate(
        [_mm(enc, wem[...]), _mm(enc, wes[...])], axis=1)


def _d4_body(s2_ref, u2_ref, dinv_ref, noise_ref, bem, bes, phi_x_ref,
             h0_ref, wphz, bphz, wxza, wxzb, whz, wxra, wxrb, whr,
             wxha, wxhb, em_ref, es_ref, u3a_ref, u3b_ref, u3c_ref):
    dinv = dinv_ref[:, 0:1]
    t = dinv * (s2_ref[0] + s2_ref[1] + u2_ref[...])
    em = t[:, :ZD] + bem[...]
    es = _softplus(t[:, ZD:] + bes[...])
    em_ref[...] = em
    es_ref[...] = es
    z = em + es * noise_ref[...]
    phi_z = jnp.maximum(_mm(z, wphz[...]) + bphz[...], 0.0)
    phi_x = phi_x_ref[...]
    h0 = h0_ref[...]
    u3a_ref[...] = dinv * (_mm(phi_x, wxza[...]) + _mm(phi_z, wxzb[...]) +
                           _mm(h0, whz[...]))
    u3b_ref[...] = dinv * (_mm(phi_x, wxra[...]) + _mm(phi_z, wxrb[...]) +
                           _mm(h0, whr[...]))
    u3c_ref[...] = dinv * (_mm(phi_x, wxha[...]) + _mm(phi_z, wxhb[...]))


def _d5_body(s3a_ref, s3b_ref, u3a_ref, u3b_ref, dinv_ref, h0_ref, whh,
             zg_ref, u4_ref):
    dinv = dinv_ref[:, 0:1]
    zg = jax.nn.sigmoid(dinv * (s3a_ref[0] + s3a_ref[1] + u3a_ref[...]))
    rg = jax.nn.sigmoid(dinv * (s3b_ref[0] + s3b_ref[1] + u3b_ref[...]))
    zg_ref[...] = zg
    u4_ref[...] = dinv * _mm(rg * h0_ref[...], whh[...])


def _d6_body(s3c_ref, u3c_ref, s4_ref, u4_ref, dinv_ref, zg_ref, h0_ref,
             hout_ref):
    dinv = dinv_ref[:, 0:1]
    ht = jnp.tanh(dinv * (s3c_ref[0] + s3c_ref[1] + u3c_ref[...]) +
                  dinv * (s4_ref[0] + s4_ref[1] + u4_ref[...]))
    zg = zg_ref[...]
    hout_ref[...] = zg * h0_ref[...] + (1.0 - zg) * ht


def _call(body, in_specs, out_specs, out_shapes, args):
    return pl.pallas_call(
        body, grid=(GRID,), in_specs=in_specs, out_specs=out_specs,
        out_shape=out_shapes)(*args)



def kernel(x, edge_index, h, noise, W_phi_x, b_phi_x, W_enc, b_enc,
           W_enc_mean, b_enc_mean, W_enc_std, b_enc_std,
           W_prior, b_prior, W_prior_mean, b_prior_mean,
           W_prior_std, b_prior_std, W_phi_z, b_phi_z,
           W_xz, W_hz, W_xr, W_hr, W_xh, W_hh):
    E = edge_index.shape[1]
    CB, nchunk, epw = _chunking(E)
    e_pad = NW * epw

    f32 = jnp.float32
    padn = N_PAD - N
    xp = jnp.pad(x, ((0, padn), (0, 0)))
    h0p = jnp.pad(h[0], ((0, padn), (0, 0)))
    noisep = jnp.pad(noise, ((0, padn), (0, 0)))

    pad_idx = N + (jnp.arange(e_pad - E, dtype=jnp.int32) % padn)
    srcp = jnp.concatenate([edge_index[0], pad_idx]).reshape(NW * nchunk, CB)
    dstp = jnp.concatenate([edge_index[1], pad_idx]).reshape(NW * nchunk, CB)

    zeros128 = jnp.zeros((RP, HD), f32)
    ones128 = jnp.ones((CB, HD), f32)

    spmv = _make_spmv(nchunk, CB)
    degk = _make_deg(nchunk, CB)

    def b2(v):
        return v.reshape(1, -1)

    degp = degk(dstp, ones128, zeros128).reshape(NC, N_PAD, HD)

    phi_x, pm, ps = _call(
        _d1_body,
        [_row(HD), _row(HD), _full((HD, HD)), _full((1, HD)),
         _full((HD, HD)), _full((1, HD)), _full((HD, ZD)), _full((1, ZD)),
         _full((HD, ZD)), _full((1, ZD))],
        [_row(HD), _row(ZD), _row(ZD)],
        [jax.ShapeDtypeStruct((N_PAD, HD), f32),
         jax.ShapeDtypeStruct((N_PAD, ZD), f32),
         jax.ShapeDtypeStruct((N_PAD, ZD), f32)],
        (xp, h0p, W_phi_x, b2(b_phi_x), W_prior, b2(b_prior),
         W_prior_mean, b2(b_prior_mean), W_prior_std, b2(b_prior_std)))

    dinv16, U1 = _call(
        _d2_body,
        [_part_spec(HD), _row(HD), _row(HD), _full((HD, HD)),
         _full((HD, HD))],
        [_row(16), _row(HD)],
        [jax.ShapeDtypeStruct((N_PAD, 16), f32),
         jax.ShapeDtypeStruct((N_PAD, HD), f32)],
        (degp, phi_x, h0p, W_enc[:HD], W_enc[HD:]))

    S1 = spmv(U1, srcp, dstp, zeros128).reshape(NC, N_PAD, HD)
    U2 = _call(
        _d3_body,
        [_part_spec(HD), _row(HD), _row(16), _full((HD, ZD)),
         _full((HD, ZD)), _full((1, HD))],
        _row(HD),
        jax.ShapeDtypeStruct((N_PAD, HD), f32),
        (S1, U1, dinv16, W_enc_mean, W_enc_std, b2(b_enc)))

    S2 = spmv(U2, srcp, dstp, zeros128).reshape(NC, N_PAD, HD)
    em, es, U3a, U3b, U3c = _call(
        _d4_body,
        [_part_spec(HD), _row(HD), _row(16), _row(ZD), _full((1, ZD)),
         _full((1, ZD)), _row(HD), _row(HD), _full((ZD, HD)),
         _full((1, HD)), _full((HD, HD)), _full((HD, HD)), _full((HD, HD)),
         _full((HD, HD)), _full((HD, HD)), _full((HD, HD)),
         _full((HD, HD)), _full((HD, HD))],
        [_row(ZD), _row(ZD), _row(HD), _row(HD), _row(HD)],
        [jax.ShapeDtypeStruct((N_PAD, ZD), f32),
         jax.ShapeDtypeStruct((N_PAD, ZD), f32),
         jax.ShapeDtypeStruct((N_PAD, HD), f32),
         jax.ShapeDtypeStruct((N_PAD, HD), f32),
         jax.ShapeDtypeStruct((N_PAD, HD), f32)],
        (S2, U2, dinv16, noisep, b2(b_enc_mean), b2(b_enc_std), phi_x, h0p,
         W_phi_z, b2(b_phi_z), W_xz[:HD], W_xz[HD:], W_hz,
         W_xr[:HD], W_xr[HD:], W_hr, W_xh[:HD], W_xh[HD:]))

    S3a = spmv(U3a, srcp, dstp, zeros128).reshape(NC, N_PAD, HD)
    S3b = spmv(U3b, srcp, dstp, zeros128).reshape(NC, N_PAD, HD)
    S3c = spmv(U3c, srcp, dstp, zeros128).reshape(NC, N_PAD, HD)
    zg, U4 = _call(
        _d5_body,
        [_part_spec(HD), _part_spec(HD), _row(HD), _row(HD), _row(16),
         _row(HD), _full((HD, HD))],
        [_row(HD), _row(HD)],
        [jax.ShapeDtypeStruct((N_PAD, HD), f32),
         jax.ShapeDtypeStruct((N_PAD, HD), f32)],
        (S3a, S3b, U3a, U3b, dinv16, h0p, W_hh))

    S4 = spmv(U4, srcp, dstp, zeros128).reshape(NC, N_PAD, HD)
    hout = _call(
        _d6_body,
        [_part_spec(HD), _row(HD), _part_spec(HD), _row(HD), _row(16),
         _row(HD), _row(HD)],
        _row(HD),
        jax.ShapeDtypeStruct((N_PAD, HD), f32),
        (S3c, U3c, S4, U4, dinv16, zg, h0p))

    return (em[:N], es[:N], pm[:N], ps[:N], hout[:N][None])

# --- scband reference (transcript-rebuilt; emitter-appended) ---
"""Pipeline reference for scband-vgrnn-7851200217454 (READ-ONLY COPY).

The authoritative reference and input builder live on the scoring server;
editing this copy changes nothing except your own understanding.
"""

import jax, jax.numpy as jnp
import numpy as np


def _gcn(x, src, dst, W, b=None):
    N = x.shape[0]
    deg = jax.ops.segment_sum(jnp.ones_like(dst, dtype=jnp.float32), dst, num_segments=N)
    dinv = 1.0 / jnp.sqrt(jnp.clip(deg, 1.0, None))
    norm = dinv[src] * dinv[dst]
    h = x @ W
    out = jax.ops.segment_sum(h[src] * norm[:, None], dst, num_segments=N)
    if b is not None:
        out = out + b
    return out


def setup_inputs(seed: int = 0):
    key = jax.random.key(seed)
    N, E, XD, HD, ZD = 10000, 320000, 128, 128, 64
    ks = jax.random.split(key, 32)

    def p(k, shape, fan):
        return jax.random.normal(k, shape, dtype=jnp.float32) / np.sqrt(fan)

    inp = {}
    inp['x'] = jax.random.normal(ks[0], (N, XD), dtype=jnp.float32)
    inp['edge_index'] = jax.random.randint(ks[1], (2, E), 0, N, dtype=jnp.int32)
    inp['h'] = jax.random.normal(ks[2], (1, N, HD), dtype=jnp.float32)
    inp['noise'] = jax.random.normal(ks[3], (N, ZD), dtype=jnp.float32)
    # phi_x: Linear(x_dim, h_dim)
    inp['W_phi_x'] = p(ks[4], (XD, HD), XD)
    inp['b_phi_x'] = jnp.zeros((HD,), jnp.float32)
    # enc: GCNConv(2*h_dim, h_dim)
    inp['W_enc'] = p(ks[5], (2 * HD, HD), 2 * HD)
    inp['b_enc'] = jnp.zeros((HD,), jnp.float32)
    inp['W_enc_mean'] = p(ks[6], (HD, ZD), HD)
    inp['b_enc_mean'] = jnp.zeros((ZD,), jnp.float32)
    inp['W_enc_std'] = p(ks[7], (HD, ZD), HD)
    inp['b_enc_std'] = jnp.zeros((ZD,), jnp.float32)
    # prior: Linear(h_dim, h_dim) -> mean/std Linear(h_dim, z_dim)
    inp['W_prior'] = p(ks[8], (HD, HD), HD)
    inp['b_prior'] = jnp.zeros((HD,), jnp.float32)
    inp['W_prior_mean'] = p(ks[9], (HD, ZD), HD)
    inp['b_prior_mean'] = jnp.zeros((ZD,), jnp.float32)
    inp['W_prior_std'] = p(ks[10], (HD, ZD), HD)
    inp['b_prior_std'] = jnp.zeros((ZD,), jnp.float32)
    # phi_z: Linear(z_dim, h_dim)
    inp['W_phi_z'] = p(ks[11], (ZD, HD), ZD)
    inp['b_phi_z'] = jnp.zeros((HD,), jnp.float32)
    # graph_gru_gcn layer 0 (bias=False): input is concat(phi_x, phi_z) -> 2*h_dim
    inp['W_xz'] = p(ks[12], (2 * HD, HD), 2 * HD)
    inp['W_hz'] = p(ks[13], (HD, HD), HD)
    inp['W_xr'] = p(ks[14], (2 * HD, HD), 2 * HD)
    inp['W_hr'] = p(ks[15], (HD, HD), HD)
    inp['W_xh'] = p(ks[16], (2 * HD, HD), 2 * HD)
    inp['W_hh'] = p(ks[17], (HD, HD), HD)
    return inp


def reference(x, edge_index, h, noise, W_phi_x, b_phi_x, W_enc, b_enc,
              W_enc_mean, b_enc_mean, W_enc_std, b_enc_std,
              W_prior, b_prior, W_prior_mean, b_prior_mean,
              W_prior_std, b_prior_std, W_phi_z, b_phi_z,
              W_xz, W_hz, W_xr, W_hr, W_xh, W_hh):
    N = x.shape[0]
    loop = jnp.arange(N, dtype=edge_index.dtype)
    src = jnp.concatenate([edge_index[0], loop])
    dst = jnp.concatenate([edge_index[1], loop])

    phi_x_t = jax.nn.relu(x @ W_phi_x + b_phi_x)
    enc_t = _gcn(jnp.concatenate([phi_x_t, h[-1]], axis=1), src, dst, W_enc, b_enc)
    enc_mean_t = _gcn(enc_t, src, dst, W_enc_mean, b_enc_mean)
    enc_std_t = jax.nn.softplus(_gcn(enc_t, src, dst, W_enc_std, b_enc_std))

    prior_t = jax.nn.relu(h[-1] @ W_prior + b_prior)
    prior_mean_t = prior_t @ W_prior_mean + b_prior_mean
    prior_std_t = jax.nn.softplus(prior_t @ W_prior_std + b_prior_std)

    # reparameterize with externally supplied noise for determinism
    z_t = enc_mean_t + enc_std_t * noise
    phi_z_t = jax.nn.relu(z_t @ W_phi_z + b_phi_z)

    rnn_in = jnp.concatenate([phi_x_t, phi_z_t], axis=1)
    h0 = h[0]
    z_g = jax.nn.sigmoid(_gcn(rnn_in, src, dst, W_xz) + _gcn(h0, src, dst, W_hz))
    r_g = jax.nn.sigmoid(_gcn(rnn_in, src, dst, W_xr) + _gcn(h0, src, dst, W_hr))
    h_tilde = jnp.tanh(_gcn(rnn_in, src, dst, W_xh) + _gcn(r_g * h0, src, dst, W_hh))
    h_out = z_g * h0 + (1.0 - z_g) * h_tilde
    return (enc_mean_t, enc_std_t, prior_mean_t, prior_std_t, h_out[None])

if __name__ == "__main__":
    import jax
    _d = setup_inputs()
    print(jax.jit(kernel)(*tuple(_d.values())))

</pallas_src>

<mosaic_0001>
#map = affine_map<(d0, d1) -> (0, 0)>
module attributes {stable_mosaic.version = 14 : i64} {
  func.func @spmv(%arg0: i32, %arg1: i32, %arg2: memref<10240x128xf32, #tpu.memory_space<hbm>>, %arg3: memref<2560x125xi32, #tpu.memory_space<hbm>>, %arg4: memref<2560x125xi32, #tpu.memory_space<hbm>>, %arg5: memref<640x128xf32, #tpu.memory_space<hbm>>, %arg6: memref<20480x128xf32, #tpu.memory_space<hbm>>, %arg7: memref<40x125xi32, #tpu.memory_space<vmem>>, %arg8: memref<40x125xi32, #tpu.memory_space<vmem>>, %arg9: memref<125x128xf32, #tpu.memory_space<vmem>>, %arg10: memref<125x128xf32, #tpu.memory_space<vmem>>, %arg11: memref<!tpu.dma_semaphore, #tpu.memory_space<semaphore_mem>>, %arg12: memref<!tpu.dma_semaphore, #tpu.memory_space<semaphore_mem>>, %arg13: memref<!tpu.dma_semaphore, #tpu.memory_space<semaphore_mem>>, %arg14: memref<!tpu.dma_semaphore, #tpu.memory_space<semaphore_mem>>, %arg15: memref<10240x128xf32, #tpu.memory_space<vmem_shared>>) attributes {dimension_semantics = [#tpu.dimension_semantics<core_parallel>, #tpu.dimension_semantics<subcore_parallel>], iteration_bounds = array<i64: 2, 16>, scalar_prefetch = 0 : i64, scratch_operands = 9 : i64, tpu.core_type = #tpu.core_type<sc_vector_subcore>, window_params = [{transform_indices = #map}, {transform_indices = #map}, {transform_indices = #map}, {transform_indices = #map}, {transform_indices = #map}]} {
    %mul3A = arith.constant 2 : i32
    %mul3A_0 = arith.muli %arg1, %mul3A : i32
    %add3A = arith.addi %mul3A_0, %arg0 : i32
    %mul3A_1 = arith.constant 640 : i32
    %mul3A_2 = arith.muli %arg1, %mul3A_1 : i32
    %dma_start3A = arith.constant 0 : i32
    %dma_start3A_3 = tpu.memref_slice %arg15[%mul3A_2, %dma_start3A] : memref<10240x128xf32, #tpu.memory_space<vmem_shared>> -> memref<640x128xf32, #tpu.memory_space<vmem_shared>>
    tpu.enqueue_dma source(%arg5 : memref<640x128xf32, #tpu.memory_space<hbm>>) target(%dma_start3A_3 : memref<640x128xf32, #tpu.memory_space<vmem_shared>>) target_semaphore(%arg13 : memref<!tpu.dma_semaphore, #tpu.memory_space<semaphore_mem>>)
    %mul3A_4 = arith.constant 80 : i32
    %mul3A_5 = arith.muli %add3A, %mul3A_4 : i32
    %dma_start3A_6 = arith.constant 0 : i32
    %dma_start3A_7 = tpu.memref_slice %arg3[%mul3A_5, %dma_start3A_6] : memref<2560x125xi32, #tpu.memory_space<hbm>> -> memref<40x125xi32, #tpu.memory_space<hbm>>
    %dma_start3A_8 = arith.constant 0 : i32
    %dma_start3A_9 = tpu.memref_slice %arg3[%mul3A_5, %dma_start3A_8] : memref<2560x125xi32, #tpu.memory_space<hbm>> -> memref<40x125xi32, #tpu.memory_space<hbm>>
    tpu.enqueue_dma source(%dma_start3A_9 : memref<40x125xi32, #tpu.memory_space<hbm>>) target(%arg7 : memref<40x125xi32, #tpu.memory_space<vmem>>) target_semaphore(%arg11 : memref<!tpu.dma_semaphore, #tpu.memory_space<semaphore_mem>>)
    %mul3A_10 = arith.constant 80 : i32
    %mul3A_11 = arith.muli %add3A, %mul3A_10 : i32
    %dma_start3A_12 = arith.constant 0 : i32
    %dma_start3A_13 = tpu.memref_slice %arg4[%mul3A_11, %dma_start3A_12] : memref<2560x125xi32, #tpu.memory_space<hbm>> -> memref<40x125xi32, #tpu.memory_space<hbm>>
    %dma_start3A_14 = arith.constant 0 : i32
    %dma_start3A_15 = tpu.memref_slice %arg4[%mul3A_11, %dma_start3A_14] : memref<2560x125xi32, #tpu.memory_space<hbm>> -> memref<40x125xi32, #tpu.memory_space<hbm>>
    tpu.enqueue_dma source(%dma_start3A_15 : memref<40x125xi32, #tpu.memory_space<hbm>>) target(%arg8 : memref<40x125xi32, #tpu.memory_space<vmem>>) target_semaphore(%arg12 : memref<!tpu.dma_semaphore, #tpu.memory_space<semaphore_mem>>)
    %mul3A_16 = arith.constant 640 : i32
    %mul3A_17 = arith.muli %arg1, %mul3A_16 : i32
    %dma_wait3A = arith.constant 0 : i32
    %dma_wait3A_18 = tpu.memref_slice %arg15[%mul3A_17, %dma_wait3A] : memref<10240x128xf32, #tpu.memory_space<vmem_shared>> -> memref<640x128xf32, #tpu.memory_space<vmem_shared>>
    tpu.wait_dma2 semaphore(%arg13 : memref<!tpu.dma_semaphore, #tpu.memory_space<semaphore_mem>>) src(%arg5 : memref<640x128xf32, #tpu.memory_space<hbm>>) dst(%dma_wait3A_18 : memref<640x128xf32, #tpu.memory_space<vmem_shared>>)
    %mul3A_19 = arith.constant 80 : i32
    %mul3A_20 = arith.muli %add3A, %mul3A_19 : i32
    %dma_wait3A_21 = arith.constant 0 : i32
    %dma_wait3A_22 = tpu.memref_slice %arg3[%mul3A_20, %dma_wait3A_21] : memref<2560x125xi32, #tpu.memory_space<hbm>> -> memref<40x125xi32, #tpu.memory_space<hbm>>
    %dma_wait3A_23 = arith.constant 0 : i32
    %dma_wait3A_24 = tpu.memref_slice %arg3[%mul3A_20, %dma_wait3A_23] : memref<2560x125xi32, #tpu.memory_space<hbm>> -> memref<40x125xi32, #tpu.memory_space<hbm>>
    tpu.wait_dma2 semaphore(%arg11 : memref<!tpu.dma_semaphore, #tpu.memory_space<semaphore_mem>>) src(%dma_wait3A_24 : memref<40x125xi32, #tpu.memory_space<hbm>>) dst(%arg7 : memref<40x125xi32, #tpu.memory_space<vmem>>)
    %mul3A_25 = arith.constant 80 : i32
    %mul3A_26 = arith.muli %add3A, %mul3A_25 : i32
    %dma_wait3A_27 = arith.constant 0 : i32
    %dma_wait3A_28 = tpu.memref_slice %arg4[%mul3A_26, %dma_wait3A_27] : memref<2560x125xi32, #tpu.memory_space<hbm>> -> memref<40x125xi32, #tpu.memory_space<hbm>>
    %dma_wait3A_29 = arith.constant 0 : i32
    %dma_wait3A_30 = tpu.memref_slice %arg4[%mul3A_26, %dma_wait3A_29] : memref<2560x125xi32, #tpu.memory_space<hbm>> -> memref<40x125xi32, #tpu.memory_space<hbm>>
    tpu.wait_dma2 semaphore(%arg12 : memref<!tpu.dma_semaphore, #tpu.memory_space<semaphore_mem>>) src(%dma_wait3A_30 : memref<40x125xi32, #tpu.memory_space<hbm>>) dst(%arg8 : memref<40x125xi32, #tpu.memory_space<vmem>>)
    %barrier3A = arith.constant 0 : index
    tpu.barrier barrier_id(%barrier3A)
    %mul3A_31 = arith.constant 80 : i32
    %mul3A_32 = arith.muli %add3A, %mul3A_31 : i32
    %add3A_33 = arith.constant 0 : i32
    %add3A_34 = arith.addi %mul3A_32, %add3A_33 : i32
    %dma_start3A_35 = arith.constant 0 : i32
    %dma_start3A_36 = arith.constant 0 : i32
    %dma_start3A_37 = tpu.memref_slice %arg7[%dma_start3A_35, %dma_start3A_36] : memref<40x125xi32, #tpu.memory_space<vmem>> -> memref<1x125xi32, #tpu.memory_space<vmem>>
    %dma_start3A_38 = tpu.memref_squeeze %dma_start3A_37 : memref<1x125xi32, #tpu.memory_space<vmem>> -> memref<125xi32, #tpu.memory_space<vmem>>
    %dma_start3A_39 = arith.constant 0 : i32
    %dma_start3A_40 = arith.constant 0 : i32
    %dma_start3A_41 = tpu.memref_slice %arg2[%dma_start3A_39, %dma_start3A_40] : memref<10240x128xf32, #tpu.memory_space<hbm>> -> memref<10240x128xf32, #tpu.memory_space<hbm>>
    tpu.enqueue_indirect_dma source(%dma_start3A_41 : memref<10240x128xf32, #tpu.memory_space<hbm>>) target(%arg9 : memref<125x128xf32, #tpu.memory_space<vmem>>) offsets(%dma_start3A_38 : memref<125xi32, #tpu.memory_space<vmem>>) semaphore(%arg11 : memref<!tpu.dma_semaphore, #tpu.memory_space<semaphore_mem>>)
    %dma_start3A_42 = arith.constant 1 : i32
    %dma_start3A_43 = arith.constant 0 : i32
    %dma_start3A_44 = tpu.memref_slice %arg7[%dma_start3A_42, %dma_start3A_43] : memref<40x125xi32, #tpu.memory_space<vmem>> -> memref<1x125xi32, #tpu.memory_space<vmem>>
    %dma_start3A_45 = tpu.memref_squeeze %dma_start3A_44 : memref<1x125xi32, #tpu.memory_space<vmem>> -> memref<125xi32, #tpu.memory_space<vmem>>
    %dma_start3A_46 = arith.constant 0 : i32
    %dma_start3A_47 = arith.constant 0 : i32
    %dma_start3A_48 = tpu.memref_slice %arg2[%dma_start3A_46, %dma_start3A_47] : memref<10240x128xf32, #tpu.memory_space<hbm>> -> memref<10240x128xf32, #tpu.memory_space<hbm>>
    tpu.enqueue_indirect_dma source(%dma_start3A_48 : memref<10240x128xf32, #tpu.memory_space<hbm>>) target(%arg10 : memref<125x128xf32, #tpu.memory_space<vmem>>) offsets(%dma_start3A_45 : memref<125xi32, #tpu.memory_space<vmem>>) semaphore(%arg12 : memref<!tpu.dma_semaphore, #tpu.memory_space<semaphore_mem>>)
    %scan3A = arith.constant 0 : i32
    %scan3A_49 = arith.constant 0 : i32
    %scan3A_50 = arith.constant 20 : i32
    %scan3A_51 = arith.addi %scan3A_49, %scan3A_50 : i32
    %scan3A_52 = arith.constant 1 : i32
    scf.for %scan3A_114 = %scan3A_49 to %scan3A_51 step %scan3A_52  : i32 {
      %mul3A_115 = arith.constant 2 : i32
      %mul3A_116 = arith.muli %scan3A_114, %mul3A_115 : i32
      %add3A_117 = arith.constant 0 : i32
      %add3A_118 = arith.addi %mul3A_116, %add3A_117 : i32
      %dma_wait3A_119 = arith.constant 0 : i32
      %dma_wait3A_120 = tpu.memref_slice %arg7[%add3A_118, %dma_wait3A_119] : memref<40x125xi32, #tpu.memory_space<vmem>> -> memref<1x125xi32, #tpu.memory_space<vmem>>
      %dma_wait3A_121 = tpu.memref_squeeze %dma_wait3A_120 : memref<1x125xi32, #tpu.memory_space<vmem>> -> memref<125xi32, #tpu.memory_space<vmem>>
      %dma_wait3A_122 = arith.constant 0 : i32
      %dma_wait3A_123 = arith.constant 0 : i32
      %dma_wait3A_124 = tpu.memref_slice %arg2[%dma_wait3A_122, %dma_wait3A_123] : memref<10240x128xf32, #tpu.memory_space<hbm>> -> memref<10240x128xf32, #tpu.memory_space<hbm>>
      tpu.wait_indirect_dma semaphore(%arg11 : memref<!tpu.dma_semaphore, #tpu.memory_space<semaphore_mem>>) src(%dma_wait3A_124 : memref<10240x128xf32, #tpu.memory_space<hbm>>) dst(%arg9 : memref<125x128xf32, #tpu.memory_space<vmem>>)
      %add3A_125 = arith.constant 0 : i32
      %add3A_126 = arith.addi %mul3A_116, %add3A_125 : i32
      %dma_start3A_127 = arith.constant 0 : i32
      %dma_start3A_128 = tpu.memref_slice %arg8[%add3A_126, %dma_start3A_127] : memref<40x125xi32, #tpu.memory_space<vmem>> -> memref<1x125xi32, #tpu.memory_space<vmem>>
      %dma_start3A_129 = tpu.memref_squeeze %dma_start3A_128 : memref<1x125xi32, #tpu.memory_space<vmem>> -> memref<125xi32, #tpu.memory_space<vmem>>
      %dma_start3A_130 = arith.constant 0 : i32
      %dma_start3A_131 = arith.constant 0 : i32
      %dma_start3A_132 = tpu.memref_slice %arg15[%dma_start3A_130, %dma_start3A_131] : memref<10240x128xf32, #tpu.memory_space<vmem_shared>> -> memref<10240x128xf32, #tpu.memory_space<vmem_shared>>
      tpu.enqueue_indirect_dma source(%arg9 : memref<125x128xf32, #tpu.memory_space<vmem>>) target(%dma_start3A_132 : memref<10240x128xf32, #tpu.memory_space<vmem_shared>>) offsets(%dma_start3A_129 : memref<125xi32, #tpu.memory_space<vmem>>) semaphore(%arg13 : memref<!tpu.dma_semaphore, #tpu.memory_space<semaphore_mem>>) {add = true}
      %add3A_133 = arith.constant 1 : i32
      %add3A_134 = arith.addi %mul3A_116, %add3A_133 : i32
      %dma_wait3A_135 = arith.constant 0 : i32
      %dma_wait3A_136 = tpu.memref_slice %arg7[%add3A_134, %dma_wait3A_135] : memref<40x125xi32, #tpu.memory_space<vmem>> -> memref<1x125xi32, #tpu.memory_space<vmem>>
      %dma_wait3A_137 = tpu.memref_squeeze %dma_wait3A_136 : memref<1x125xi32, #tpu.memory_space<vmem>> -> memref<125xi32, #tpu.memory_space<vmem>>
      %dma_wait3A_138 = arith.constant 0 : i32
      %dma_wait3A_139 = arith.constant 0 : i32
      %dma_wait3A_140 = tpu.memref_slice %arg2[%dma_wait3A_138, %dma_wait3A_139] : memref<10240x128xf32, #tpu.memory_space<hbm>> -> memref<10240x128xf32, #tpu.memory_space<hbm>>
      tpu.wait_indirect_dma semaphore(%arg12 : memref<!tpu.dma_semaphore, #tpu.memory_space<semaphore_mem>>) src(%dma_wait3A_140 : memref<10240x128xf32, #tpu.memory_space<hbm>>) dst(%arg10 : memref<125x128xf32, #tpu.memory_space<vmem>>)
      %add3A_141 = arith.constant 1 : i32
      %add3A_142 = arith.addi %mul3A_116, %add3A_141 : i32
      %dma_start3A_143 = arith.constant 0 : i32
      %dma_start3A_144 = tpu.memref_slice %arg8[%add3A_142, %dma_start3A_143] : memref<40x125xi32, #tpu.memory_space<vmem>> -> memref<1x125xi32, #tpu.memory_space<vmem>>
      %dma_start3A_145 = tpu.memref_squeeze %dma_start3A_144 : memref<1x125xi32, #tpu.memory_space<vmem>> -> memref<125xi32, #tpu.memory_space<vmem>>
      %dma_start3A_146 = arith.constant 0 : i32
      %dma_start3A_147 = arith.constant 0 : i32
      %dma_start3A_148 = tpu.memref_slice %arg15[%dma_start3A_146, %dma_start3A_147] : memref<10240x128xf32, #tpu.memory_space<vmem_shared>> -> memref<10240x128xf32, #tpu.memory_space<vmem_shared>>
      tpu.enqueue_indirect_dma source(%arg10 : memref<125x128xf32, #tpu.memory_space<vmem>>) target(%dma_start3A_148 : memref<10240x128xf32, #tpu.memory_space<vmem_shared>>) offsets(%dma_start3A_145 : memref<125xi32, #tpu.memory_space<vmem>>) semaphore(%arg14 : memref<!tpu.dma_semaphore, #tpu.memory_space<semaphore_mem>>) {add = true}
      %add3A_149 = arith.constant 2 : i32
      %add3A_150 = arith.addi %mul3A_116, %add3A_149 : i32
      %add3A_151 = arith.constant 0 : i32
      %add3A_152 = arith.addi %add3A_150, %add3A_151 : i32
      %lt3A = arith.constant 40 : i32
      %lt3A_153 = arith.cmpi slt, %add3A_152, %lt3A : i32
      %convert_element_type3A = arith.extui %lt3A_153 : i1 to i32
      %cond3A = arith.constant 0 : i32
      %cond3A_154 = arith.cmpi ne, %convert_element_type3A, %cond3A : i32
      scf.if %cond3A_154 {
        %add3A_164 = arith.constant 0 : i32
        %add3A_165 = arith.addi %mul3A_116, %add3A_164 : i32
        %dma_wait3A_166 = arith.constant 0 : i32
        %dma_wait3A_167 = tpu.memref_slice %arg8[%add3A_165, %dma_wait3A_166] : memref<40x125xi32, #tpu.memory_space<vmem>> -> memref<1x125xi32, #tpu.memory_space<vmem>>
        %dma_wait3A_168 = tpu.memref_squeeze %dma_wait3A_167 : memref<1x125xi32, #tpu.memory_space<vmem>> -> memref<125xi32, #tpu.memory_space<vmem>>
        %dma_wait3A_169 = arith.constant 0 : i32
        %dma_wait3A_170 = arith.constant 0 : i32
        %dma_wait3A_171 = tpu.memref_slice %arg15[%dma_wait3A_169, %dma_wait3A_170] : memref<10240x128xf32, #tpu.memory_space<vmem_shared>> -> memref<10240x128xf32, #tpu.memory_space<vmem_shared>>
        tpu.wait_indirect_dma semaphore(%arg13 : memref<!tpu.dma_semaphore, #tpu.memory_space<semaphore_mem>>) src(%arg9 : memref<125x128xf32, #tpu.memory_space<vmem>>) dst(%dma_wait3A_171 : memref<10240x128xf32, #tpu.memory_space<vmem_shared>>)
        %add3A_172 = arith.constant 2 : i32
        %add3A_173 = arith.addi %mul3A_116, %add3A_172 : i32
        %add3A_174 = arith.constant 0 : i32
        %add3A_175 = arith.addi %add3A_173, %add3A_174 : i32
        %dma_start3A_176 = arith.constant 0 : i32
        %dma_start3A_177 = tpu.memref_slice %arg7[%add3A_175, %dma_start3A_176] : memref<40x125xi32, #tpu.memory_space<vmem>> -> memref<1x125xi32, #tpu.memory_space<vmem>>
        %dma_start3A_178 = tpu.memref_squeeze %dma_start3A_177 : memref<1x125xi32, #tpu.memory_space<vmem>> -> memref<125xi32, #tpu.memory_space<vmem>>
        %dma_start3A_179 = arith.constant 0 : i32
        %dma_start3A_180 = arith.constant 0 : i32
        %dma_start3A_181 = tpu.memref_slice %arg2[%dma_start3A_179, %dma_start3A_180] : memref<10240x128xf32, #tpu.memory_space<hbm>> -> memref<10240x128xf32, #tpu.memory_space<hbm>>
        tpu.enqueue_indirect_dma source(%dma_start3A_181 : memref<10240x128xf32, #tpu.memory_space<hbm>>) target(%arg9 : memref<125x128xf32, #tpu.memory_space<vmem>>) offsets(%dma_start3A_178 : memref<125xi32, #tpu.memory_space<vmem>>) semaphore(%arg11 : memref<!tpu.dma_semaphore, #tpu.memory_space<semaphore_mem>>)
      } else {
      }
      %add3A_155 = arith.constant 2 : i32
      %add3A_156 = arith.addi %mul3A_116, %add3A_155 : i32
      %add3A_157 = arith.constant 1 : i32
      %add3A_158 = arith.addi %add3A_156, %add3A_157 : i32
      %lt3A_159 = arith.constant 40 : i32
      %lt3A_160 = arith.cmpi slt, %add3A_158, %lt3A_159 : i32
      %convert_element_type3A_161 = arith.extui %lt3A_160 : i1 to i32
      %cond3A_162 = arith.constant 0 : i32
      %cond3A_163 = arith.cmpi ne, %convert_element_type3A_161, %cond3A_162 : i32
      scf.if %cond3A_163 {
        %add3A_164 = arith.constant 1 : i32
        %add3A_165 = arith.addi %mul3A_116, %add3A_164 : i32
        %dma_wait3A_166 = arith.constant 0 : i32
        %dma_wait3A_167 = tpu.memref_slice %arg8[%add3A_165, %dma_wait3A_166] : memref<40x125xi32, #tpu.memory_space<vmem>> -> memref<1x125xi32, #tpu.memory_space<vmem>>
        %dma_wait3A_168 = tpu.memref_squeeze %dma_wait3A_167 : memref<1x125xi32, #tpu.memory_space<vmem>> -> memref<125xi32, #tpu.memory_space<vmem>>
        %dma_wait3A_169 = arith.constant 0 : i32
        %dma_wait3A_170 = arith.constant 0 : i32
        %dma_wait3A_171 = tpu.memref_slice %arg15[%dma_wait3A_169, %dma_wait3A_170] : memref<10240x128xf32, #tpu.memory_space<vmem_shared>> -> memref<10240x128xf32, #tpu.memory_space<vmem_shared>>
        tpu.wait_indirect_dma semaphore(%arg14 : memref<!tpu.dma_semaphore, #tpu.memory_space<semaphore_mem>>) src(%arg10 : memref<125x128xf32, #tpu.memory_space<vmem>>) dst(%dma_wait3A_171 : memref<10240x128xf32, #tpu.memory_space<vmem_shared>>)
        %add3A_172 = arith.constant 2 : i32
        %add3A_173 = arith.addi %mul3A_116, %add3A_172 : i32
        %add3A_174 = arith.constant 1 : i32
        %add3A_175 = arith.addi %add3A_173, %add3A_174 : i32
        %dma_start3A_176 = arith.constant 0 : i32
        %dma_start3A_177 = tpu.memref_slice %arg7[%add3A_175, %dma_start3A_176] : memref<40x125xi32, #tpu.memory_space<vmem>> -> memref<1x125xi32, #tpu.memory_space<vmem>>
        %dma_start3A_178 = tpu.memref_squeeze %dma_start3A_177 : memref<1x125xi32, #tpu.memory_space<vmem>> -> memref<125xi32, #tpu.memory_space<vmem>>
        %dma_start3A_179 = arith.constant 0 : i32
        %dma_start3A_180 = arith.constant 0 : i32
        %dma_start3A_181 = tpu.memref_slice %arg2[%dma_start3A_179, %dma_start3A_180] : memref<10240x128xf32, #tpu.memory_space<hbm>> -> memref<10240x128xf32, #tpu.memory_space<hbm>>
        tpu.enqueue_indirect_dma source(%dma_start3A_181 : memref<10240x128xf32, #tpu.memory_space<hbm>>) target(%arg10 : memref<125x128xf32, #tpu.memory_space<vmem>>) offsets(%dma_start3A_178 : memref<125xi32, #tpu.memory_space<vmem>>) semaphore(%arg12 : memref<!tpu.dma_semaphore, #tpu.memory_space<semaphore_mem>>)
      } else {
      }
    }
    %scan3A_53 = arith.constant 20 : i32
    %dma_wait3A_54 = arith.constant 38 : i32
    %dma_wait3A_55 = arith.constant 0 : i32
    %dma_wait3A_56 = tpu.memref_slice %arg8[%dma_wait3A_54, %dma_wait3A_55] : memref<40x125xi32, #tpu.memory_space<vmem>> -> memref<1x125xi32, #tpu.memory_space<vmem>>
    %dma_wait3A_57 = tpu.memref_squeeze %dma_wait3A_56 : memref<1x125xi32, #tpu.memory_space<vmem>> -> memref<125xi32, #tpu.memory_space<vmem>>
    %dma_wait3A_58 = arith.constant 0 : i32
    %dma_wait3A_59 = arith.constant 0 : i32
    %dma_wait3A_60 = tpu.memref_slice %arg15[%dma_wait3A_58, %dma_wait3A_59] : memref<10240x128xf32, #tpu.memory_space<vmem_shared>> -> memref<10240x128xf32, #tpu.memory_space<vmem_shared>>
    tpu.wait_indirect_dma semaphore(%arg13 : memref<!tpu.dma_semaphore, #tpu.memory_space<semaphore_mem>>) src(%arg9 : memref<125x128xf32, #tpu.memory_space<vmem>>) dst(%dma_wait3A_60 : memref<10240x128xf32, #tpu.memory_space<vmem_shared>>)
    %dma_wait3A_61 = arith.constant 39 : i32
    %dma_wait3A_62 = arith.constant 0 : i32
    %dma_wait3A_63 = tpu.memref_slice %arg8[%dma_wait3A_61, %dma_wait3A_62] : memref<40x125xi32, #tpu.memory_space<vmem>> -> memref<1x125xi32, #tpu.memory_space<vmem>>
    %dma_wait3A_64 = tpu.memref_squeeze %dma_wait3A_63 : memref<1x125xi32, #tpu.memory_space<vmem>> -> memref<125xi32, #tpu.memory_space<vmem>>
    %dma_wait3A_65 = arith.constant 0 : i32
    %dma_wait3A_66 = arith.constant 0 : i32
    %dma_wait3A_67 = tpu.memref_slice %arg15[%dma_wait3A_65, %dma_wait3A_66] : memref<10240x128xf32, #tpu.memory_space<vmem_shared>> -> memref<10240x128xf32, #tpu.memory_space<vmem_shared>>
    tpu.wait_indirect_dma semaphore(%arg14 : memref<!tpu.dma_semaphore, #tpu.memory_space<semaphore_mem>>) src(%arg10 : memref<125x128xf32, #tpu.memory_space<vmem>>) dst(%dma_wait3A_67 : memref<10240x128xf32, #tpu.memory_space<vmem_shared>>)
    %mul3A_68 = arith.constant 80 : i32
    %mul3A_69 = arith.muli %add3A, %mul3A_68 : i32
    %add3A_70 = arith.constant 40 : i32
    %add3A_71 = arith.addi %mul3A_69, %add3A_70 : i32
    "tpu.region"() ({
      %run_scoped3A = tpu.sem_alloc : memref<!tpu.dma_semaphore, #tpu.memory_space<semaphore_mem>>
      %dma_start3A_114 = arith.constant 0 : i32
      %dma_start3A_115 = tpu.memref_slice %arg3[%add3A_71, %dma_start3A_114] : memref<2560x125xi32, #tpu.memory_space<hbm>> -> memref<40x125xi32, #tpu.memory_space<hbm>>
      %dma_start3A_116 = arith.constant 0 : i32
      %dma_start3A_117 = tpu.memref_slice %arg3[%add3A_71, %dma_start3A_116] : memref<2560x125xi32, #tpu.memory_space<hbm>> -> memref<40x125xi32, #tpu.memory_space<hbm>>
      tpu.enqueue_dma source(%dma_start3A_117 : memref<40x125xi32, #tpu.memory_space<hbm>>) target(%arg7 : memref<40x125xi32, #tpu.memory_space<vmem>>) target_semaphore(%run_scoped3A : memref<!tpu.dma_semaphore, #tpu.memory_space<semaphore_mem>>)
      %dma_wait3A_118 = arith.constant 0 : i32
      %dma_wait3A_119 = tpu.memref_slice %arg3[%add3A_71, %dma_wait3A_118] : memref<2560x125xi32, #tpu.memory_space<hbm>> -> memref<40x125xi32, #tpu.memory_space<hbm>>
      %dma_wait3A_120 = arith.constant 0 : i32
      %dma_wait3A_121 = tpu.memref_slice %arg3[%add3A_71, %dma_wait3A_120] : memref<2560x125xi32, #tpu.memory_space<hbm>> -> memref<40x125xi32, #tpu.memory_space<hbm>>
      tpu.wait_dma2 semaphore(%run_scoped3A : memref<!tpu.dma_semaphore, #tpu.memory_space<semaphore_mem>>) src(%dma_wait3A_121 : memref<40x125xi32, #tpu.memory_space<hbm>>) dst(%arg7 : memref<40x125xi32, #tpu.memory_space<vmem>>)
      tpu.yield
    }) : () -> ()
    "tpu.region"() ({
      %run_scoped3A = tpu.sem_alloc : memref<!tpu.dma_semaphore, #tpu.memory_space<semaphore_mem>>
      %dma_start3A_114 = arith.constant 0 : i32
      %dma_start3A_115 = tpu.memref_slice %arg4[%add3A_71, %dma_start3A_114] : memref<2560x125xi32, #tpu.memory_space<hbm>> -> memref<40x125xi32, #tpu.memory_space<hbm>>
      %dma_start3A_116 = arith.constant 0 : i32
      %dma_start3A_117 = tpu.memref_slice %arg4[%add3A_71, %dma_start3A_116] : memref<2560x125xi32, #tpu.memory_space<hbm>> -> memref<40x125xi32, #tpu.memory_space<hbm>>
      tpu.enqueue_dma source(%dma_start3A_117 : memref<40x125xi32, #tpu.memory_space<hbm>>) target(%arg8 : memref<40x125xi32, #tpu.memory_space<vmem>>) target_semaphore(%run_scoped3A : memref<!tpu.dma_semaphore, #tpu.memory_space<semaphore_mem>>)
      %dma_wait3A_118 = arith.constant 0 : i32
      %dma_wait3A_119 = tpu.memref_slice %arg4[%add3A_71, %dma_wait3A_118] : memref<2560x125xi32, #tpu.memory_space<hbm>> -> memref<40x125xi32, #tpu.memory_space<hbm>>
      %dma_wait3A_120 = arith.constant 0 : i32
      %dma_wait3A_121 = tpu.memref_slice %arg4[%add3A_71, %dma_wait3A_120] : memref<2560x125xi32, #tpu.memory_space<hbm>> -> memref<40x125xi32, #tpu.memory_space<hbm>>
      tpu.wait_dma2 semaphore(%run_scoped3A : memref<!tpu.dma_semaphore, #tpu.memory_space<semaphore_mem>>) src(%dma_wait3A_121 : memref<40x125xi32, #tpu.memory_space<hbm>>) dst(%arg8 : memref<40x125xi32, #tpu.memory_space<vmem>>)
      tpu.yield
    }) : () -> ()
    %dma_start3A_72 = arith.constant 0 : i32
    %dma_start3A_73 = arith.constant 0 : i32
    %dma_start3A_74 = tpu.memref_slice %arg7[%dma_start3A_72, %dma_start3A_73] : memref<40x125xi32, #tpu.memory_space<vmem>> -> memref<1x125xi32, #tpu.memory_space<vmem>>
    %dma_start3A_75 = tpu.memref_squeeze %dma_start3A_74 : memref<1x125xi32, #tpu.memory_space<vmem>> -> memref<125xi32, #tpu.memory_space<vmem>>
    %dma_start3A_76 = arith.constant 0 : i32
    %dma_start3A_77 = arith.constant 0 : i32
    %dma_start3A_78 = tpu.memref_slice %arg2[%dma_start3A_76, %dma_start3A_77] : memref<10240x128xf32, #tpu.memory_space<hbm>> -> memref<10240x128xf32, #tpu.memory_space<hbm>>
    tpu.enqueue_indirect_dma source(%dma_start3A_78 : memref<10240x128xf32, #tpu.memory_space<hbm>>) target(%arg9 : memref<125x128xf32, #tpu.memory_space<vmem>>) offsets(%dma_start3A_75 : memref<125xi32, #tpu.memory_space<vmem>>) semaphore(%arg11 : memref<!tpu.dma_semaphore, #tpu.memory_space<semaphore_mem>>)
    %dma_start3A_79 = arith.constant 1 : i32
    %dma_start3A_80 = arith.constant 0 : i32
    %dma_start3A_81 = tpu.memref_slice %arg7[%dma_start3A_79, %dma_start3A_80] : memref<40x125xi32, #tpu.memory_space<vmem>> -> memref<1x125xi32, #tpu.memory_space<vmem>>
    %dma_start3A_82 = tpu.memref_squeeze %dma_start3A_81 : memref<1x125xi32, #tpu.memory_space<vmem>> -> memref<125xi32, #tpu.memory_space<vmem>>
    %dma_start3A_83 = arith.constant 0 : i32
    %dma_start3A_84 = arith.constant 0 : i32
    %dma_start3A_85 = tpu.memref_slice %arg2[%dma_start3A_83, %dma_start3A_84] : memref<10240x128xf32, #tpu.memory_space<hbm>> -> memref<10240x128xf32, #tpu.memory_space<hbm>>
    tpu.enqueue_indirect_dma source(%dma_start3A_85 : memref<10240x128xf32, #tpu.memory_space<hbm>>) target(%arg10 : memref<125x128xf32, #tpu.memory_space<vmem>>) offsets(%dma_start3A_82 : memref<125xi32, #tpu.memory_space<vmem>>) semaphore(%arg12 : memref<!tpu.dma_semaphore, #tpu.memory_space<semaphore_mem>>)
    %scan3A_86 = arith.constant 0 : i32
    %scan3A_87 = arith.constant 0 : i32
    %scan3A_88 = arith.constant 20 : i32
    %scan3A_89 = arith.addi %scan3A_87, %scan3A_88 : i32
    %scan3A_90 = arith.constant 1 : i32
    scf.for %scan3A_114 = %scan3A_87 to %scan3A_89 step %scan3A_90  : i32 {
      %mul3A_115 = arith.constant 2 : i32
      %mul3A_116 = arith.muli %scan3A_114, %mul3A_115 : i32
      %add3A_117 = arith.constant 0 : i32
      %add3A_118 = arith.addi %mul3A_116, %add3A_117 : i32
      %dma_wait3A_119 = arith.constant 0 : i32
      %dma_wait3A_120 = tpu.memref_slice %arg7[%add3A_118, %dma_wait3A_119] : memref<40x125xi32, #tpu.memory_space<vmem>> -> memref<1x125xi32, #tpu.memory_space<vmem>>
      %dma_wait3A_121 = tpu.memref_squeeze %dma_wait3A_120 : memref<1x125xi32, #tpu.memory_space<vmem>> -> memref<125xi32, #tpu.memory_space<vmem>>
      %dma_wait3A_122 = arith.constant 0 : i32
      %dma_wait3A_123 = arith.constant 0 : i32
      %dma_wait3A_124 = tpu.memref_slice %arg2[%dma_wait3A_122, %dma_wait3A_123] : memref<10240x128xf32, #tpu.memory_space<hbm>> -> memref<10240x128xf32, #tpu.memory_space<hbm>>
      tpu.wait_indirect_dma semaphore(%arg11 : memref<!tpu.dma_semaphore, #tpu.memory_space<semaphore_mem>>) src(%dma_wait3A_124 : memref<10240x128xf32, #tpu.memory_space<hbm>>) dst(%arg9 : memref<125x128xf32, #tpu.memory_space<vmem>>)
      %add3A_125 = arith.constant 0 : i32
      %add3A_126 = arith.addi %mul3A_116, %add3A_125 : i32
      %dma_start3A_127 = arith.constant 0 : i32
      %dma_start3A_128 = tpu.memref_slice %arg8[%add3A_126, %dma_start3A_127] : memref<40x125xi32, #tpu.memory_space<vmem>> -> memref<1x125xi32, #tpu.memory_space<vmem>>
      %dma_start3A_129 = tpu.memref_squeeze %dma_start3A_128 : memref<1x125xi32, #tpu.memory_space<vmem>> -> memref<125xi32, #tpu.memory_space<vmem>>
      %dma_start3A_130 = arith.constant 0 : i32
      %dma_start3A_131 = arith.constant 0 : i32
      %dma_start3A_132 = tpu.memref_slice %arg15[%dma_start3A_130, %dma_start3A_131] : memref<10240x128xf32, #tpu.memory_space<vmem_shared>> -> memref<10240x128xf32, #tpu.memory_space<vmem_shared>>
      tpu.enqueue_indirect_dma source(%arg9 : memref<125x128xf32, #tpu.memory_space<vmem>>) target(%dma_start3A_132 : memref<10240x128xf32, #tpu.memory_space<vmem_shared>>) offsets(%dma_start3A_129 : memref<125xi32, #tpu.memory_space<vmem>>) semaphore(%arg13 : memref<!tpu.dma_semaphore, #tpu.memory_space<semaphore_mem>>) {add = true}
      %add3A_133 = arith.constant 1 : i32
      %add3A_134 = arith.addi %mul3A_116, %add3A_133 : i32
      %dma_wait3A_135 = arith.constant 0 : i32
      %dma_wait3A_136 = tpu.memref_slice %arg7[%add3A_134, %dma_wait3A_135] : memref<40x125xi32, #tpu.memory_space<vmem>> -> memref<1x125xi32, #tpu.memory_space<vmem>>
      %dma_wait3A_137 = tpu.memref_squeeze %dma_wait3A_136 : memref<1x125xi32, #tpu.memory_space<vmem>> -> memref<125xi32, #tpu.memory_space<vmem>>
      %dma_wait3A_138 = arith.constant 0 : i32
      %dma_wait3A_139 = arith.constant 0 : i32
      %dma_wait3A_140 = tpu.memref_slice %arg2[%dma_wait3A_138, %dma_wait3A_139] : memref<10240x128xf32, #tpu.memory_space<hbm>> -> memref<10240x128xf32, #tpu.memory_space<hbm>>
      tpu.wait_indirect_dma semaphore(%arg12 : memref<!tpu.dma_semaphore, #tpu.memory_space<semaphore_mem>>) src(%dma_wait3A_140 : memref<10240x128xf32, #tpu.memory_space<hbm>>) dst(%arg10 : memref<125x128xf32, #tpu.memory_space<vmem>>)
      %add3A_141 = arith.constant 1 : i32
      %add3A_142 = arith.addi %mul3A_116, %add3A_141 : i32
      %dma_start3A_143 = arith.constant 0 : i32
      %dma_start3A_144 = tpu.memref_slice %arg8[%add3A_142, %dma_start3A_143] : memref<40x125xi32, #tpu.memory_space<vmem>> -> memref<1x125xi32, #tpu.memory_space<vmem>>
      %dma_start3A_145 = tpu.memref_squeeze %dma_start3A_144 : memref<1x125xi32, #tpu.memory_space<vmem>> -> memref<125xi32, #tpu.memory_space<vmem>>
      %dma_start3A_146 = arith.constant 0 : i32
      %dma_start3A_147 = arith.constant 0 : i32
      %dma_start3A_148 = tpu.memref_slice %arg15[%dma_start3A_146, %dma_start3A_147] : memref<10240x128xf32, #tpu.memory_space<vmem_shared>> -> memref<10240x128xf32, #tpu.memory_space<vmem_shared>>
      tpu.enqueue_indirect_dma source(%arg10 : memref<125x128xf32, #tpu.memory_space<vmem>>) target(%dma_start3A_148 : memref<10240x128xf32, #tpu.memory_space<vmem_shared>>) offsets(%dma_start3A_145 : memref<125xi32, #tpu.memory_space<vmem>>) semaphore(%arg14 : memref<!tpu.dma_semaphore, #tpu.memory_space<semaphore_mem>>) {add = true}
      %add3A_149 = arith.constant 2 : i32
      %add3A_150 = arith.addi %mul3A_116, %add3A_149 : i32
      %add3A_151 = arith.constant 0 : i32
      %add3A_152 = arith.addi %add3A_150, %add3A_151 : i32
      %lt3A = arith.constant 40 : i32
      %lt3A_153 = arith.cmpi slt, %add3A_152, %lt3A : i32
      %convert_element_type3A = arith.extui %lt3A_153 : i1 to i32
      %cond3A = arith.constant 0 : i32
      %cond3A_154 = arith.cmpi ne, %convert_element_type3A, %cond3A : i32
      scf.if %cond3A_154 {
        %add3A_164 = arith.constant 0 : i32
        %add3A_165 = arith.addi %mul3A_116, %add3A_164 : i32
        %dma_wait3A_166 = arith.constant 0 : i32
        %dma_wait3A_167 = tpu.memref_slice %arg8[%add3A_165, %dma_wait3A_166] : memref<40x125xi32, #tpu.memory_space<vmem>> -> memref<1x125xi32, #tpu.memory_space<vmem>>
        %dma_wait3A_168 = tpu.memref_squeeze %dma_wait3A_167 : memref<1x125xi32, #tpu.memory_space<vmem>> -> memref<125xi32, #tpu.memory_space<vmem>>
        %dma_wait3A_169 = arith.constant 0 : i32
        %dma_wait3A_170 = arith.constant 0 : i32
        %dma_wait3A_171 = tpu.memref_slice %arg15[%dma_wait3A_169, %dma_wait3A_170] : memref<10240x128xf32, #tpu.memory_space<vmem_shared>> -> memref<10240x128xf32, #tpu.memory_space<vmem_shared>>
        tpu.wait_indirect_dma semaphore(%arg13 : memref<!tpu.dma_semaphore, #tpu.memory_space<semaphore_mem>>) src(%arg9 : memref<125x128xf32, #tpu.memory_space<vmem>>) dst(%dma_wait3A_171 : memref<10240x128xf32, #tpu.memory_space<vmem_shared>>)
        %add3A_172 = arith.constant 2 : i32
        %add3A_173 = arith.addi %mul3A_116, %add3A_172 : i32
        %add3A_174 = arith.constant 0 : i32
        %add3A_175 = arith.addi %add3A_173, %add3A_174 : i32
        %dma_start3A_176 = arith.constant 0 : i32
        %dma_start3A_177 = tpu.memref_slice %arg7[%add3A_175, %dma_start3A_176] : memref<40x125xi32, #tpu.memory_space<vmem>> -> memref<1x125xi32, #tpu.memory_space<vmem>>
        %dma_start3A_178 = tpu.memref_squeeze %dma_start3A_177 : memref<1x125xi32, #tpu.memory_space<vmem>> -> memref<125xi32, #tpu.memory_space<vmem>>
        %dma_start3A_179 = arith.constant 0 : i32
        %dma_start3A_180 = arith.constant 0 : i32
        %dma_start3A_181 = tpu.memref_slice %arg2[%dma_start3A_179, %dma_start3A_180] : memref<10240x128xf32, #tpu.memory_space<hbm>> -> memref<10240x128xf32, #tpu.memory_space<hbm>>
        tpu.enqueue_indirect_dma source(%dma_start3A_181 : memref<10240x128xf32, #tpu.memory_space<hbm>>) target(%arg9 : memref<125x128xf32, #tpu.memory_space<vmem>>) offsets(%dma_start3A_178 : memref<125xi32, #tpu.memory_space<vmem>>) semaphore(%arg11 : memref<!tpu.dma_semaphore, #tpu.memory_space<semaphore_mem>>)
      } else {
      }
      %add3A_155 = arith.constant 2 : i32
      %add3A_156 = arith.addi %mul3A_116, %add3A_155 : i32
      %add3A_157 = arith.constant 1 : i32
      %add3A_158 = arith.addi %add3A_156, %add3A_157 : i32
      %lt3A_159 = arith.constant 40 : i32
      %lt3A_160 = arith.cmpi slt, %add3A_158, %lt3A_159 : i32
      %convert_element_type3A_161 = arith.extui %lt3A_160 : i1 to i32
      %cond3A_162 = arith.constant 0 : i32
      %cond3A_163 = arith.cmpi ne, %convert_element_type3A_161, %cond3A_162 : i32
      scf.if %cond3A_163 {
        %add3A_164 = arith.constant 1 : i32
        %add3A_165 = arith.addi %mul3A_116, %add3A_164 : i32
        %dma_wait3A_166 = arith.constant 0 : i32
        %dma_wait3A_167 = tpu.memref_slice %arg8[%add3A_165, %dma_wait3A_166] : memref<40x125xi32, #tpu.memory_space<vmem>> -> memref<1x125xi32, #tpu.memory_space<vmem>>
        %dma_wait3A_168 = tpu.memref_squeeze %dma_wait3A_167 : memref<1x125xi32, #tpu.memory_space<vmem>> -> memref<125xi32, #tpu.memory_space<vmem>>
        %dma_wait3A_169 = arith.constant 0 : i32
        %dma_wait3A_170 = arith.constant 0 : i32
        %dma_wait3A_171 = tpu.memref_slice %arg15[%dma_wait3A_169, %dma_wait3A_170] : memref<10240x128xf32, #tpu.memory_space<vmem_shared>> -> memref<10240x128xf32, #tpu.memory_space<vmem_shared>>
        tpu.wait_indirect_dma semaphore(%arg14 : memref<!tpu.dma_semaphore, #tpu.memory_space<semaphore_mem>>) src(%arg10 : memref<125x128xf32, #tpu.memory_space<vmem>>) dst(%dma_wait3A_171 : memref<10240x128xf32, #tpu.memory_space<vmem_shared>>)
        %add3A_172 = arith.constant 2 : i32
        %add3A_173 = arith.addi %mul3A_116, %add3A_172 : i32
        %add3A_174 = arith.constant 1 : i32
        %add3A_175 = arith.addi %add3A_173, %add3A_174 : i32
        %dma_start3A_176 = arith.constant 0 : i32
        %dma_start3A_177 = tpu.memref_slice %arg7[%add3A_175, %dma_start3A_176] : memref<40x125xi32, #tpu.memory_space<vmem>> -> memref<1x125xi32, #tpu.memory_space<vmem>>
        %dma_start3A_178 = tpu.memref_squeeze %dma_start3A_177 : memref<1x125xi32, #tpu.memory_space<vmem>> -> memref<125xi32, #tpu.memory_space<vmem>>
        %dma_start3A_179 = arith.constant 0 : i32
        %dma_start3A_180 = arith.constant 0 : i32
        %dma_start3A_181 = tpu.memref_slice %arg2[%dma_start3A_179, %dma_start3A_180] : memref<10240x128xf32, #tpu.memory_space<hbm>> -> memref<10240x128xf32, #tpu.memory_space<hbm>>
        tpu.enqueue_indirect_dma source(%dma_start3A_181 : memref<10240x128xf32, #tpu.memory_space<hbm>>) target(%arg10 : memref<125x128xf32, #tpu.memory_space<vmem>>) offsets(%dma_start3A_178 : memref<125xi32, #tpu.memory_space<vmem>>) semaphore(%arg12 : memref<!tpu.dma_semaphore, #tpu.memory_space<semaphore_mem>>)
      } else {
      }
    }
    %scan3A_91 = arith.constant 20 : i32
    %dma_wait3A_92 = arith.constant 38 : i32
    %dma_wait3A_93 = arith.constant 0 : i32
    %dma_wait3A_94 = tpu.memref_slice %arg8[%dma_wait3A_92, %dma_wait3A_93] : memref<40x125xi32, #tpu.memory_space<vmem>> -> memref<1x125xi32, #tpu.memory_space<vmem>>
    %dma_wait3A_95 = tpu.memref_squeeze %dma_wait3A_94 : memref<1x125xi32, #tpu.memory_space<vmem>> -> memref<125xi32, #tpu.memory_space<vmem>>
    %dma_wait3A_96 = arith.constant 0 : i32
    %dma_wait3A_97 = arith.constant 0 : i32
    %dma_wait3A_98 = tpu.memref_slice %arg15[%dma_wait3A_96, %dma_wait3A_97] : memref<10240x128xf32, #tpu.memory_space<vmem_shared>> -> memref<10240x128xf32, #tpu.memory_space<vmem_shared>>
    tpu.wait_indirect_dma semaphore(%arg13 : memref<!tpu.dma_semaphore, #tpu.memory_space<semaphore_mem>>) src(%arg9 : memref<125x128xf32, #tpu.memory_space<vmem>>) dst(%dma_wait3A_98 : memref<10240x128xf32, #tpu.memory_space<vmem_shared>>)
    %dma_wait3A_99 = arith.constant 39 : i32
    %dma_wait3A_100 = arith.constant 0 : i32
    %dma_wait3A_101 = tpu.memref_slice %arg8[%dma_wait3A_99, %dma_wait3A_100] : memref<40x125xi32, #tpu.memory_space<vmem>> -> memref<1x125xi32, #tpu.memory_space<vmem>>
    %dma_wait3A_102 = tpu.memref_squeeze %dma_wait3A_101 : memref<1x125xi32, #tpu.memory_space<vmem>> -> memref<125xi32, #tpu.memory_space<vmem>>
    %dma_wait3A_103 = arith.constant 0 : i32
    %dma_wait3A_104 = arith.constant 0 : i32
    %dma_wait3A_105 = tpu.memref_slice %arg15[%dma_wait3A_103, %dma_wait3A_104] : memref<10240x128xf32, #tpu.memory_space<vmem_shared>> -> memref<10240x128xf32, #tpu.memory_space<vmem_shared>>
    tpu.wait_indirect_dma semaphore(%arg14 : memref<!tpu.dma_semaphore, #tpu.memory_space<semaphore_mem>>) src(%arg10 : memref<125x128xf32, #tpu.memory_space<vmem>>) dst(%dma_wait3A_105 : memref<10240x128xf32, #tpu.memory_space<vmem_shared>>)
    %barrier3A_106 = arith.constant 0 : index
    tpu.barrier barrier_id(%barrier3A_106)
    %mul3A_107 = arith.constant 640 : i32
    %mul3A_108 = arith.muli %arg1, %mul3A_107 : i32
    %mul3A_109 = arith.constant 10240 : i32
    %mul3A_110 = arith.muli %arg0, %mul3A_109 : i32
    %mul3A_111 = arith.constant 640 : i32
    %mul3A_112 = arith.muli %arg1, %mul3A_111 : i32
    %add3A_113 = arith.addi %mul3A_110, %mul3A_112 : i32
    "tpu.region"() ({
      %run_scoped3A = tpu.sem_alloc : memref<!tpu.dma_semaphore, #tpu.memory_space<semaphore_mem>>
      %dma_start3A_114 = arith.constant 0 : i32
      %dma_start3A_115 = tpu.memref_slice %arg6[%add3A_113, %dma_start3A_114] : memref<20480x128xf32, #tpu.memory_space<hbm>> -> memref<640x128xf32, #tpu.memory_space<hbm>>
      %dma_start3A_116 = arith.constant 0 : i32
      %dma_start3A_117 = tpu.memref_slice %arg15[%mul3A_108, %dma_start3A_116] : memref<10240x128xf32, #tpu.memory_space<vmem_shared>> -> memref<640x128xf32, #tpu.memory_space<vmem_shared>>
      tpu.enqueue_dma source(%dma_start3A_117 : memref<640x128xf32, #tpu.memory_space<vmem_shared>>) target(%dma_start3A_115 : memref<640x128xf32, #tpu.memory_space<hbm>>) target_semaphore(%run_scoped3A : memref<!tpu.dma_semaphore, #tpu.memory_space<semaphore_mem>>)
      %dma_wait3A_118 = arith.constant 0 : i32
      %dma_wait3A_119 = tpu.memref_slice %arg6[%add3A_113, %dma_wait3A_118] : memref<20480x128xf32, #tpu.memory_space<hbm>> -> memref<640x128xf32, #tpu.memory_space<hbm>>
      %dma_wait3A_120 = arith.constant 0 : i32
      %dma_wait3A_121 = tpu.memref_slice %arg15[%mul3A_108, %dma_wait3A_120] : memref<10240x128xf32, #tpu.memory_space<vmem_shared>> -> memref<640x128xf32, #tpu.memory_space<vmem_shared>>
      tpu.wait_dma2 semaphore(%run_scoped3A : memref<!tpu.dma_semaphore, #tpu.memory_space<semaphore_mem>>) src(%dma_wait3A_121 : memref<640x128xf32, #tpu.memory_space<vmem_shared>>) dst(%dma_wait3A_119 : memref<640x128xf32, #tpu.memory_space<hbm>>)
      tpu.yield
    }) : () -> ()
    return
  }
}

#map = affine_map<(d0, d1) -> (0, 0)>
module attributes {stable_mosaic.version = 14 : i64} {
  func.func @deg(%arg0: i32, %arg1: i32, %arg2: memref<2560x125xi32, #tpu.memory_space<hbm>>, %arg3: memref<125x128xf32, #tpu.memory_space<hbm>>, %arg4: memref<640x128xf32, #tpu.memory_space<hbm>>, %arg5: memref<20480x128xf32, #tpu.memory_space<hbm>>, %arg6: memref<80x125xi32, #tpu.memory_space<vmem>>, %arg7: memref<125x128xf32, #tpu.memory_space<vmem>>, %arg8: memref<!tpu.dma_semaphore, #tpu.memory_space<semaphore_mem>>, %arg9: memref<10240x128xf32, #tpu.memory_space<vmem_shared>>) attributes {dimension_semantics = [#tpu.dimension_semantics<core_parallel>, #tpu.dimension_semantics<subcore_parallel>], iteration_bounds = array<i64: 2, 16>, scalar_prefetch = 0 : i64, scratch_operands = 4 : i64, tpu.core_type = #tpu.core_type<sc_vector_subcore>, window_params = [{transform_indices = #map}, {transform_indices = #map}, {transform_indices = #map}, {transform_indices = #map}]} {
    %mul3A = arith.constant 2 : i32
    %mul3A_0 = arith.muli %arg1, %mul3A : i32
    %add3A = arith.addi %mul3A_0, %arg0 : i32
    %mul3A_1 = arith.constant 640 : i32
    %mul3A_2 = arith.muli %arg1, %mul3A_1 : i32
    %dma_start3A = arith.constant 0 : i32
    %dma_start3A_3 = tpu.memref_slice %arg9[%mul3A_2, %dma_start3A] : memref<10240x128xf32, #tpu.memory_space<vmem_shared>> -> memref<640x128xf32, #tpu.memory_space<vmem_shared>>
    tpu.enqueue_dma source(%arg4 : memref<640x128xf32, #tpu.memory_space<hbm>>) target(%dma_start3A_3 : memref<640x128xf32, #tpu.memory_space<vmem_shared>>) target_semaphore(%arg8 : memref<!tpu.dma_semaphore, #tpu.memory_space<semaphore_mem>>)
    %mul3A_4 = arith.constant 80 : i32
    %mul3A_5 = arith.muli %add3A, %mul3A_4 : i32
    %dma_start3A_6 = arith.constant 0 : i32
    %dma_start3A_7 = tpu.memref_slice %arg2[%mul3A_5, %dma_start3A_6] : memref<2560x125xi32, #tpu.memory_space<hbm>> -> memref<80x125xi32, #tpu.memory_space<hbm>>
    %dma_start3A_8 = arith.constant 0 : i32
    %dma_start3A_9 = tpu.memref_slice %arg2[%mul3A_5, %dma_start3A_8] : memref<2560x125xi32, #tpu.memory_space<hbm>> -> memref<80x125xi32, #tpu.memory_space<hbm>>
    tpu.enqueue_dma source(%dma_start3A_9 : memref<80x125xi32, #tpu.memory_space<hbm>>) target(%arg6 : memref<80x125xi32, #tpu.memory_space<vmem>>) target_semaphore(%arg8 : memref<!tpu.dma_semaphore, #tpu.memory_space<semaphore_mem>>)
    tpu.enqueue_dma source(%arg3 : memref<125x128xf32, #tpu.memory_space<hbm>>) target(%arg7 : memref<125x128xf32, #tpu.memory_space<vmem>>) target_semaphore(%arg8 : memref<!tpu.dma_semaphore, #tpu.memory_space<semaphore_mem>>)
    %mul3A_10 = arith.constant 640 : i32
    %mul3A_11 = arith.muli %arg1, %mul3A_10 : i32
    %dma_wait3A = arith.constant 0 : i32
    %dma_wait3A_12 = tpu.memref_slice %arg9[%mul3A_11, %dma_wait3A] : memref<10240x128xf32, #tpu.memory_space<vmem_shared>> -> memref<640x128xf32, #tpu.memory_space<vmem_shared>>
    tpu.wait_dma2 semaphore(%arg8 : memref<!tpu.dma_semaphore, #tpu.memory_space<semaphore_mem>>) src(%arg4 : memref<640x128xf32, #tpu.memory_space<hbm>>) dst(%dma_wait3A_12 : memref<640x128xf32, #tpu.memory_space<vmem_shared>>)
    %mul3A_13 = arith.constant 80 : i32
    %mul3A_14 = arith.muli %add3A, %mul3A_13 : i32
    %dma_wait3A_15 = arith.constant 0 : i32
    %dma_wait3A_16 = tpu.memref_slice %arg2[%mul3A_14, %dma_wait3A_15] : memref<2560x125xi32, #tpu.memory_space<hbm>> -> memref<80x125xi32, #tpu.memory_space<hbm>>
    %dma_wait3A_17 = arith.constant 0 : i32
    %dma_wait3A_18 = tpu.memref_slice %arg2[%mul3A_14, %dma_wait3A_17] : memref<2560x125xi32, #tpu.memory_space<hbm>> -> memref<80x125xi32, #tpu.memory_space<hbm>>
    tpu.wait_dma2 semaphore(%arg8 : memref<!tpu.dma_semaphore, #tpu.memory_space<semaphore_mem>>) src(%dma_wait3A_18 : memref<80x125xi32, #tpu.memory_space<hbm>>) dst(%arg6 : memref<80x125xi32, #tpu.memory_space<vmem>>)
    tpu.wait_dma2 semaphore(%arg8 : memref<!tpu.dma_semaphore, #tpu.memory_space<semaphore_mem>>) src(%arg3 : memref<125x128xf32, #tpu.memory_space<hbm>>) dst(%arg7 : memref<125x128xf32, #tpu.memory_space<vmem>>)
    %barrier3A = arith.constant 0 : index
    tpu.barrier barrier_id(%barrier3A)
    %scan3A = arith.constant 0 : i32
    %scan3A_19 = arith.constant 0 : i32
    %scan3A_20 = arith.constant 80 : i32
    %scan3A_21 = arith.addi %scan3A_19, %scan3A_20 : i32
    %scan3A_22 = arith.constant 1 : i32
    scf.for %scan3A_38 = %scan3A_19 to %scan3A_21 step %scan3A_22  : i32 {
      %dma_start3A_39 = arith.constant 0 : i32
      %dma_start3A_40 = tpu.memref_slice %arg6[%scan3A_38, %dma_start3A_39] : memref<80x125xi32, #tpu.memory_space<vmem>> -> memref<1x125xi32, #tpu.memory_space<vmem>>
      %dma_start3A_41 = tpu.memref_squeeze %dma_start3A_40 : memref<1x125xi32, #tpu.memory_space<vmem>> -> memref<125xi32, #tpu.memory_space<vmem>>
      %dma_start3A_42 = arith.constant 0 : i32
      %dma_start3A_43 = arith.constant 0 : i32
      %dma_start3A_44 = tpu.memref_slice %arg9[%dma_start3A_42, %dma_start3A_43] : memref<10240x128xf32, #tpu.memory_space<vmem_shared>> -> memref<10240x128xf32, #tpu.memory_space<vmem_shared>>
      tpu.enqueue_indirect_dma source(%arg7 : memref<125x128xf32, #tpu.memory_space<vmem>>) target(%dma_start3A_44 : memref<10240x128xf32, #tpu.memory_space<vmem_shared>>) offsets(%dma_start3A_41 : memref<125xi32, #tpu.memory_space<vmem>>) semaphore(%arg8 : memref<!tpu.dma_semaphore, #tpu.memory_space<semaphore_mem>>) {add = true}
    }
    %scan3A_23 = arith.constant 80 : i32
    %scan3A_24 = arith.constant 0 : i32
    %scan3A_25 = arith.constant 0 : i32
    %scan3A_26 = arith.constant 80 : i32
    %scan3A_27 = arith.addi %scan3A_25, %scan3A_26 : i32
    %scan3A_28 = arith.constant 1 : i32
    scf.for %scan3A_38 = %scan3A_25 to %scan3A_27 step %scan3A_28  : i32 {
      %dma_wait3A_39 = arith.constant 0 : i32
      %dma_wait3A_40 = arith.constant 0 : i32
      %dma_wait3A_41 = tpu.memref_slice %arg6[%dma_wait3A_39, %dma_wait3A_40] : memref<80x125xi32, #tpu.memory_space<vmem>> -> memref<1x125xi32, #tpu.memory_space<vmem>>
      %dma_wait3A_42 = tpu.memref_squeeze %dma_wait3A_41 : memref<1x125xi32, #tpu.memory_space<vmem>> -> memref<125xi32, #tpu.memory_space<vmem>>
      %dma_wait3A_43 = arith.constant 0 : i32
      %dma_wait3A_44 = arith.constant 0 : i32
      %dma_wait3A_45 = tpu.memref_slice %arg9[%dma_wait3A_43, %dma_wait3A_44] : memref<10240x128xf32, #tpu.memory_space<vmem_shared>> -> memref<10240x128xf32, #tpu.memory_space<vmem_shared>>
      tpu.wait_indirect_dma semaphore(%arg8 : memref<!tpu.dma_semaphore, #tpu.memory_space<semaphore_mem>>) src(%arg7 : memref<125x128xf32, #tpu.memory_space<vmem>>) dst(%dma_wait3A_45 : memref<10240x128xf32, #tpu.memory_space<vmem_shared>>)
    }
    %scan3A_29 = arith.constant 80 : i32
    %barrier3A_30 = arith.constant 0 : index
    tpu.barrier barrier_id(%barrier3A_30)
    %mul3A_31 = arith.constant 640 : i32
    %mul3A_32 = arith.muli %arg1, %mul3A_31 : i32
    %mul3A_33 = arith.constant 10240 : i32
    %mul3A_34 = arith.muli %arg0, %mul3A_33 : i32
    %mul3A_35 = arith.constant 640 : i32
    %mul3A_36 = arith.muli %arg1, %mul3A_35 : i32
    %add3A_37 = arith.addi %mul3A_34, %mul3A_36 : i32
    "tpu.region"() ({
      %run_scoped3A = tpu.sem_alloc : memref<!tpu.dma_semaphore, #tpu.memory_space<semaphore_mem>>
      %dma_start3A_38 = arith.constant 0 : i32
      %dma_start3A_39 = tpu.memref_slice %arg5[%add3A_37, %dma_start3A_38] : memref<20480x128xf32, #tpu.memory_space<hbm>> -> memref<640x128xf32, #tpu.memory_space<hbm>>
      %dma_start3A_40 = arith.constant 0 : i32
      %dma_start3A_41 = tpu.memref_slice %arg9[%mul3A_32, %dma_start3A_40] : memref<10240x128xf32, #tpu.memory_space<vmem_shared>> -> memref<640x128xf32, #tpu.memory_space<vmem_shared>>
      tpu.enqueue_dma source(%dma_start3A_41 : memref<640x128xf32, #tpu.memory_space<vmem_shared>>) target(%dma_start3A_39 : memref<640x128xf32, #tpu.memory_space<hbm>>) target_semaphore(%run_scoped3A : memref<!tpu.dma_semaphore, #tpu.memory_space<semaphore_mem>>)
      %dma_wait3A_42 = arith.constant 0 : i32
      %dma_wait3A_43 = tpu.memref_slice %arg5[%add3A_37, %dma_wait3A_42] : memref<20480x128xf32, #tpu.memory_space<hbm>> -> memref<640x128xf32, #tpu.memory_space<hbm>>
      %dma_wait3A_44 = arith.constant 0 : i32
      %dma_wait3A_45 = tpu.memref_slice %arg9[%mul3A_32, %dma_wait3A_44] : memref<10240x128xf32, #tpu.memory_space<vmem_shared>> -> memref<640x128xf32, #tpu.memory_space<vmem_shared>>
      tpu.wait_dma2 semaphore(%run_scoped3A : memref<!tpu.dma_semaphore, #tpu.memory_space<semaphore_mem>>) src(%dma_wait3A_45 : memref<640x128xf32, #tpu.memory_space<vmem_shared>>) dst(%dma_wait3A_43 : memref<640x128xf32, #tpu.memory_space<hbm>>)
      tpu.yield
    }) : () -> ()
    return
  }
}

#map = affine_map<(d0, d1) -> (0, 0)>
module attributes {stable_mosaic.version = 14 : i64} {
  func.func @spmv(%arg0: i32, %arg1: i32, %arg2: memref<10240x128xf32, #tpu.memory_space<hbm>>, %arg3: memref<2560x125xi32, #tpu.memory_space<hbm>>, %arg4: memref<2560x125xi32, #tpu.memory_space<hbm>>, %arg5: memref<640x128xf32, #tpu.memory_space<hbm>>, %arg6: memref<20480x128xf32, #tpu.memory_space<hbm>>, %arg7: memref<40x125xi32, #tpu.memory_space<vmem>>, %arg8: memref<40x125xi32, #tpu.memory_space<vmem>>, %arg9: memref<125x128xf32, #tpu.memory_space<vmem>>, %arg10: memref<125x128xf32, #tpu.memory_space<vmem>>, %arg11: memref<!tpu.dma_semaphore, #tpu.memory_space<semaphore_mem>>, %arg12: memref<!tpu.dma_semaphore, #tpu.memory_space<semaphore_mem>>, %arg13: memref<!tpu.dma_semaphore, #tpu.memory_space<semaphore_mem>>, %arg14: memref<!tpu.dma_semaphore, #tpu.memory_space<semaphore_mem>>, %arg15: memref<10240x128xf32, #tpu.memory_space<vmem_shared>>) attributes {dimension_semantics = [#tpu.dimension_semantics<core_parallel>, #tpu.dimension_semantics<subcore_parallel>], iteration_bounds = array<i64: 2, 16>, scalar_prefetch = 0 : i64, scratch_operands = 9 : i64, tpu.core_type = #tpu.core_type<sc_vector_subcore>, window_params = [{transform_indices = #map}, {transform_indices = #map}, {transform_indices = #map}, {transform_indices = #map}, {transform_indices = #map}]} {
    %mul3A = arith.constant 2 : i32
    %mul3A_0 = arith.muli %arg1, %mul3A : i32
    %add3A = arith.addi %mul3A_0, %arg0 : i32
    %mul3A_1 = arith.constant 640 : i32
    %mul3A_2 = arith.muli %arg1, %mul3A_1 : i32
    %dma_start3A = arith.constant 0 : i32
    %dma_start3A_3 = tpu.memref_slice %arg15[%mul3A_2, %dma_start3A] : memref<10240x128xf32, #tpu.memory_space<vmem_shared>> -> memref<640x128xf32, #tpu.memory_space<vmem_shared>>
    tpu.enqueue_dma source(%arg5 : memref<640x128xf32, #tpu.memory_space<hbm>>) target(%dma_start3A_3 : memref<640x128xf32, #tpu.memory_space<vmem_shared>>) target_semaphore(%arg13 : memref<!tpu.dma_semaphore, #tpu.memory_space<semaphore_mem>>)
    %mul3A_4 = arith.constant 80 : i32
    %mul3A_5 = arith.muli %add3A, %mul3A_4 : i32
    %dma_start3A_6 = arith.constant 0 : i32
    %dma_start3A_7 = tpu.memref_slice %arg3[%mul3A_5, %dma_start3A_6] : memref<2560x125xi32, #tpu.memory_space<hbm>> -> memref<40x125xi32, #tpu.memory_space<hbm>>
    %dma_start3A_8 = arith.constant 0 : i32
    %dma_start3A_9 = tpu.memref_slice %arg3[%mul3A_5, %dma_start3A_8] : memref<2560x125xi32, #tpu.memory_space<hbm>> -> memref<40x125xi32, #tpu.memory_space<hbm>>
    tpu.enqueue_dma source(%dma_start3A_9 : memref<40x125xi32, #tpu.memory_space<hbm>>) target(%arg7 : memref<40x125xi32, #tpu.memory_space<vmem>>) target_semaphore(%arg11 : memref<!tpu.dma_semaphore, #tpu.memory_space<semaphore_mem>>)
    %mul3A_10 = arith.constant 80 : i32
    %mul3A_11 = arith.muli %add3A, %mul3A_10 : i32
    %dma_start3A_12 = arith.constant 0 : i32
    %dma_start3A_13 = tpu.memref_slice %arg4[%mul3A_11, %dma_start3A_12] : memref<2560x125xi32, #tpu.memory_space<hbm>> -> memref<40x125xi32, #tpu.memory_space<hbm>>
    %dma_start3A_14 = arith.constant 0 : i32
    %dma_start3A_15 = tpu.memref_slice %arg4[%mul3A_11, %dma_start3A_14] : memref<2560x125xi32, #tpu.memory_space<hbm>> -> memref<40x125xi32, #tpu.memory_space<hbm>>
    tpu.enqueue_dma source(%dma_start3A_15 : memref<40x125xi32, #tpu.memory_space<hbm>>) target(%arg8 : memref<40x125xi32, #tpu.memory_space<vmem>>) target_semaphore(%arg12 : memref<!tpu.dma_semaphore, #tpu.memory_space<semaphore_mem>>)
    %mul3A_16 = arith.constant 640 : i32
    %mul3A_17 = arith.muli %arg1, %mul3A_16 : i32
    %dma_wait3A = arith.constant 0 : i32
    %dma_wait3A_18 = tpu.memref_slice %arg15[%mul3A_17, %dma_wait3A] : memref<10240x128xf32, #tpu.memory_space<vmem_shared>> -> memref<640x128xf32, #tpu.memory_space<vmem_shared>>
    tpu.wait_dma2 semaphore(%arg13 : memref<!tpu.dma_semaphore, #tpu.memory_space<semaphore_mem>>) src(%arg5 : memref<640x128xf32, #tpu.memory_space<hbm>>) dst(%dma_wait3A_18 : memref<640x128xf32, #tpu.memory_space<vmem_shared>>)
    %mul3A_19 = arith.constant 80 : i32
    %mul3A_20 = arith.muli %add3A, %mul3A_19 : i32
    %dma_wait3A_21 = arith.constant 0 : i32
    %dma_wait3A_22 = tpu.memref_slice %arg3[%mul3A_20, %dma_wait3A_21] : memref<2560x125xi32, #tpu.memory_space<hbm>> -> memref<40x125xi32, #tpu.memory_space<hbm>>
    %dma_wait3A_23 = arith.constant 0 : i32
    %dma_wait3A_24 = tpu.memref_slice %arg3[%mul3A_20, %dma_wait3A_23] : memref<2560x125xi32, #tpu.memory_space<hbm>> -> memref<40x125xi32, #tpu.memory_space<hbm>>
    tpu.wait_dma2 semaphore(%arg11 : memref<!tpu.dma_semaphore, #tpu.memory_space<semaphore_mem>>) src(%dma_wait3A_24 : memref<40x125xi32, #tpu.memory_space<hbm>>) dst(%arg7 : memref<40x125xi32, #tpu.memory_space<vmem>>)
    %mul3A_25 = arith.constant 80 : i32
    %mul3A_26 = arith.muli %add3A, %mul3A_25 : i32
    %dma_wait3A_27 = arith.constant 0 : i32
    %dma_wait3A_28 = tpu.memref_slice %arg4[%mul3A_26, %dma_wait3A_27] : memref<2560x125xi32, #tpu.memory_space<hbm>> -> memref<40x125xi32, #tpu.memory_space<hbm>>
    %dma_wait3A_29 = arith.constant 0 : i32
    %dma_wait3A_30 = tpu.memref_slice %arg4[%mul3A_26, %dma_wait3A_29] : memref<2560x125xi32, #tpu.memory_space<hbm>> -> memref<40x125xi32, #tpu.memory_space<hbm>>
    tpu.wait_dma2 semaphore(%arg12 : memref<!tpu.dma_semaphore, #tpu.memory_space<semaphore_mem>>) src(%dma_wait3A_30 : memref<40x125xi32, #tpu.memory_space<hbm>>) dst(%arg8 : memref<40x125xi32, #tpu.memory_space<vmem>>)
    %barrier3A = arith.constant 0 : index
    tpu.barrier barrier_id(%barrier3A)
    %mul3A_31 = arith.constant 80 : i32
    %mul3A_32 = arith.muli %add3A, %mul3A_31 : i32
    %add3A_33 = arith.constant 0 : i32
    %add3A_34 = arith.addi %mul3A_32, %add3A_33 : i32
    %dma_start3A_35 = arith.constant 0 : i32
    %dma_start3A_36 = arith.constant 0 : i32
    %dma_start3A_37 = tpu.memref_slice %arg7[%dma_start3A_35, %dma_start3A_36] : memref<40x125xi32, #tpu.memory_space<vmem>> -> memref<1x125xi32, #tpu.memory_space<vmem>>
    %dma_start3A_38 = tpu.memref_squeeze %dma_start3A_37 : memref<1x125xi32, #tpu.memory_space<vmem>> -> memref<125xi32, #tpu.memory_space<vmem>>
    %dma_start3A_39 = arith.constant 0 : i32
    %dma_start3A_40 = arith.constant 0 : i32
    %dma_start3A_41 = tpu.memref_slice %arg2[%dma_start3A_39, %dma_start3A_40] : memref<10240x128xf32, #tpu.memory_space<hbm>> -> memref<10240x128xf32, #tpu.memory_space<hbm>>
    tpu.enqueue_indirect_dma source(%dma_start3A_41 : memref<10240x128xf32, #tpu.memory_space<hbm>>) target(%arg9 : memref<125x128xf32, #tpu.memory_space<vmem>>) offsets(%dma_start3A_38 : memref<125xi32, #tpu.memory_space<vmem>>) semaphore(%arg11 : memref<!tpu.dma_semaphore, #tpu.memory_space<semaphore_mem>>)
    %dma_start3A_42 = arith.constant 1 : i32
    %dma_start3A_43 = arith.constant 0 : i32
    %dma_start3A_44 = tpu.memref_slice %arg7[%dma_start3A_42, %dma_start3A_43] : memref<40x125xi32, #tpu.memory_space<vmem>> -> memref<1x125xi32, #tpu.memory_space<vmem>>
    %dma_start3A_45 = tpu.memref_squeeze %dma_start3A_44 : memref<1x125xi32, #tpu.memory_space<vmem>> -> memref<125xi32, #tpu.memory_space<vmem>>
    %dma_start3A_46 = arith.constant 0 : i32
    %dma_start3A_47 = arith.constant 0 : i32
    %dma_start3A_48 = tpu.memref_slice %arg2[%dma_start3A_46, %dma_start3A_47] : memref<10240x128xf32, #tpu.memory_space<hbm>> -> memref<10240x128xf32, #tpu.memory_space<hbm>>
    tpu.enqueue_indirect_dma source(%dma_start3A_48 : memref<10240x128xf32, #tpu.memory_space<hbm>>) target(%arg10 : memref<125x128xf32, #tpu.memory_space<vmem>>) offsets(%dma_start3A_45 : memref<125xi32, #tpu.memory_space<vmem>>) semaphore(%arg12 : memref<!tpu.dma_semaphore, #tpu.memory_space<semaphore_mem>>)
    %scan3A = arith.constant 0 : i32
    %scan3A_49 = arith.constant 0 : i32
    %scan3A_50 = arith.constant 20 : i32
    %scan3A_51 = arith.addi %scan3A_49, %scan3A_50 : i32
    %scan3A_52 = arith.constant 1 : i32
    scf.for %scan3A_114 = %scan3A_49 to %scan3A_51 step %scan3A_52  : i32 {
      %mul3A_115 = arith.constant 2 : i32
      %mul3A_116 = arith.muli %scan3A_114, %mul3A_115 : i32
      %add3A_117 = arith.constant 0 : i32
      %add3A_118 = arith.addi %mul3A_116, %add3A_117 : i32
      %dma_wait3A_119 = arith.constant 0 : i32
      %dma_wait3A_120 = tpu.memref_slice %arg7[%add3A_118, %dma_wait3A_119] : memref<40x125xi32, #tpu.memory_space<vmem>> -> memref<1x125xi32, #tpu.memory_space<vmem>>
      %dma_wait3A_121 = tpu.memref_squeeze %dma_wait3A_120 : memref<1x125xi32, #tpu.memory_space<vmem>> -> memref<125xi32, #tpu.memory_space<vmem>>
      %dma_wait3A_122 = arith.constant 0 : i32
      %dma_wait3A_123 = arith.constant 0 : i32
      %dma_wait3A_124 = tpu.memref_slice %arg2[%dma_wait3A_122, %dma_wait3A_123] : memref<10240x128xf32, #tpu.memory_space<hbm>> -> memref<10240x128xf32, #tpu.memory_space<hbm>>
      tpu.wait_indirect_dma semaphore(%arg11 : memref<!tpu.dma_semaphore, #tpu.memory_space<semaphore_mem>>) src(%dma_wait3A_124 : memref<10240x128xf32, #tpu.memory_space<hbm>>) dst(%arg9 : memref<125x128xf32, #tpu.memory_space<vmem>>)
      %add3A_125 = arith.constant 0 : i32
      %add3A_126 = arith.addi %mul3A_116, %add3A_125 : i32
      %dma_start3A_127 = arith.constant 0 : i32
      %dma_start3A_128 = tpu.memref_slice %arg8[%add3A_126, %dma_start3A_127] : memref<40x125xi32, #tpu.memory_space<vmem>> -> memref<1x125xi32, #tpu.memory_space<vmem>>
      %dma_start3A_129 = tpu.memref_squeeze %dma_start3A_128 : memref<1x125xi32, #tpu.memory_space<vmem>> -> memref<125xi32, #tpu.memory_space<vmem>>
      %dma_start3A_130 = arith.constant 0 : i32
      %dma_start3A_131 = arith.constant 0 : i32
      %dma_start3A_132 = tpu.memref_slice %arg15[%dma_start3A_130, %dma_start3A_131] : memref<10240x128xf32, #tpu.memory_space<vmem_shared>> -> memref<10240x128xf32, #tpu.memory_space<vmem_shared>>
      tpu.enqueue_indirect_dma source(%arg9 : memref<125x128xf32, #tpu.memory_space<vmem>>) target(%dma_start3A_132 : memref<10240x128xf32, #tpu.memory_space<vmem_shared>>) offsets(%dma_start3A_129 : memref<125xi32, #tpu.memory_space<vmem>>) semaphore(%arg13 : memref<!tpu.dma_semaphore, #tpu.memory_space<semaphore_mem>>) {add = true}
      %add3A_133 = arith.constant 1 : i32
      %add3A_134 = arith.addi %mul3A_116, %add3A_133 : i32
      %dma_wait3A_135 = arith.constant 0 : i32
      %dma_wait3A_136 = tpu.memref_slice %arg7[%add3A_134, %dma_wait3A_135] : memref<40x125xi32, #tpu.memory_space<vmem>> -> memref<1x125xi32, #tpu.memory_space<vmem>>
      %dma_wait3A_137 = tpu.memref_squeeze %dma_wait3A_136 : memref<1x125xi32, #tpu.memory_space<vmem>> -> memref<125xi32, #tpu.memory_space<vmem>>
      %dma_wait3A_138 = arith.constant 0 : i32
      %dma_wait3A_139 = arith.constant 0 : i32
      %dma_wait3A_140 = tpu.memref_slice %arg2[%dma_wait3A_138, %dma_wait3A_139] : memref<10240x128xf32, #tpu.memory_space<hbm>> -> memref<10240x128xf32, #tpu.memory_space<hbm>>
      tpu.wait_indirect_dma semaphore(%arg12 : memref<!tpu.dma_semaphore, #tpu.memory_space<semaphore_mem>>) src(%dma_wait3A_140 : memref<10240x128xf32, #tpu.memory_space<hbm>>) dst(%arg10 : memref<125x128xf32, #tpu.memory_space<vmem>>)
      %add3A_141 = arith.constant 1 : i32
      %add3A_142 = arith.addi %mul3A_116, %add3A_141 : i32
      %dma_start3A_143 = arith.constant 0 : i32
      %dma_start3A_144 = tpu.memref_slice %arg8[%add3A_142, %dma_start3A_143] : memref<40x125xi32, #tpu.memory_space<vmem>> -> memref<1x125xi32, #tpu.memory_space<vmem>>
      %dma_start3A_145 = tpu.memref_squeeze %dma_start3A_144 : memref<1x125xi32, #tpu.memory_space<vmem>> -> memref<125xi32, #tpu.memory_space<vmem>>
      %dma_start3A_146 = arith.constant 0 : i32
      %dma_start3A_147 = arith.constant 0 : i32
      %dma_start3A_148 = tpu.memref_slice %arg15[%dma_start3A_146, %dma_start3A_147] : memref<10240x128xf32, #tpu.memory_space<vmem_shared>> -> memref<10240x128xf32, #tpu.memory_space<vmem_shared>>
      tpu.enqueue_indirect_dma source(%arg10 : memref<125x128xf32, #tpu.memory_space<vmem>>) target(%dma_start3A_148 : memref<10240x128xf32, #tpu.memory_space<vmem_shared>>) offsets(%dma_start3A_145 : memref<125xi32, #tpu.memory_space<vmem>>) semaphore(%arg14 : memref<!tpu.dma_semaphore, #tpu.memory_space<semaphore_mem>>) {add = true}
      %add3A_149 = arith.constant 2 : i32
      %add3A_150 = arith.addi %mul3A_116, %add3A_149 : i32
      %add3A_151 = arith.constant 0 : i32
      %add3A_152 = arith.addi %add3A_150, %add3A_151 : i32
      %lt3A = arith.constant 40 : i32
      %lt3A_153 = arith.cmpi slt, %add3A_152, %lt3A : i32
      %convert_element_type3A = arith.extui %lt3A_153 : i1 to i32
      %cond3A = arith.constant 0 : i32
      %cond3A_154 = arith.cmpi ne, %convert_element_type3A, %cond3A : i32
      scf.if %cond3A_154 {
        %add3A_164 = arith.constant 0 : i32
        %add3A_165 = arith.addi %mul3A_116, %add3A_164 : i32
        %dma_wait3A_166 = arith.constant 0 : i32
        %dma_wait3A_167 = tpu.memref_slice %arg8[%add3A_165, %dma_wait3A_166] : memref<40x125xi32, #tpu.memory_space<vmem>> -> memref<1x125xi32, #tpu.memory_space<vmem>>
        %dma_wait3A_168 = tpu.memref_squeeze %dma_wait3A_167 : memref<1x125xi32, #tpu.memory_space<vmem>> -> memref<125xi32, #tpu.memory_space<vmem>>
        %dma_wait3A_169 = arith.constant 0 : i32
        %dma_wait3A_170 = arith.constant 0 : i32
        %dma_wait3A_171 = tpu.memref_slice %arg15[%dma_wait3A_169, %dma_wait3A_170] : memref<10240x128xf32, #tpu.memory_space<vmem_shared>> -> memref<10240x128xf32, #tpu.memory_space<vmem_shared>>
        tpu.wait_indirect_dma semaphore(%arg13 : memref<!tpu.dma_semaphore, #tpu.memory_space<semaphore_mem>>) src(%arg9 : memref<125x128xf32, #tpu.memory_space<vmem>>) dst(%dma_wait3A_171 : memref<10240x128xf32, #tpu.memory_space<vmem_shared>>)
        %add3A_172 = arith.constant 2 : i32
        %add3A_173 = arith.addi %mul3A_116, %add3A_172 : i32
        %add3A_174 = arith.constant 0 : i32
        %add3A_175 = arith.addi %add3A_173, %add3A_174 : i32
        %dma_start3A_176 = arith.constant 0 : i32
        %dma_start3A_177 = tpu.memref_slice %arg7[%add3A_175, %dma_start3A_176] : memref<40x125xi32, #tpu.memory_space<vmem>> -> memref<1x125xi32, #tpu.memory_space<vmem>>
        %dma_start3A_178 = tpu.memref_squeeze %dma_start3A_177 : memref<1x125xi32, #tpu.memory_space<vmem>> -> memref<125xi32, #tpu.memory_space<vmem>>
        %dma_start3A_179 = arith.constant 0 : i32
        %dma_start3A_180 = arith.constant 0 : i32
        %dma_start3A_181 = tpu.memref_slice %arg2[%dma_start3A_179, %dma_start3A_180] : memref<10240x128xf32, #tpu.memory_space<hbm>> -> memref<10240x128xf32, #tpu.memory_space<hbm>>
        tpu.enqueue_indirect_dma source(%dma_start3A_181 : memref<10240x128xf32, #tpu.memory_space<hbm>>) target(%arg9 : memref<125x128xf32, #tpu.memory_space<vmem>>) offsets(%dma_start3A_178 : memref<125xi32, #tpu.memory_space<vmem>>) semaphore(%arg11 : memref<!tpu.dma_semaphore, #tpu.memory_space<semaphore_mem>>)
      } else {
      }
      %add3A_155 = arith.constant 2 : i32
      %add3A_156 = arith.addi %mul3A_116, %add3A_155 : i32
      %add3A_157 = arith.constant 1 : i32
      %add3A_158 = arith.addi %add3A_156, %add3A_157 : i32
      %lt3A_159 = arith.constant 40 : i32
      %lt3A_160 = arith.cmpi slt, %add3A_158, %lt3A_159 : i32
      %convert_element_type3A_161 = arith.extui %lt3A_160 : i1 to i32
      %cond3A_162 = arith.constant 0 : i32
      %cond3A_163 = arith.cmpi ne, %convert_element_type3A_161, %cond3A_162 : i32
      scf.if %cond3A_163 {
        %add3A_164 = arith.constant 1 : i32
        %add3A_165 = arith.addi %mul3A_116, %add3A_164 : i32
        %dma_wait3A_166 = arith.constant 0 : i32
        %dma_wait3A_167 = tpu.memref_slice %arg8[%add3A_165, %dma_wait3A_166] : memref<40x125xi32, #tpu.memory_space<vmem>> -> memref<1x125xi32, #tpu.memory_space<vmem>>
        %dma_wait3A_168 = tpu.memref_squeeze %dma_wait3A_167 : memref<1x125xi32, #tpu.memory_space<vmem>> -> memref<125xi32, #tpu.memory_space<vmem>>
        %dma_wait3A_169 = arith.constant 0 : i32
        %dma_wait3A_170 = arith.constant 0 : i32
        %dma_wait3A_171 = tpu.memref_slice %arg15[%dma_wait3A_169, %dma_wait3A_170] : memref<10240x128xf32, #tpu.memory_space<vmem_shared>> -> memref<10240x128xf32, #tpu.memory_space<vmem_shared>>
        tpu.wait_indirect_dma semaphore(%arg14 : memref<!tpu.dma_semaphore, #tpu.memory_space<semaphore_mem>>) src(%arg10 : memref<125x128xf32, #tpu.memory_space<vmem>>) dst(%dma_wait3A_171 : memref<10240x128xf32, #tpu.memory_space<vmem_shared>>)
        %add3A_172 = arith.constant 2 : i32
        %add3A_173 = arith.addi %mul3A_116, %add3A_172 : i32
        %add3A_174 = arith.constant 1 : i32
        %add3A_175 = arith.addi %add3A_173, %add3A_174 : i32
        %dma_start3A_176 = arith.constant 0 : i32
        %dma_start3A_177 = tpu.memref_slice %arg7[%add3A_175, %dma_start3A_176] : memref<40x125xi32, #tpu.memory_space<vmem>> -> memref<1x125xi32, #tpu.memory_space<vmem>>
        %dma_start3A_178 = tpu.memref_squeeze %dma_start3A_177 : memref<1x125xi32, #tpu.memory_space<vmem>> -> memref<125xi32, #tpu.memory_space<vmem>>
        %dma_start3A_179 = arith.constant 0 : i32
        %dma_start3A_180 = arith.constant 0 : i32
        %dma_start3A_181 = tpu.memref_slice %arg2[%dma_start3A_179, %dma_start3A_180] : memref<10240x128xf32, #tpu.memory_space<hbm>> -> memref<10240x128xf32, #tpu.memory_space<hbm>>
        tpu.enqueue_indirect_dma source(%dma_start3A_181 : memref<10240x128xf32, #tpu.memory_space<hbm>>) target(%arg10 : memref<125x128xf32, #tpu.memory_space<vmem>>) offsets(%dma_start3A_178 : memref<125xi32, #tpu.memory_space<vmem>>) semaphore(%arg12 : memref<!tpu.dma_semaphore, #tpu.memory_space<semaphore_mem>>)
      } else {
      }
    }
    %scan3A_53 = arith.constant 20 : i32
    %dma_wait3A_54 = arith.constant 38 : i32
    %dma_wait3A_55 = arith.constant 0 : i32
    %dma_wait3A_56 = tpu.memref_slice %arg8[%dma_wait3A_54, %dma_wait3A_55] : memref<40x125xi32, #tpu.memory_space<vmem>> -> memref<1x125xi32, #tpu.memory_space<vmem>>
    %dma_wait3A_57 = tpu.memref_squeeze %dma_wait3A_56 : memref<1x125xi32, #tpu.memory_space<vmem>> -> memref<125xi32, #tpu.memory_space<vmem>>
    %dma_wait3A_58 = arith.constant 0 : i32
    %dma_wait3A_59 = arith.constant 0 : i32
    %dma_wait3A_60 = tpu.memref_slice %arg15[%dma_wait3A_58, %dma_wait3A_59] : memref<10240x128xf32, #tpu.memory_space<vmem_shared>> -> memref<10240x128xf32, #tpu.memory_space<vmem_shared>>
    tpu.wait_indirect_dma semaphore(%arg13 : memref<!tpu.dma_semaphore, #tpu.memory_space<semaphore_mem>>) src(%arg9 : memref<125x128xf32, #tpu.memory_space<vmem>>) dst(%dma_wait3A_60 : memref<10240x128xf32, #tpu.memory_space<vmem_shared>>)
    %dma_wait3A_61 = arith.constant 39 : i32
    %dma_wait3A_62 = arith.constant 0 : i32
    %dma_wait3A_63 = tpu.memref_slice %arg8[%dma_wait3A_61, %dma_wait3A_62] : memref<40x125xi32, #tpu.memory_space<vmem>> -> memref<1x125xi32, #tpu.memory_space<vmem>>
    %dma_wait3A_64 = tpu.memref_squeeze %dma_wait3A_63 : memref<1x125xi32, #tpu.memory_space<vmem>> -> memref<125xi32, #tpu.memory_space<vmem>>
    %dma_wait3A_65 = arith.constant 0 : i32
    %dma_wait3A_66 = arith.constant 0 : i32
    %dma_wait3A_67 = tpu.memref_slice %arg15[%dma_wait3A_65, %dma_wait3A_66] : memref<10240x128xf32, #tpu.memory_space<vmem_shared>> -> memref<10240x128xf32, #tpu.memory_space<vmem_shared>>
    tpu.wait_indirect_dma semaphore(%arg14 : memref<!tpu.dma_semaphore, #tpu.memory_space<semaphore_mem>>) src(%arg10 : memref<125x128xf32, #tpu.memory_space<vmem>>) dst(%dma_wait3A_67 : memref<10240x128xf32, #tpu.memory_space<vmem_shared>>)
    %mul3A_68 = arith.constant 80 : i32
    %mul3A_69 = arith.muli %add3A, %mul3A_68 : i32
    %add3A_70 = arith.constant 40 : i32
    %add3A_71 = arith.addi %mul3A_69, %add3A_70 : i32
    "tpu.region"() ({
      %run_scoped3A = tpu.sem_alloc : memref<!tpu.dma_semaphore, #tpu.memory_space<semaphore_mem>>
      %dma_start3A_114 = arith.constant 0 : i32
      %dma_start3A_115 = tpu.memref_slice %arg3[%add3A_71, %dma_start3A_114] : memref<2560x125xi32, #tpu.memory_space<hbm>> -> memref<40x125xi32, #tpu.memory_space<hbm>>
      %dma_start3A_116 = arith.constant 0 : i32
      %dma_start3A_117 = tpu.memref_slice %arg3[%add3A_71, %dma_start3A_116] : memref<2560x125xi32, #tpu.memory_space<hbm>> -> memref<40x125xi32, #tpu.memory_space<hbm>>
      tpu.enqueue_dma source(%dma_start3A_117 : memref<40x125xi32, #tpu.memory_space<hbm>>) target(%arg7 : memref<40x125xi32, #tpu.memory_space<vmem>>) target_semaphore(%run_scoped3A : memref<!tpu.dma_semaphore, #tpu.memory_space<semaphore_mem>>)
      %dma_wait3A_118 = arith.constant 0 : i32
      %dma_wait3A_119 = tpu.memref_slice %arg3[%add3A_71, %dma_wait3A_118] : memref<2560x125xi32, #tpu.memory_space<hbm>> -> memref<40x125xi32, #tpu.memory_space<hbm>>
      %dma_wait3A_120 = arith.constant 0 : i32
      %dma_wait3A_121 = tpu.memref_slice %arg3[%add3A_71, %dma_wait3A_120] : memref<2560x125xi32, #tpu.memory_space<hbm>> -> memref<40x125xi32, #tpu.memory_space<hbm>>
      tpu.wait_dma2 semaphore(%run_scoped3A : memref<!tpu.dma_semaphore, #tpu.memory_space<semaphore_mem>>) src(%dma_wait3A_121 : memref<40x125xi32, #tpu.memory_space<hbm>>) dst(%arg7 : memref<40x125xi32, #tpu.memory_space<vmem>>)
      tpu.yield
    }) : () -> ()
    "tpu.region"() ({
      %run_scoped3A = tpu.sem_alloc : memref<!tpu.dma_semaphore, #tpu.memory_space<semaphore_mem>>
      %dma_start3A_114 = arith.constant 0 : i32
      %dma_start3A_115 = tpu.memref_slice %arg4[%add3A_71, %dma_start3A_114] : memref<2560x125xi32, #tpu.memory_space<hbm>> -> memref<40x125xi32, #tpu.memory_space<hbm>>
      %dma_start3A_116 = arith.constant 0 : i32
      %dma_start3A_117 = tpu.memref_slice %arg4[%add3A_71, %dma_start3A_116] : memref<2560x125xi32, #tpu.memory_space<hbm>> -> memref<40x125xi32, #tpu.memory_space<hbm>>
      tpu.enqueue_dma source(%dma_start3A_117 : memref<40x125xi32, #tpu.memory_space<hbm>>) target(%arg8 : memref<40x125xi32, #tpu.memory_space<vmem>>) target_semaphore(%run_scoped3A : memref<!tpu.dma_semaphore, #tpu.memory_space<semaphore_mem>>)
      %dma_wait3A_118 = arith.constant 0 : i32
      %dma_wait3A_119 = tpu.memref_slice %arg4[%add3A_71, %dma_wait3A_118] : memref<2560x125xi32, #tpu.memory_space<hbm>> -> memref<40x125xi32, #tpu.memory_space<hbm>>
      %dma_wait3A_120 = arith.constant 0 : i32
      %dma_wait3A_121 = tpu.memref_slice %arg4[%add3A_71, %dma_wait3A_120] : memref<2560x125xi32, #tpu.memory_space<hbm>> -> memref<40x125xi32, #tpu.memory_space<hbm>>
      tpu.wait_dma2 semaphore(%run_scoped3A : memref<!tpu.dma_semaphore, #tpu.memory_space<semaphore_mem>>) src(%dma_wait3A_121 : memref<40x125xi32, #tpu.memory_space<hbm>>) dst(%arg8 : memref<40x125xi32, #tpu.memory_space<vmem>>)
      tpu.yield
    }) : () -> ()
    %dma_start3A_72 = arith.constant 0 : i32
    %dma_start3A_73 = arith.constant 0 : i32
    %dma_start3A_74 = tpu.memref_slice %arg7[%dma_start3A_72, %dma_start3A_73] : memref<40x125xi32, #tpu.memory_space<vmem>> -> memref<1x125xi32, #tpu.memory_space<vmem>>
    %dma_start3A_75 = tpu.memref_squeeze %dma_start3A_74 : memref<1x125xi32, #tpu.memory_space<vmem>> -> memref<125xi32, #tpu.memory_space<vmem>>
    %dma_start3A_76 = arith.constant 0 : i32
    %dma_start3A_77 = arith.constant 0 : i32
    %dma_start3A_78 = tpu.memref_slice %arg2[%dma_start3A_76, %dma_start3A_77] : memref<10240x128xf32, #tpu.memory_space<hbm>> -> memref<10240x128xf32, #tpu.memory_space<hbm>>
    tpu.enqueue_indirect_dma source(%dma_start3A_78 : memref<10240x128xf32, #tpu.memory_space<hbm>>) target(%arg9 : memref<125x128xf32, #tpu.memory_space<vmem>>) offsets(%dma_start3A_75 : memref<125xi32, #tpu.memory_space<vmem>>) semaphore(%arg11 : memref<!tpu.dma_semaphore, #tpu.memory_space<semaphore_mem>>)
    %dma_start3A_79 = arith.constant 1 : i32
    %dma_start3A_80 = arith.constant 0 : i32
    %dma_start3A_81 = tpu.memref_slice %arg7[%dma_start3A_79, %dma_start3A_80] : memref<40x125xi32, #tpu.memory_space<vmem>> -> memref<1x125xi32, #tpu.memory_space<vmem>>
    %dma_start3A_82 = tpu.memref_squeeze %dma_start3A_81 : memref<1x125xi32, #tpu.memory_space<vmem>> -> memref<125xi32, #tpu.memory_space<vmem>>
    %dma_start3A_83 = arith.constant 0 : i32
    %dma_start3A_84 = arith.constant 0 : i32
    %dma_start3A_85 = tpu.memref_slice %arg2[%dma_start3A_83, %dma_start3A_84] : memref<10240x128xf32, #tpu.memory_space<hbm>> -> memref<10240x128xf32, #tpu.memory_space<hbm>>
    tpu.enqueue_indirect_dma source(%dma_start3A_85 : memref<10240x128xf32, #tpu.memory_space<hbm>>) target(%arg10 : memref<125x128xf32, #tpu.memory_space<vmem>>) offsets(%dma_start3A_82 : memref<125xi32, #tpu.memory_space<vmem>>) semaphore(%arg12 : memref<!tpu.dma_semaphore, #tpu.memory_space<semaphore_mem>>)
    %scan3A_86 = arith.constant 0 : i32
    %scan3A_87 = arith.constant 0 : i32
    %scan3A_88 = arith.constant 20 : i32
    %scan3A_89 = arith.addi %scan3A_87, %scan3A_88 : i32
    %scan3A_90 = arith.constant 1 : i32
    scf.for %scan3A_114 = %scan3A_87 to %scan3A_89 step %scan3A_90  : i32 {
      %mul3A_115 = arith.constant 2 : i32
      %mul3A_116 = arith.muli %scan3A_114, %mul3A_115 : i32
      %add3A_117 = arith.constant 0 : i32
      %add3A_118 = arith.addi %mul3A_116, %add3A_117 : i32
      %dma_wait3A_119 = arith.constant 0 : i32
      %dma_wait3A_120 = tpu.memref_slice %arg7[%add3A_118, %dma_wait3A_119] : memref<40x125xi32, #tpu.memory_space<vmem>> -> memref<1x125xi32, #tpu.memory_space<vmem>>
      %dma_wait3A_121 = tpu.memref_squeeze %dma_wait3A_120 : memref<1x125xi32, #tpu.memory_space<vmem>> -> memref<125xi32, #tpu.memory_space<vmem>>
      %dma_wait3A_122 = arith.constant 0 : i32
      %dma_wait3A_123 = arith.constant 0 : i32
      %dma_wait3A_124 = tpu.memref_slice %arg2[%dma_wait3A_122, %dma_wait3A_123] : memref<10240x128xf32, #tpu.memory_space<hbm>> -> memref<10240x128xf32, #tpu.memory_space<hbm>>
      tpu.wait_indirect_dma semaphore(%arg11 : memref<!tpu.dma_semaphore, #tpu.memory_space<semaphore_mem>>) src(%dma_wait3A_124 : memref<10240x128xf32, #tpu.memory_space<hbm>>) dst(%arg9 : memref<125x128xf32, #tpu.memory_space<vmem>>)
      %add3A_125 = arith.constant 0 : i32
      %add3A_126 = arith.addi %mul3A_116, %add3A_125 : i32
      %dma_start3A_127 = arith.constant 0 : i32
      %dma_start3A_128 = tpu.memref_slice %arg8[%add3A_126, %dma_start3A_127] : memref<40x125xi32, #tpu.memory_space<vmem>> -> memref<1x125xi32, #tpu.memory_space<vmem>>
      %dma_start3A_129 = tpu.memref_squeeze %dma_start3A_128 : memref<1x125xi32, #tpu.memory_space<vmem>> -> memref<125xi32, #tpu.memory_space<vmem>>
      %dma_start3A_130 = arith.constant 0 : i32
      %dma_start3A_131 = arith.constant 0 : i32
      %dma_start3A_132 = tpu.memref_slice %arg15[%dma_start3A_130, %dma_start3A_131] : memref<10240x128xf32, #tpu.memory_space<vmem_shared>> -> memref<10240x128xf32, #tpu.memory_space<vmem_shared>>
      tpu.enqueue_indirect_dma source(%arg9 : memref<125x128xf32, #tpu.memory_space<vmem>>) target(%dma_start3A_132 : memref<10240x128xf32, #tpu.memory_space<vmem_shared>>) offsets(%dma_start3A_129 : memref<125xi32, #tpu.memory_space<vmem>>) semaphore(%arg13 : memref<!tpu.dma_semaphore, #tpu.memory_space<semaphore_mem>>) {add = true}
      %add3A_133 = arith.constant 1 : i32
      %add3A_134 = arith.addi %mul3A_116, %add3A_133 : i32
      %dma_wait3A_135 = arith.constant 0 : i32
      %dma_wait3A_136 = tpu.memref_slice %arg7[%add3A_134, %dma_wait3A_135] : memref<40x125xi32, #tpu.memory_space<vmem>> -> memref<1x125xi32, #tpu.memory_space<vmem>>
      %dma_wait3A_137 = tpu.memref_squeeze %dma_wait3A_136 : memref<1x125xi32, #tpu.memory_space<vmem>> -> memref<125xi32, #tpu.memory_space<vmem>>
      %dma_wait3A_138 = arith.constant 0 : i32
      %dma_wait3A_139 = arith.constant 0 : i32
      %dma_wait3A_140 = tpu.memref_slice %arg2[%dma_wait3A_138, %dma_wait3A_139] : memref<10240x128xf32, #tpu.memory_space<hbm>> -> memref<10240x128xf32, #tpu.memory_space<hbm>>
      tpu.wait_indirect_dma semaphore(%arg12 : memref<!tpu.dma_semaphore, #tpu.memory_space<semaphore_mem>>) src(%dma_wait3A_140 : memref<10240x128xf32, #tpu.memory_space<hbm>>) dst(%arg10 : memref<125x128xf32, #tpu.memory_space<vmem>>)
      %add3A_141 = arith.constant 1 : i32
      %add3A_142 = arith.addi %mul3A_116, %add3A_141 : i32
      %dma_start3A_143 = arith.constant 0 : i32
      %dma_start3A_144 = tpu.memref_slice %arg8[%add3A_142, %dma_start3A_143] : memref<40x125xi32, #tpu.memory_space<vmem>> -> memref<1x125xi32, #tpu.memory_space<vmem>>
      %dma_start3A_145 = tpu.memref_squeeze %dma_start3A_144 : memref<1x125xi32, #tpu.memory_space<vmem>> -> memref<125xi32, #tpu.memory_space<vmem>>
      %dma_start3A_146 = arith.constant 0 : i32
      %dma_start3A_147 = arith.constant 0 : i32
      %dma_start3A_148 = tpu.memref_slice %arg15[%dma_start3A_146, %dma_start3A_147] : memref<10240x128xf32, #tpu.memory_space<vmem_shared>> -> memref<10240x128xf32, #tpu.memory_space<vmem_shared>>
      tpu.enqueue_indirect_dma source(%arg10 : memref<125x128xf32, #tpu.memory_space<vmem>>) target(%dma_start3A_148 : memref<10240x128xf32, #tpu.memory_space<vmem_shared>>) offsets(%dma_start3A_145 : memref<125xi32, #tpu.memory_space<vmem>>) semaphore(%arg14 : memref<!tpu.dma_semaphore, #tpu.memory_space<semaphore_mem>>) {add = true}
      %add3A_149 = arith.constant 2 : i32
      %add3A_150 = arith.addi %mul3A_116, %add3A_149 : i32
      %add3A_151 = arith.constant 0 : i32
      %add3A_152 = arith.addi %add3A_150, %add3A_151 : i32
      %lt3A = arith.constant 40 : i32
      %lt3A_153 = arith.cmpi slt, %add3A_152, %lt3A : i32
      %convert_element_type3A = arith.extui %lt3A_153 : i1 to i32
      %cond3A = arith.constant 0 : i32
      %cond3A_154 = arith.cmpi ne, %convert_element_type3A, %cond3A : i32
      scf.if %cond3A_154 {
        %add3A_164 = arith.constant 0 : i32
        %add3A_165 = arith.addi %mul3A_116, %add3A_164 : i32
        %dma_wait3A_166 = arith.constant 0 : i32
        %dma_wait3A_167 = tpu.memref_slice %arg8[%add3A_165, %dma_wait3A_166] : memref<40x125xi32, #tpu.memory_space<vmem>> -> memref<1x125xi32, #tpu.memory_space<vmem>>
        %dma_wait3A_168 = tpu.memref_squeeze %dma_wait3A_167 : memref<1x125xi32, #tpu.memory_space<vmem>> -> memref<125xi32, #tpu.memory_space<vmem>>
        %dma_wait3A_169 = arith.constant 0 : i32
        %dma_wait3A_170 = arith.constant 0 : i32
        %dma_wait3A_171 = tpu.memref_slice %arg15[%dma_wait3A_169, %dma_wait3A_170] : memref<10240x128xf32, #tpu.memory_space<vmem_shared>> -> memref<10240x128xf32, #tpu.memory_space<vmem_shared>>
        tpu.wait_indirect_dma semaphore(%arg13 : memref<!tpu.dma_semaphore, #tpu.memory_space<semaphore_mem>>) src(%arg9 : memref<125x128xf32, #tpu.memory_space<vmem>>) dst(%dma_wait3A_171 : memref<10240x128xf32, #tpu.memory_space<vmem_shared>>)
        %add3A_172 = arith.constant 2 : i32
        %add3A_173 = arith.addi %mul3A_116, %add3A_172 : i32
        %add3A_174 = arith.constant 0 : i32
        %add3A_175 = arith.addi %add3A_173, %add3A_174 : i32
        %dma_start3A_176 = arith.constant 0 : i32
        %dma_start3A_177 = tpu.memref_slice %arg7[%add3A_175, %dma_start3A_176] : memref<40x125xi32, #tpu.memory_space<vmem>> -> memref<1x125xi32, #tpu.memory_space<vmem>>
        %dma_start3A_178 = tpu.memref_squeeze %dma_start3A_177 : memref<1x125xi32, #tpu.memory_space<vmem>> -> memref<125xi32, #tpu.memory_space<vmem>>
        %dma_start3A_179 = arith.constant 0 : i32
        %dma_start3A_180 = arith.constant 0 : i32
        %dma_start3A_181 = tpu.memref_slice %arg2[%dma_start3A_179, %dma_start3A_180] : memref<10240x128xf32, #tpu.memory_space<hbm>> -> memref<10240x128xf32, #tpu.memory_space<hbm>>
        tpu.enqueue_indirect_dma source(%dma_start3A_181 : memref<10240x128xf32, #tpu.memory_space<hbm>>) target(%arg9 : memref<125x128xf32, #tpu.memory_space<vmem>>) offsets(%dma_start3A_178 : memref<125xi32, #tpu.memory_space<vmem>>) semaphore(%arg11 : memref<!tpu.dma_semaphore, #tpu.memory_space<semaphore_mem>>)
      } else {
      }
      %add3A_155 = arith.constant 2 : i32
      %add3A_156 = arith.addi %mul3A_116, %add3A_155 : i32
      %add3A_157 = arith.constant 1 : i32
      %add3A_158 = arith.addi %add3A_156, %add3A_157 : i32
      %lt3A_159 = arith.constant 40 : i32
      %lt3A_160 = arith.cmpi slt, %add3A_158, %lt3A_159 : i32
      %convert_element_type3A_161 = arith.extui %lt3A_160 : i1 to i32
      %cond3A_162 = arith.constant 0 : i32
      %cond3A_163 = arith.cmpi ne, %convert_element_type3A_161, %cond3A_162 : i32
      scf.if %cond3A_163 {
        %add3A_164 = arith.constant 1 : i32
        %add3A_165 = arith.addi %mul3A_116, %add3A_164 : i32
        %dma_wait3A_166 = arith.constant 0 : i32
        %dma_wait3A_167 = tpu.memref_slice %arg8[%add3A_165, %dma_wait3A_166] : memref<40x125xi32, #tpu.memory_space<vmem>> -> memref<1x125xi32, #tpu.memory_space<vmem>>
        %dma_wait3A_168 = tpu.memref_squeeze %dma_wait3A_167 : memref<1x125xi32, #tpu.memory_space<vmem>> -> memref<125xi32, #tpu.memory_space<vmem>>
        %dma_wait3A_169 = arith.constant 0 : i32
        %dma_wait3A_170 = arith.constant 0 : i32
        %dma_wait3A_171 = tpu.memref_slice %arg15[%dma_wait3A_169, %dma_wait3A_170] : memref<10240x128xf32, #tpu.memory_space<vmem_shared>> -> memref<10240x128xf32, #tpu.memory_space<vmem_shared>>
        tpu.wait_indirect_dma semaphore(%arg14 : memref<!tpu.dma_semaphore, #tpu.memory_space<semaphore_mem>>) src(%arg10 : memref<125x128xf32, #tpu.memory_space<vmem>>) dst(%dma_wait3A_171 : memref<10240x128xf32, #tpu.memory_space<vmem_shared>>)
        %add3A_172 = arith.constant 2 : i32
        %add3A_173 = arith.addi %mul3A_116, %add3A_172 : i32
        %add3A_174 = arith.constant 1 : i32
        %add3A_175 = arith.addi %add3A_173, %add3A_174 : i32
        %dma_start3A_176 = arith.constant 0 : i32
        %dma_start3A_177 = tpu.memref_slice %arg7[%add3A_175, %dma_start3A_176] : memref<40x125xi32, #tpu.memory_space<vmem>> -> memref<1x125xi32, #tpu.memory_space<vmem>>
        %dma_start3A_178 = tpu.memref_squeeze %dma_start3A_177 : memref<1x125xi32, #tpu.memory_space<vmem>> -> memref<125xi32, #tpu.memory_space<vmem>>
        %dma_start3A_179 = arith.constant 0 : i32
        %dma_start3A_180 = arith.constant 0 : i32
        %dma_start3A_181 = tpu.memref_slice %arg2[%dma_start3A_179, %dma_start3A_180] : memref<10240x128xf32, #tpu.memory_space<hbm>> -> memref<10240x128xf32, #tpu.memory_space<hbm>>
        tpu.enqueue_indirect_dma source(%dma_start3A_181 : memref<10240x128xf32, #tpu.memory_space<hbm>>) target(%arg10 : memref<125x128xf32, #tpu.memory_space<vmem>>) offsets(%dma_start3A_178 : memref<125xi32, #tpu.memory_space<vmem>>) semaphore(%arg12 : memref<!tpu.dma_semaphore, #tpu.memory_space<semaphore_mem>>)
      } else {
      }
    }
    %scan3A_91 = arith.constant 20 : i32
    %dma_wait3A_92 = arith.constant 38 : i32
    %dma_wait3A_93 = arith.constant 0 : i32
    %dma_wait3A_94 = tpu.memref_slice %arg8[%dma_wait3A_92, %dma_wait3A_93] : memref<40x125xi32, #tpu.memory_space<vmem>> -> memref<1x125xi32, #tpu.memory_space<vmem>>
    %dma_wait3A_95 = tpu.memref_squeeze %dma_wait3A_94 : memref<1x125xi32, #tpu.memory_space<vmem>> -> memref<125xi32, #tpu.memory_space<vmem>>
    %dma_wait3A_96 = arith.constant 0 : i32
    %dma_wait3A_97 = arith.constant 0 : i32
    %dma_wait3A_98 = tpu.memref_slice %arg15[%dma_wait3A_96, %dma_wait3A_97] : memref<10240x128xf32, #tpu.memory_space<vmem_shared>> -> memref<10240x128xf32, #tpu.memory_space<vmem_shared>>
    tpu.wait_indirect_dma semaphore(%arg13 : memref<!tpu.dma_semaphore, #tpu.memory_space<semaphore_mem>>) src(%arg9 : memref<125x128xf32, #tpu.memory_space<vmem>>) dst(%dma_wait3A_98 : memref<10240x128xf32, #tpu.memory_space<vmem_shared>>)
    %dma_wait3A_99 = arith.constant 39 : i32
    %dma_wait3A_100 = arith.constant 0 : i32
    %dma_wait3A_101 = tpu.memref_slice %arg8[%dma_wait3A_99, %dma_wait3A_100] : memref<40x125xi32, #tpu.memory_space<vmem>> -> memref<1x125xi32, #tpu.memory_space<vmem>>
    %dma_wait3A_102 = tpu.memref_squeeze %dma_wait3A_101 : memref<1x125xi32, #tpu.memory_space<vmem>> -> memref<125xi32, #tpu.memory_space<vmem>>
    %dma_wait3A_103 = arith.constant 0 : i32
    %dma_wait3A_104 = arith.constant 0 : i32
    %dma_wait3A_105 = tpu.memref_slice %arg15[%dma_wait3A_103, %dma_wait3A_104] : memref<10240x128xf32, #tpu.memory_space<vmem_shared>> -> memref<10240x128xf32, #tpu.memory_space<vmem_shared>>
    tpu.wait_indirect_dma semaphore(%arg14 : memref<!tpu.dma_semaphore, #tpu.memory_space<semaphore_mem>>) src(%arg10 : memref<125x128xf32, #tpu.memory_space<vmem>>) dst(%dma_wait3A_105 : memref<10240x128xf32, #tpu.memory_space<vmem_shared>>)
    %barrier3A_106 = arith.constant 0 : index
    tpu.barrier barrier_id(%barrier3A_106)
    %mul3A_107 = arith.constant 640 : i32
    %mul3A_108 = arith.muli %arg1, %mul3A_107 : i32
    %mul3A_109 = arith.constant 10240 : i32
    %mul3A_110 = arith.muli %arg0, %mul3A_109 : i32
    %mul3A_111 = arith.constant 640 : i32
    %mul3A_112 = arith.muli %arg1, %mul3A_111 : i32
    %add3A_113 = arith.addi %mul3A_110, %mul3A_112 : i32
    "tpu.region"() ({
      %run_scoped3A = tpu.sem_alloc : memref<!tpu.dma_semaphore, #tpu.memory_space<semaphore_mem>>
      %dma_start3A_114 = arith.constant 0 : i32
      %dma_start3A_115 = tpu.memref_slice %arg6[%add3A_113, %dma_start3A_114] : memref<20480x128xf32, #tpu.memory_space<hbm>> -> memref<640x128xf32, #tpu.memory_space<hbm>>
      %dma_start3A_116 = arith.constant 0 : i32
      %dma_start3A_117 = tpu.memref_slice %arg15[%mul3A_108, %dma_start3A_116] : memref<10240x128xf32, #tpu.memory_space<vmem_shared>> -> memref<640x128xf32, #tpu.memory_space<vmem_shared>>
      tpu.enqueue_dma source(%dma_start3A_117 : memref<640x128xf32, #tpu.memory_space<vmem_shared>>) target(%dma_start3A_115 : memref<640x128xf32, #tpu.memory_space<hbm>>) target_semaphore(%run_scoped3A : memref<!tpu.dma_semaphore, #tpu.memory_space<semaphore_mem>>)
      %dma_wait3A_118 = arith.constant 0 : i32
      %dma_wait3A_119 = tpu.memref_slice %arg6[%add3A_113, %dma_wait3A_118] : memref<20480x128xf32, #tpu.memory_space<hbm>> -> memref<640x128xf32, #tpu.memory_space<hbm>>
      %dma_wait3A_120 = arith.constant 0 : i32
      %dma_wait3A_121 = tpu.memref_slice %arg15[%mul3A_108, %dma_wait3A_120] : memref<10240x128xf32, #tpu.memory_space<vmem_shared>> -> memref<640x128xf32, #tpu.memory_space<vmem_shared>>
      tpu.wait_dma2 semaphore(%run_scoped3A : memref<!tpu.dma_semaphore, #tpu.memory_space<semaphore_mem>>) src(%dma_wait3A_121 : memref<640x128xf32, #tpu.memory_space<vmem_shared>>) dst(%dma_wait3A_119 : memref<640x128xf32, #tpu.memory_space<hbm>>)
      tpu.yield
    }) : () -> ()
    return
  }
}

#map = affine_map<(d0, d1) -> (0, 0)>
module attributes {stable_mosaic.version = 14 : i64} {
  func.func @spmv(%arg0: i32, %arg1: i32, %arg2: memref<10240x128xf32, #tpu.memory_space<hbm>>, %arg3: memref<2560x125xi32, #tpu.memory_space<hbm>>, %arg4: memref<2560x125xi32, #tpu.memory_space<hbm>>, %arg5: memref<640x128xf32, #tpu.memory_space<hbm>>, %arg6: memref<20480x128xf32, #tpu.memory_space<hbm>>, %arg7: memref<40x125xi32, #tpu.memory_space<vmem>>, %arg8: memref<40x125xi32, #tpu.memory_space<vmem>>, %arg9: memref<125x128xf32, #tpu.memory_space<vmem>>, %arg10: memref<125x128xf32, #tpu.memory_space<vmem>>, %arg11: memref<!tpu.dma_semaphore, #tpu.memory_space<semaphore_mem>>, %arg12: memref<!tpu.dma_semaphore, #tpu.memory_space<semaphore_mem>>, %arg13: memref<!tpu.dma_semaphore, #tpu.memory_space<semaphore_mem>>, %arg14: memref<!tpu.dma_semaphore, #tpu.memory_space<semaphore_mem>>, %arg15: memref<10240x128xf32, #tpu.memory_space<vmem_shared>>) attributes {dimension_semantics = [#tpu.dimension_semantics<core_parallel>, #tpu.dimension_semantics<subcore_parallel>], iteration_bounds = array<i64: 2, 16>, scalar_prefetch = 0 : i64, scratch_operands = 9 : i64, tpu.core_type = #tpu.core_type<sc_vector_subcore>, window_params = [{transform_indices = #map}, {transform_indices = #map}, {transform_indices = #map}, {transform_indices = #map}, {transform_indices = #map}]} {
    %mul3A = arith.constant 2 : i32
    %mul3A_0 = arith.muli %arg1, %mul3A : i32
    %add3A = arith.addi %mul3A_0, %arg0 : i32
    %mul3A_1 = arith.constant 640 : i32
    %mul3A_2 = arith.muli %arg1, %mul3A_1 : i32
    %dma_start3A = arith.constant 0 : i32
    %dma_start3A_3 = tpu.memref_slice %arg15[%mul3A_2, %dma_start3A] : memref<10240x128xf32, #tpu.memory_space<vmem_shared>> -> memref<640x128xf32, #tpu.memory_space<vmem_shared>>
    tpu.enqueue_dma source(%arg5 : memref<640x128xf32, #tpu.memory_space<hbm>>) target(%dma_start3A_3 : memref<640x128xf32, #tpu.memory_space<vmem_shared>>) target_semaphore(%arg13 : memref<!tpu.dma_semaphore, #tpu.memory_space<semaphore_mem>>)
    %mul3A_4 = arith.constant 80 : i32
    %mul3A_5 = arith.muli %add3A, %mul3A_4 : i32
    %dma_start3A_6 = arith.constant 0 : i32
    %dma_start3A_7 = tpu.memref_slice %arg3[%mul3A_5, %dma_start3A_6] : memref<2560x125xi32, #tpu.memory_space<hbm>> -> memref<40x125xi32, #tpu.memory_space<hbm>>
    %dma_start3A_8 = arith.constant 0 : i32
    %dma_start3A_9 = tpu.memref_slice %arg3[%mul3A_5, %dma_start3A_8] : memref<2560x125xi32, #tpu.memory_space<hbm>> -> memref<40x125xi32, #tpu.memory_space<hbm>>
    tpu.enqueue_dma source(%dma_start3A_9 : memref<40x125xi32, #tpu.memory_space<hbm>>) target(%arg7 : memref<40x125xi32, #tpu.memory_space<vmem>>) target_semaphore(%arg11 : memref<!tpu.dma_semaphore, #tpu.memory_space<semaphore_mem>>)
    %mul3A_10 = arith.constant 80 : i32
    %mul3A_11 = arith.muli %add3A, %mul3A_10 : i32
    %dma_start3A_12 = arith.constant 0 : i32
    %dma_start3A_13 = tpu.memref_slice %arg4[%mul3A_11, %dma_start3A_12] : memref<2560x125xi32, #tpu.memory_space<hbm>> -> memref<40x125xi32, #tpu.memory_space<hbm>>
    %dma_start3A_14 = arith.constant 0 : i32
    %dma_start3A_15 = tpu.memref_slice %arg4[%mul3A_11, %dma_start3A_14] : memref<2560x125xi32, #tpu.memory_space<hbm>> -> memref<40x125xi32, #tpu.memory_space<hbm>>
    tpu.enqueue_dma source(%dma_start3A_15 : memref<40x125xi32, #tpu.memory_space<hbm>>) target(%arg8 : memref<40x125xi32, #tpu.memory_space<vmem>>) target_semaphore(%arg12 : memref<!tpu.dma_semaphore, #tpu.memory_space<semaphore_mem>>)
    %mul3A_16 = arith.constant 640 : i32
    %mul3A_17 = arith.muli %arg1, %mul3A_16 : i32
    %dma_wait3A = arith.constant 0 : i32
    %dma_wait3A_18 = tpu.memref_slice %arg15[%mul3A_17, %dma_wait3A] : memref<10240x128xf32, #tpu.memory_space<vmem_shared>> -> memref<640x128xf32, #tpu.memory_space<vmem_shared>>
    tpu.wait_dma2 semaphore(%arg13 : memref<!tpu.dma_semaphore, #tpu.memory_space<semaphore_mem>>) src(%arg5 : memref<640x128xf32, #tpu.memory_space<hbm>>) dst(%dma_wait3A_18 : memref<640x128xf32, #tpu.memory_space<vmem_shared>>)
    %mul3A_19 = arith.constant 80 : i32
    %mul3A_20 = arith.muli %add3A, %mul3A_19 : i32
    %dma_wait3A_21 = arith.constant 0 : i32
    %dma_wait3A_22 = tpu.memref_slice %arg3[%mul3A_20, %dma_wait3A_21] : memref<2560x125xi32, #tpu.memory_space<hbm>> -> memref<40x125xi32, #tpu.memory_space<hbm>>
    %dma_wait3A_23 = arith.constant 0 : i32
    %dma_wait3A_24 = tpu.memref_slice %arg3[%mul3A_20, %dma_wait3A_23] : memref<2560x125xi32, #tpu.memory_space<hbm>> -> memref<40x125xi32, #tpu.memory_space<hbm>>
    tpu.wait_dma2 semaphore(%arg11 : memref<!tpu.dma_semaphore, #tpu.memory_space<semaphore_mem>>) src(%dma_wait3A_24 : memref<40x125xi32, #tpu.memory_space<hbm>>) dst(%arg7 : memref<40x125xi32, #tpu.memory_space<vmem>>)
    %mul3A_25 = arith.constant 80 : i32
    %mul3A_26 = arith.muli %add3A, %mul3A_25 : i32
    %dma_wait3A_27 = arith.constant 0 : i32
    %dma_wait3A_28 = tpu.memref_slice %arg4[%mul3A_26, %dma_wait3A_27] : memref<2560x125xi32, #tpu.memory_space<hbm>> -> memref<40x125xi32, #tpu.memory_space<hbm>>
    %dma_wait3A_29 = arith.constant 0 : i32
    %dma_wait3A_30 = tpu.memref_slice %arg4[%mul3A_26, %dma_wait3A_29] : memref<2560x125xi32, #tpu.memory_space<hbm>> -> memref<40x125xi32, #tpu.memory_space<hbm>>
    tpu.wait_dma2 semaphore(%arg12 : memref<!tpu.dma_semaphore, #tpu.memory_space<semaphore_mem>>) src(%dma_wait3A_30 : memref<40x125xi32, #tpu.memory_space<hbm>>) dst(%arg8 : memref<40x125xi32, #tpu.memory_space<vmem>>)
    %barrier3A = arith.constant 0 : index
    tpu.barrier barrier_id(%barrier3A)
    %mul3A_31 = arith.constant 80 : i32
    %mul3A_32 = arith.muli %add3A, %mul3A_31 : i32
    %add3A_33 = arith.constant 0 : i32
    %add3A_34 = arith.addi %mul3A_32, %add3A_33 : i32
    %dma_start3A_35 = arith.constant 0 : i32
    %dma_start3A_36 = arith.constant 0 : i32
    %dma_start3A_37 = tpu.memref_slice %arg7[%dma_start3A_35, %dma_start3A_36] : memref<40x125xi32, #tpu.memory_space<vmem>> -> memref<1x125xi32, #tpu.memory_space<vmem>>
    %dma_start3A_38 = tpu.memref_squeeze %dma_start3A_37 : memref<1x125xi32, #tpu.memory_space<vmem>> -> memref<125xi32, #tpu.memory_space<vmem>>
    %dma_start3A_39 = arith.constant 0 : i32
    %dma_start3A_40 = arith.constant 0 : i32
    %dma_start3A_41 = tpu.memref_slice %arg2[%dma_start3A_39, %dma_start3A_40] : memref<10240x128xf32, #tpu.memory_space<hbm>> -> memref<10240x128xf32, #tpu.memory_space<hbm>>
    tpu.enqueue_indirect_dma source(%dma_start3A_41 : memref<10240x128xf32, #tpu.memory_space<hbm>>) target(%arg9 : memref<125x128xf32, #tpu.memory_space<vmem>>) offsets(%dma_start3A_38 : memref<125xi32, #tpu.memory_space<vmem>>) semaphore(%arg11 : memref<!tpu.dma_semaphore, #tpu.memory_space<semaphore_mem>>)
    %dma_start3A_42 = arith.constant 1 : i32
    %dma_start3A_43 = arith.constant 0 : i32
    %dma_start3A_44 = tpu.memref_slice %arg7[%dma_start3A_42, %dma_start3A_43] : memref<40x125xi32, #tpu.memory_space<vmem>> -> memref<1x125xi32, #tpu.memory_space<vmem>>
    %dma_start3A_45 = tpu.memref_squeeze %dma_start3A_44 : memref<1x125xi32, #tpu.memory_space<vmem>> -> memref<125xi32, #tpu.memory_space<vmem>>
    %dma_start3A_46 = arith.constant 0 : i32
    %dma_start3A_47 = arith.constant 0 : i32
    %dma_start3A_48 = tpu.memref_slice %arg2[%dma_start3A_46, %dma_start3A_47] : memref<10240x128xf32, #tpu.memory_space<hbm>> -> memref<10240x128xf32, #tpu.memory_space<hbm>>
    tpu.enqueue_indirect_dma source(%dma_start3A_48 : memref<10240x128xf32, #tpu.memory_space<hbm>>) target(%arg10 : memref<125x128xf32, #tpu.memory_space<vmem>>) offsets(%dma_start3A_45 : memref<125xi32, #tpu.memory_space<vmem>>) semaphore(%arg12 : memref<!tpu.dma_semaphore, #tpu.memory_space<semaphore_mem>>)
    %scan3A = arith.constant 0 : i32
    %scan3A_49 = arith.constant 0 : i32
    %scan3A_50 = arith.constant 20 : i32
    %scan3A_51 = arith.addi %scan3A_49, %scan3A_50 : i32
    %scan3A_52 = arith.constant 1 : i32
    scf.for %scan3A_114 = %scan3A_49 to %scan3A_51 step %scan3A_52  : i32 {
      %mul3A_115 = arith.constant 2 : i32
      %mul3A_116 = arith.muli %scan3A_114, %mul3A_115 : i32
      %add3A_117 = arith.constant 0 : i32
      %add3A_118 = arith.addi %mul3A_116, %add3A_117 : i32
      %dma_wait3A_119 = arith.constant 0 : i32
      %dma_wait3A_120 = tpu.memref_slice %arg7[%add3A_118, %dma_wait3A_119] : memref<40x125xi32, #tpu.memory_space<vmem>> -> memref<1x125xi32, #tpu.memory_space<vmem>>
      %dma_wait3A_121 = tpu.memref_squeeze %dma_wait3A_120 : memref<1x125xi32, #tpu.memory_space<vmem>> -> memref<125xi32, #tpu.memory_space<vmem>>
      %dma_wait3A_122 = arith.constant 0 : i32
      %dma_wait3A_123 = arith.constant 0 : i32
      %dma_wait3A_124 = tpu.memref_slice %arg2[%dma_wait3A_122, %dma_wait3A_123] : memref<10240x128xf32, #tpu.memory_space<hbm>> -> memref<10240x128xf32, #tpu.memory_space<hbm>>
      tpu.wait_indirect_dma semaphore(%arg11 : memref<!tpu.dma_semaphore, #tpu.memory_space<semaphore_mem>>) src(%dma_wait3A_124 : memref<10240x128xf32, #tpu.memory_space<hbm>>) dst(%arg9 : memref<125x128xf32, #tpu.memory_space<vmem>>)
      %add3A_125 = arith.constant 0 : i32
      %add3A_126 = arith.addi %mul3A_116, %add3A_125 : i32
      %dma_start3A_127 = arith.constant 0 : i32
      %dma_start3A_128 = tpu.memref_slice %arg8[%add3A_126, %dma_start3A_127] : memref<40x125xi32, #tpu.memory_space<vmem>> -> memref<1x125xi32, #tpu.memory_space<vmem>>
      %dma_start3A_129 = tpu.memref_squeeze %dma_start3A_128 : memref<1x125xi32, #tpu.memory_space<vmem>> -> memref<125xi32, #tpu.memory_space<vmem>>
      %dma_start3A_130 = arith.constant 0 : i32
      %dma_start3A_131 = arith.constant 0 : i32
      %dma_start3A_132 = tpu.memref_slice %arg15[%dma_start3A_130, %dma_start3A_131] : memref<10240x128xf32, #tpu.memory_space<vmem_shared>> -> memref<10240x128xf32, #tpu.memory_space<vmem_shared>>
      tpu.enqueue_indirect_dma source(%arg9 : memref<125x128xf32, #tpu.memory_space<vmem>>) target(%dma_start3A_132 : memref<10240x128xf32, #tpu.memory_space<vmem_shared>>) offsets(%dma_start3A_129 : memref<125xi32, #tpu.memory_space<vmem>>) semaphore(%arg13 : memref<!tpu.dma_semaphore, #tpu.memory_space<semaphore_mem>>) {add = true}
      %add3A_133 = arith.constant 1 : i32
      %add3A_134 = arith.addi %mul3A_116, %add3A_133 : i32
      %dma_wait3A_135 = arith.constant 0 : i32
      %dma_wait3A_136 = tpu.memref_slice %arg7[%add3A_134, %dma_wait3A_135] : memref<40x125xi32, #tpu.memory_space<vmem>> -> memref<1x125xi32, #tpu.memory_space<vmem>>
      %dma_wait3A_137 = tpu.memref_squeeze %dma_wait3A_136 : memref<1x125xi32, #tpu.memory_space<vmem>> -> memref<125xi32, #tpu.memory_space<vmem>>
      %dma_wait3A_138 = arith.constant 0 : i32
      %dma_wait3A_139 = arith.constant 0 : i32
      %dma_wait3A_140 = tpu.memref_slice %arg2[%dma_wait3A_138, %dma_wait3A_139] : memref<10240x128xf32, #tpu.memory_space<hbm>> -> memref<10240x128xf32, #tpu.memory_space<hbm>>
      tpu.wait_indirect_dma semaphore(%arg12 : memref<!tpu.dma_semaphore, #tpu.memory_space<semaphore_mem>>) src(%dma_wait3A_140 : memref<10240x128xf32, #tpu.memory_space<hbm>>) dst(%arg10 : memref<125x128xf32, #tpu.memory_space<vmem>>)
      %add3A_141 = arith.constant 1 : i32
      %add3A_142 = arith.addi %mul3A_116, %add3A_141 : i32
      %dma_start3A_143 = arith.constant 0 : i32
      %dma_start3A_144 = tpu.memref_slice %arg8[%add3A_142, %dma_start3A_143] : memref<40x125xi32, #tpu.memory_space<vmem>> -> memref<1x125xi32, #tpu.memory_space<vmem>>
      %dma_start3A_145 = tpu.memref_squeeze %dma_start3A_144 : memref<1x125xi32, #tpu.memory_space<vmem>> -> memref<125xi32, #tpu.memory_space<vmem>>
      %dma_start3A_146 = arith.constant 0 : i32
      %dma_start3A_147 = arith.constant 0 : i32
      %dma_start3A_148 = tpu.memref_slice %arg15[%dma_start3A_146, %dma_start3A_147] : memref<10240x128xf32, #tpu.memory_space<vmem_shared>> -> memref<10240x128xf32, #tpu.memory_space<vmem_shared>>
      tpu.enqueue_indirect_dma source(%arg10 : memref<125x128xf32, #tpu.memory_space<vmem>>) target(%dma_start3A_148 : memref<10240x128xf32, #tpu.memory_space<vmem_shared>>) offsets(%dma_start3A_145 : memref<125xi32, #tpu.memory_space<vmem>>) semaphore(%arg14 : memref<!tpu.dma_semaphore, #tpu.memory_space<semaphore_mem>>) {add = true}
      %add3A_149 = arith.constant 2 : i32
      %add3A_150 = arith.addi %mul3A_116, %add3A_149 : i32
      %add3A_151 = arith.constant 0 : i32
      %add3A_152 = arith.addi %add3A_150, %add3A_151 : i32
      %lt3A = arith.constant 40 : i32
      %lt3A_153 = arith.cmpi slt, %add3A_152, %lt3A : i32
      %convert_element_type3A = arith.extui %lt3A_153 : i1 to i32
      %cond3A = arith.constant 0 : i32
      %cond3A_154 = arith.cmpi ne, %convert_element_type3A, %cond3A : i32
      scf.if %cond3A_154 {
        %add3A_164 = arith.constant 0 : i32
        %add3A_165 = arith.addi %mul3A_116, %add3A_164 : i32
        %dma_wait3A_166 = arith.constant 0 : i32
        %dma_wait3A_167 = tpu.memref_slice %arg8[%add3A_165, %dma_wait3A_166] : memref<40x125xi32, #tpu.memory_space<vmem>> -> memref<1x125xi32, #tpu.memory_space<vmem>>
        %dma_wait3A_168 = tpu.memref_squeeze %dma_wait3A_167 : memref<1x125xi32, #tpu.memory_space<vmem>> -> memref<125xi32, #tpu.memory_space<vmem>>
        %dma_wait3A_169 = arith.constant 0 : i32
        %dma_wait3A_170 = arith.constant 0 : i32
        %dma_wait3A_171 = tpu.memref_slice %arg15[%dma_wait3A_169, %dma_wait3A_170] : memref<10240x128xf32, #tpu.memory_space<vmem_shared>> -> memref<10240x128xf32, #tpu.memory_space<vmem_shared>>
        tpu.wait_indirect_dma semaphore(%arg13 : memref<!tpu.dma_semaphore, #tpu.memory_space<semaphore_mem>>) src(%arg9 : memref<125x128xf32, #tpu.memory_space<vmem>>) dst(%dma_wait3A_171 : memref<10240x128xf32, #tpu.memory_space<vmem_shared>>)
        %add3A_172 = arith.constant 2 : i32
        %add3A_173 = arith.addi %mul3A_116, %add3A_172 : i32
        %add3A_174 = arith.constant 0 : i32
        %add3A_175 = arith.addi %add3A_173, %add3A_174 : i32
        %dma_start3A_176 = arith.constant 0 : i32
        %dma_start3A_177 = tpu.memref_slice %arg7[%add3A_175, %dma_start3A_176] : memref<40x125xi32, #tpu.memory_space<vmem>> -> memref<1x125xi32, #tpu.memory_space<vmem>>
        %dma_start3A_178 = tpu.memref_squeeze %dma_start3A_177 : memref<1x125xi32, #tpu.memory_space<vmem>> -> memref<125xi32, #tpu.memory_space<vmem>>
        %dma_start3A_179 = arith.constant 0 : i32
        %dma_start3A_180 = arith.constant 0 : i32
        %dma_start3A_181 = tpu.memref_slice %arg2[%dma_start3A_179, %dma_start3A_180] : memref<10240x128xf32, #tpu.memory_space<hbm>> -> memref<10240x128xf32, #tpu.memory_space<hbm>>
        tpu.enqueue_indirect_dma source(%dma_start3A_181 : memref<10240x128xf32, #tpu.memory_space<hbm>>) target(%arg9 : memref<125x128xf32, #tpu.memory_space<vmem>>) offsets(%dma_start3A_178 : memref<125xi32, #tpu.memory_space<vmem>>) semaphore(%arg11 : memref<!tpu.dma_semaphore, #tpu.memory_space<semaphore_mem>>)
      } else {
      }
      %add3A_155 = arith.constant 2 : i32
      %add3A_156 = arith.addi %mul3A_116, %add3A_155 : i32
      %add3A_157 = arith.constant 1 : i32
      %add3A_158 = arith.addi %add3A_156, %add3A_157 : i32
      %lt3A_159 = arith.constant 40 : i32
      %lt3A_160 = arith.cmpi slt, %add3A_158, %lt3A_159 : i32
      %convert_element_type3A_161 = arith.extui %lt3A_160 : i1 to i32
      %cond3A_162 = arith.constant 0 : i32
      %cond3A_163 = arith.cmpi ne, %convert_element_type3A_161, %cond3A_162 : i32
      scf.if %cond3A_163 {
        %add3A_164 = arith.constant 1 : i32
        %add3A_165 = arith.addi %mul3A_116, %add3A_164 : i32
        %dma_wait3A_166 = arith.constant 0 : i32
        %dma_wait3A_167 = tpu.memref_slice %arg8[%add3A_165, %dma_wait3A_166] : memref<40x125xi32, #tpu.memory_space<vmem>> -> memref<1x125xi32, #tpu.memory_space<vmem>>
        %dma_wait3A_168 = tpu.memref_squeeze %dma_wait3A_167 : memref<1x125xi32, #tpu.memory_space<vmem>> -> memref<125xi32, #tpu.memory_space<vmem>>
        %dma_wait3A_169 = arith.constant 0 : i32
        %dma_wait3A_170 = arith.constant 0 : i32
        %dma_wait3A_171 = tpu.memref_slice %arg15[%dma_wait3A_169, %dma_wait3A_170] : memref<10240x128xf32, #tpu.memory_space<vmem_shared>> -> memref<10240x128xf32, #tpu.memory_space<vmem_shared>>
        tpu.wait_indirect_dma semaphore(%arg14 : memref<!tpu.dma_semaphore, #tpu.memory_space<semaphore_mem>>) src(%arg10 : memref<125x128xf32, #tpu.memory_space<vmem>>) dst(%dma_wait3A_171 : memref<10240x128xf32, #tpu.memory_space<vmem_shared>>)
        %add3A_172 = arith.constant 2 : i32
        %add3A_173 = arith.addi %mul3A_116, %add3A_172 : i32
        %add3A_174 = arith.constant 1 : i32
        %add3A_175 = arith.addi %add3A_173, %add3A_174 : i32
        %dma_start3A_176 = arith.constant 0 : i32
        %dma_start3A_177 = tpu.memref_slice %arg7[%add3A_175, %dma_start3A_176] : memref<40x125xi32, #tpu.memory_space<vmem>> -> memref<1x125xi32, #tpu.memory_space<vmem>>
        %dma_start3A_178 = tpu.memref_squeeze %dma_start3A_177 : memref<1x125xi32, #tpu.memory_space<vmem>> -> memref<125xi32, #tpu.memory_space<vmem>>
        %dma_start3A_179 = arith.constant 0 : i32
        %dma_start3A_180 = arith.constant 0 : i32
        %dma_start3A_181 = tpu.memref_slice %arg2[%dma_start3A_179, %dma_start3A_180] : memref<10240x128xf32, #tpu.memory_space<hbm>> -> memref<10240x128xf32, #tpu.memory_space<hbm>>
        tpu.enqueue_indirect_dma source(%dma_start3A_181 : memref<10240x128xf32, #tpu.memory_space<hbm>>) target(%arg10 : memref<125x128xf32, #tpu.memory_space<vmem>>) offsets(%dma_start3A_178 : memref<125xi32, #tpu.memory_space<vmem>>) semaphore(%arg12 : memref<!tpu.dma_semaphore, #tpu.memory_space<semaphore_mem>>)
      } else {
      }
    }
    %scan3A_53 = arith.constant 20 : i32
    %dma_wait3A_54 = arith.constant 38 : i32
    %dma_wait3A_55 = arith.constant 0 : i32
    %dma_wait3A_56 = tpu.memref_slice %arg8[%dma_wait3A_54, %dma_wait3A_55] : memref<40x125xi32, #tpu.memory_space<vmem>> -> memref<1x125xi32, #tpu.memory_space<vmem>>
    %dma_wait3A_57 = tpu.memref_squeeze %dma_wait3A_56 : memref<1x125xi32, #tpu.memory_space<vmem>> -> memref<125xi32, #tpu.memory_space<vmem>>
    %dma_wait3A_58 = arith.constant 0 : i32
    %dma_wait3A_59 = arith.constant 0 : i32
    %dma_wait3A_60 = tpu.memref_slice %arg15[%dma_wait3A_58, %dma_wait3A_59] : memref<10240x128xf32, #tpu.memory_space<vmem_shared>> -> memref<10240x128xf32, #tpu.memory_space<vmem_shared>>
    tpu.wait_indirect_dma semaphore(%arg13 : memref<!tpu.dma_semaphore, #tpu.memory_space<semaphore_mem>>) src(%arg9 : memref<125x128xf32, #tpu.memory_space<vmem>>) dst(%dma_wait3A_60 : memref<10240x128xf32, #tpu.memory_space<vmem_shared>>)
    %dma_wait3A_61 = arith.constant 39 : i32
    %dma_wait3A_62 = arith.constant 0 : i32
    %dma_wait3A_63 = tpu.memref_slice %arg8[%dma_wait3A_61, %dma_wait3A_62] : memref<40x125xi32, #tpu.memory_space<vmem>> -> memref<1x125xi32, #tpu.memory_space<vmem>>
    %dma_wait3A_64 = tpu.memref_squeeze %dma_wait3A_63 : memref<1x125xi32, #tpu.memory_space<vmem>> -> memref<125xi32, #tpu.memory_space<vmem>>
    %dma_wait3A_65 = arith.constant 0 : i32
    %dma_wait3A_66 = arith.constant 0 : i32
    %dma_wait3A_67 = tpu.memref_slice %arg15[%dma_wait3A_65, %dma_wait3A_66] : memref<10240x128xf32, #tpu.memory_space<vmem_shared>> -> memref<10240x128xf32, #tpu.memory_space<vmem_shared>>
    tpu.wait_indirect_dma semaphore(%arg14 : memref<!tpu.dma_semaphore, #tpu.memory_space<semaphore_mem>>) src(%arg10 : memref<125x128xf32, #tpu.memory_space<vmem>>) dst(%dma_wait3A_67 : memref<10240x128xf32, #tpu.memory_space<vmem_shared>>)
    %mul3A_68 = arith.constant 80 : i32
    %mul3A_69 = arith.muli %add3A, %mul3A_68 : i32
    %add3A_70 = arith.constant 40 : i32
    %add3A_71 = arith.addi %mul3A_69, %add3A_70 : i32
    "tpu.region"() ({
      %run_scoped3A = tpu.sem_alloc : memref<!tpu.dma_semaphore, #tpu.memory_space<semaphore_mem>>
      %dma_start3A_114 = arith.constant 0 : i32
      %dma_start3A_115 = tpu.memref_slice %arg3[%add3A_71, %dma_start3A_114] : memref<2560x125xi32, #tpu.memory_space<hbm>> -> memref<40x125xi32, #tpu.memory_space<hbm>>
      %dma_start3A_116 = arith.constant 0 : i32
      %dma_start3A_117 = tpu.memref_slice %arg3[%add3A_71, %dma_start3A_116] : memref<2560x125xi32, #tpu.memory_space<hbm>> -> memref<40x125xi32, #tpu.memory_space<hbm>>
      tpu.enqueue_dma source(%dma_start3A_117 : memref<40x125xi32, #tpu.memory_space<hbm>>) target(%arg7 : memref<40x125xi32, #tpu.memory_space<vmem>>) target_semaphore(%run_scoped3A : memref<!tpu.dma_semaphore, #tpu.memory_space<semaphore_mem>>)
      %dma_wait3A_118 = arith.constant 0 : i32
      %dma_wait3A_119 = tpu.memref_slice %arg3[%add3A_71, %dma_wait3A_118] : memref<2560x125xi32, #tpu.memory_space<hbm>> -> memref<40x125xi32, #tpu.memory_space<hbm>>
      %dma_wait3A_120 = arith.constant 0 : i32
      %dma_wait3A_121 = tpu.memref_slice %arg3[%add3A_71, %dma_wait3A_120] : memref<2560x125xi32, #tpu.memory_space<hbm>> -> memref<40x125xi32, #tpu.memory_space<hbm>>
      tpu.wait_dma2 semaphore(%run_scoped3A : memref<!tpu.dma_semaphore, #tpu.memory_space<semaphore_mem>>) src(%dma_wait3A_121 : memref<40x125xi32, #tpu.memory_space<hbm>>) dst(%arg7 : memref<40x125xi32, #tpu.memory_space<vmem>>)
      tpu.yield
    }) : () -> ()
    "tpu.region"() ({
      %run_scoped3A = tpu.sem_alloc : memref<!tpu.dma_semaphore, #tpu.memory_space<semaphore_mem>>
      %dma_start3A_114 = arith.constant 0 : i32
      %dma_start3A_115 = tpu.memref_slice %arg4[%add3A_71, %dma_start3A_114] : memref<2560x125xi32, #tpu.memory_space<hbm>> -> memref<40x125xi32, #tpu.memory_space<hbm>>
      %dma_start3A_116 = arith.constant 0 : i32
      %dma_start3A_117 = tpu.memref_slice %arg4[%add3A_71, %dma_start3A_116] : memref<2560x125xi32, #tpu.memory_space<hbm>> -> memref<40x125xi32, #tpu.memory_space<hbm>>
      tpu.enqueue_dma source(%dma_start3A_117 : memref<40x125xi32, #tpu.memory_space<hbm>>) target(%arg8 : memref<40x125xi32, #tpu.memory_space<vmem>>) target_semaphore(%run_scoped3A : memref<!tpu.dma_semaphore, #tpu.memory_space<semaphore_mem>>)
      %dma_wait3A_118 = arith.constant 0 : i32
      %dma_wait3A_119 = tpu.memref_slice %arg4[%add3A_71, %dma_wait3A_118] : memref<2560x125xi32, #tpu.memory_space<hbm>> -> memref<40x125xi32, #tpu.memory_space<hbm>>
      %dma_wait3A_120 = arith.constant 0 : i32
      %dma_wait3A_121 = tpu.memref_slice %arg4[%add3A_71, %dma_wait3A_120] : memref<2560x125xi32, #tpu.memory_space<hbm>> -> memref<40x125xi32, #tpu.memory_space<hbm>>
      tpu.wait_dma2 semaphore(%run_scoped3A : memref<!tpu.dma_semaphore, #tpu.memory_space<semaphore_mem>>) src(%dma_wait3A_121 : memref<40x125xi32, #tpu.memory_space<hbm>>) dst(%arg8 : memref<40x125xi32, #tpu.memory_space<vmem>>)
      tpu.yield
    }) : () -> ()
    %dma_start3A_72 = arith.constant 0 : i32
    %dma_start3A_73 = arith.constant 0 : i32
    %dma_start3A_74 = tpu.memref_slice %arg7[%dma_start3A_72, %dma_start3A_73] : memref<40x125xi32, #tpu.memory_space<vmem>> -> memref<1x125xi32, #tpu.memory_space<vmem>>
    %dma_start3A_75 = tpu.memref_squeeze %dma_start3A_74 : memref<1x125xi32, #tpu.memory_space<vmem>> -> memref<125xi32, #tpu.memory_space<vmem>>
    %dma_start3A_76 = arith.constant 0 : i32
    %dma_start3A_77 = arith.constant 0 : i32
    %dma_start3A_78 = tpu.memref_slice %arg2[%dma_start3A_76, %dma_start3A_77] : memref<10240x128xf32, #tpu.memory_space<hbm>> -> memref<10240x128xf32, #tpu.memory_space<hbm>>
    tpu.enqueue_indirect_dma source(%dma_start3A_78 : memref<10240x128xf32, #tpu.memory_space<hbm>>) target(%arg9 : memref<125x128xf32, #tpu.memory_space<vmem>>) offsets(%dma_start3A_75 : memref<125xi32, #tpu.memory_space<vmem>>) semaphore(%arg11 : memref<!tpu.dma_semaphore, #tpu.memory_space<semaphore_mem>>)
    %dma_start3A_79 = arith.constant 1 : i32
    %dma_start3A_80 = arith.constant 0 : i32
    %dma_start3A_81 = tpu.memref_slice %arg7[%dma_start3A_79, %dma_start3A_80] : memref<40x125xi32, #tpu.memory_space<vmem>> -> memref<1x125xi32, #tpu.memory_space<vmem>>
    %dma_start3A_82 = tpu.memref_squeeze %dma_start3A_81 : memref<1x125xi32, #tpu.memory_space<vmem>> -> memref<125xi32, #tpu.memory_space<vmem>>
    %dma_start3A_83 = arith.constant 0 : i32
    %dma_start3A_84 = arith.constant 0 : i32
    %dma_start3A_85 = tpu.memref_slice %arg2[%dma_start3A_83, %dma_start3A_84] : memref<10240x128xf32, #tpu.memory_space<hbm>> -> memref<10240x128xf32, #tpu.memory_space<hbm>>
    tpu.enqueue_indirect_dma source(%dma_start3A_85 : memref<10240x128xf32, #tpu.memory_space<hbm>>) target(%arg10 : memref<125x128xf32, #tpu.memory_space<vmem>>) offsets(%dma_start3A_82 : memref<125xi32, #tpu.memory_space<vmem>>) semaphore(%arg12 : memref<!tpu.dma_semaphore, #tpu.memory_space<semaphore_mem>>)
    %scan3A_86 = arith.constant 0 : i32
    %scan3A_87 = arith.constant 0 : i32
    %scan3A_88 = arith.constant 20 : i32
    %scan3A_89 = arith.addi %scan3A_87, %scan3A_88 : i32
    %scan3A_90 = arith.constant 1 : i32
    scf.for %scan3A_114 = %scan3A_87 to %scan3A_89 step %scan3A_90  : i32 {
      %mul3A_115 = arith.constant 2 : i32
      %mul3A_116 = arith.muli %scan3A_114, %mul3A_115 : i32
      %add3A_117 = arith.constant 0 : i32
      %add3A_118 = arith.addi %mul3A_116, %add3A_117 : i32
      %dma_wait3A_119 = arith.constant 0 : i32
      %dma_wait3A_120 = tpu.memref_slice %arg7[%add3A_118, %dma_wait3A_119] : memref<40x125xi32, #tpu.memory_space<vmem>> -> memref<1x125xi32, #tpu.memory_space<vmem>>
      %dma_wait3A_121 = tpu.memref_squeeze %dma_wait3A_120 : memref<1x125xi32, #tpu.memory_space<vmem>> -> memref<125xi32, #tpu.memory_space<vmem>>
      %dma_wait3A_122 = arith.constant 0 : i32
      %dma_wait3A_123 = arith.constant 0 : i32
      %dma_wait3A_124 = tpu.memref_slice %arg2[%dma_wait3A_122, %dma_wait3A_123] : memref<10240x128xf32, #tpu.memory_space<hbm>> -> memref<10240x128xf32, #tpu.memory_space<hbm>>
      tpu.wait_indirect_dma semaphore(%arg11 : memref<!tpu.dma_semaphore, #tpu.memory_space<semaphore_mem>>) src(%dma_wait3A_124 : memref<10240x128xf32, #tpu.memory_space<hbm>>) dst(%arg9 : memref<125x128xf32, #tpu.memory_space<vmem>>)
      %add3A_125 = arith.constant 0 : i32
      %add3A_126 = arith.addi %mul3A_116, %add3A_125 : i32
      %dma_start3A_127 = arith.constant 0 : i32
      %dma_start3A_128 = tpu.memref_slice %arg8[%add3A_126, %dma_start3A_127] : memref<40x125xi32, #tpu.memory_space<vmem>> -> memref<1x125xi32, #tpu.memory_space<vmem>>
      %dma_start3A_129 = tpu.memref_squeeze %dma_start3A_128 : memref<1x125xi32, #tpu.memory_space<vmem>> -> memref<125xi32, #tpu.memory_space<vmem>>
      %dma_start3A_130 = arith.constant 0 : i32
      %dma_start3A_131 = arith.constant 0 : i32
      %dma_start3A_132 = tpu.memref_slice %arg15[%dma_start3A_130, %dma_start3A_131] : memref<10240x128xf32, #tpu.memory_space<vmem_shared>> -> memref<10240x128xf32, #tpu.memory_space<vmem_shared>>
      tpu.enqueue_indirect_dma source(%arg9 : memref<125x128xf32, #tpu.memory_space<vmem>>) target(%dma_start3A_132 : memref<10240x128xf32, #tpu.memory_space<vmem_shared>>) offsets(%dma_start3A_129 : memref<125xi32, #tpu.memory_space<vmem>>) semaphore(%arg13 : memref<!tpu.dma_semaphore, #tpu.memory_space<semaphore_mem>>) {add = true}
      %add3A_133 = arith.constant 1 : i32
      %add3A_134 = arith.addi %mul3A_116, %add3A_133 : i32
      %dma_wait3A_135 = arith.constant 0 : i32
      %dma_wait3A_136 = tpu.memref_slice %arg7[%add3A_134, %dma_wait3A_135] : memref<40x125xi32, #tpu.memory_space<vmem>> -> memref<1x125xi32, #tpu.memory_space<vmem>>
      %dma_wait3A_137 = tpu.memref_squeeze %dma_wait3A_136 : memref<1x125xi32, #tpu.memory_space<vmem>> -> memref<125xi32, #tpu.memory_space<vmem>>
      %dma_wait3A_138 = arith.constant 0 : i32
      %dma_wait3A_139 = arith.constant 0 : i32
      %dma_wait3A_140 = tpu.memref_slice %arg2[%dma_wait3A_138, %dma_wait3A_139] : memref<10240x128xf32, #tpu.memory_space<hbm>> -> memref<10240x128xf32, #tpu.memory_space<hbm>>
      tpu.wait_indirect_dma semaphore(%arg12 : memref<!tpu.dma_semaphore, #tpu.memory_space<semaphore_mem>>) src(%dma_wait3A_140 : memref<10240x128xf32, #tpu.memory_space<hbm>>) dst(%arg10 : memref<125x128xf32, #tpu.memory_space<vmem>>)
      %add3A_141 = arith.constant 1 : i32
      %add3A_142 = arith.addi %mul3A_116, %add3A_141 : i32
      %dma_start3A_143 = arith.constant 0 : i32
      %dma_start3A_144 = tpu.memref_slice %arg8[%add3A_142, %dma_start3A_143] : memref<40x125xi32, #tpu.memory_space<vmem>> -> memref<1x125xi32, #tpu.memory_space<vmem>>
      %dma_start3A_145 = tpu.memref_squeeze %dma_start3A_144 : memref<1x125xi32, #tpu.memory_space<vmem>> -> memref<125xi32, #tpu.memory_space<vmem>>
      %dma_start3A_146 = arith.constant 0 : i32
      %dma_start3A_147 = arith.constant 0 : i32
      %dma_start3A_148 = tpu.memref_slice %arg15[%dma_start3A_146, %dma_start3A_147] : memref<10240x128xf32, #tpu.memory_space<vmem_shared>> -> memref<10240x128xf32, #tpu.memory_space<vmem_shared>>
      tpu.enqueue_indirect_dma source(%arg10 : memref<125x128xf32, #tpu.memory_space<vmem>>) target(%dma_start3A_148 : memref<10240x128xf32, #tpu.memory_space<vmem_shared>>) offsets(%dma_start3A_145 : memref<125xi32, #tpu.memory_space<vmem>>) semaphore(%arg14 : memref<!tpu.dma_semaphore, #tpu.memory_space<semaphore_mem>>) {add = true}
      %add3A_149 = arith.constant 2 : i32
      %add3A_150 = arith.addi %mul3A_116, %add3A_149 : i32
      %add3A_151 = arith.constant 0 : i32
      %add3A_152 = arith.addi %add3A_150, %add3A_151 : i32
      %lt3A = arith.constant 40 : i32
      %lt3A_153 = arith.cmpi slt, %add3A_152, %lt3A : i32
      %convert_element_type3A = arith.extui %lt3A_153 : i1 to i32
      %cond3A = arith.constant 0 : i32
      %cond3A_154 = arith.cmpi ne, %convert_element_type3A, %cond3A : i32
      scf.if %cond3A_154 {
        %add3A_164 = arith.constant 0 : i32
        %add3A_165 = arith.addi %mul3A_116, %add3A_164 : i32
        %dma_wait3A_166 = arith.constant 0 : i32
        %dma_wait3A_167 = tpu.memref_slice %arg8[%add3A_165, %dma_wait3A_166] : memref<40x125xi32, #tpu.memory_space<vmem>> -> memref<1x125xi32, #tpu.memory_space<vmem>>
        %dma_wait3A_168 = tpu.memref_squeeze %dma_wait3A_167 : memref<1x125xi32, #tpu.memory_space<vmem>> -> memref<125xi32, #tpu.memory_space<vmem>>
        %dma_wait3A_169 = arith.constant 0 : i32
        %dma_wait3A_170 = arith.constant 0 : i32
        %dma_wait3A_171 = tpu.memref_slice %arg15[%dma_wait3A_169, %dma_wait3A_170] : memref<10240x128xf32, #tpu.memory_space<vmem_shared>> -> memref<10240x128xf32, #tpu.memory_space<vmem_shared>>
        tpu.wait_indirect_dma semaphore(%arg13 : memref<!tpu.dma_semaphore, #tpu.memory_space<semaphore_mem>>) src(%arg9 : memref<125x128xf32, #tpu.memory_space<vmem>>) dst(%dma_wait3A_171 : memref<10240x128xf32, #tpu.memory_space<vmem_shared>>)
        %add3A_172 = arith.constant 2 : i32
        %add3A_173 = arith.addi %mul3A_116, %add3A_172 : i32
        %add3A_174 = arith.constant 0 : i32
        %add3A_175 = arith.addi %add3A_173, %add3A_174 : i32
        %dma_start3A_176 = arith.constant 0 : i32
        %dma_start3A_177 = tpu.memref_slice %arg7[%add3A_175, %dma_start3A_176] : memref<40x125xi32, #tpu.memory_space<vmem>> -> memref<1x125xi32, #tpu.memory_space<vmem>>
        %dma_start3A_178 = tpu.memref_squeeze %dma_start3A_177 : memref<1x125xi32, #tpu.memory_space<vmem>> -> memref<125xi32, #tpu.memory_space<vmem>>
        %dma_start3A_179 = arith.constant 0 : i32
        %dma_start3A_180 = arith.constant 0 : i32
        %dma_start3A_181 = tpu.memref_slice %arg2[%dma_start3A_179, %dma_start3A_180] : memref<10240x128xf32, #tpu.memory_space<hbm>> -> memref<10240x128xf32, #tpu.memory_space<hbm>>
        tpu.enqueue_indirect_dma source(%dma_start3A_181 : memref<10240x128xf32, #tpu.memory_space<hbm>>) target(%arg9 : memref<125x128xf32, #tpu.memory_space<vmem>>) offsets(%dma_start3A_178 : memref<125xi32, #tpu.memory_space<vmem>>) semaphore(%arg11 : memref<!tpu.dma_semaphore, #tpu.memory_space<semaphore_mem>>)
      } else {
      }
      %add3A_155 = arith.constant 2 : i32
      %add3A_156 = arith.addi %mul3A_116, %add3A_155 : i32
      %add3A_157 = arith.constant 1 : i32
      %add3A_158 = arith.addi %add3A_156, %add3A_157 : i32
      %lt3A_159 = arith.constant 40 : i32
      %lt3A_160 = arith.cmpi slt, %add3A_158, %lt3A_159 : i32
      %convert_element_type3A_161 = arith.extui %lt3A_160 : i1 to i32
      %cond3A_162 = arith.constant 0 : i32
      %cond3A_163 = arith.cmpi ne, %convert_element_type3A_161, %cond3A_162 : i32
      scf.if %cond3A_163 {
        %add3A_164 = arith.constant 1 : i32
        %add3A_165 = arith.addi %mul3A_116, %add3A_164 : i32
        %dma_wait3A_166 = arith.constant 0 : i32
        %dma_wait3A_167 = tpu.memref_slice %arg8[%add3A_165, %dma_wait3A_166] : memref<40x125xi32, #tpu.memory_space<vmem>> -> memref<1x125xi32, #tpu.memory_space<vmem>>
        %dma_wait3A_168 = tpu.memref_squeeze %dma_wait3A_167 : memref<1x125xi32, #tpu.memory_space<vmem>> -> memref<125xi32, #tpu.memory_space<vmem>>
        %dma_wait3A_169 = arith.constant 0 : i32
        %dma_wait3A_170 = arith.constant 0 : i32
        %dma_wait3A_171 = tpu.memref_slice %arg15[%dma_wait3A_169, %dma_wait3A_170] : memref<10240x128xf32, #tpu.memory_space<vmem_shared>> -> memref<10240x128xf32, #tpu.memory_space<vmem_shared>>
        tpu.wait_indirect_dma semaphore(%arg14 : memref<!tpu.dma_semaphore, #tpu.memory_space<semaphore_mem>>) src(%arg10 : memref<125x128xf32, #tpu.memory_space<vmem>>) dst(%dma_wait3A_171 : memref<10240x128xf32, #tpu.memory_space<vmem_shared>>)
        %add3A_172 = arith.constant 2 : i32
        %add3A_173 = arith.addi %mul3A_116, %add3A_172 : i32
        %add3A_174 = arith.constant 1 : i32
        %add3A_175 = arith.addi %add3A_173, %add3A_174 : i32
        %dma_start3A_176 = arith.constant 0 : i32
        %dma_start3A_177 = tpu.memref_slice %arg7[%add3A_175, %dma_start3A_176] : memref<40x125xi32, #tpu.memory_space<vmem>> -> memref<1x125xi32, #tpu.memory_space<vmem>>
        %dma_start3A_178 = tpu.memref_squeeze %dma_start3A_177 : memref<1x125xi32, #tpu.memory_space<vmem>> -> memref<125xi32, #tpu.memory_space<vmem>>
        %dma_start3A_179 = arith.constant 0 : i32
        %dma_start3A_180 = arith.constant 0 : i32
        %dma_start3A_181 = tpu.memref_slice %arg2[%dma_start3A_179, %dma_start3A_180] : memref<10240x128xf32, #tpu.memory_space<hbm>> -> memref<10240x128xf32, #tpu.memory_space<hbm>>
        tpu.enqueue_indirect_dma source(%dma_start3A_181 : memref<10240x128xf32, #tpu.memory_space<hbm>>) target(%arg10 : memref<125x128xf32, #tpu.memory_space<vmem>>) offsets(%dma_start3A_178 : memref<125xi32, #tpu.memory_space<vmem>>) semaphore(%arg12 : memref<!tpu.dma_semaphore, #tpu.memory_space<semaphore_mem>>)
      } else {
      }
    }
    %scan3A_91 = arith.constant 20 : i32
    %dma_wait3A_92 = arith.constant 38 : i32
    %dma_wait3A_93 = arith.constant 0 : i32
    %dma_wait3A_94 = tpu.memref_slice %arg8[%dma_wait3A_92, %dma_wait3A_93] : memref<40x125xi32, #tpu.memory_space<vmem>> -> memref<1x125xi32, #tpu.memory_space<vmem>>
    %dma_wait3A_95 = tpu.memref_squeeze %dma_wait3A_94 : memref<1x125xi32, #tpu.memory_space<vmem>> -> memref<125xi32, #tpu.memory_space<vmem>>
    %dma_wait3A_96 = arith.constant 0 : i32
    %dma_wait3A_97 = arith.constant 0 : i32
    %dma_wait3A_98 = tpu.memref_slice %arg15[%dma_wait3A_96, %dma_wait3A_97] : memref<10240x128xf32, #tpu.memory_space<vmem_shared>> -> memref<10240x128xf32, #tpu.memory_space<vmem_shared>>
    tpu.wait_indirect_dma semaphore(%arg13 : memref<!tpu.dma_semaphore, #tpu.memory_space<semaphore_mem>>) src(%arg9 : memref<125x128xf32, #tpu.memory_space<vmem>>) dst(%dma_wait3A_98 : memref<10240x128xf32, #tpu.memory_space<vmem_shared>>)
    %dma_wait3A_99 = arith.constant 39 : i32
    %dma_wait3A_100 = arith.constant 0 : i32
    %dma_wait3A_101 = tpu.memref_slice %arg8[%dma_wait3A_99, %dma_wait3A_100] : memref<40x125xi32, #tpu.memory_space<vmem>> -> memref<1x125xi32, #tpu.memory_space<vmem>>
    %dma_wait3A_102 = tpu.memref_squeeze %dma_wait3A_101 : memref<1x125xi32, #tpu.memory_space<vmem>> -> memref<125xi32, #tpu.memory_space<vmem>>
    %dma_wait3A_103 = arith.constant 0 : i32
    %dma_wait3A_104 = arith.constant 0 : i32
    %dma_wait3A_105 = tpu.memref_slice %arg15[%dma_wait3A_103, %dma_wait3A_104] : memref<10240x128xf32, #tpu.memory_space<vmem_shared>> -> memref<10240x128xf32, #tpu.memory_space<vmem_shared>>
    tpu.wait_indirect_dma semaphore(%arg14 : memref<!tpu.dma_semaphore, #tpu.memory_space<semaphore_mem>>) src(%arg10 : memref<125x128xf32, #tpu.memory_space<vmem>>) dst(%dma_wait3A_105 : memref<10240x128xf32, #tpu.memory_space<vmem_shared>>)
    %barrier3A_106 = arith.constant 0 : index
    tpu.barrier barrier_id(%barrier3A_106)
    %mul3A_107 = arith.constant 640 : i32
    %mul3A_108 = arith.muli %arg1, %mul3A_107 : i32
    %mul3A_109 = arith.constant 10240 : i32
    %mul3A_110 = arith.muli %arg0, %mul3A_109 : i32
    %mul3A_111 = arith.constant 640 : i32
    %mul3A_112 = arith.muli %arg1, %mul3A_111 : i32
    %add3A_113 = arith.addi %mul3A_110, %mul3A_112 : i32
    "tpu.region"() ({
      %run_scoped3A = tpu.sem_alloc : memref<!tpu.dma_semaphore, #tpu.memory_space<semaphore_mem>>
      %dma_start3A_114 = arith.constant 0 : i32
      %dma_start3A_115 = tpu.memref_slice %arg6[%add3A_113, %dma_start3A_114] : memref<20480x128xf32, #tpu.memory_space<hbm>> -> memref<640x128xf32, #tpu.memory_space<hbm>>
      %dma_start3A_116 = arith.constant 0 : i32
      %dma_start3A_117 = tpu.memref_slice %arg15[%mul3A_108, %dma_start3A_116] : memref<10240x128xf32, #tpu.memory_space<vmem_shared>> -> memref<640x128xf32, #tpu.memory_space<vmem_shared>>
      tpu.enqueue_dma source(%dma_start3A_117 : memref<640x128xf32, #tpu.memory_space<vmem_shared>>) target(%dma_start3A_115 : memref<640x128xf32, #tpu.memory_space<hbm>>) target_semaphore(%run_scoped3A : memref<!tpu.dma_semaphore, #tpu.memory_space<semaphore_mem>>)
      %dma_wait3A_118 = arith.constant 0 : i32
      %dma_wait3A_119 = tpu.memref_slice %arg6[%add3A_113, %dma_wait3A_118] : memref<20480x128xf32, #tpu.memory_space<hbm>> -> memref<640x128xf32, #tpu.memory_space<hbm>>
      %dma_wait3A_120 = arith.constant 0 : i32
      %dma_wait3A_121 = tpu.memref_slice %arg15[%mul3A_108, %dma_wait3A_120] : memref<10240x128xf32, #tpu.memory_space<vmem_shared>> -> memref<640x128xf32, #tpu.memory_space<vmem_shared>>
      tpu.wait_dma2 semaphore(%run_scoped3A : memref<!tpu.dma_semaphore, #tpu.memory_space<semaphore_mem>>) src(%dma_wait3A_121 : memref<640x128xf32, #tpu.memory_space<vmem_shared>>) dst(%dma_wait3A_119 : memref<640x128xf32, #tpu.memory_space<hbm>>)
      tpu.yield
    }) : () -> ()
    return
  }
}

#map = affine_map<(d0, d1) -> (0, 0)>
module attributes {stable_mosaic.version = 14 : i64} {
  func.func @spmv(%arg0: i32, %arg1: i32, %arg2: memref<10240x128xf32, #tpu.memory_space<hbm>>, %arg3: memref<2560x125xi32, #tpu.memory_space<hbm>>, %arg4: memref<2560x125xi32, #tpu.memory_space<hbm>>, %arg5: memref<640x128xf32, #tpu.memory_space<hbm>>, %arg6: memref<20480x128xf32, #tpu.memory_space<hbm>>, %arg7: memref<40x125xi32, #tpu.memory_space<vmem>>, %arg8: memref<40x125xi32, #tpu.memory_space<vmem>>, %arg9: memref<125x128xf32, #tpu.memory_space<vmem>>, %arg10: memref<125x128xf32, #tpu.memory_space<vmem>>, %arg11: memref<!tpu.dma_semaphore, #tpu.memory_space<semaphore_mem>>, %arg12: memref<!tpu.dma_semaphore, #tpu.memory_space<semaphore_mem>>, %arg13: memref<!tpu.dma_semaphore, #tpu.memory_space<semaphore_mem>>, %arg14: memref<!tpu.dma_semaphore, #tpu.memory_space<semaphore_mem>>, %arg15: memref<10240x128xf32, #tpu.memory_space<vmem_shared>>) attributes {dimension_semantics = [#tpu.dimension_semantics<core_parallel>, #tpu.dimension_semantics<subcore_parallel>], iteration_bounds = array<i64: 2, 16>, scalar_prefetch = 0 : i64, scratch_operands = 9 : i64, tpu.core_type = #tpu.core_type<sc_vector_subcore>, window_params = [{transform_indices = #map}, {transform_indices = #map}, {transform_indices = #map}, {transform_indices = #map}, {transform_indices = #map}]} {
    %mul3A = arith.constant 2 : i32
    %mul3A_0 = arith.muli %arg1, %mul3A : i32
    %add3A = arith.addi %mul3A_0, %arg0 : i32
    %mul3A_1 = arith.constant 640 : i32
    %mul3A_2 = arith.muli %arg1, %mul3A_1 : i32
    %dma_start3A = arith.constant 0 : i32
    %dma_start3A_3 = tpu.memref_slice %arg15[%mul3A_2, %dma_start3A] : memref<10240x128xf32, #tpu.memory_space<vmem_shared>> -> memref<640x128xf32, #tpu.memory_space<vmem_shared>>
    tpu.enqueue_dma source(%arg5 : memref<640x128xf32, #tpu.memory_space<hbm>>) target(%dma_start3A_3 : memref<640x128xf32, #tpu.memory_space<vmem_shared>>) target_semaphore(%arg13 : memref<!tpu.dma_semaphore, #tpu.memory_space<semaphore_mem>>)
    %mul3A_4 = arith.constant 80 : i32
    %mul3A_5 = arith.muli %add3A, %mul3A_4 : i32
    %dma_start3A_6 = arith.constant 0 : i32
    %dma_start3A_7 = tpu.memref_slice %arg3[%mul3A_5, %dma_start3A_6] : memref<2560x125xi32, #tpu.memory_space<hbm>> -> memref<40x125xi32, #tpu.memory_space<hbm>>
    %dma_start3A_8 = arith.constant 0 : i32
    %dma_start3A_9 = tpu.memref_slice %arg3[%mul3A_5, %dma_start3A_8] : memref<2560x125xi32, #tpu.memory_space<hbm>> -> memref<40x125xi32, #tpu.memory_space<hbm>>
    tpu.enqueue_dma source(%dma_start3A_9 : memref<40x125xi32, #tpu.memory_space<hbm>>) target(%arg7 : memref<40x125xi32, #tpu.memory_space<vmem>>) target_semaphore(%arg11 : memref<!tpu.dma_semaphore, #tpu.memory_space<semaphore_mem>>)
    %mul3A_10 = arith.constant 80 : i32
    %mul3A_11 = arith.muli %add3A, %mul3A_10 : i32
    %dma_start3A_12 = arith.constant 0 : i32
    %dma_start3A_13 = tpu.memref_slice %arg4[%mul3A_11, %dma_start3A_12] : memref<2560x125xi32, #tpu.memory_space<hbm>> -> memref<40x125xi32, #tpu.memory_space<hbm>>
    %dma_start3A_14 = arith.constant 0 : i32
    %dma_start3A_15 = tpu.memref_slice %arg4[%mul3A_11, %dma_start3A_14] : memref<2560x125xi32, #tpu.memory_space<hbm>> -> memref<40x125xi32, #tpu.memory_space<hbm>>
    tpu.enqueue_dma source(%dma_start3A_15 : memref<40x125xi32, #tpu.memory_space<hbm>>) target(%arg8 : memref<40x125xi32, #tpu.memory_space<vmem>>) target_semaphore(%arg12 : memref<!tpu.dma_semaphore, #tpu.memory_space<semaphore_mem>>)
    %mul3A_16 = arith.constant 640 : i32
    %mul3A_17 = arith.muli %arg1, %mul3A_16 : i32
    %dma_wait3A = arith.constant 0 : i32
    %dma_wait3A_18 = tpu.memref_slice %arg15[%mul3A_17, %dma_wait3A] : memref<10240x128xf32, #tpu.memory_space<vmem_shared>> -> memref<640x128xf32, #tpu.memory_space<vmem_shared>>
    tpu.wait_dma2 semaphore(%arg13 : memref<!tpu.dma_semaphore, #tpu.memory_space<semaphore_mem>>) src(%arg5 : memref<640x128xf32, #tpu.memory_space<hbm>>) dst(%dma_wait3A_18 : memref<640x128xf32, #tpu.memory_space<vmem_shared>>)
    %mul3A_19 = arith.constant 80 : i32
    %mul3A_20 = arith.muli %add3A, %mul3A_19 : i32
    %dma_wait3A_21 = arith.constant 0 : i32
    %dma_wait3A_22 = tpu.memref_slice %arg3[%mul3A_20, %dma_wait3A_21] : memref<2560x125xi32, #tpu.memory_space<hbm>> -> memref<40x125xi32, #tpu.memory_space<hbm>>
    %dma_wait3A_23 = arith.constant 0 : i32
    %dma_wait3A_24 = tpu.memref_slice %arg3[%mul3A_20, %dma_wait3A_23] : memref<2560x125xi32, #tpu.memory_space<hbm>> -> memref<40x125xi32, #tpu.memory_space<hbm>>
    tpu.wait_dma2 semaphore(%arg11 : memref<!tpu.dma_semaphore, #tpu.memory_space<semaphore_mem>>) src(%dma_wait3A_24 : memref<40x125xi32, #tpu.memory_space<hbm>>) dst(%arg7 : memref<40x125xi32, #tpu.memory_space<vmem>>)
    %mul3A_25 = arith.constant 80 : i32
    %mul3A_26 = arith.muli %add3A, %mul3A_25 : i32
    %dma_wait3A_27 = arith.constant 0 : i32
    %dma_wait3A_28 = tpu.memref_slice %arg4[%mul3A_26, %dma_wait3A_27] : memref<2560x125xi32, #tpu.memory_space<hbm>> -> memref<40x125xi32, #tpu.memory_space<hbm>>
    %dma_wait3A_29 = arith.constant 0 : i32
    %dma_wait3A_30 = tpu.memref_slice %arg4[%mul3A_26, %dma_wait3A_29] : memref<2560x125xi32, #tpu.memory_space<hbm>> -> memref<40x125xi32, #tpu.memory_space<hbm>>
    tpu.wait_dma2 semaphore(%arg12 : memref<!tpu.dma_semaphore, #tpu.memory_space<semaphore_mem>>) src(%dma_wait3A_30 : memref<40x125xi32, #tpu.memory_space<hbm>>) dst(%arg8 : memref<40x125xi32, #tpu.memory_space<vmem>>)
    %barrier3A = arith.constant 0 : index
    tpu.barrier barrier_id(%barrier3A)
    %mul3A_31 = arith.constant 80 : i32
    %mul3A_32 = arith.muli %add3A, %mul3A_31 : i32
    %add3A_33 = arith.constant 0 : i32
    %add3A_34 = arith.addi %mul3A_32, %add3A_33 : i32
    %dma_start3A_35 = arith.constant 0 : i32
    %dma_start3A_36 = arith.constant 0 : i32
    %dma_start3A_37 = tpu.memref_slice %arg7[%dma_start3A_35, %dma_start3A_36] : memref<40x125xi32, #tpu.memory_space<vmem>> -> memref<1x125xi32, #tpu.memory_space<vmem>>
    %dma_start3A_38 = tpu.memref_squeeze %dma_start3A_37 : memref<1x125xi32, #tpu.memory_space<vmem>> -> memref<125xi32, #tpu.memory_space<vmem>>
    %dma_start3A_39 = arith.constant 0 : i32
    %dma_start3A_40 = arith.constant 0 : i32
    %dma_start3A_41 = tpu.memref_slice %arg2[%dma_start3A_39, %dma_start3A_40] : memref<10240x128xf32, #tpu.memory_space<hbm>> -> memref<10240x128xf32, #tpu.memory_space<hbm>>
    tpu.enqueue_indirect_dma source(%dma_start3A_41 : memref<10240x128xf32, #tpu.memory_space<hbm>>) target(%arg9 : memref<125x128xf32, #tpu.memory_space<vmem>>) offsets(%dma_start3A_38 : memref<125xi32, #tpu.memory_space<vmem>>) semaphore(%arg11 : memref<!tpu.dma_semaphore, #tpu.memory_space<semaphore_mem>>)
    %dma_start3A_42 = arith.constant 1 : i32
    %dma_start3A_43 = arith.constant 0 : i32
    %dma_start3A_44 = tpu.memref_slice %arg7[%dma_start3A_42, %dma_start3A_43] : memref<40x125xi32, #tpu.memory_space<vmem>> -> memref<1x125xi32, #tpu.memory_space<vmem>>
    %dma_start3A_45 = tpu.memref_squeeze %dma_start3A_44 : memref<1x125xi32, #tpu.memory_space<vmem>> -> memref<125xi32, #tpu.memory_space<vmem>>
    %dma_start3A_46 = arith.constant 0 : i32
    %dma_start3A_47 = arith.constant 0 : i32
    %dma_start3A_48 = tpu.memref_slice %arg2[%dma_start3A_46, %dma_start3A_47] : memref<10240x128xf32, #tpu.memory_space<hbm>> -> memref<10240x128xf32, #tpu.memory_space<hbm>>
    tpu.enqueue_indirect_dma source(%dma_start3A_48 : memref<10240x128xf32, #tpu.memory_space<hbm>>) target(%arg10 : memref<125x128xf32, #tpu.memory_space<vmem>>) offsets(%dma_start3A_45 : memref<125xi32, #tpu.memory_space<vmem>>) semaphore(%arg12 : memref<!tpu.dma_semaphore, #tpu.memory_space<semaphore_mem>>)
    %scan3A = arith.constant 0 : i32
    %scan3A_49 = arith.constant 0 : i32
    %scan3A_50 = arith.constant 20 : i32
    %scan3A_51 = arith.addi %scan3A_49, %scan3A_50 : i32
    %scan3A_52 = arith.constant 1 : i32
    scf.for %scan3A_114 = %scan3A_49 to %scan3A_51 step %scan3A_52  : i32 {
      %mul3A_115 = arith.constant 2 : i32
      %mul3A_116 = arith.muli %scan3A_114, %mul3A_115 : i32
      %add3A_117 = arith.constant 0 : i32
      %add3A_118 = arith.addi %mul3A_116, %add3A_117 : i32
      %dma_wait3A_119 = arith.constant 0 : i32
      %dma_wait3A_120 = tpu.memref_slice %arg7[%add3A_118, %dma_wait3A_119] : memref<40x125xi32, #tpu.memory_space<vmem>> -> memref<1x125xi32, #tpu.memory_space<vmem>>
      %dma_wait3A_121 = tpu.memref_squeeze %dma_wait3A_120 : memref<1x125xi32, #tpu.memory_space<vmem>> -> memref<125xi32, #tpu.memory_space<vmem>>
      %dma_wait3A_122 = arith.constant 0 : i32
      %dma_wait3A_123 = arith.constant 0 : i32
      %dma_wait3A_124 = tpu.memref_slice %arg2[%dma_wait3A_122, %dma_wait3A_123] : memref<10240x128xf32, #tpu.memory_space<hbm>> -> memref<10240x128xf32, #tpu.memory_space<hbm>>
      tpu.wait_indirect_dma semaphore(%arg11 : memref<!tpu.dma_semaphore, #tpu.memory_space<semaphore_mem>>) src(%dma_wait3A_124 : memref<10240x128xf32, #tpu.memory_space<hbm>>) dst(%arg9 : memref<125x128xf32, #tpu.memory_space<vmem>>)
      %add3A_125 = arith.constant 0 : i32
      %add3A_126 = arith.addi %mul3A_116, %add3A_125 : i32
      %dma_start3A_127 = arith.constant 0 : i32
      %dma_start3A_128 = tpu.memref_slice %arg8[%add3A_126, %dma_start3A_127] : memref<40x125xi32, #tpu.memory_space<vmem>> -> memref<1x125xi32, #tpu.memory_space<vmem>>
      %dma_start3A_129 = tpu.memref_squeeze %dma_start3A_128 : memref<1x125xi32, #tpu.memory_space<vmem>> -> memref<125xi32, #tpu.memory_space<vmem>>
      %dma_start3A_130 = arith.constant 0 : i32
      %dma_start3A_131 = arith.constant 0 : i32
      %dma_start3A_132 = tpu.memref_slice %arg15[%dma_start3A_130, %dma_start3A_131] : memref<10240x128xf32, #tpu.memory_space<vmem_shared>> -> memref<10240x128xf32, #tpu.memory_space<vmem_shared>>
      tpu.enqueue_indirect_dma source(%arg9 : memref<125x128xf32, #tpu.memory_space<vmem>>) target(%dma_start3A_132 : memref<10240x128xf32, #tpu.memory_space<vmem_shared>>) offsets(%dma_start3A_129 : memref<125xi32, #tpu.memory_space<vmem>>) semaphore(%arg13 : memref<!tpu.dma_semaphore, #tpu.memory_space<semaphore_mem>>) {add = true}
      %add3A_133 = arith.constant 1 : i32
      %add3A_134 = arith.addi %mul3A_116, %add3A_133 : i32
      %dma_wait3A_135 = arith.constant 0 : i32
      %dma_wait3A_136 = tpu.memref_slice %arg7[%add3A_134, %dma_wait3A_135] : memref<40x125xi32, #tpu.memory_space<vmem>> -> memref<1x125xi32, #tpu.memory_space<vmem>>
      %dma_wait3A_137 = tpu.memref_squeeze %dma_wait3A_136 : memref<1x125xi32, #tpu.memory_space<vmem>> -> memref<125xi32, #tpu.memory_space<vmem>>
      %dma_wait3A_138 = arith.constant 0 : i32
      %dma_wait3A_139 = arith.constant 0 : i32
      %dma_wait3A_140 = tpu.memref_slice %arg2[%dma_wait3A_138, %dma_wait3A_139] : memref<10240x128xf32, #tpu.memory_space<hbm>> -> memref<10240x128xf32, #tpu.memory_space<hbm>>
      tpu.wait_indirect_dma semaphore(%arg12 : memref<!tpu.dma_semaphore, #tpu.memory_space<semaphore_mem>>) src(%dma_wait3A_140 : memref<10240x128xf32, #tpu.memory_space<hbm>>) dst(%arg10 : memref<125x128xf32, #tpu.memory_space<vmem>>)
      %add3A_141 = arith.constant 1 : i32
      %add3A_142 = arith.addi %mul3A_116, %add3A_141 : i32
      %dma_start3A_143 = arith.constant 0 : i32
      %dma_start3A_144 = tpu.memref_slice %arg8[%add3A_142, %dma_start3A_143] : memref<40x125xi32, #tpu.memory_space<vmem>> -> memref<1x125xi32, #tpu.memory_space<vmem>>
      %dma_start3A_145 = tpu.memref_squeeze %dma_start3A_144 : memref<1x125xi32, #tpu.memory_space<vmem>> -> memref<125xi32, #tpu.memory_space<vmem>>
      %dma_start3A_146 = arith.constant 0 : i32
      %dma_start3A_147 = arith.constant 0 : i32
      %dma_start3A_148 = tpu.memref_slice %arg15[%dma_start3A_146, %dma_start3A_147] : memref<10240x128xf32, #tpu.memory_space<vmem_shared>> -> memref<10240x128xf32, #tpu.memory_space<vmem_shared>>
      tpu.enqueue_indirect_dma source(%arg10 : memref<125x128xf32, #tpu.memory_space<vmem>>) target(%dma_start3A_148 : memref<10240x128xf32, #tpu.memory_space<vmem_shared>>) offsets(%dma_start3A_145 : memref<125xi32, #tpu.memory_space<vmem>>) semaphore(%arg14 : memref<!tpu.dma_semaphore, #tpu.memory_space<semaphore_mem>>) {add = true}
      %add3A_149 = arith.constant 2 : i32
      %add3A_150 = arith.addi %mul3A_116, %add3A_149 : i32
      %add3A_151 = arith.constant 0 : i32
      %add3A_152 = arith.addi %add3A_150, %add3A_151 : i32
      %lt3A = arith.constant 40 : i32
      %lt3A_153 = arith.cmpi slt, %add3A_152, %lt3A : i32
      %convert_element_type3A = arith.extui %lt3A_153 : i1 to i32
      %cond3A = arith.constant 0 : i32
      %cond3A_154 = arith.cmpi ne, %convert_element_type3A, %cond3A : i32
      scf.if %cond3A_154 {
        %add3A_164 = arith.constant 0 : i32
        %add3A_165 = arith.addi %mul3A_116, %add3A_164 : i32
        %dma_wait3A_166 = arith.constant 0 : i32
        %dma_wait3A_167 = tpu.memref_slice %arg8[%add3A_165, %dma_wait3A_166] : memref<40x125xi32, #tpu.memory_space<vmem>> -> memref<1x125xi32, #tpu.memory_space<vmem>>
        %dma_wait3A_168 = tpu.memref_squeeze %dma_wait3A_167 : memref<1x125xi32, #tpu.memory_space<vmem>> -> memref<125xi32, #tpu.memory_space<vmem>>
        %dma_wait3A_169 = arith.constant 0 : i32
        %dma_wait3A_170 = arith.constant 0 : i32
        %dma_wait3A_171 = tpu.memref_slice %arg15[%dma_wait3A_169, %dma_wait3A_170] : memref<10240x128xf32, #tpu.memory_space<vmem_shared>> -> memref<10240x128xf32, #tpu.memory_space<vmem_shared>>
        tpu.wait_indirect_dma semaphore(%arg13 : memref<!tpu.dma_semaphore, #tpu.memory_space<semaphore_mem>>) src(%arg9 : memref<125x128xf32, #tpu.memory_space<vmem>>) dst(%dma_wait3A_171 : memref<10240x128xf32, #tpu.memory_space<vmem_shared>>)
        %add3A_172 = arith.constant 2 : i32
        %add3A_173 = arith.addi %mul3A_116, %add3A_172 : i32
        %add3A_174 = arith.constant 0 : i32
        %add3A_175 = arith.addi %add3A_173, %add3A_174 : i32
        %dma_start3A_176 = arith.constant 0 : i32
        %dma_start3A_177 = tpu.memref_slice %arg7[%add3A_175, %dma_start3A_176] : memref<40x125xi32, #tpu.memory_space<vmem>> -> memref<1x125xi32, #tpu.memory_space<vmem>>
        %dma_start3A_178 = tpu.memref_squeeze %dma_start3A_177 : memref<1x125xi32, #tpu.memory_space<vmem>> -> memref<125xi32, #tpu.memory_space<vmem>>
        %dma_start3A_179 = arith.constant 0 : i32
        %dma_start3A_180 = arith.constant 0 : i32
        %dma_start3A_181 = tpu.memref_slice %arg2[%dma_start3A_179, %dma_start3A_180] : memref<10240x128xf32, #tpu.memory_space<hbm>> -> memref<10240x128xf32, #tpu.memory_space<hbm>>
        tpu.enqueue_indirect_dma source(%dma_start3A_181 : memref<10240x128xf32, #tpu.memory_space<hbm>>) target(%arg9 : memref<125x128xf32, #tpu.memory_space<vmem>>) offsets(%dma_start3A_178 : memref<125xi32, #tpu.memory_space<vmem>>) semaphore(%arg11 : memref<!tpu.dma_semaphore, #tpu.memory_space<semaphore_mem>>)
      } else {
      }
      %add3A_155 = arith.constant 2 : i32
      %add3A_156 = arith.addi %mul3A_116, %add3A_155 : i32
      %add3A_157 = arith.constant 1 : i32
      %add3A_158 = arith.addi %add3A_156, %add3A_157 : i32
      %lt3A_159 = arith.constant 40 : i32
      %lt3A_160 = arith.cmpi slt, %add3A_158, %lt3A_159 : i32
      %convert_element_type3A_161 = arith.extui %lt3A_160 : i1 to i32
      %cond3A_162 = arith.constant 0 : i32
      %cond3A_163 = arith.cmpi ne, %convert_element_type3A_161, %cond3A_162 : i32
      scf.if %cond3A_163 {
        %add3A_164 = arith.constant 1 : i32
        %add3A_165 = arith.addi %mul3A_116, %add3A_164 : i32
        %dma_wait3A_166 = arith.constant 0 : i32
        %dma_wait3A_167 = tpu.memref_slice %arg8[%add3A_165, %dma_wait3A_166] : memref<40x125xi32, #tpu.memory_space<vmem>> -> memref<1x125xi32, #tpu.memory_space<vmem>>
        %dma_wait3A_168 = tpu.memref_squeeze %dma_wait3A_167 : memref<1x125xi32, #tpu.memory_space<vmem>> -> memref<125xi32, #tpu.memory_space<vmem>>
        %dma_wait3A_169 = arith.constant 0 : i32
        %dma_wait3A_170 = arith.constant 0 : i32
        %dma_wait3A_171 = tpu.memref_slice %arg15[%dma_wait3A_169, %dma_wait3A_170] : memref<10240x128xf32, #tpu.memory_space<vmem_shared>> -> memref<10240x128xf32, #tpu.memory_space<vmem_shared>>
        tpu.wait_indirect_dma semaphore(%arg14 : memref<!tpu.dma_semaphore, #tpu.memory_space<semaphore_mem>>) src(%arg10 : memref<125x128xf32, #tpu.memory_space<vmem>>) dst(%dma_wait3A_171 : memref<10240x128xf32, #tpu.memory_space<vmem_shared>>)
        %add3A_172 = arith.constant 2 : i32
        %add3A_173 = arith.addi %mul3A_116, %add3A_172 : i32
        %add3A_174 = arith.constant 1 : i32
        %add3A_175 = arith.addi %add3A_173, %add3A_174 : i32
        %dma_start3A_176 = arith.constant 0 : i32
        %dma_start3A_177 = tpu.memref_slice %arg7[%add3A_175, %dma_start3A_176] : memref<40x125xi32, #tpu.memory_space<vmem>> -> memref<1x125xi32, #tpu.memory_space<vmem>>
        %dma_start3A_178 = tpu.memref_squeeze %dma_start3A_177 : memref<1x125xi32, #tpu.memory_space<vmem>> -> memref<125xi32, #tpu.memory_space<vmem>>
        %dma_start3A_179 = arith.constant 0 : i32
        %dma_start3A_180 = arith.constant 0 : i32
        %dma_start3A_181 = tpu.memref_slice %arg2[%dma_start3A_179, %dma_start3A_180] : memref<10240x128xf32, #tpu.memory_space<hbm>> -> memref<10240x128xf32, #tpu.memory_space<hbm>>
        tpu.enqueue_indirect_dma source(%dma_start3A_181 : memref<10240x128xf32, #tpu.memory_space<hbm>>) target(%arg10 : memref<125x128xf32, #tpu.memory_space<vmem>>) offsets(%dma_start3A_178 : memref<125xi32, #tpu.memory_space<vmem>>) semaphore(%arg12 : memref<!tpu.dma_semaphore, #tpu.memory_space<semaphore_mem>>)
      } else {
      }
    }
    %scan3A_53 = arith.constant 20 : i32
    %dma_wait3A_54 = arith.constant 38 : i32
    %dma_wait3A_55 = arith.constant 0 : i32
    %dma_wait3A_56 = tpu.memref_slice %arg8[%dma_wait3A_54, %dma_wait3A_55] : memref<40x125xi32, #tpu.memory_space<vmem>> -> memref<1x125xi32, #tpu.memory_space<vmem>>
    %dma_wait3A_57 = tpu.memref_squeeze %dma_wait3A_56 : memref<1x125xi32, #tpu.memory_space<vmem>> -> memref<125xi32, #tpu.memory_space<vmem>>
    %dma_wait3A_58 = arith.constant 0 : i32
    %dma_wait3A_59 = arith.constant 0 : i32
    %dma_wait3A_60 = tpu.memref_slice %arg15[%dma_wait3A_58, %dma_wait3A_59] : memref<10240x128xf32, #tpu.memory_space<vmem_shared>> -> memref<10240x128xf32, #tpu.memory_space<vmem_shared>>
    tpu.wait_indirect_dma semaphore(%arg13 : memref<!tpu.dma_semaphore, #tpu.memory_space<semaphore_mem>>) src(%arg9 : memref<125x128xf32, #tpu.memory_space<vmem>>) dst(%dma_wait3A_60 : memref<10240x128xf32, #tpu.memory_space<vmem_shared>>)
    %dma_wait3A_61 = arith.constant 39 : i32
    %dma_wait3A_62 = arith.constant 0 : i32
    %dma_wait3A_63 = tpu.memref_slice %arg8[%dma_wait3A_61, %dma_wait3A_62] : memref<40x125xi32, #tpu.memory_space<vmem>> -> memref<1x125xi32, #tpu.memory_space<vmem>>
    %dma_wait3A_64 = tpu.memref_squeeze %dma_wait3A_63 : memref<1x125xi32, #tpu.memory_space<vmem>> -> memref<125xi32, #tpu.memory_space<vmem>>
    %dma_wait3A_65 = arith.constant 0 : i32
    %dma_wait3A_66 = arith.constant 0 : i32
    %dma_wait3A_67 = tpu.memref_slice %arg15[%dma_wait3A_65, %dma_wait3A_66] : memref<10240x128xf32, #tpu.memory_space<vmem_shared>> -> memref<10240x128xf32, #tpu.memory_space<vmem_shared>>
    tpu.wait_indirect_dma semaphore(%arg14 : memref<!tpu.dma_semaphore, #tpu.memory_space<semaphore_mem>>) src(%arg10 : memref<125x128xf32, #tpu.memory_space<vmem>>) dst(%dma_wait3A_67 : memref<10240x128xf32, #tpu.memory_space<vmem_shared>>)
    %mul3A_68 = arith.constant 80 : i32
    %mul3A_69 = arith.muli %add3A, %mul3A_68 : i32
    %add3A_70 = arith.constant 40 : i32
    %add3A_71 = arith.addi %mul3A_69, %add3A_70 : i32
    "tpu.region"() ({
      %run_scoped3A = tpu.sem_alloc : memref<!tpu.dma_semaphore, #tpu.memory_space<semaphore_mem>>
      %dma_start3A_114 = arith.constant 0 : i32
      %dma_start3A_115 = tpu.memref_slice %arg3[%add3A_71, %dma_start3A_114] : memref<2560x125xi32, #tpu.memory_space<hbm>> -> memref<40x125xi32, #tpu.memory_space<hbm>>
      %dma_start3A_116 = arith.constant 0 : i32
      %dma_start3A_117 = tpu.memref_slice %arg3[%add3A_71, %dma_start3A_116] : memref<2560x125xi32, #tpu.memory_space<hbm>> -> memref<40x125xi32, #tpu.memory_space<hbm>>
      tpu.enqueue_dma source(%dma_start3A_117 : memref<40x125xi32, #tpu.memory_space<hbm>>) target(%arg7 : memref<40x125xi32, #tpu.memory_space<vmem>>) target_semaphore(%run_scoped3A : memref<!tpu.dma_semaphore, #tpu.memory_space<semaphore_mem>>)
      %dma_wait3A_118 = arith.constant 0 : i32
      %dma_wait3A_119 = tpu.memref_slice %arg3[%add3A_71, %dma_wait3A_118] : memref<2560x125xi32, #tpu.memory_space<hbm>> -> memref<40x125xi32, #tpu.memory_space<hbm>>
      %dma_wait3A_120 = arith.constant 0 : i32
      %dma_wait3A_121 = tpu.memref_slice %arg3[%add3A_71, %dma_wait3A_120] : memref<2560x125xi32, #tpu.memory_space<hbm>> -> memref<40x125xi32, #tpu.memory_space<hbm>>
      tpu.wait_dma2 semaphore(%run_scoped3A : memref<!tpu.dma_semaphore, #tpu.memory_space<semaphore_mem>>) src(%dma_wait3A_121 : memref<40x125xi32, #tpu.memory_space<hbm>>) dst(%arg7 : memref<40x125xi32, #tpu.memory_space<vmem>>)
      tpu.yield
    }) : () -> ()
    "tpu.region"() ({
      %run_scoped3A = tpu.sem_alloc : memref<!tpu.dma_semaphore, #tpu.memory_space<semaphore_mem>>
      %dma_start3A_114 = arith.constant 0 : i32
      %dma_start3A_115 = tpu.memref_slice %arg4[%add3A_71, %dma_start3A_114] : memref<2560x125xi32, #tpu.memory_space<hbm>> -> memref<40x125xi32, #tpu.memory_space<hbm>>
      %dma_start3A_116 = arith.constant 0 : i32
      %dma_start3A_117 = tpu.memref_slice %arg4[%add3A_71, %dma_start3A_116] : memref<2560x125xi32, #tpu.memory_space<hbm>> -> memref<40x125xi32, #tpu.memory_space<hbm>>
      tpu.enqueue_dma source(%dma_start3A_117 : memref<40x125xi32, #tpu.memory_space<hbm>>) target(%arg8 : memref<40x125xi32, #tpu.memory_space<vmem>>) target_semaphore(%run_scoped3A : memref<!tpu.dma_semaphore, #tpu.memory_space<semaphore_mem>>)
      %dma_wait3A_118 = arith.constant 0 : i32
      %dma_wait3A_119 = tpu.memref_slice %arg4[%add3A_71, %dma_wait3A_118] : memref<2560x125xi32, #tpu.memory_space<hbm>> -> memref<40x125xi32, #tpu.memory_space<hbm>>
      %dma_wait3A_120 = arith.constant 0 : i32
      %dma_wait3A_121 = tpu.memref_slice %arg4[%add3A_71, %dma_wait3A_120] : memref<2560x125xi32, #tpu.memory_space<hbm>> -> memref<40x125xi32, #tpu.memory_space<hbm>>
      tpu.wait_dma2 semaphore(%run_scoped3A : memref<!tpu.dma_semaphore, #tpu.memory_space<semaphore_mem>>) src(%dma_wait3A_121 : memref<40x125xi32, #tpu.memory_space<hbm>>) dst(%arg8 : memref<40x125xi32, #tpu.memory_space<vmem>>)
      tpu.yield
    }) : () -> ()
    %dma_start3A_72 = arith.constant 0 : i32
    %dma_start3A_73 = arith.constant 0 : i32
    %dma_start3A_74 = tpu.memref_slice %arg7[%dma_start3A_72, %dma_start3A_73] : memref<40x125xi32, #tpu.memory_space<vmem>> -> memref<1x125xi32, #tpu.memory_space<vmem>>
    %dma_start3A_75 = tpu.memref_squeeze %dma_start3A_74 : memref<1x125xi32, #tpu.memory_space<vmem>> -> memref<125xi32, #tpu.memory_space<vmem>>
    %dma_start3A_76 = arith.constant 0 : i32
    %dma_start3A_77 = arith.constant 0 : i32
    %dma_start3A_78 = tpu.memref_slice %arg2[%dma_start3A_76, %dma_start3A_77] : memref<10240x128xf32, #tpu.memory_space<hbm>> -> memref<10240x128xf32, #tpu.memory_space<hbm>>
    tpu.enqueue_indirect_dma source(%dma_start3A_78 : memref<10240x128xf32, #tpu.memory_space<hbm>>) target(%arg9 : memref<125x128xf32, #tpu.memory_space<vmem>>) offsets(%dma_start3A_75 : memref<125xi32, #tpu.memory_space<vmem>>) semaphore(%arg11 : memref<!tpu.dma_semaphore, #tpu.memory_space<semaphore_mem>>)
    %dma_start3A_79 = arith.constant 1 : i32
    %dma_start3A_80 = arith.constant 0 : i32
    %dma_start3A_81 = tpu.memref_slice %arg7[%dma_start3A_79, %dma_start3A_80] : memref<40x125xi32, #tpu.memory_space<vmem>> -> memref<1x125xi32, #tpu.memory_space<vmem>>
    %dma_start3A_82 = tpu.memref_squeeze %dma_start3A_81 : memref<1x125xi32, #tpu.memory_space<vmem>> -> memref<125xi32, #tpu.memory_space<vmem>>
    %dma_start3A_83 = arith.constant 0 : i32
    %dma_start3A_84 = arith.constant 0 : i32
    %dma_start3A_85 = tpu.memref_slice %arg2[%dma_start3A_83, %dma_start3A_84] : memref<10240x128xf32, #tpu.memory_space<hbm>> -> memref<10240x128xf32, #tpu.memory_space<hbm>>
    tpu.enqueue_indirect_dma source(%dma_start3A_85 : memref<10240x128xf32, #tpu.memory_space<hbm>>) target(%arg10 : memref<125x128xf32, #tpu.memory_space<vmem>>) offsets(%dma_start3A_82 : memref<125xi32, #tpu.memory_space<vmem>>) semaphore(%arg12 : memref<!tpu.dma_semaphore, #tpu.memory_space<semaphore_mem>>)
    %scan3A_86 = arith.constant 0 : i32
    %scan3A_87 = arith.constant 0 : i32
    %scan3A_88 = arith.constant 20 : i32
    %scan3A_89 = arith.addi %scan3A_87, %scan3A_88 : i32
    %scan3A_90 = arith.constant 1 : i32
    scf.for %scan3A_114 = %scan3A_87 to %scan3A_89 step %scan3A_90  : i32 {
      %mul3A_115 = arith.constant 2 : i32
      %mul3A_116 = arith.muli %scan3A_114, %mul3A_115 : i32
      %add3A_117 = arith.constant 0 : i32
      %add3A_118 = arith.addi %mul3A_116, %add3A_117 : i32
      %dma_wait3A_119 = arith.constant 0 : i32
      %dma_wait3A_120 = tpu.memref_slice %arg7[%add3A_118, %dma_wait3A_119] : memref<40x125xi32, #tpu.memory_space<vmem>> -> memref<1x125xi32, #tpu.memory_space<vmem>>
      %dma_wait3A_121 = tpu.memref_squeeze %dma_wait3A_120 : memref<1x125xi32, #tpu.memory_space<vmem>> -> memref<125xi32, #tpu.memory_space<vmem>>
      %dma_wait3A_122 = arith.constant 0 : i32
      %dma_wait3A_123 = arith.constant 0 : i32
      %dma_wait3A_124 = tpu.memref_slice %arg2[%dma_wait3A_122, %dma_wait3A_123] : memref<10240x128xf32, #tpu.memory_space<hbm>> -> memref<10240x128xf32, #tpu.memory_space<hbm>>
      tpu.wait_indirect_dma semaphore(%arg11 : memref<!tpu.dma_semaphore, #tpu.memory_space<semaphore_mem>>) src(%dma_wait3A_124 : memref<10240x128xf32, #tpu.memory_space<hbm>>) dst(%arg9 : memref<125x128xf32, #tpu.memory_space<vmem>>)
      %add3A_125 = arith.constant 0 : i32
      %add3A_126 = arith.addi %mul3A_116, %add3A_125 : i32
      %dma_start3A_127 = arith.constant 0 : i32
      %dma_start3A_128 = tpu.memref_slice %arg8[%add3A_126, %dma_start3A_127] : memref<40x125xi32, #tpu.memory_space<vmem>> -> memref<1x125xi32, #tpu.memory_space<vmem>>
      %dma_start3A_129 = tpu.memref_squeeze %dma_start3A_128 : memref<1x125xi32, #tpu.memory_space<vmem>> -> memref<125xi32, #tpu.memory_space<vmem>>
      %dma_start3A_130 = arith.constant 0 : i32
      %dma_start3A_131 = arith.constant 0 : i32
      %dma_start3A_132 = tpu.memref_slice %arg15[%dma_start3A_130, %dma_start3A_131] : memref<10240x128xf32, #tpu.memory_space<vmem_shared>> -> memref<10240x128xf32, #tpu.memory_space<vmem_shared>>
      tpu.enqueue_indirect_dma source(%arg9 : memref<125x128xf32, #tpu.memory_space<vmem>>) target(%dma_start3A_132 : memref<10240x128xf32, #tpu.memory_space<vmem_shared>>) offsets(%dma_start3A_129 : memref<125xi32, #tpu.memory_space<vmem>>) semaphore(%arg13 : memref<!tpu.dma_semaphore, #tpu.memory_space<semaphore_mem>>) {add = true}
      %add3A_133 = arith.constant 1 : i32
      %add3A_134 = arith.addi %mul3A_116, %add3A_133 : i32
      %dma_wait3A_135 = arith.constant 0 : i32
      %dma_wait3A_136 = tpu.memref_slice %arg7[%add3A_134, %dma_wait3A_135] : memref<40x125xi32, #tpu.memory_space<vmem>> -> memref<1x125xi32, #tpu.memory_space<vmem>>
      %dma_wait3A_137 = tpu.memref_squeeze %dma_wait3A_136 : memref<1x125xi32, #tpu.memory_space<vmem>> -> memref<125xi32, #tpu.memory_space<vmem>>
      %dma_wait3A_138 = arith.constant 0 : i32
      %dma_wait3A_139 = arith.constant 0 : i32
      %dma_wait3A_140 = tpu.memref_slice %arg2[%dma_wait3A_138, %dma_wait3A_139] : memref<10240x128xf32, #tpu.memory_space<hbm>> -> memref<10240x128xf32, #tpu.memory_space<hbm>>
      tpu.wait_indirect_dma semaphore(%arg12 : memref<!tpu.dma_semaphore, #tpu.memory_space<semaphore_mem>>) src(%dma_wait3A_140 : memref<10240x128xf32, #tpu.memory_space<hbm>>) dst(%arg10 : memref<125x128xf32, #tpu.memory_space<vmem>>)
      %add3A_141 = arith.constant 1 : i32
      %add3A_142 = arith.addi %mul3A_116, %add3A_141 : i32
      %dma_start3A_143 = arith.constant 0 : i32
      %dma_start3A_144 = tpu.memref_slice %arg8[%add3A_142, %dma_start3A_143] : memref<40x125xi32, #tpu.memory_space<vmem>> -> memref<1x125xi32, #tpu.memory_space<vmem>>
      %dma_start3A_145 = tpu.memref_squeeze %dma_start3A_144 : memref<1x125xi32, #tpu.memory_space<vmem>> -> memref<125xi32, #tpu.memory_space<vmem>>
      %dma_start3A_146 = arith.constant 0 : i32
      %dma_start3A_147 = arith.constant 0 : i32
      %dma_start3A_148 = tpu.memref_slice %arg15[%dma_start3A_146, %dma_start3A_147] : memref<10240x128xf32, #tpu.memory_space<vmem_shared>> -> memref<10240x128xf32, #tpu.memory_space<vmem_shared>>
      tpu.enqueue_indirect_dma source(%arg10 : memref<125x128xf32, #tpu.memory_space<vmem>>) target(%dma_start3A_148 : memref<10240x128xf32, #tpu.memory_space<vmem_shared>>) offsets(%dma_start3A_145 : memref<125xi32, #tpu.memory_space<vmem>>) semaphore(%arg14 : memref<!tpu.dma_semaphore, #tpu.memory_space<semaphore_mem>>) {add = true}
      %add3A_149 = arith.constant 2 : i32
      %add3A_150 = arith.addi %mul3A_116, %add3A_149 : i32
      %add3A_151 = arith.constant 0 : i32
      %add3A_152 = arith.addi %add3A_150, %add3A_151 : i32
      %lt3A = arith.constant 40 : i32
      %lt3A_153 = arith.cmpi slt, %add3A_152, %lt3A : i32
      %convert_element_type3A = arith.extui %lt3A_153 : i1 to i32
      %cond3A = arith.constant 0 : i32
      %cond3A_154 = arith.cmpi ne, %convert_element_type3A, %cond3A : i32
      scf.if %cond3A_154 {
        %add3A_164 = arith.constant 0 : i32
        %add3A_165 = arith.addi %mul3A_116, %add3A_164 : i32
        %dma_wait3A_166 = arith.constant 0 : i32
        %dma_wait3A_167 = tpu.memref_slice %arg8[%add3A_165, %dma_wait3A_166] : memref<40x125xi32, #tpu.memory_space<vmem>> -> memref<1x125xi32, #tpu.memory_space<vmem>>
        %dma_wait3A_168 = tpu.memref_squeeze %dma_wait3A_167 : memref<1x125xi32, #tpu.memory_space<vmem>> -> memref<125xi32, #tpu.memory_space<vmem>>
        %dma_wait3A_169 = arith.constant 0 : i32
        %dma_wait3A_170 = arith.constant 0 : i32
        %dma_wait3A_171 = tpu.memref_slice %arg15[%dma_wait3A_169, %dma_wait3A_170] : memref<10240x128xf32, #tpu.memory_space<vmem_shared>> -> memref<10240x128xf32, #tpu.memory_space<vmem_shared>>
        tpu.wait_indirect_dma semaphore(%arg13 : memref<!tpu.dma_semaphore, #tpu.memory_space<semaphore_mem>>) src(%arg9 : memref<125x128xf32, #tpu.memory_space<vmem>>) dst(%dma_wait3A_171 : memref<10240x128xf32, #tpu.memory_space<vmem_shared>>)
        %add3A_172 = arith.constant 2 : i32
        %add3A_173 = arith.addi %mul3A_116, %add3A_172 : i32
        %add3A_174 = arith.constant 0 : i32
        %add3A_175 = arith.addi %add3A_173, %add3A_174 : i32
        %dma_start3A_176 = arith.constant 0 : i32
        %dma_start3A_177 = tpu.memref_slice %arg7[%add3A_175, %dma_start3A_176] : memref<40x125xi32, #tpu.memory_space<vmem>> -> memref<1x125xi32, #tpu.memory_space<vmem>>
        %dma_start3A_178 = tpu.memref_squeeze %dma_start3A_177 : memref<1x125xi32, #tpu.memory_space<vmem>> -> memref<125xi32, #tpu.memory_space<vmem>>
        %dma_start3A_179 = arith.constant 0 : i32
        %dma_start3A_180 = arith.constant 0 : i32
        %dma_start3A_181 = tpu.memref_slice %arg2[%dma_start3A_179, %dma_start3A_180] : memref<10240x128xf32, #tpu.memory_space<hbm>> -> memref<10240x128xf32, #tpu.memory_space<hbm>>
        tpu.enqueue_indirect_dma source(%dma_start3A_181 : memref<10240x128xf32, #tpu.memory_space<hbm>>) target(%arg9 : memref<125x128xf32, #tpu.memory_space<vmem>>) offsets(%dma_start3A_178 : memref<125xi32, #tpu.memory_space<vmem>>) semaphore(%arg11 : memref<!tpu.dma_semaphore, #tpu.memory_space<semaphore_mem>>)
      } else {
      }
      %add3A_155 = arith.constant 2 : i32
      %add3A_156 = arith.addi %mul3A_116, %add3A_155 : i32
      %add3A_157 = arith.constant 1 : i32
      %add3A_158 = arith.addi %add3A_156, %add3A_157 : i32
      %lt3A_159 = arith.constant 40 : i32
      %lt3A_160 = arith.cmpi slt, %add3A_158, %lt3A_159 : i32
      %convert_element_type3A_161 = arith.extui %lt3A_160 : i1 to i32
      %cond3A_162 = arith.constant 0 : i32
      %cond3A_163 = arith.cmpi ne, %convert_element_type3A_161, %cond3A_162 : i32
      scf.if %cond3A_163 {
        %add3A_164 = arith.constant 1 : i32
        %add3A_165 = arith.addi %mul3A_116, %add3A_164 : i32
        %dma_wait3A_166 = arith.constant 0 : i32
        %dma_wait3A_167 = tpu.memref_slice %arg8[%add3A_165, %dma_wait3A_166] : memref<40x125xi32, #tpu.memory_space<vmem>> -> memref<1x125xi32, #tpu.memory_space<vmem>>
        %dma_wait3A_168 = tpu.memref_squeeze %dma_wait3A_167 : memref<1x125xi32, #tpu.memory_space<vmem>> -> memref<125xi32, #tpu.memory_space<vmem>>
        %dma_wait3A_169 = arith.constant 0 : i32
        %dma_wait3A_170 = arith.constant 0 : i32
        %dma_wait3A_171 = tpu.memref_slice %arg15[%dma_wait3A_169, %dma_wait3A_170] : memref<10240x128xf32, #tpu.memory_space<vmem_shared>> -> memref<10240x128xf32, #tpu.memory_space<vmem_shared>>
        tpu.wait_indirect_dma semaphore(%arg14 : memref<!tpu.dma_semaphore, #tpu.memory_space<semaphore_mem>>) src(%arg10 : memref<125x128xf32, #tpu.memory_space<vmem>>) dst(%dma_wait3A_171 : memref<10240x128xf32, #tpu.memory_space<vmem_shared>>)
        %add3A_172 = arith.constant 2 : i32
        %add3A_173 = arith.addi %mul3A_116, %add3A_172 : i32
        %add3A_174 = arith.constant 1 : i32
        %add3A_175 = arith.addi %add3A_173, %add3A_174 : i32
        %dma_start3A_176 = arith.constant 0 : i32
        %dma_start3A_177 = tpu.memref_slice %arg7[%add3A_175, %dma_start3A_176] : memref<40x125xi32, #tpu.memory_space<vmem>> -> memref<1x125xi32, #tpu.memory_space<vmem>>
        %dma_start3A_178 = tpu.memref_squeeze %dma_start3A_177 : memref<1x125xi32, #tpu.memory_space<vmem>> -> memref<125xi32, #tpu.memory_space<vmem>>
        %dma_start3A_179 = arith.constant 0 : i32
        %dma_start3A_180 = arith.constant 0 : i32
        %dma_start3A_181 = tpu.memref_slice %arg2[%dma_start3A_179, %dma_start3A_180] : memref<10240x128xf32, #tpu.memory_space<hbm>> -> memref<10240x128xf32, #tpu.memory_space<hbm>>
        tpu.enqueue_indirect_dma source(%dma_start3A_181 : memref<10240x128xf32, #tpu.memory_space<hbm>>) target(%arg10 : memref<125x128xf32, #tpu.memory_space<vmem>>) offsets(%dma_start3A_178 : memref<125xi32, #tpu.memory_space<vmem>>) semaphore(%arg12 : memref<!tpu.dma_semaphore, #tpu.memory_space<semaphore_mem>>)
      } else {
      }
    }
    %scan3A_91 = arith.constant 20 : i32
    %dma_wait3A_92 = arith.constant 38 : i32
    %dma_wait3A_93 = arith.constant 0 : i32
    %dma_wait3A_94 = tpu.memref_slice %arg8[%dma_wait3A_92, %dma_wait3A_93] : memref<40x125xi32, #tpu.memory_space<vmem>> -> memref<1x125xi32, #tpu.memory_space<vmem>>
    %dma_wait3A_95 = tpu.memref_squeeze %dma_wait3A_94 : memref<1x125xi32, #tpu.memory_space<vmem>> -> memref<125xi32, #tpu.memory_space<vmem>>
    %dma_wait3A_96 = arith.constant 0 : i32
    %dma_wait3A_97 = arith.constant 0 : i32
    %dma_wait3A_98 = tpu.memref_slice %arg15[%dma_wait3A_96, %dma_wait3A_97] : memref<10240x128xf32, #tpu.memory_space<vmem_shared>> -> memref<10240x128xf32, #tpu.memory_space<vmem_shared>>
    tpu.wait_indirect_dma semaphore(%arg13 : memref<!tpu.dma_semaphore, #tpu.memory_space<semaphore_mem>>) src(%arg9 : memref<125x128xf32, #tpu.memory_space<vmem>>) dst(%dma_wait3A_98 : memref<10240x128xf32, #tpu.memory_space<vmem_shared>>)
    %dma_wait3A_99 = arith.constant 39 : i32
    %dma_wait3A_100 = arith.constant 0 : i32
    %dma_wait3A_101 = tpu.memref_slice %arg8[%dma_wait3A_99, %dma_wait3A_100] : memref<40x125xi32, #tpu.memory_space<vmem>> -> memref<1x125xi32, #tpu.memory_space<vmem>>
    %dma_wait3A_102 = tpu.memref_squeeze %dma_wait3A_101 : memref<1x125xi32, #tpu.memory_space<vmem>> -> memref<125xi32, #tpu.memory_space<vmem>>
    %dma_wait3A_103 = arith.constant 0 : i32
    %dma_wait3A_104 = arith.constant 0 : i32
    %dma_wait3A_105 = tpu.memref_slice %arg15[%dma_wait3A_103, %dma_wait3A_104] : memref<10240x128xf32, #tpu.memory_space<vmem_shared>> -> memref<10240x128xf32, #tpu.memory_space<vmem_shared>>
    tpu.wait_indirect_dma semaphore(%arg14 : memref<!tpu.dma_semaphore, #tpu.memory_space<semaphore_mem>>) src(%arg10 : memref<125x128xf32, #tpu.memory_space<vmem>>) dst(%dma_wait3A_105 : memref<10240x128xf32, #tpu.memory_space<vmem_shared>>)
    %barrier3A_106 = arith.constant 0 : index
    tpu.barrier barrier_id(%barrier3A_106)
    %mul3A_107 = arith.constant 640 : i32
    %mul3A_108 = arith.muli %arg1, %mul3A_107 : i32
    %mul3A_109 = arith.constant 10240 : i32
    %mul3A_110 = arith.muli %arg0, %mul3A_109 : i32
    %mul3A_111 = arith.constant 640 : i32
    %mul3A_112 = arith.muli %arg1, %mul3A_111 : i32
    %add3A_113 = arith.addi %mul3A_110, %mul3A_112 : i32
    "tpu.region"() ({
      %run_scoped3A = tpu.sem_alloc : memref<!tpu.dma_semaphore, #tpu.memory_space<semaphore_mem>>
      %dma_start3A_114 = arith.constant 0 : i32
      %dma_start3A_115 = tpu.memref_slice %arg6[%add3A_113, %dma_start3A_114] : memref<20480x128xf32, #tpu.memory_space<hbm>> -> memref<640x128xf32, #tpu.memory_space<hbm>>
      %dma_start3A_116 = arith.constant 0 : i32
      %dma_start3A_117 = tpu.memref_slice %arg15[%mul3A_108, %dma_start3A_116] : memref<10240x128xf32, #tpu.memory_space<vmem_shared>> -> memref<640x128xf32, #tpu.memory_space<vmem_shared>>
      tpu.enqueue_dma source(%dma_start3A_117 : memref<640x128xf32, #tpu.memory_space<vmem_shared>>) target(%dma_start3A_115 : memref<640x128xf32, #tpu.memory_space<hbm>>) target_semaphore(%run_scoped3A : memref<!tpu.dma_semaphore, #tpu.memory_space<semaphore_mem>>)
      %dma_wait3A_118 = arith.constant 0 : i32
      %dma_wait3A_119 = tpu.memref_slice %arg6[%add3A_113, %dma_wait3A_118] : memref<20480x128xf32, #tpu.memory_space<hbm>> -> memref<640x128xf32, #tpu.memory_space<hbm>>
      %dma_wait3A_120 = arith.constant 0 : i32
      %dma_wait3A_121 = tpu.memref_slice %arg15[%mul3A_108, %dma_wait3A_120] : memref<10240x128xf32, #tpu.memory_space<vmem_shared>> -> memref<640x128xf32, #tpu.memory_space<vmem_shared>>
      tpu.wait_dma2 semaphore(%run_scoped3A : memref<!tpu.dma_semaphore, #tpu.memory_space<semaphore_mem>>) src(%dma_wait3A_121 : memref<640x128xf32, #tpu.memory_space<vmem_shared>>) dst(%dma_wait3A_119 : memref<640x128xf32, #tpu.memory_space<hbm>>)
      tpu.yield
    }) : () -> ()
    return
  }
}

#map = affine_map<(d0, d1) -> (0, 0)>
module attributes {stable_mosaic.version = 14 : i64} {
  func.func @spmv(%arg0: i32, %arg1: i32, %arg2: memref<10240x128xf32, #tpu.memory_space<hbm>>, %arg3: memref<2560x125xi32, #tpu.memory_space<hbm>>, %arg4: memref<2560x125xi32, #tpu.memory_space<hbm>>, %arg5: memref<640x128xf32, #tpu.memory_space<hbm>>, %arg6: memref<20480x128xf32, #tpu.memory_space<hbm>>, %arg7: memref<40x125xi32, #tpu.memory_space<vmem>>, %arg8: memref<40x125xi32, #tpu.memory_space<vmem>>, %arg9: memref<125x128xf32, #tpu.memory_space<vmem>>, %arg10: memref<125x128xf32, #tpu.memory_space<vmem>>, %arg11: memref<!tpu.dma_semaphore, #tpu.memory_space<semaphore_mem>>, %arg12: memref<!tpu.dma_semaphore, #tpu.memory_space<semaphore_mem>>, %arg13: memref<!tpu.dma_semaphore, #tpu.memory_space<semaphore_mem>>, %arg14: memref<!tpu.dma_semaphore, #tpu.memory_space<semaphore_mem>>, %arg15: memref<10240x128xf32, #tpu.memory_space<vmem_shared>>) attributes {dimension_semantics = [#tpu.dimension_semantics<core_parallel>, #tpu.dimension_semantics<subcore_parallel>], iteration_bounds = array<i64: 2, 16>, scalar_prefetch = 0 : i64, scratch_operands = 9 : i64, tpu.core_type = #tpu.core_type<sc_vector_subcore>, window_params = [{transform_indices = #map}, {transform_indices = #map}, {transform_indices = #map}, {transform_indices = #map}, {transform_indices = #map}]} {
    %mul3A = arith.constant 2 : i32
    %mul3A_0 = arith.muli %arg1, %mul3A : i32
    %add3A = arith.addi %mul3A_0, %arg0 : i32
    %mul3A_1 = arith.constant 640 : i32
    %mul3A_2 = arith.muli %arg1, %mul3A_1 : i32
    %dma_start3A = arith.constant 0 : i32
    %dma_start3A_3 = tpu.memref_slice %arg15[%mul3A_2, %dma_start3A] : memref<10240x128xf32, #tpu.memory_space<vmem_shared>> -> memref<640x128xf32, #tpu.memory_space<vmem_shared>>
    tpu.enqueue_dma source(%arg5 : memref<640x128xf32, #tpu.memory_space<hbm>>) target(%dma_start3A_3 : memref<640x128xf32, #tpu.memory_space<vmem_shared>>) target_semaphore(%arg13 : memref<!tpu.dma_semaphore, #tpu.memory_space<semaphore_mem>>)
    %mul3A_4 = arith.constant 80 : i32
    %mul3A_5 = arith.muli %add3A, %mul3A_4 : i32
    %dma_start3A_6 = arith.constant 0 : i32
    %dma_start3A_7 = tpu.memref_slice %arg3[%mul3A_5, %dma_start3A_6] : memref<2560x125xi32, #tpu.memory_space<hbm>> -> memref<40x125xi32, #tpu.memory_space<hbm>>
    %dma_start3A_8 = arith.constant 0 : i32
    %dma_start3A_9 = tpu.memref_slice %arg3[%mul3A_5, %dma_start3A_8] : memref<2560x125xi32, #tpu.memory_space<hbm>> -> memref<40x125xi32, #tpu.memory_space<hbm>>
    tpu.enqueue_dma source(%dma_start3A_9 : memref<40x125xi32, #tpu.memory_space<hbm>>) target(%arg7 : memref<40x125xi32, #tpu.memory_space<vmem>>) target_semaphore(%arg11 : memref<!tpu.dma_semaphore, #tpu.memory_space<semaphore_mem>>)
    %mul3A_10 = arith.constant 80 : i32
    %mul3A_11 = arith.muli %add3A, %mul3A_10 : i32
    %dma_start3A_12 = arith.constant 0 : i32
    %dma_start3A_13 = tpu.memref_slice %arg4[%mul3A_11, %dma_start3A_12] : memref<2560x125xi32, #tpu.memory_space<hbm>> -> memref<40x125xi32, #tpu.memory_space<hbm>>
    %dma_start3A_14 = arith.constant 0 : i32
    %dma_start3A_15 = tpu.memref_slice %arg4[%mul3A_11, %dma_start3A_14] : memref<2560x125xi32, #tpu.memory_space<hbm>> -> memref<40x125xi32, #tpu.memory_space<hbm>>
    tpu.enqueue_dma source(%dma_start3A_15 : memref<40x125xi32, #tpu.memory_space<hbm>>) target(%arg8 : memref<40x125xi32, #tpu.memory_space<vmem>>) target_semaphore(%arg12 : memref<!tpu.dma_semaphore, #tpu.memory_space<semaphore_mem>>)
    %mul3A_16 = arith.constant 640 : i32
    %mul3A_17 = arith.muli %arg1, %mul3A_16 : i32
    %dma_wait3A = arith.constant 0 : i32
    %dma_wait3A_18 = tpu.memref_slice %arg15[%mul3A_17, %dma_wait3A] : memref<10240x128xf32, #tpu.memory_space<vmem_shared>> -> memref<640x128xf32, #tpu.memory_space<vmem_shared>>
    tpu.wait_dma2 semaphore(%arg13 : memref<!tpu.dma_semaphore, #tpu.memory_space<semaphore_mem>>) src(%arg5 : memref<640x128xf32, #tpu.memory_space<hbm>>) dst(%dma_wait3A_18 : memref<640x128xf32, #tpu.memory_space<vmem_shared>>)
    %mul3A_19 = arith.constant 80 : i32
    %mul3A_20 = arith.muli %add3A, %mul3A_19 : i32
    %dma_wait3A_21 = arith.constant 0 : i32
    %dma_wait3A_22 = tpu.memref_slice %arg3[%mul3A_20, %dma_wait3A_21] : memref<2560x125xi32, #tpu.memory_space<hbm>> -> memref<40x125xi32, #tpu.memory_space<hbm>>
    %dma_wait3A_23 = arith.constant 0 : i32
    %dma_wait3A_24 = tpu.memref_slice %arg3[%mul3A_20, %dma_wait3A_23] : memref<2560x125xi32, #tpu.memory_space<hbm>> -> memref<40x125xi32, #tpu.memory_space<hbm>>
    tpu.wait_dma2 semaphore(%arg11 : memref<!tpu.dma_semaphore, #tpu.memory_space<semaphore_mem>>) src(%dma_wait3A_24 : memref<40x125xi32, #tpu.memory_space<hbm>>) dst(%arg7 : memref<40x125xi32, #tpu.memory_space<vmem>>)
    %mul3A_25 = arith.constant 80 : i32
    %mul3A_26 = arith.muli %add3A, %mul3A_25 : i32
    %dma_wait3A_27 = arith.constant 0 : i32
    %dma_wait3A_28 = tpu.memref_slice %arg4[%mul3A_26, %dma_wait3A_27] : memref<2560x125xi32, #tpu.memory_space<hbm>> -> memref<40x125xi32, #tpu.memory_space<hbm>>
    %dma_wait3A_29 = arith.constant 0 : i32
    %dma_wait3A_30 = tpu.memref_slice %arg4[%mul3A_26, %dma_wait3A_29] : memref<2560x125xi32, #tpu.memory_space<hbm>> -> memref<40x125xi32, #tpu.memory_space<hbm>>
    tpu.wait_dma2 semaphore(%arg12 : memref<!tpu.dma_semaphore, #tpu.memory_space<semaphore_mem>>) src(%dma_wait3A_30 : memref<40x125xi32, #tpu.memory_space<hbm>>) dst(%arg8 : memref<40x125xi32, #tpu.memory_space<vmem>>)
    %barrier3A = arith.constant 0 : index
    tpu.barrier barrier_id(%barrier3A)
    %mul3A_31 = arith.constant 80 : i32
    %mul3A_32 = arith.muli %add3A, %mul3A_31 : i32
    %add3A_33 = arith.constant 0 : i32
    %add3A_34 = arith.addi %mul3A_32, %add3A_33 : i32
    %dma_start3A_35 = arith.constant 0 : i32
    %dma_start3A_36 = arith.constant 0 : i32
    %dma_start3A_37 = tpu.memref_slice %arg7[%dma_start3A_35, %dma_start3A_36] : memref<40x125xi32, #tpu.memory_space<vmem>> -> memref<1x125xi32, #tpu.memory_space<vmem>>
    %dma_start3A_38 = tpu.memref_squeeze %dma_start3A_37 : memref<1x125xi32, #tpu.memory_space<vmem>> -> memref<125xi32, #tpu.memory_space<vmem>>
    %dma_start3A_39 = arith.constant 0 : i32
    %dma_start3A_40 = arith.constant 0 : i32
    %dma_start3A_41 = tpu.memref_slice %arg2[%dma_start3A_39, %dma_start3A_40] : memref<10240x128xf32, #tpu.memory_space<hbm>> -> memref<10240x128xf32, #tpu.memory_space<hbm>>
    tpu.enqueue_indirect_dma source(%dma_start3A_41 : memref<10240x128xf32, #tpu.memory_space<hbm>>) target(%arg9 : memref<125x128xf32, #tpu.memory_space<vmem>>) offsets(%dma_start3A_38 : memref<125xi32, #tpu.memory_space<vmem>>) semaphore(%arg11 : memref<!tpu.dma_semaphore, #tpu.memory_space<semaphore_mem>>)
    %dma_start3A_42 = arith.constant 1 : i32
    %dma_start3A_43 = arith.constant 0 : i32
    %dma_start3A_44 = tpu.memref_slice %arg7[%dma_start3A_42, %dma_start3A_43] : memref<40x125xi32, #tpu.memory_space<vmem>> -> memref<1x125xi32, #tpu.memory_space<vmem>>
    %dma_start3A_45 = tpu.memref_squeeze %dma_start3A_44 : memref<1x125xi32, #tpu.memory_space<vmem>> -> memref<125xi32, #tpu.memory_space<vmem>>
    %dma_start3A_46 = arith.constant 0 : i32
    %dma_start3A_47 = arith.constant 0 : i32
    %dma_start3A_48 = tpu.memref_slice %arg2[%dma_start3A_46, %dma_start3A_47] : memref<10240x128xf32, #tpu.memory_space<hbm>> -> memref<10240x128xf32, #tpu.memory_space<hbm>>
    tpu.enqueue_indirect_dma source(%dma_start3A_48 : memref<10240x128xf32, #tpu.memory_space<hbm>>) target(%arg10 : memref<125x128xf32, #tpu.memory_space<vmem>>) offsets(%dma_start3A_45 : memref<125xi32, #tpu.memory_space<vmem>>) semaphore(%arg12 : memref<!tpu.dma_semaphore, #tpu.memory_space<semaphore_mem>>)
    %scan3A = arith.constant 0 : i32
    %scan3A_49 = arith.constant 0 : i32
    %scan3A_50 = arith.constant 20 : i32
    %scan3A_51 = arith.addi %scan3A_49, %scan3A_50 : i32
    %scan3A_52 = arith.constant 1 : i32
    scf.for %scan3A_114 = %scan3A_49 to %scan3A_51 step %scan3A_52  : i32 {
      %mul3A_115 = arith.constant 2 : i32
      %mul3A_116 = arith.muli %scan3A_114, %mul3A_115 : i32
      %add3A_117 = arith.constant 0 : i32
      %add3A_118 = arith.addi %mul3A_116, %add3A_117 : i32
      %dma_wait3A_119 = arith.constant 0 : i32
      %dma_wait3A_120 = tpu.memref_slice %arg7[%add3A_118, %dma_wait3A_119] : memref<40x125xi32, #tpu.memory_space<vmem>> -> memref<1x125xi32, #tpu.memory_space<vmem>>
      %dma_wait3A_121 = tpu.memref_squeeze %dma_wait3A_120 : memref<1x125xi32, #tpu.memory_space<vmem>> -> memref<125xi32, #tpu.memory_space<vmem>>
      %dma_wait3A_122 = arith.constant 0 : i32
      %dma_wait3A_123 = arith.constant 0 : i32
      %dma_wait3A_124 = tpu.memref_slice %arg2[%dma_wait3A_122, %dma_wait3A_123] : memref<10240x128xf32, #tpu.memory_space<hbm>> -> memref<10240x128xf32, #tpu.memory_space<hbm>>
      tpu.wait_indirect_dma semaphore(%arg11 : memref<!tpu.dma_semaphore, #tpu.memory_space<semaphore_mem>>) src(%dma_wait3A_124 : memref<10240x128xf32, #tpu.memory_space<hbm>>) dst(%arg9 : memref<125x128xf32, #tpu.memory_space<vmem>>)
      %add3A_125 = arith.constant 0 : i32
      %add3A_126 = arith.addi %mul3A_116, %add3A_125 : i32
      %dma_start3A_127 = arith.constant 0 : i32
      %dma_start3A_128 = tpu.memref_slice %arg8[%add3A_126, %dma_start3A_127] : memref<40x125xi32, #tpu.memory_space<vmem>> -> memref<1x125xi32, #tpu.memory_space<vmem>>
      %dma_start3A_129 = tpu.memref_squeeze %dma_start3A_128 : memref<1x125xi32, #tpu.memory_space<vmem>> -> memref<125xi32, #tpu.memory_space<vmem>>
      %dma_start3A_130 = arith.constant 0 : i32
      %dma_start3A_131 = arith.constant 0 : i32
      %dma_start3A_132 = tpu.memref_slice %arg15[%dma_start3A_130, %dma_start3A_131] : memref<10240x128xf32, #tpu.memory_space<vmem_shared>> -> memref<10240x128xf32, #tpu.memory_space<vmem_shared>>
      tpu.enqueue_indirect_dma source(%arg9 : memref<125x128xf32, #tpu.memory_space<vmem>>) target(%dma_start3A_132 : memref<10240x128xf32, #tpu.memory_space<vmem_shared>>) offsets(%dma_start3A_129 : memref<125xi32, #tpu.memory_space<vmem>>) semaphore(%arg13 : memref<!tpu.dma_semaphore, #tpu.memory_space<semaphore_mem>>) {add = true}
      %add3A_133 = arith.constant 1 : i32
      %add3A_134 = arith.addi %mul3A_116, %add3A_133 : i32
      %dma_wait3A_135 = arith.constant 0 : i32
      %dma_wait3A_136 = tpu.memref_slice %arg7[%add3A_134, %dma_wait3A_135] : memref<40x125xi32, #tpu.memory_space<vmem>> -> memref<1x125xi32, #tpu.memory_space<vmem>>
      %dma_wait3A_137 = tpu.memref_squeeze %dma_wait3A_136 : memref<1x125xi32, #tpu.memory_space<vmem>> -> memref<125xi32, #tpu.memory_space<vmem>>
      %dma_wait3A_138 = arith.constant 0 : i32
      %dma_wait3A_139 = arith.constant 0 : i32
      %dma_wait3A_140 = tpu.memref_slice %arg2[%dma_wait3A_138, %dma_wait3A_139] : memref<10240x128xf32, #tpu.memory_space<hbm>> -> memref<10240x128xf32, #tpu.memory_space<hbm>>
      tpu.wait_indirect_dma semaphore(%arg12 : memref<!tpu.dma_semaphore, #tpu.memory_space<semaphore_mem>>) src(%dma_wait3A_140 : memref<10240x128xf32, #tpu.memory_space<hbm>>) dst(%arg10 : memref<125x128xf32, #tpu.memory_space<vmem>>)
      %add3A_141 = arith.constant 1 : i32
      %add3A_142 = arith.addi %mul3A_116, %add3A_141 : i32
      %dma_start3A_143 = arith.constant 0 : i32
      %dma_start3A_144 = tpu.memref_slice %arg8[%add3A_142, %dma_start3A_143] : memref<40x125xi32, #tpu.memory_space<vmem>> -> memref<1x125xi32, #tpu.memory_space<vmem>>
      %dma_start3A_145 = tpu.memref_squeeze %dma_start3A_144 : memref<1x125xi32, #tpu.memory_space<vmem>> -> memref<125xi32, #tpu.memory_space<vmem>>
      %dma_start3A_146 = arith.constant 0 : i32
      %dma_start3A_147 = arith.constant 0 : i32
      %dma_start3A_148 = tpu.memref_slice %arg15[%dma_start3A_146, %dma_start3A_147] : memref<10240x128xf32, #tpu.memory_space<vmem_shared>> -> memref<10240x128xf32, #tpu.memory_space<vmem_shared>>
      tpu.enqueue_indirect_dma source(%arg10 : memref<125x128xf32, #tpu.memory_space<vmem>>) target(%dma_start3A_148 : memref<10240x128xf32, #tpu.memory_space<vmem_shared>>) offsets(%dma_start3A_145 : memref<125xi32, #tpu.memory_space<vmem>>) semaphore(%arg14 : memref<!tpu.dma_semaphore, #tpu.memory_space<semaphore_mem>>) {add = true}
      %add3A_149 = arith.constant 2 : i32
      %add3A_150 = arith.addi %mul3A_116, %add3A_149 : i32
      %add3A_151 = arith.constant 0 : i32
      %add3A_152 = arith.addi %add3A_150, %add3A_151 : i32
      %lt3A = arith.constant 40 : i32
      %lt3A_153 = arith.cmpi slt, %add3A_152, %lt3A : i32
      %convert_element_type3A = arith.extui %lt3A_153 : i1 to i32
      %cond3A = arith.constant 0 : i32
      %cond3A_154 = arith.cmpi ne, %convert_element_type3A, %cond3A : i32
      scf.if %cond3A_154 {
        %add3A_164 = arith.constant 0 : i32
        %add3A_165 = arith.addi %mul3A_116, %add3A_164 : i32
        %dma_wait3A_166 = arith.constant 0 : i32
        %dma_wait3A_167 = tpu.memref_slice %arg8[%add3A_165, %dma_wait3A_166] : memref<40x125xi32, #tpu.memory_space<vmem>> -> memref<1x125xi32, #tpu.memory_space<vmem>>
        %dma_wait3A_168 = tpu.memref_squeeze %dma_wait3A_167 : memref<1x125xi32, #tpu.memory_space<vmem>> -> memref<125xi32, #tpu.memory_space<vmem>>
        %dma_wait3A_169 = arith.constant 0 : i32
        %dma_wait3A_170 = arith.constant 0 : i32
        %dma_wait3A_171 = tpu.memref_slice %arg15[%dma_wait3A_169, %dma_wait3A_170] : memref<10240x128xf32, #tpu.memory_space<vmem_shared>> -> memref<10240x128xf32, #tpu.memory_space<vmem_shared>>
        tpu.wait_indirect_dma semaphore(%arg13 : memref<!tpu.dma_semaphore, #tpu.memory_space<semaphore_mem>>) src(%arg9 : memref<125x128xf32, #tpu.memory_space<vmem>>) dst(%dma_wait3A_171 : memref<10240x128xf32, #tpu.memory_space<vmem_shared>>)
        %add3A_172 = arith.constant 2 : i32
        %add3A_173 = arith.addi %mul3A_116, %add3A_172 : i32
        %add3A_174 = arith.constant 0 : i32
        %add3A_175 = arith.addi %add3A_173, %add3A_174 : i32
        %dma_start3A_176 = arith.constant 0 : i32
        %dma_start3A_177 = tpu.memref_slice %arg7[%add3A_175, %dma_start3A_176] : memref<40x125xi32, #tpu.memory_space<vmem>> -> memref<1x125xi32, #tpu.memory_space<vmem>>
        %dma_start3A_178 = tpu.memref_squeeze %dma_start3A_177 : memref<1x125xi32, #tpu.memory_space<vmem>> -> memref<125xi32, #tpu.memory_space<vmem>>
        %dma_start3A_179 = arith.constant 0 : i32
        %dma_start3A_180 = arith.constant 0 : i32
        %dma_start3A_181 = tpu.memref_slice %arg2[%dma_start3A_179, %dma_start3A_180] : memref<10240x128xf32, #tpu.memory_space<hbm>> -> memref<10240x128xf32, #tpu.memory_space<hbm>>
        tpu.enqueue_indirect_dma source(%dma_start3A_181 : memref<10240x128xf32, #tpu.memory_space<hbm>>) target(%arg9 : memref<125x128xf32, #tpu.memory_space<vmem>>) offsets(%dma_start3A_178 : memref<125xi32, #tpu.memory_space<vmem>>) semaphore(%arg11 : memref<!tpu.dma_semaphore, #tpu.memory_space<semaphore_mem>>)
      } else {
      }
      %add3A_155 = arith.constant 2 : i32
      %add3A_156 = arith.addi %mul3A_116, %add3A_155 : i32
      %add3A_157 = arith.constant 1 : i32
      %add3A_158 = arith.addi %add3A_156, %add3A_157 : i32
      %lt3A_159 = arith.constant 40 : i32
      %lt3A_160 = arith.cmpi slt, %add3A_158, %lt3A_159 : i32
      %convert_element_type3A_161 = arith.extui %lt3A_160 : i1 to i32
      %cond3A_162 = arith.constant 0 : i32
      %cond3A_163 = arith.cmpi ne, %convert_element_type3A_161, %cond3A_162 : i32
      scf.if %cond3A_163 {
        %add3A_164 = arith.constant 1 : i32
        %add3A_165 = arith.addi %mul3A_116, %add3A_164 : i32
        %dma_wait3A_166 = arith.constant 0 : i32
        %dma_wait3A_167 = tpu.memref_slice %arg8[%add3A_165, %dma_wait3A_166] : memref<40x125xi32, #tpu.memory_space<vmem>> -> memref<1x125xi32, #tpu.memory_space<vmem>>
        %dma_wait3A_168 = tpu.memref_squeeze %dma_wait3A_167 : memref<1x125xi32, #tpu.memory_space<vmem>> -> memref<125xi32, #tpu.memory_space<vmem>>
        %dma_wait3A_169 = arith.constant 0 : i32
        %dma_wait3A_170 = arith.constant 0 : i32
        %dma_wait3A_171 = tpu.memref_slice %arg15[%dma_wait3A_169, %dma_wait3A_170] : memref<10240x128xf32, #tpu.memory_space<vmem_shared>> -> memref<10240x128xf32, #tpu.memory_space<vmem_shared>>
        tpu.wait_indirect_dma semaphore(%arg14 : memref<!tpu.dma_semaphore, #tpu.memory_space<semaphore_mem>>) src(%arg10 : memref<125x128xf32, #tpu.memory_space<vmem>>) dst(%dma_wait3A_171 : memref<10240x128xf32, #tpu.memory_space<vmem_shared>>)
        %add3A_172 = arith.constant 2 : i32
        %add3A_173 = arith.addi %mul3A_116, %add3A_172 : i32
        %add3A_174 = arith.constant 1 : i32
        %add3A_175 = arith.addi %add3A_173, %add3A_174 : i32
        %dma_start3A_176 = arith.constant 0 : i32
        %dma_start3A_177 = tpu.memref_slice %arg7[%add3A_175, %dma_start3A_176] : memref<40x125xi32, #tpu.memory_space<vmem>> -> memref<1x125xi32, #tpu.memory_space<vmem>>
        %dma_start3A_178 = tpu.memref_squeeze %dma_start3A_177 : memref<1x125xi32, #tpu.memory_space<vmem>> -> memref<125xi32, #tpu.memory_space<vmem>>
        %dma_start3A_179 = arith.constant 0 : i32
        %dma_start3A_180 = arith.constant 0 : i32
        %dma_start3A_181 = tpu.memref_slice %arg2[%dma_start3A_179, %dma_start3A_180] : memref<10240x128xf32, #tpu.memory_space<hbm>> -> memref<10240x128xf32, #tpu.memory_space<hbm>>
        tpu.enqueue_indirect_dma source(%dma_start3A_181 : memref<10240x128xf32, #tpu.memory_space<hbm>>) target(%arg10 : memref<125x128xf32, #tpu.memory_space<vmem>>) offsets(%dma_start3A_178 : memref<125xi32, #tpu.memory_space<vmem>>) semaphore(%arg12 : memref<!tpu.dma_semaphore, #tpu.memory_space<semaphore_mem>>)
      } else {
      }
    }
    %scan3A_53 = arith.constant 20 : i32
    %dma_wait3A_54 = arith.constant 38 : i32
    %dma_wait3A_55 = arith.constant 0 : i32
    %dma_wait3A_56 = tpu.memref_slice %arg8[%dma_wait3A_54, %dma_wait3A_55] : memref<40x125xi32, #tpu.memory_space<vmem>> -> memref<1x125xi32, #tpu.memory_space<vmem>>
    %dma_wait3A_57 = tpu.memref_squeeze %dma_wait3A_56 : memref<1x125xi32, #tpu.memory_space<vmem>> -> memref<125xi32, #tpu.memory_space<vmem>>
    %dma_wait3A_58 = arith.constant 0 : i32
    %dma_wait3A_59 = arith.constant 0 : i32
    %dma_wait3A_60 = tpu.memref_slice %arg15[%dma_wait3A_58, %dma_wait3A_59] : memref<10240x128xf32, #tpu.memory_space<vmem_shared>> -> memref<10240x128xf32, #tpu.memory_space<vmem_shared>>
    tpu.wait_indirect_dma semaphore(%arg13 : memref<!tpu.dma_semaphore, #tpu.memory_space<semaphore_mem>>) src(%arg9 : memref<125x128xf32, #tpu.memory_space<vmem>>) dst(%dma_wait3A_60 : memref<10240x128xf32, #tpu.memory_space<vmem_shared>>)
    %dma_wait3A_61 = arith.constant 39 : i32
    %dma_wait3A_62 = arith.constant 0 : i32
    %dma_wait3A_63 = tpu.memref_slice %arg8[%dma_wait3A_61, %dma_wait3A_62] : memref<40x125xi32, #tpu.memory_space<vmem>> -> memref<1x125xi32, #tpu.memory_space<vmem>>
    %dma_wait3A_64 = tpu.memref_squeeze %dma_wait3A_63 : memref<1x125xi32, #tpu.memory_space<vmem>> -> memref<125xi32, #tpu.memory_space<vmem>>
    %dma_wait3A_65 = arith.constant 0 : i32
    %dma_wait3A_66 = arith.constant 0 : i32
    %dma_wait3A_67 = tpu.memref_slice %arg15[%dma_wait3A_65, %dma_wait3A_66] : memref<10240x128xf32, #tpu.memory_space<vmem_shared>> -> memref<10240x128xf32, #tpu.memory_space<vmem_shared>>
    tpu.wait_indirect_dma semaphore(%arg14 : memref<!tpu.dma_semaphore, #tpu.memory_space<semaphore_mem>>) src(%arg10 : memref<125x128xf32, #tpu.memory_space<vmem>>) dst(%dma_wait3A_67 : memref<10240x128xf32, #tpu.memory_space<vmem_shared>>)
    %mul3A_68 = arith.constant 80 : i32
    %mul3A_69 = arith.muli %add3A, %mul3A_68 : i32
    %add3A_70 = arith.constant 40 : i32
    %add3A_71 = arith.addi %mul3A_69, %add3A_70 : i32
    "tpu.region"() ({
      %run_scoped3A = tpu.sem_alloc : memref<!tpu.dma_semaphore, #tpu.memory_space<semaphore_mem>>
      %dma_start3A_114 = arith.constant 0 : i32
      %dma_start3A_115 = tpu.memref_slice %arg3[%add3A_71, %dma_start3A_114] : memref<2560x125xi32, #tpu.memory_space<hbm>> -> memref<40x125xi32, #tpu.memory_space<hbm>>
      %dma_start3A_116 = arith.constant 0 : i32
      %dma_start3A_117 = tpu.memref_slice %arg3[%add3A_71, %dma_start3A_116] : memref<2560x125xi32, #tpu.memory_space<hbm>> -> memref<40x125xi32, #tpu.memory_space<hbm>>
      tpu.enqueue_dma source(%dma_start3A_117 : memref<40x125xi32, #tpu.memory_space<hbm>>) target(%arg7 : memref<40x125xi32, #tpu.memory_space<vmem>>) target_semaphore(%run_scoped3A : memref<!tpu.dma_semaphore, #tpu.memory_space<semaphore_mem>>)
      %dma_wait3A_118 = arith.constant 0 : i32
      %dma_wait3A_119 = tpu.memref_slice %arg3[%add3A_71, %dma_wait3A_118] : memref<2560x125xi32, #tpu.memory_space<hbm>> -> memref<40x125xi32, #tpu.memory_space<hbm>>
      %dma_wait3A_120 = arith.constant 0 : i32
      %dma_wait3A_121 = tpu.memref_slice %arg3[%add3A_71, %dma_wait3A_120] : memref<2560x125xi32, #tpu.memory_space<hbm>> -> memref<40x125xi32, #tpu.memory_space<hbm>>
      tpu.wait_dma2 semaphore(%run_scoped3A : memref<!tpu.dma_semaphore, #tpu.memory_space<semaphore_mem>>) src(%dma_wait3A_121 : memref<40x125xi32, #tpu.memory_space<hbm>>) dst(%arg7 : memref<40x125xi32, #tpu.memory_space<vmem>>)
      tpu.yield
    }) : () -> ()
    "tpu.region"() ({
      %run_scoped3A = tpu.sem_alloc : memref<!tpu.dma_semaphore, #tpu.memory_space<semaphore_mem>>
      %dma_start3A_114 = arith.constant 0 : i32
      %dma_start3A_115 = tpu.memref_slice %arg4[%add3A_71, %dma_start3A_114] : memref<2560x125xi32, #tpu.memory_space<hbm>> -> memref<40x125xi32, #tpu.memory_space<hbm>>
      %dma_start3A_116 = arith.constant 0 : i32
      %dma_start3A_117 = tpu.memref_slice %arg4[%add3A_71, %dma_start3A_116] : memref<2560x125xi32, #tpu.memory_space<hbm>> -> memref<40x125xi32, #tpu.memory_space<hbm>>
      tpu.enqueue_dma source(%dma_start3A_117 : memref<40x125xi32, #tpu.memory_space<hbm>>) target(%arg8 : memref<40x125xi32, #tpu.memory_space<vmem>>) target_semaphore(%run_scoped3A : memref<!tpu.dma_semaphore, #tpu.memory_space<semaphore_mem>>)
      %dma_wait3A_118 = arith.constant 0 : i32
      %dma_wait3A_119 = tpu.memref_slice %arg4[%add3A_71, %dma_wait3A_118] : memref<2560x125xi32, #tpu.memory_space<hbm>> -> memref<40x125xi32, #tpu.memory_space<hbm>>
      %dma_wait3A_120 = arith.constant 0 : i32
      %dma_wait3A_121 = tpu.memref_slice %arg4[%add3A_71, %dma_wait3A_120] : memref<2560x125xi32, #tpu.memory_space<hbm>> -> memref<40x125xi32, #tpu.memory_space<hbm>>
      tpu.wait_dma2 semaphore(%run_scoped3A : memref<!tpu.dma_semaphore, #tpu.memory_space<semaphore_mem>>) src(%dma_wait3A_121 : memref<40x125xi32, #tpu.memory_space<hbm>>) dst(%arg8 : memref<40x125xi32, #tpu.memory_space<vmem>>)
      tpu.yield
    }) : () -> ()
    %dma_start3A_72 = arith.constant 0 : i32
    %dma_start3A_73 = arith.constant 0 : i32
    %dma_start3A_74 = tpu.memref_slice %arg7[%dma_start3A_72, %dma_start3A_73] : memref<40x125xi32, #tpu.memory_space<vmem>> -> memref<1x125xi32, #tpu.memory_space<vmem>>
    %dma_start3A_75 = tpu.memref_squeeze %dma_start3A_74 : memref<1x125xi32, #tpu.memory_space<vmem>> -> memref<125xi32, #tpu.memory_space<vmem>>
    %dma_start3A_76 = arith.constant 0 : i32
    %dma_start3A_77 = arith.constant 0 : i32
    %dma_start3A_78 = tpu.memref_slice %arg2[%dma_start3A_76, %dma_start3A_77] : memref<10240x128xf32, #tpu.memory_space<hbm>> -> memref<10240x128xf32, #tpu.memory_space<hbm>>
    tpu.enqueue_indirect_dma source(%dma_start3A_78 : memref<10240x128xf32, #tpu.memory_space<hbm>>) target(%arg9 : memref<125x128xf32, #tpu.memory_space<vmem>>) offsets(%dma_start3A_75 : memref<125xi32, #tpu.memory_space<vmem>>) semaphore(%arg11 : memref<!tpu.dma_semaphore, #tpu.memory_space<semaphore_mem>>)
    %dma_start3A_79 = arith.constant 1 : i32
    %dma_start3A_80 = arith.constant 0 : i32
    %dma_start3A_81 = tpu.memref_slice %arg7[%dma_start3A_79, %dma_start3A_80] : memref<40x125xi32, #tpu.memory_space<vmem>> -> memref<1x125xi32, #tpu.memory_space<vmem>>
    %dma_start3A_82 = tpu.memref_squeeze %dma_start3A_81 : memref<1x125xi32, #tpu.memory_space<vmem>> -> memref<125xi32, #tpu.memory_space<vmem>>
    %dma_start3A_83 = arith.constant 0 : i32
    %dma_start3A_84 = arith.constant 0 : i32
    %dma_start3A_85 = tpu.memref_slice %arg2[%dma_start3A_83, %dma_start3A_84] : memref<10240x128xf32, #tpu.memory_space<hbm>> -> memref<10240x128xf32, #tpu.memory_space<hbm>>
    tpu.enqueue_indirect_dma source(%dma_start3A_85 : memref<10240x128xf32, #tpu.memory_space<hbm>>) target(%arg10 : memref<125x128xf32, #tpu.memory_space<vmem>>) offsets(%dma_start3A_82 : memref<125xi32, #tpu.memory_space<vmem>>) semaphore(%arg12 : memref<!tpu.dma_semaphore, #tpu.memory_space<semaphore_mem>>)
    %scan3A_86 = arith.constant 0 : i32
    %scan3A_87 = arith.constant 0 : i32
    %scan3A_88 = arith.constant 20 : i32
    %scan3A_89 = arith.addi %scan3A_87, %scan3A_88 : i32
    %scan3A_90 = arith.constant 1 : i32
    scf.for %scan3A_114 = %scan3A_87 to %scan3A_89 step %scan3A_90  : i32 {
      %mul3A_115 = arith.constant 2 : i32
      %mul3A_116 = arith.muli %scan3A_114, %mul3A_115 : i32
      %add3A_117 = arith.constant 0 : i32
      %add3A_118 = arith.addi %mul3A_116, %add3A_117 : i32
      %dma_wait3A_119 = arith.constant 0 : i32
      %dma_wait3A_120 = tpu.memref_slice %arg7[%add3A_118, %dma_wait3A_119] : memref<40x125xi32, #tpu.memory_space<vmem>> -> memref<1x125xi32, #tpu.memory_space<vmem>>
      %dma_wait3A_121 = tpu.memref_squeeze %dma_wait3A_120 : memref<1x125xi32, #tpu.memory_space<vmem>> -> memref<125xi32, #tpu.memory_space<vmem>>
      %dma_wait3A_122 = arith.constant 0 : i32
      %dma_wait3A_123 = arith.constant 0 : i32
      %dma_wait3A_124 = tpu.memref_slice %arg2[%dma_wait3A_122, %dma_wait3A_123] : memref<10240x128xf32, #tpu.memory_space<hbm>> -> memref<10240x128xf32, #tpu.memory_space<hbm>>
      tpu.wait_indirect_dma semaphore(%arg11 : memref<!tpu.dma_semaphore, #tpu.memory_space<semaphore_mem>>) src(%dma_wait3A_124 : memref<10240x128xf32, #tpu.memory_space<hbm>>) dst(%arg9 : memref<125x128xf32, #tpu.memory_space<vmem>>)
      %add3A_125 = arith.constant 0 : i32
      %add3A_126 = arith.addi %mul3A_116, %add3A_125 : i32
      %dma_start3A_127 = arith.constant 0 : i32
      %dma_start3A_128 = tpu.memref_slice %arg8[%add3A_126, %dma_start3A_127] : memref<40x125xi32, #tpu.memory_space<vmem>> -> memref<1x125xi32, #tpu.memory_space<vmem>>
      %dma_start3A_129 = tpu.memref_squeeze %dma_start3A_128 : memref<1x125xi32, #tpu.memory_space<vmem>> -> memref<125xi32, #tpu.memory_space<vmem>>
      %dma_start3A_130 = arith.constant 0 : i32
      %dma_start3A_131 = arith.constant 0 : i32
      %dma_start3A_132 = tpu.memref_slice %arg15[%dma_start3A_130, %dma_start3A_131] : memref<10240x128xf32, #tpu.memory_space<vmem_shared>> -> memref<10240x128xf32, #tpu.memory_space<vmem_shared>>
      tpu.enqueue_indirect_dma source(%arg9 : memref<125x128xf32, #tpu.memory_space<vmem>>) target(%dma_start3A_132 : memref<10240x128xf32, #tpu.memory_space<vmem_shared>>) offsets(%dma_start3A_129 : memref<125xi32, #tpu.memory_space<vmem>>) semaphore(%arg13 : memref<!tpu.dma_semaphore, #tpu.memory_space<semaphore_mem>>) {add = true}
      %add3A_133 = arith.constant 1 : i32
      %add3A_134 = arith.addi %mul3A_116, %add3A_133 : i32
      %dma_wait3A_135 = arith.constant 0 : i32
      %dma_wait3A_136 = tpu.memref_slice %arg7[%add3A_134, %dma_wait3A_135] : memref<40x125xi32, #tpu.memory_space<vmem>> -> memref<1x125xi32, #tpu.memory_space<vmem>>
      %dma_wait3A_137 = tpu.memref_squeeze %dma_wait3A_136 : memref<1x125xi32, #tpu.memory_space<vmem>> -> memref<125xi32, #tpu.memory_space<vmem>>
      %dma_wait3A_138 = arith.constant 0 : i32
      %dma_wait3A_139 = arith.constant 0 : i32
      %dma_wait3A_140 = tpu.memref_slice %arg2[%dma_wait3A_138, %dma_wait3A_139] : memref<10240x128xf32, #tpu.memory_space<hbm>> -> memref<10240x128xf32, #tpu.memory_space<hbm>>
      tpu.wait_indirect_dma semaphore(%arg12 : memref<!tpu.dma_semaphore, #tpu.memory_space<semaphore_mem>>) src(%dma_wait3A_140 : memref<10240x128xf32, #tpu.memory_space<hbm>>) dst(%arg10 : memref<125x128xf32, #tpu.memory_space<vmem>>)
      %add3A_141 = arith.constant 1 : i32
      %add3A_142 = arith.addi %mul3A_116, %add3A_141 : i32
      %dma_start3A_143 = arith.constant 0 : i32
      %dma_start3A_144 = tpu.memref_slice %arg8[%add3A_142, %dma_start3A_143] : memref<40x125xi32, #tpu.memory_space<vmem>> -> memref<1x125xi32, #tpu.memory_space<vmem>>
      %dma_start3A_145 = tpu.memref_squeeze %dma_start3A_144 : memref<1x125xi32, #tpu.memory_space<vmem>> -> memref<125xi32, #tpu.memory_space<vmem>>
      %dma_start3A_146 = arith.constant 0 : i32
      %dma_start3A_147 = arith.constant 0 : i32
      %dma_start3A_148 = tpu.memref_slice %arg15[%dma_start3A_146, %dma_start3A_147] : memref<10240x128xf32, #tpu.memory_space<vmem_shared>> -> memref<10240x128xf32, #tpu.memory_space<vmem_shared>>
      tpu.enqueue_indirect_dma source(%arg10 : memref<125x128xf32, #tpu.memory_space<vmem>>) target(%dma_start3A_148 : memref<10240x128xf32, #tpu.memory_space<vmem_shared>>) offsets(%dma_start3A_145 : memref<125xi32, #tpu.memory_space<vmem>>) semaphore(%arg14 : memref<!tpu.dma_semaphore, #tpu.memory_space<semaphore_mem>>) {add = true}
      %add3A_149 = arith.constant 2 : i32
      %add3A_150 = arith.addi %mul3A_116, %add3A_149 : i32
      %add3A_151 = arith.constant 0 : i32
      %add3A_152 = arith.addi %add3A_150, %add3A_151 : i32
      %lt3A = arith.constant 40 : i32
      %lt3A_153 = arith.cmpi slt, %add3A_152, %lt3A : i32
      %convert_element_type3A = arith.extui %lt3A_153 : i1 to i32
      %cond3A = arith.constant 0 : i32
      %cond3A_154 = arith.cmpi ne, %convert_element_type3A, %cond3A : i32
      scf.if %cond3A_154 {
        %add3A_164 = arith.constant 0 : i32
        %add3A_165 = arith.addi %mul3A_116, %add3A_164 : i32
        %dma_wait3A_166 = arith.constant 0 : i32
        %dma_wait3A_167 = tpu.memref_slice %arg8[%add3A_165, %dma_wait3A_166] : memref<40x125xi32, #tpu.memory_space<vmem>> -> memref<1x125xi32, #tpu.memory_space<vmem>>
        %dma_wait3A_168 = tpu.memref_squeeze %dma_wait3A_167 : memref<1x125xi32, #tpu.memory_space<vmem>> -> memref<125xi32, #tpu.memory_space<vmem>>
        %dma_wait3A_169 = arith.constant 0 : i32
        %dma_wait3A_170 = arith.constant 0 : i32
        %dma_wait3A_171 = tpu.memref_slice %arg15[%dma_wait3A_169, %dma_wait3A_170] : memref<10240x128xf32, #tpu.memory_space<vmem_shared>> -> memref<10240x128xf32, #tpu.memory_space<vmem_shared>>
        tpu.wait_indirect_dma semaphore(%arg13 : memref<!tpu.dma_semaphore, #tpu.memory_space<semaphore_mem>>) src(%arg9 : memref<125x128xf32, #tpu.memory_space<vmem>>) dst(%dma_wait3A_171 : memref<10240x128xf32, #tpu.memory_space<vmem_shared>>)
        %add3A_172 = arith.constant 2 : i32
        %add3A_173 = arith.addi %mul3A_116, %add3A_172 : i32
        %add3A_174 = arith.constant 0 : i32
        %add3A_175 = arith.addi %add3A_173, %add3A_174 : i32
        %dma_start3A_176 = arith.constant 0 : i32
        %dma_start3A_177 = tpu.memref_slice %arg7[%add3A_175, %dma_start3A_176] : memref<40x125xi32, #tpu.memory_space<vmem>> -> memref<1x125xi32, #tpu.memory_space<vmem>>
        %dma_start3A_178 = tpu.memref_squeeze %dma_start3A_177 : memref<1x125xi32, #tpu.memory_space<vmem>> -> memref<125xi32, #tpu.memory_space<vmem>>
        %dma_start3A_179 = arith.constant 0 : i32
        %dma_start3A_180 = arith.constant 0 : i32
        %dma_start3A_181 = tpu.memref_slice %arg2[%dma_start3A_179, %dma_start3A_180] : memref<10240x128xf32, #tpu.memory_space<hbm>> -> memref<10240x128xf32, #tpu.memory_space<hbm>>
        tpu.enqueue_indirect_dma source(%dma_start3A_181 : memref<10240x128xf32, #tpu.memory_space<hbm>>) target(%arg9 : memref<125x128xf32, #tpu.memory_space<vmem>>) offsets(%dma_start3A_178 : memref<125xi32, #tpu.memory_space<vmem>>) semaphore(%arg11 : memref<!tpu.dma_semaphore, #tpu.memory_space<semaphore_mem>>)
      } else {
      }
      %add3A_155 = arith.constant 2 : i32
      %add3A_156 = arith.addi %mul3A_116, %add3A_155 : i32
      %add3A_157 = arith.constant 1 : i32
      %add3A_158 = arith.addi %add3A_156, %add3A_157 : i32
      %lt3A_159 = arith.constant 40 : i32
      %lt3A_160 = arith.cmpi slt, %add3A_158, %lt3A_159 : i32
      %convert_element_type3A_161 = arith.extui %lt3A_160 : i1 to i32
      %cond3A_162 = arith.constant 0 : i32
      %cond3A_163 = arith.cmpi ne, %convert_element_type3A_161, %cond3A_162 : i32
      scf.if %cond3A_163 {
        %add3A_164 = arith.constant 1 : i32
        %add3A_165 = arith.addi %mul3A_116, %add3A_164 : i32
        %dma_wait3A_166 = arith.constant 0 : i32
        %dma_wait3A_167 = tpu.memref_slice %arg8[%add3A_165, %dma_wait3A_166] : memref<40x125xi32, #tpu.memory_space<vmem>> -> memref<1x125xi32, #tpu.memory_space<vmem>>
        %dma_wait3A_168 = tpu.memref_squeeze %dma_wait3A_167 : memref<1x125xi32, #tpu.memory_space<vmem>> -> memref<125xi32, #tpu.memory_space<vmem>>
        %dma_wait3A_169 = arith.constant 0 : i32
        %dma_wait3A_170 = arith.constant 0 : i32
        %dma_wait3A_171 = tpu.memref_slice %arg15[%dma_wait3A_169, %dma_wait3A_170] : memref<10240x128xf32, #tpu.memory_space<vmem_shared>> -> memref<10240x128xf32, #tpu.memory_space<vmem_shared>>
        tpu.wait_indirect_dma semaphore(%arg14 : memref<!tpu.dma_semaphore, #tpu.memory_space<semaphore_mem>>) src(%arg10 : memref<125x128xf32, #tpu.memory_space<vmem>>) dst(%dma_wait3A_171 : memref<10240x128xf32, #tpu.memory_space<vmem_shared>>)
        %add3A_172 = arith.constant 2 : i32
        %add3A_173 = arith.addi %mul3A_116, %add3A_172 : i32
        %add3A_174 = arith.constant 1 : i32
        %add3A_175 = arith.addi %add3A_173, %add3A_174 : i32
        %dma_start3A_176 = arith.constant 0 : i32
        %dma_start3A_177 = tpu.memref_slice %arg7[%add3A_175, %dma_start3A_176] : memref<40x125xi32, #tpu.memory_space<vmem>> -> memref<1x125xi32, #tpu.memory_space<vmem>>
        %dma_start3A_178 = tpu.memref_squeeze %dma_start3A_177 : memref<1x125xi32, #tpu.memory_space<vmem>> -> memref<125xi32, #tpu.memory_space<vmem>>
        %dma_start3A_179 = arith.constant 0 : i32
        %dma_start3A_180 = arith.constant 0 : i32
        %dma_start3A_181 = tpu.memref_slice %arg2[%dma_start3A_179, %dma_start3A_180] : memref<10240x128xf32, #tpu.memory_space<hbm>> -> memref<10240x128xf32, #tpu.memory_space<hbm>>
        tpu.enqueue_indirect_dma source(%dma_start3A_181 : memref<10240x128xf32, #tpu.memory_space<hbm>>) target(%arg10 : memref<125x128xf32, #tpu.memory_space<vmem>>) offsets(%dma_start3A_178 : memref<125xi32, #tpu.memory_space<vmem>>) semaphore(%arg12 : memref<!tpu.dma_semaphore, #tpu.memory_space<semaphore_mem>>)
      } else {
      }
    }
    %scan3A_91 = arith.constant 20 : i32
    %dma_wait3A_92 = arith.constant 38 : i32
    %dma_wait3A_93 = arith.constant 0 : i32
    %dma_wait3A_94 = tpu.memref_slice %arg8[%dma_wait3A_92, %dma_wait3A_93] : memref<40x125xi32, #tpu.memory_space<vmem>> -> memref<1x125xi32, #tpu.memory_space<vmem>>
    %dma_wait3A_95 = tpu.memref_squeeze %dma_wait3A_94 : memref<1x125xi32, #tpu.memory_space<vmem>> -> memref<125xi32, #tpu.memory_space<vmem>>
    %dma_wait3A_96 = arith.constant 0 : i32
    %dma_wait3A_97 = arith.constant 0 : i32
    %dma_wait3A_98 = tpu.memref_slice %arg15[%dma_wait3A_96, %dma_wait3A_97] : memref<10240x128xf32, #tpu.memory_space<vmem_shared>> -> memref<10240x128xf32, #tpu.memory_space<vmem_shared>>
    tpu.wait_indirect_dma semaphore(%arg13 : memref<!tpu.dma_semaphore, #tpu.memory_space<semaphore_mem>>) src(%arg9 : memref<125x128xf32, #tpu.memory_space<vmem>>) dst(%dma_wait3A_98 : memref<10240x128xf32, #tpu.memory_space<vmem_shared>>)
    %dma_wait3A_99 = arith.constant 39 : i32
    %dma_wait3A_100 = arith.constant 0 : i32
    %dma_wait3A_101 = tpu.memref_slice %arg8[%dma_wait3A_99, %dma_wait3A_100] : memref<40x125xi32, #tpu.memory_space<vmem>> -> memref<1x125xi32, #tpu.memory_space<vmem>>
    %dma_wait3A_102 = tpu.memref_squeeze %dma_wait3A_101 : memref<1x125xi32, #tpu.memory_space<vmem>> -> memref<125xi32, #tpu.memory_space<vmem>>
    %dma_wait3A_103 = arith.constant 0 : i32
    %dma_wait3A_104 = arith.constant 0 : i32
    %dma_wait3A_105 = tpu.memref_slice %arg15[%dma_wait3A_103, %dma_wait3A_104] : memref<10240x128xf32, #tpu.memory_space<vmem_shared>> -> memref<10240x128xf32, #tpu.memory_space<vmem_shared>>
    tpu.wait_indirect_dma semaphore(%arg14 : memref<!tpu.dma_semaphore, #tpu.memory_space<semaphore_mem>>) src(%arg10 : memref<125x128xf32, #tpu.memory_space<vmem>>) dst(%dma_wait3A_105 : memref<10240x128xf32, #tpu.memory_space<vmem_shared>>)
    %barrier3A_106 = arith.constant 0 : index
    tpu.barrier barrier_id(%barrier3A_106)
    %mul3A_107 = arith.constant 640 : i32
    %mul3A_108 = arith.muli %arg1, %mul3A_107 : i32
    %mul3A_109 = arith.constant 10240 : i32
    %mul3A_110 = arith.muli %arg0, %mul3A_109 : i32
    %mul3A_111 = arith.constant 640 : i32
    %mul3A_112 = arith.muli %arg1, %mul3A_111 : i32
    %add3A_113 = arith.addi %mul3A_110, %mul3A_112 : i32
    "tpu.region"() ({
      %run_scoped3A = tpu.sem_alloc : memref<!tpu.dma_semaphore, #tpu.memory_space<semaphore_mem>>
      %dma_start3A_114 = arith.constant 0 : i32
      %dma_start3A_115 = tpu.memref_slice %arg6[%add3A_113, %dma_start3A_114] : memref<20480x128xf32, #tpu.memory_space<hbm>> -> memref<640x128xf32, #tpu.memory_space<hbm>>
      %dma_start3A_116 = arith.constant 0 : i32
      %dma_start3A_117 = tpu.memref_slice %arg15[%mul3A_108, %dma_start3A_116] : memref<10240x128xf32, #tpu.memory_space<vmem_shared>> -> memref<640x128xf32, #tpu.memory_space<vmem_shared>>
      tpu.enqueue_dma source(%dma_start3A_117 : memref<640x128xf32, #tpu.memory_space<vmem_shared>>) target(%dma_start3A_115 : memref<640x128xf32, #tpu.memory_space<hbm>>) target_semaphore(%run_scoped3A : memref<!tpu.dma_semaphore, #tpu.memory_space<semaphore_mem>>)
      %dma_wait3A_118 = arith.constant 0 : i32
      %dma_wait3A_119 = tpu.memref_slice %arg6[%add3A_113, %dma_wait3A_118] : memref<20480x128xf32, #tpu.memory_space<hbm>> -> memref<640x128xf32, #tpu.memory_space<hbm>>
      %dma_wait3A_120 = arith.constant 0 : i32
      %dma_wait3A_121 = tpu.memref_slice %arg15[%mul3A_108, %dma_wait3A_120] : memref<10240x128xf32, #tpu.memory_space<vmem_shared>> -> memref<640x128xf32, #tpu.memory_space<vmem_shared>>
      tpu.wait_dma2 semaphore(%run_scoped3A : memref<!tpu.dma_semaphore, #tpu.memory_space<semaphore_mem>>) src(%dma_wait3A_121 : memref<640x128xf32, #tpu.memory_space<vmem_shared>>) dst(%dma_wait3A_119 : memref<640x128xf32, #tpu.memory_space<hbm>>)
      tpu.yield
    }) : () -> ()
    return
  }
}

#map = affine_map<(d0, d1) -> (0, 0)>
module attributes {stable_mosaic.version = 14 : i64} {
  func.func @spmv(%arg0: i32, %arg1: i32, %arg2: memref<10240x128xf32, #tpu.memory_space<hbm>>, %arg3: memref<2560x125xi32, #tpu.memory_space<hbm>>, %arg4: memref<2560x125xi32, #tpu.memory_space<hbm>>, %arg5: memref<640x128xf32, #tpu.memory_space<hbm>>, %arg6: memref<20480x128xf32, #tpu.memory_space<hbm>>, %arg7: memref<40x125xi32, #tpu.memory_space<vmem>>, %arg8: memref<40x125xi32, #tpu.memory_space<vmem>>, %arg9: memref<125x128xf32, #tpu.memory_space<vmem>>, %arg10: memref<125x128xf32, #tpu.memory_space<vmem>>, %arg11: memref<!tpu.dma_semaphore, #tpu.memory_space<semaphore_mem>>, %arg12: memref<!tpu.dma_semaphore, #tpu.memory_space<semaphore_mem>>, %arg13: memref<!tpu.dma_semaphore, #tpu.memory_space<semaphore_mem>>, %arg14: memref<!tpu.dma_semaphore, #tpu.memory_space<semaphore_mem>>, %arg15: memref<10240x128xf32, #tpu.memory_space<vmem_shared>>) attributes {dimension_semantics = [#tpu.dimension_semantics<core_parallel>, #tpu.dimension_semantics<subcore_parallel>], iteration_bounds = array<i64: 2, 16>, scalar_prefetch = 0 : i64, scratch_operands = 9 : i64, tpu.core_type = #tpu.core_type<sc_vector_subcore>, window_params = [{transform_indices = #map}, {transform_indices = #map}, {transform_indices = #map}, {transform_indices = #map}, {transform_indices = #map}]} {
    %mul3A = arith.constant 2 : i32
    %mul3A_0 = arith.muli %arg1, %mul3A : i32
    %add3A = arith.addi %mul3A_0, %arg0 : i32
    %mul3A_1 = arith.constant 640 : i32
    %mul3A_2 = arith.muli %arg1, %mul3A_1 : i32
    %dma_start3A = arith.constant 0 : i32
    %dma_start3A_3 = tpu.memref_slice %arg15[%mul3A_2, %dma_start3A] : memref<10240x128xf32, #tpu.memory_space<vmem_shared>> -> memref<640x128xf32, #tpu.memory_space<vmem_shared>>
    tpu.enqueue_dma source(%arg5 : memref<640x128xf32, #tpu.memory_space<hbm>>) target(%dma_start3A_3 : memref<640x128xf32, #tpu.memory_space<vmem_shared>>) target_semaphore(%arg13 : memref<!tpu.dma_semaphore, #tpu.memory_space<semaphore_mem>>)
    %mul3A_4 = arith.constant 80 : i32
    %mul3A_5 = arith.muli %add3A, %mul3A_4 : i32
    %dma_start3A_6 = arith.constant 0 : i32
    %dma_start3A_7 = tpu.memref_slice %arg3[%mul3A_5, %dma_start3A_6] : memref<2560x125xi32, #tpu.memory_space<hbm>> -> memref<40x125xi32, #tpu.memory_space<hbm>>
    %dma_start3A_8 = arith.constant 0 : i32
    %dma_start3A_9 = tpu.memref_slice %arg3[%mul3A_5, %dma_start3A_8] : memref<2560x125xi32, #tpu.memory_space<hbm>> -> memref<40x125xi32, #tpu.memory_space<hbm>>
    tpu.enqueue_dma source(%dma_start3A_9 : memref<40x125xi32, #tpu.memory_space<hbm>>) target(%arg7 : memref<40x125xi32, #tpu.memory_space<vmem>>) target_semaphore(%arg11 : memref<!tpu.dma_semaphore, #tpu.memory_space<semaphore_mem>>)
    %mul3A_10 = arith.constant 80 : i32
    %mul3A_11 = arith.muli %add3A, %mul3A_10 : i32
    %dma_start3A_12 = arith.constant 0 : i32
    %dma_start3A_13 = tpu.memref_slice %arg4[%mul3A_11, %dma_start3A_12] : memref<2560x125xi32, #tpu.memory_space<hbm>> -> memref<40x125xi32, #tpu.memory_space<hbm>>
    %dma_start3A_14 = arith.constant 0 : i32
    %dma_start3A_15 = tpu.memref_slice %arg4[%mul3A_11, %dma_start3A_14] : memref<2560x125xi32, #tpu.memory_space<hbm>> -> memref<40x125xi32, #tpu.memory_space<hbm>>
    tpu.enqueue_dma source(%dma_start3A_15 : memref<40x125xi32, #tpu.memory_space<hbm>>) target(%arg8 : memref<40x125xi32, #tpu.memory_space<vmem>>) target_semaphore(%arg12 : memref<!tpu.dma_semaphore, #tpu.memory_space<semaphore_mem>>)
    %mul3A_16 = arith.constant 640 : i32
    %mul3A_17 = arith.muli %arg1, %mul3A_16 : i32
    %dma_wait3A = arith.constant 0 : i32
    %dma_wait3A_18 = tpu.memref_slice %arg15[%mul3A_17, %dma_wait3A] : memref<10240x128xf32, #tpu.memory_space<vmem_shared>> -> memref<640x128xf32, #tpu.memory_space<vmem_shared>>
    tpu.wait_dma2 semaphore(%arg13 : memref<!tpu.dma_semaphore, #tpu.memory_space<semaphore_mem>>) src(%arg5 : memref<640x128xf32, #tpu.memory_space<hbm>>) dst(%dma_wait3A_18 : memref<640x128xf32, #tpu.memory_space<vmem_shared>>)
    %mul3A_19 = arith.constant 80 : i32
    %mul3A_20 = arith.muli %add3A, %mul3A_19 : i32
    %dma_wait3A_21 = arith.constant 0 : i32
    %dma_wait3A_22 = tpu.memref_slice %arg3[%mul3A_20, %dma_wait3A_21] : memref<2560x125xi32, #tpu.memory_space<hbm>> -> memref<40x125xi32, #tpu.memory_space<hbm>>
    %dma_wait3A_23 = arith.constant 0 : i32
    %dma_wait3A_24 = tpu.memref_slice %arg3[%mul3A_20, %dma_wait3A_23] : memref<2560x125xi32, #tpu.memory_space<hbm>> -> memref<40x125xi32, #tpu.memory_space<hbm>>
    tpu.wait_dma2 semaphore(%arg11 : memref<!tpu.dma_semaphore, #tpu.memory_space<semaphore_mem>>) src(%dma_wait3A_24 : memref<40x125xi32, #tpu.memory_space<hbm>>) dst(%arg7 : memref<40x125xi32, #tpu.memory_space<vmem>>)
    %mul3A_25 = arith.constant 80 : i32
    %mul3A_26 = arith.muli %add3A, %mul3A_25 : i32
    %dma_wait3A_27 = arith.constant 0 : i32
    %dma_wait3A_28 = tpu.memref_slice %arg4[%mul3A_26, %dma_wait3A_27] : memref<2560x125xi32, #tpu.memory_space<hbm>> -> memref<40x125xi32, #tpu.memory_space<hbm>>
    %dma_wait3A_29 = arith.constant 0 : i32
    %dma_wait3A_30 = tpu.memref_slice %arg4[%mul3A_26, %dma_wait3A_29] : memref<2560x125xi32, #tpu.memory_space<hbm>> -> memref<40x125xi32, #tpu.memory_space<hbm>>
    tpu.wait_dma2 semaphore(%arg12 : memref<!tpu.dma_semaphore, #tpu.memory_space<semaphore_mem>>) src(%dma_wait3A_30 : memref<40x125xi32, #tpu.memory_space<hbm>>) dst(%arg8 : memref<40x125xi32, #tpu.memory_space<vmem>>)
    %barrier3A = arith.constant 0 : index
    tpu.barrier barrier_id(%barrier3A)
    %mul3A_31 = arith.constant 80 : i32
    %mul3A_32 = arith.muli %add3A, %mul3A_31 : i32
    %add3A_33 = arith.constant 0 : i32
    %add3A_34 = arith.addi %mul3A_32, %add3A_33 : i32
    %dma_start3A_35 = arith.constant 0 : i32
    %dma_start3A_36 = arith.constant 0 : i32
    %dma_start3A_37 = tpu.memref_slice %arg7[%dma_start3A_35, %dma_start3A_36] : memref<40x125xi32, #tpu.memory_space<vmem>> -> memref<1x125xi32, #tpu.memory_space<vmem>>
    %dma_start3A_38 = tpu.memref_squeeze %dma_start3A_37 : memref<1x125xi32, #tpu.memory_space<vmem>> -> memref<125xi32, #tpu.memory_space<vmem>>
    %dma_start3A_39 = arith.constant 0 : i32
    %dma_start3A_40 = arith.constant 0 : i32
    %dma_start3A_41 = tpu.memref_slice %arg2[%dma_start3A_39, %dma_start3A_40] : memref<10240x128xf32, #tpu.memory_space<hbm>> -> memref<10240x128xf32, #tpu.memory_space<hbm>>
    tpu.enqueue_indirect_dma source(%dma_start3A_41 : memref<10240x128xf32, #tpu.memory_space<hbm>>) target(%arg9 : memref<125x128xf32, #tpu.memory_space<vmem>>) offsets(%dma_start3A_38 : memref<125xi32, #tpu.memory_space<vmem>>) semaphore(%arg11 : memref<!tpu.dma_semaphore, #tpu.memory_space<semaphore_mem>>)
    %dma_start3A_42 = arith.constant 1 : i32
    %dma_start3A_43 = arith.constant 0 : i32
    %dma_start3A_44 = tpu.memref_slice %arg7[%dma_start3A_42, %dma_start3A_43] : memref<40x125xi32, #tpu.memory_space<vmem>> -> memref<1x125xi32, #tpu.memory_space<vmem>>
    %dma_start3A_45 = tpu.memref_squeeze %dma_start3A_44 : memref<1x125xi32, #tpu.memory_space<vmem>> -> memref<125xi32, #tpu.memory_space<vmem>>
    %dma_start3A_46 = arith.constant 0 : i32
    %dma_start3A_47 = arith.constant 0 : i32
    %dma_start3A_48 = tpu.memref_slice %arg2[%dma_start3A_46, %dma_start3A_47] : memref<10240x128xf32, #tpu.memory_space<hbm>> -> memref<10240x128xf32, #tpu.memory_space<hbm>>
    tpu.enqueue_indirect_dma source(%dma_start3A_48 : memref<10240x128xf32, #tpu.memory_space<hbm>>) target(%arg10 : memref<125x128xf32, #tpu.memory_space<vmem>>) offsets(%dma_start3A_45 : memref<125xi32, #tpu.memory_space<vmem>>) semaphore(%arg12 : memref<!tpu.dma_semaphore, #tpu.memory_space<semaphore_mem>>)
    %scan3A = arith.constant 0 : i32
    %scan3A_49 = arith.constant 0 : i32
    %scan3A_50 = arith.constant 20 : i32
    %scan3A_51 = arith.addi %scan3A_49, %scan3A_50 : i32
    %scan3A_52 = arith.constant 1 : i32
    scf.for %scan3A_114 = %scan3A_49 to %scan3A_51 step %scan3A_52  : i32 {
      %mul3A_115 = arith.constant 2 : i32
      %mul3A_116 = arith.muli %scan3A_114, %mul3A_115 : i32
      %add3A_117 = arith.constant 0 : i32
      %add3A_118 = arith.addi %mul3A_116, %add3A_117 : i32
      %dma_wait3A_119 = arith.constant 0 : i32
      %dma_wait3A_120 = tpu.memref_slice %arg7[%add3A_118, %dma_wait3A_119] : memref<40x125xi32, #tpu.memory_space<vmem>> -> memref<1x125xi32, #tpu.memory_space<vmem>>
      %dma_wait3A_121 = tpu.memref_squeeze %dma_wait3A_120 : memref<1x125xi32, #tpu.memory_space<vmem>> -> memref<125xi32, #tpu.memory_space<vmem>>
      %dma_wait3A_122 = arith.constant 0 : i32
      %dma_wait3A_123 = arith.constant 0 : i32
      %dma_wait3A_124 = tpu.memref_slice %arg2[%dma_wait3A_122, %dma_wait3A_123] : memref<10240x128xf32, #tpu.memory_space<hbm>> -> memref<10240x128xf32, #tpu.memory_space<hbm>>
      tpu.wait_indirect_dma semaphore(%arg11 : memref<!tpu.dma_semaphore, #tpu.memory_space<semaphore_mem>>) src(%dma_wait3A_124 : memref<10240x128xf32, #tpu.memory_space<hbm>>) dst(%arg9 : memref<125x128xf32, #tpu.memory_space<vmem>>)
      %add3A_125 = arith.constant 0 : i32
      %add3A_126 = arith.addi %mul3A_116, %add3A_125 : i32
      %dma_start3A_127 = arith.constant 0 : i32
      %dma_start3A_128 = tpu.memref_slice %arg8[%add3A_126, %dma_start3A_127] : memref<40x125xi32, #tpu.memory_space<vmem>> -> memref<1x125xi32, #tpu.memory_space<vmem>>
      %dma_start3A_129 = tpu.memref_squeeze %dma_start3A_128 : memref<1x125xi32, #tpu.memory_space<vmem>> -> memref<125xi32, #tpu.memory_space<vmem>>
      %dma_start3A_130 = arith.constant 0 : i32
      %dma_start3A_131 = arith.constant 0 : i32
      %dma_start3A_132 = tpu.memref_slice %arg15[%dma_start3A_130, %dma_start3A_131] : memref<10240x128xf32, #tpu.memory_space<vmem_shared>> -> memref<10240x128xf32, #tpu.memory_space<vmem_shared>>
      tpu.enqueue_indirect_dma source(%arg9 : memref<125x128xf32, #tpu.memory_space<vmem>>) target(%dma_start3A_132 : memref<10240x128xf32, #tpu.memory_space<vmem_shared>>) offsets(%dma_start3A_129 : memref<125xi32, #tpu.memory_space<vmem>>) semaphore(%arg13 : memref<!tpu.dma_semaphore, #tpu.memory_space<semaphore_mem>>) {add = true}
      %add3A_133 = arith.constant 1 : i32
      %add3A_134 = arith.addi %mul3A_116, %add3A_133 : i32
      %dma_wait3A_135 = arith.constant 0 : i32
      %dma_wait3A_136 = tpu.memref_slice %arg7[%add3A_134, %dma_wait3A_135] : memref<40x125xi32, #tpu.memory_space<vmem>> -> memref<1x125xi32, #tpu.memory_space<vmem>>
      %dma_wait3A_137 = tpu.memref_squeeze %dma_wait3A_136 : memref<1x125xi32, #tpu.memory_space<vmem>> -> memref<125xi32, #tpu.memory_space<vmem>>
      %dma_wait3A_138 = arith.constant 0 : i32
      %dma_wait3A_139 = arith.constant 0 : i32
      %dma_wait3A_140 = tpu.memref_slice %arg2[%dma_wait3A_138, %dma_wait3A_139] : memref<10240x128xf32, #tpu.memory_space<hbm>> -> memref<10240x128xf32, #tpu.memory_space<hbm>>
      tpu.wait_indirect_dma semaphore(%arg12 : memref<!tpu.dma_semaphore, #tpu.memory_space<semaphore_mem>>) src(%dma_wait3A_140 : memref<10240x128xf32, #tpu.memory_space<hbm>>) dst(%arg10 : memref<125x128xf32, #tpu.memory_space<vmem>>)
      %add3A_141 = arith.constant 1 : i32
      %add3A_142 = arith.addi %mul3A_116, %add3A_141 : i32
      %dma_start3A_143 = arith.constant 0 : i32
      %dma_start3A_144 = tpu.memref_slice %arg8[%add3A_142, %dma_start3A_143] : memref<40x125xi32, #tpu.memory_space<vmem>> -> memref<1x125xi32, #tpu.memory_space<vmem>>
      %dma_start3A_145 = tpu.memref_squeeze %dma_start3A_144 : memref<1x125xi32, #tpu.memory_space<vmem>> -> memref<125xi32, #tpu.memory_space<vmem>>
      %dma_start3A_146 = arith.constant 0 : i32
      %dma_start3A_147 = arith.constant 0 : i32
      %dma_start3A_148 = tpu.memref_slice %arg15[%dma_start3A_146, %dma_start3A_147] : memref<10240x128xf32, #tpu.memory_space<vmem_shared>> -> memref<10240x128xf32, #tpu.memory_space<vmem_shared>>
      tpu.enqueue_indirect_dma source(%arg10 : memref<125x128xf32, #tpu.memory_space<vmem>>) target(%dma_start3A_148 : memref<10240x128xf32, #tpu.memory_space<vmem_shared>>) offsets(%dma_start3A_145 : memref<125xi32, #tpu.memory_space<vmem>>) semaphore(%arg14 : memref<!tpu.dma_semaphore, #tpu.memory_space<semaphore_mem>>) {add = true}
      %add3A_149 = arith.constant 2 : i32
      %add3A_150 = arith.addi %mul3A_116, %add3A_149 : i32
      %add3A_151 = arith.constant 0 : i32
      %add3A_152 = arith.addi %add3A_150, %add3A_151 : i32
      %lt3A = arith.constant 40 : i32
      %lt3A_153 = arith.cmpi slt, %add3A_152, %lt3A : i32
      %convert_element_type3A = arith.extui %lt3A_153 : i1 to i32
      %cond3A = arith.constant 0 : i32
      %cond3A_154 = arith.cmpi ne, %convert_element_type3A, %cond3A : i32
      scf.if %cond3A_154 {
        %add3A_164 = arith.constant 0 : i32
        %add3A_165 = arith.addi %mul3A_116, %add3A_164 : i32
        %dma_wait3A_166 = arith.constant 0 : i32
        %dma_wait3A_167 = tpu.memref_slice %arg8[%add3A_165, %dma_wait3A_166] : memref<40x125xi32, #tpu.memory_space<vmem>> -> memref<1x125xi32, #tpu.memory_space<vmem>>
        %dma_wait3A_168 = tpu.memref_squeeze %dma_wait3A_167 : memref<1x125xi32, #tpu.memory_space<vmem>> -> memref<125xi32, #tpu.memory_space<vmem>>
        %dma_wait3A_169 = arith.constant 0 : i32
        %dma_wait3A_170 = arith.constant 0 : i32
        %dma_wait3A_171 = tpu.memref_slice %arg15[%dma_wait3A_169, %dma_wait3A_170] : memref<10240x128xf32, #tpu.memory_space<vmem_shared>> -> memref<10240x128xf32, #tpu.memory_space<vmem_shared>>
        tpu.wait_indirect_dma semaphore(%arg13 : memref<!tpu.dma_semaphore, #tpu.memory_space<semaphore_mem>>) src(%arg9 : memref<125x128xf32, #tpu.memory_space<vmem>>) dst(%dma_wait3A_171 : memref<10240x128xf32, #tpu.memory_space<vmem_shared>>)
        %add3A_172 = arith.constant 2 : i32
        %add3A_173 = arith.addi %mul3A_116, %add3A_172 : i32
        %add3A_174 = arith.constant 0 : i32
        %add3A_175 = arith.addi %add3A_173, %add3A_174 : i32
        %dma_start3A_176 = arith.constant 0 : i32
        %dma_start3A_177 = tpu.memref_slice %arg7[%add3A_175, %dma_start3A_176] : memref<40x125xi32, #tpu.memory_space<vmem>> -> memref<1x125xi32, #tpu.memory_space<vmem>>
        %dma_start3A_178 = tpu.memref_squeeze %dma_start3A_177 : memref<1x125xi32, #tpu.memory_space<vmem>> -> memref<125xi32, #tpu.memory_space<vmem>>
        %dma_start3A_179 = arith.constant 0 : i32
        %dma_start3A_180 = arith.constant 0 : i32
        %dma_start3A_181 = tpu.memref_slice %arg2[%dma_start3A_179, %dma_start3A_180] : memref<10240x128xf32, #tpu.memory_space<hbm>> -> memref<10240x128xf32, #tpu.memory_space<hbm>>
        tpu.enqueue_indirect_dma source(%dma_start3A_181 : memref<10240x128xf32, #tpu.memory_space<hbm>>) target(%arg9 : memref<125x128xf32, #tpu.memory_space<vmem>>) offsets(%dma_start3A_178 : memref<125xi32, #tpu.memory_space<vmem>>) semaphore(%arg11 : memref<!tpu.dma_semaphore, #tpu.memory_space<semaphore_mem>>)
      } else {
      }
      %add3A_155 = arith.constant 2 : i32
      %add3A_156 = arith.addi %mul3A_116, %add3A_155 : i32
      %add3A_157 = arith.constant 1 : i32
      %add3A_158 = arith.addi %add3A_156, %add3A_157 : i32
      %lt3A_159 = arith.constant 40 : i32
      %lt3A_160 = arith.cmpi slt, %add3A_158, %lt3A_159 : i32
      %convert_element_type3A_161 = arith.extui %lt3A_160 : i1 to i32
      %cond3A_162 = arith.constant 0 : i32
      %cond3A_163 = arith.cmpi ne, %convert_element_type3A_161, %cond3A_162 : i32
      scf.if %cond3A_163 {
        %add3A_164 = arith.constant 1 : i32
        %add3A_165 = arith.addi %mul3A_116, %add3A_164 : i32
        %dma_wait3A_166 = arith.constant 0 : i32
        %dma_wait3A_167 = tpu.memref_slice %arg8[%add3A_165, %dma_wait3A_166] : memref<40x125xi32, #tpu.memory_space<vmem>> -> memref<1x125xi32, #tpu.memory_space<vmem>>
        %dma_wait3A_168 = tpu.memref_squeeze %dma_wait3A_167 : memref<1x125xi32, #tpu.memory_space<vmem>> -> memref<125xi32, #tpu.memory_space<vmem>>
        %dma_wait3A_169 = arith.constant 0 : i32
        %dma_wait3A_170 = arith.constant 0 : i32
        %dma_wait3A_171 = tpu.memref_slice %arg15[%dma_wait3A_169, %dma_wait3A_170] : memref<10240x128xf32, #tpu.memory_space<vmem_shared>> -> memref<10240x128xf32, #tpu.memory_space<vmem_shared>>
        tpu.wait_indirect_dma semaphore(%arg14 : memref<!tpu.dma_semaphore, #tpu.memory_space<semaphore_mem>>) src(%arg10 : memref<125x128xf32, #tpu.memory_space<vmem>>) dst(%dma_wait3A_171 : memref<10240x128xf32, #tpu.memory_space<vmem_shared>>)
        %add3A_172 = arith.constant 2 : i32
        %add3A_173 = arith.addi %mul3A_116, %add3A_172 : i32
        %add3A_174 = arith.constant 1 : i32
        %add3A_175 = arith.addi %add3A_173, %add3A_174 : i32
        %dma_start3A_176 = arith.constant 0 : i32
        %dma_start3A_177 = tpu.memref_slice %arg7[%add3A_175, %dma_start3A_176] : memref<40x125xi32, #tpu.memory_space<vmem>> -> memref<1x125xi32, #tpu.memory_space<vmem>>
        %dma_start3A_178 = tpu.memref_squeeze %dma_start3A_177 : memref<1x125xi32, #tpu.memory_space<vmem>> -> memref<125xi32, #tpu.memory_space<vmem>>
        %dma_start3A_179 = arith.constant 0 : i32
        %dma_start3A_180 = arith.constant 0 : i32
        %dma_start3A_181 = tpu.memref_slice %arg2[%dma_start3A_179, %dma_start3A_180] : memref<10240x128xf32, #tpu.memory_space<hbm>> -> memref<10240x128xf32, #tpu.memory_space<hbm>>
        tpu.enqueue_indirect_dma source(%dma_start3A_181 : memref<10240x128xf32, #tpu.memory_space<hbm>>) target(%arg10 : memref<125x128xf32, #tpu.memory_space<vmem>>) offsets(%dma_start3A_178 : memref<125xi32, #tpu.memory_space<vmem>>) semaphore(%arg12 : memref<!tpu.dma_semaphore, #tpu.memory_space<semaphore_mem>>)
      } else {
      }
    }
    %scan3A_53 = arith.constant 20 : i32
    %dma_wait3A_54 = arith.constant 38 : i32
    %dma_wait3A_55 = arith.constant 0 : i32
    %dma_wait3A_56 = tpu.memref_slice %arg8[%dma_wait3A_54, %dma_wait3A_55] : memref<40x125xi32, #tpu.memory_space<vmem>> -> memref<1x125xi32, #tpu.memory_space<vmem>>
    %dma_wait3A_57 = tpu.memref_squeeze %dma_wait3A_56 : memref<1x125xi32, #tpu.memory_space<vmem>> -> memref<125xi32, #tpu.memory_space<vmem>>
    %dma_wait3A_58 = arith.constant 0 : i32
    %dma_wait3A_59 = arith.constant 0 : i32
    %dma_wait3A_60 = tpu.memref_slice %arg15[%dma_wait3A_58, %dma_wait3A_59] : memref<10240x128xf32, #tpu.memory_space<vmem_shared>> -> memref<10240x128xf32, #tpu.memory_space<vmem_shared>>
    tpu.wait_indirect_dma semaphore(%arg13 : memref<!tpu.dma_semaphore, #tpu.memory_space<semaphore_mem>>) src(%arg9 : memref<125x128xf32, #tpu.memory_space<vmem>>) dst(%dma_wait3A_60 : memref<10240x128xf32, #tpu.memory_space<vmem_shared>>)
    %dma_wait3A_61 = arith.constant 39 : i32
    %dma_wait3A_62 = arith.constant 0 : i32
    %dma_wait3A_63 = tpu.memref_slice %arg8[%dma_wait3A_61, %dma_wait3A_62] : memref<40x125xi32, #tpu.memory_space<vmem>> -> memref<1x125xi32, #tpu.memory_space<vmem>>
    %dma_wait3A_64 = tpu.memref_squeeze %dma_wait3A_63 : memref<1x125xi32, #tpu.memory_space<vmem>> -> memref<125xi32, #tpu.memory_space<vmem>>
    %dma_wait3A_65 = arith.constant 0 : i32
    %dma_wait3A_66 = arith.constant 0 : i32
    %dma_wait3A_67 = tpu.memref_slice %arg15[%dma_wait3A_65, %dma_wait3A_66] : memref<10240x128xf32, #tpu.memory_space<vmem_shared>> -> memref<10240x128xf32, #tpu.memory_space<vmem_shared>>
    tpu.wait_indirect_dma semaphore(%arg14 : memref<!tpu.dma_semaphore, #tpu.memory_space<semaphore_mem>>) src(%arg10 : memref<125x128xf32, #tpu.memory_space<vmem>>) dst(%dma_wait3A_67 : memref<10240x128xf32, #tpu.memory_space<vmem_shared>>)
    %mul3A_68 = arith.constant 80 : i32
    %mul3A_69 = arith.muli %add3A, %mul3A_68 : i32
    %add3A_70 = arith.constant 40 : i32
    %add3A_71 = arith.addi %mul3A_69, %add3A_70 : i32
    "tpu.region"() ({
      %run_scoped3A = tpu.sem_alloc : memref<!tpu.dma_semaphore, #tpu.memory_space<semaphore_mem>>
      %dma_start3A_114 = arith.constant 0 : i32
      %dma_start3A_115 = tpu.memref_slice %arg3[%add3A_71, %dma_start3A_114] : memref<2560x125xi32, #tpu.memory_space<hbm>> -> memref<40x125xi32, #tpu.memory_space<hbm>>
      %dma_start3A_116 = arith.constant 0 : i32
      %dma_start3A_117 = tpu.memref_slice %arg3[%add3A_71, %dma_start3A_116] : memref<2560x125xi32, #tpu.memory_space<hbm>> -> memref<40x125xi32, #tpu.memory_space<hbm>>
      tpu.enqueue_dma source(%dma_start3A_117 : memref<40x125xi32, #tpu.memory_space<hbm>>) target(%arg7 : memref<40x125xi32, #tpu.memory_space<vmem>>) target_semaphore(%run_scoped3A : memref<!tpu.dma_semaphore, #tpu.memory_space<semaphore_mem>>)
      %dma_wait3A_118 = arith.constant 0 : i32
      %dma_wait3A_119 = tpu.memref_slice %arg3[%add3A_71, %dma_wait3A_118] : memref<2560x125xi32, #tpu.memory_space<hbm>> -> memref<40x125xi32, #tpu.memory_space<hbm>>
      %dma_wait3A_120 = arith.constant 0 : i32
      %dma_wait3A_121 = tpu.memref_slice %arg3[%add3A_71, %dma_wait3A_120] : memref<2560x125xi32, #tpu.memory_space<hbm>> -> memref<40x125xi32, #tpu.memory_space<hbm>>
      tpu.wait_dma2 semaphore(%run_scoped3A : memref<!tpu.dma_semaphore, #tpu.memory_space<semaphore_mem>>) src(%dma_wait3A_121 : memref<40x125xi32, #tpu.memory_space<hbm>>) dst(%arg7 : memref<40x125xi32, #tpu.memory_space<vmem>>)
      tpu.yield
    }) : () -> ()
    "tpu.region"() ({
      %run_scoped3A = tpu.sem_alloc : memref<!tpu.dma_semaphore, #tpu.memory_space<semaphore_mem>>
      %dma_start3A_114 = arith.constant 0 : i32
      %dma_start3A_115 = tpu.memref_slice %arg4[%add3A_71, %dma_start3A_114] : memref<2560x125xi32, #tpu.memory_space<hbm>> -> memref<40x125xi32, #tpu.memory_space<hbm>>
      %dma_start3A_116 = arith.constant 0 : i32
      %dma_start3A_117 = tpu.memref_slice %arg4[%add3A_71, %dma_start3A_116] : memref<2560x125xi32, #tpu.memory_space<hbm>> -> memref<40x125xi32, #tpu.memory_space<hbm>>
      tpu.enqueue_dma source(%dma_start3A_117 : memref<40x125xi32, #tpu.memory_space<hbm>>) target(%arg8 : memref<40x125xi32, #tpu.memory_space<vmem>>) target_semaphore(%run_scoped3A : memref<!tpu.dma_semaphore, #tpu.memory_space<semaphore_mem>>)
      %dma_wait3A_118 = arith.constant 0 : i32
      %dma_wait3A_119 = tpu.memref_slice %arg4[%add3A_71, %dma_wait3A_118] : memref<2560x125xi32, #tpu.memory_space<hbm>> -> memref<40x125xi32, #tpu.memory_space<hbm>>
      %dma_wait3A_120 = arith.constant 0 : i32
      %dma_wait3A_121 = tpu.memref_slice %arg4[%add3A_71, %dma_wait3A_120] : memref<2560x125xi32, #tpu.memory_space<hbm>> -> memref<40x125xi32, #tpu.memory_space<hbm>>
      tpu.wait_dma2 semaphore(%run_scoped3A : memref<!tpu.dma_semaphore, #tpu.memory_space<semaphore_mem>>) src(%dma_wait3A_121 : memref<40x125xi32, #tpu.memory_space<hbm>>) dst(%arg8 : memref<40x125xi32, #tpu.memory_space<vmem>>)
      tpu.yield
    }) : () -> ()
    %dma_start3A_72 = arith.constant 0 : i32
    %dma_start3A_73 = arith.constant 0 : i32
    %dma_start3A_74 = tpu.memref_slice %arg7[%dma_start3A_72, %dma_start3A_73] : memref<40x125xi32, #tpu.memory_space<vmem>> -> memref<1x125xi32, #tpu.memory_space<vmem>>
    %dma_start3A_75 = tpu.memref_squeeze %dma_start3A_74 : memref<1x125xi32, #tpu.memory_space<vmem>> -> memref<125xi32, #tpu.memory_space<vmem>>
    %dma_start3A_76 = arith.constant 0 : i32
    %dma_start3A_77 = arith.constant 0 : i32
    %dma_start3A_78 = tpu.memref_slice %arg2[%dma_start3A_76, %dma_start3A_77] : memref<10240x128xf32, #tpu.memory_space<hbm>> -> memref<10240x128xf32, #tpu.memory_space<hbm>>
    tpu.enqueue_indirect_dma source(%dma_start3A_78 : memref<10240x128xf32, #tpu.memory_space<hbm>>) target(%arg9 : memref<125x128xf32, #tpu.memory_space<vmem>>) offsets(%dma_start3A_75 : memref<125xi32, #tpu.memory_space<vmem>>) semaphore(%arg11 : memref<!tpu.dma_semaphore, #tpu.memory_space<semaphore_mem>>)
    %dma_start3A_79 = arith.constant 1 : i32
    %dma_start3A_80 = arith.constant 0 : i32
    %dma_start3A_81 = tpu.memref_slice %arg7[%dma_start3A_79, %dma_start3A_80] : memref<40x125xi32, #tpu.memory_space<vmem>> -> memref<1x125xi32, #tpu.memory_space<vmem>>
    %dma_start3A_82 = tpu.memref_squeeze %dma_start3A_81 : memref<1x125xi32, #tpu.memory_space<vmem>> -> memref<125xi32, #tpu.memory_space<vmem>>
    %dma_start3A_83 = arith.constant 0 : i32
    %dma_start3A_84 = arith.constant 0 : i32
    %dma_start3A_85 = tpu.memref_slice %arg2[%dma_start3A_83, %dma_start3A_84] : memref<10240x128xf32, #tpu.memory_space<hbm>> -> memref<10240x128xf32, #tpu.memory_space<hbm>>
    tpu.enqueue_indirect_dma source(%dma_start3A_85 : memref<10240x128xf32, #tpu.memory_space<hbm>>) target(%arg10 : memref<125x128xf32, #tpu.memory_space<vmem>>) offsets(%dma_start3A_82 : memref<125xi32, #tpu.memory_space<vmem>>) semaphore(%arg12 : memref<!tpu.dma_semaphore, #tpu.memory_space<semaphore_mem>>)
    %scan3A_86 = arith.constant 0 : i32
    %scan3A_87 = arith.constant 0 : i32
    %scan3A_88 = arith.constant 20 : i32
    %scan3A_89 = arith.addi %scan3A_87, %scan3A_88 : i32
    %scan3A_90 = arith.constant 1 : i32
    scf.for %scan3A_114 = %scan3A_87 to %scan3A_89 step %scan3A_90  : i32 {
      %mul3A_115 = arith.constant 2 : i32
      %mul3A_116 = arith.muli %scan3A_114, %mul3A_115 : i32
      %add3A_117 = arith.constant 0 : i32
      %add3A_118 = arith.addi %mul3A_116, %add3A_117 : i32
      %dma_wait3A_119 = arith.constant 0 : i32
      %dma_wait3A_120 = tpu.memref_slice %arg7[%add3A_118, %dma_wait3A_119] : memref<40x125xi32, #tpu.memory_space<vmem>> -> memref<1x125xi32, #tpu.memory_space<vmem>>
      %dma_wait3A_121 = tpu.memref_squeeze %dma_wait3A_120 : memref<1x125xi32, #tpu.memory_space<vmem>> -> memref<125xi32, #tpu.memory_space<vmem>>
      %dma_wait3A_122 = arith.constant 0 : i32
      %dma_wait3A_123 = arith.constant 0 : i32
      %dma_wait3A_124 = tpu.memref_slice %arg2[%dma_wait3A_122, %dma_wait3A_123] : memref<10240x128xf32, #tpu.memory_space<hbm>> -> memref<10240x128xf32, #tpu.memory_space<hbm>>
      tpu.wait_indirect_dma semaphore(%arg11 : memref<!tpu.dma_semaphore, #tpu.memory_space<semaphore_mem>>) src(%dma_wait3A_124 : memref<10240x128xf32, #tpu.memory_space<hbm>>) dst(%arg9 : memref<125x128xf32, #tpu.memory_space<vmem>>)
      %add3A_125 = arith.constant 0 : i32
      %add3A_126 = arith.addi %mul3A_116, %add3A_125 : i32
      %dma_start3A_127 = arith.constant 0 : i32
      %dma_start3A_128 = tpu.memref_slice %arg8[%add3A_126, %dma_start3A_127] : memref<40x125xi32, #tpu.memory_space<vmem>> -> memref<1x125xi32, #tpu.memory_space<vmem>>
      %dma_start3A_129 = tpu.memref_squeeze %dma_start3A_128 : memref<1x125xi32, #tpu.memory_space<vmem>> -> memref<125xi32, #tpu.memory_space<vmem>>
      %dma_start3A_130 = arith.constant 0 : i32
      %dma_start3A_131 = arith.constant 0 : i32
      %dma_start3A_132 = tpu.memref_slice %arg15[%dma_start3A_130, %dma_start3A_131] : memref<10240x128xf32, #tpu.memory_space<vmem_shared>> -> memref<10240x128xf32, #tpu.memory_space<vmem_shared>>
      tpu.enqueue_indirect_dma source(%arg9 : memref<125x128xf32, #tpu.memory_space<vmem>>) target(%dma_start3A_132 : memref<10240x128xf32, #tpu.memory_space<vmem_shared>>) offsets(%dma_start3A_129 : memref<125xi32, #tpu.memory_space<vmem>>) semaphore(%arg13 : memref<!tpu.dma_semaphore, #tpu.memory_space<semaphore_mem>>) {add = true}
      %add3A_133 = arith.constant 1 : i32
      %add3A_134 = arith.addi %mul3A_116, %add3A_133 : i32
      %dma_wait3A_135 = arith.constant 0 : i32
      %dma_wait3A_136 = tpu.memref_slice %arg7[%add3A_134, %dma_wait3A_135] : memref<40x125xi32, #tpu.memory_space<vmem>> -> memref<1x125xi32, #tpu.memory_space<vmem>>
      %dma_wait3A_137 = tpu.memref_squeeze %dma_wait3A_136 : memref<1x125xi32, #tpu.memory_space<vmem>> -> memref<125xi32, #tpu.memory_space<vmem>>
      %dma_wait3A_138 = arith.constant 0 : i32
      %dma_wait3A_139 = arith.constant 0 : i32
      %dma_wait3A_140 = tpu.memref_slice %arg2[%dma_wait3A_138, %dma_wait3A_139] : memref<10240x128xf32, #tpu.memory_space<hbm>> -> memref<10240x128xf32, #tpu.memory_space<hbm>>
      tpu.wait_indirect_dma semaphore(%arg12 : memref<!tpu.dma_semaphore, #tpu.memory_space<semaphore_mem>>) src(%dma_wait3A_140 : memref<10240x128xf32, #tpu.memory_space<hbm>>) dst(%arg10 : memref<125x128xf32, #tpu.memory_space<vmem>>)
      %add3A_141 = arith.constant 1 : i32
      %add3A_142 = arith.addi %mul3A_116, %add3A_141 : i32
      %dma_start3A_143 = arith.constant 0 : i32
      %dma_start3A_144 = tpu.memref_slice %arg8[%add3A_142, %dma_start3A_143] : memref<40x125xi32, #tpu.memory_space<vmem>> -> memref<1x125xi32, #tpu.memory_space<vmem>>
      %dma_start3A_145 = tpu.memref_squeeze %dma_start3A_144 : memref<1x125xi32, #tpu.memory_space<vmem>> -> memref<125xi32, #tpu.memory_space<vmem>>
      %dma_start3A_146 = arith.constant 0 : i32
      %dma_start3A_147 = arith.constant 0 : i32
      %dma_start3A_148 = tpu.memref_slice %arg15[%dma_start3A_146, %dma_start3A_147] : memref<10240x128xf32, #tpu.memory_space<vmem_shared>> -> memref<10240x128xf32, #tpu.memory_space<vmem_shared>>
      tpu.enqueue_indirect_dma source(%arg10 : memref<125x128xf32, #tpu.memory_space<vmem>>) target(%dma_start3A_148 : memref<10240x128xf32, #tpu.memory_space<vmem_shared>>) offsets(%dma_start3A_145 : memref<125xi32, #tpu.memory_space<vmem>>) semaphore(%arg14 : memref<!tpu.dma_semaphore, #tpu.memory_space<semaphore_mem>>) {add = true}
      %add3A_149 = arith.constant 2 : i32
      %add3A_150 = arith.addi %mul3A_116, %add3A_149 : i32
      %add3A_151 = arith.constant 0 : i32
      %add3A_152 = arith.addi %add3A_150, %add3A_151 : i32
      %lt3A = arith.constant 40 : i32
      %lt3A_153 = arith.cmpi slt, %add3A_152, %lt3A : i32
      %convert_element_type3A = arith.extui %lt3A_153 : i1 to i32
      %cond3A = arith.constant 0 : i32
      %cond3A_154 = arith.cmpi ne, %convert_element_type3A, %cond3A : i32
      scf.if %cond3A_154 {
        %add3A_164 = arith.constant 0 : i32
        %add3A_165 = arith.addi %mul3A_116, %add3A_164 : i32
        %dma_wait3A_166 = arith.constant 0 : i32
        %dma_wait3A_167 = tpu.memref_slice %arg8[%add3A_165, %dma_wait3A_166] : memref<40x125xi32, #tpu.memory_space<vmem>> -> memref<1x125xi32, #tpu.memory_space<vmem>>
        %dma_wait3A_168 = tpu.memref_squeeze %dma_wait3A_167 : memref<1x125xi32, #tpu.memory_space<vmem>> -> memref<125xi32, #tpu.memory_space<vmem>>
        %dma_wait3A_169 = arith.constant 0 : i32
        %dma_wait3A_170 = arith.constant 0 : i32
        %dma_wait3A_171 = tpu.memref_slice %arg15[%dma_wait3A_169, %dma_wait3A_170] : memref<10240x128xf32, #tpu.memory_space<vmem_shared>> -> memref<10240x128xf32, #tpu.memory_space<vmem_shared>>
        tpu.wait_indirect_dma semaphore(%arg13 : memref<!tpu.dma_semaphore, #tpu.memory_space<semaphore_mem>>) src(%arg9 : memref<125x128xf32, #tpu.memory_space<vmem>>) dst(%dma_wait3A_171 : memref<10240x128xf32, #tpu.memory_space<vmem_shared>>)
        %add3A_172 = arith.constant 2 : i32
        %add3A_173 = arith.addi %mul3A_116, %add3A_172 : i32
        %add3A_174 = arith.constant 0 : i32
        %add3A_175 = arith.addi %add3A_173, %add3A_174 : i32
        %dma_start3A_176 = arith.constant 0 : i32
        %dma_start3A_177 = tpu.memref_slice %arg7[%add3A_175, %dma_start3A_176] : memref<40x125xi32, #tpu.memory_space<vmem>> -> memref<1x125xi32, #tpu.memory_space<vmem>>
        %dma_start3A_178 = tpu.memref_squeeze %dma_start3A_177 : memref<1x125xi32, #tpu.memory_space<vmem>> -> memref<125xi32, #tpu.memory_space<vmem>>
        %dma_start3A_179 = arith.constant 0 : i32
        %dma_start3A_180 = arith.constant 0 : i32
        %dma_start3A_181 = tpu.memref_slice %arg2[%dma_start3A_179, %dma_start3A_180] : memref<10240x128xf32, #tpu.memory_space<hbm>> -> memref<10240x128xf32, #tpu.memory_space<hbm>>
        tpu.enqueue_indirect_dma source(%dma_start3A_181 : memref<10240x128xf32, #tpu.memory_space<hbm>>) target(%arg9 : memref<125x128xf32, #tpu.memory_space<vmem>>) offsets(%dma_start3A_178 : memref<125xi32, #tpu.memory_space<vmem>>) semaphore(%arg11 : memref<!tpu.dma_semaphore, #tpu.memory_space<semaphore_mem>>)
      } else {
      }
      %add3A_155 = arith.constant 2 : i32
      %add3A_156 = arith.addi %mul3A_116, %add3A_155 : i32
      %add3A_157 = arith.constant 1 : i32
      %add3A_158 = arith.addi %add3A_156, %add3A_157 : i32
      %lt3A_159 = arith.constant 40 : i32
      %lt3A_160 = arith.cmpi slt, %add3A_158, %lt3A_159 : i32
      %convert_element_type3A_161 = arith.extui %lt3A_160 : i1 to i32
      %cond3A_162 = arith.constant 0 : i32
      %cond3A_163 = arith.cmpi ne, %convert_element_type3A_161, %cond3A_162 : i32
      scf.if %cond3A_163 {
        %add3A_164 = arith.constant 1 : i32
        %add3A_165 = arith.addi %mul3A_116, %add3A_164 : i32
        %dma_wait3A_166 = arith.constant 0 : i32
        %dma_wait3A_167 = tpu.memref_slice %arg8[%add3A_165, %dma_wait3A_166] : memref<40x125xi32, #tpu.memory_space<vmem>> -> memref<1x125xi32, #tpu.memory_space<vmem>>
        %dma_wait3A_168 = tpu.memref_squeeze %dma_wait3A_167 : memref<1x125xi32, #tpu.memory_space<vmem>> -> memref<125xi32, #tpu.memory_space<vmem>>
        %dma_wait3A_169 = arith.constant 0 : i32
        %dma_wait3A_170 = arith.constant 0 : i32
        %dma_wait3A_171 = tpu.memref_slice %arg15[%dma_wait3A_169, %dma_wait3A_170] : memref<10240x128xf32, #tpu.memory_space<vmem_shared>> -> memref<10240x128xf32, #tpu.memory_space<vmem_shared>>
        tpu.wait_indirect_dma semaphore(%arg14 : memref<!tpu.dma_semaphore, #tpu.memory_space<semaphore_mem>>) src(%arg10 : memref<125x128xf32, #tpu.memory_space<vmem>>) dst(%dma_wait3A_171 : memref<10240x128xf32, #tpu.memory_space<vmem_shared>>)
        %add3A_172 = arith.constant 2 : i32
        %add3A_173 = arith.addi %mul3A_116, %add3A_172 : i32
        %add3A_174 = arith.constant 1 : i32
        %add3A_175 = arith.addi %add3A_173, %add3A_174 : i32
        %dma_start3A_176 = arith.constant 0 : i32
        %dma_start3A_177 = tpu.memref_slice %arg7[%add3A_175, %dma_start3A_176] : memref<40x125xi32, #tpu.memory_space<vmem>> -> memref<1x125xi32, #tpu.memory_space<vmem>>
        %dma_start3A_178 = tpu.memref_squeeze %dma_start3A_177 : memref<1x125xi32, #tpu.memory_space<vmem>> -> memref<125xi32, #tpu.memory_space<vmem>>
        %dma_start3A_179 = arith.constant 0 : i32
        %dma_start3A_180 = arith.constant 0 : i32
        %dma_start3A_181 = tpu.memref_slice %arg2[%dma_start3A_179, %dma_start3A_180] : memref<10240x128xf32, #tpu.memory_space<hbm>> -> memref<10240x128xf32, #tpu.memory_space<hbm>>
        tpu.enqueue_indirect_dma source(%dma_start3A_181 : memref<10240x128xf32, #tpu.memory_space<hbm>>) target(%arg10 : memref<125x128xf32, #tpu.memory_space<vmem>>) offsets(%dma_start3A_178 : memref<125xi32, #tpu.memory_space<vmem>>) semaphore(%arg12 : memref<!tpu.dma_semaphore, #tpu.memory_space<semaphore_mem>>)
      } else {
      }
    }
    %scan3A_91 = arith.constant 20 : i32
    %dma_wait3A_92 = arith.constant 38 : i32
    %dma_wait3A_93 = arith.constant 0 : i32
    %dma_wait3A_94 = tpu.memref_slice %arg8[%dma_wait3A_92, %dma_wait3A_93] : memref<40x125xi32, #tpu.memory_space<vmem>> -> memref<1x125xi32, #tpu.memory_space<vmem>>
    %dma_wait3A_95 = tpu.memref_squeeze %dma_wait3A_94 : memref<1x125xi32, #tpu.memory_space<vmem>> -> memref<125xi32, #tpu.memory_space<vmem>>
    %dma_wait3A_96 = arith.constant 0 : i32
    %dma_wait3A_97 = arith.constant 0 : i32
    %dma_wait3A_98 = tpu.memref_slice %arg15[%dma_wait3A_96, %dma_wait3A_97] : memref<10240x128xf32, #tpu.memory_space<vmem_shared>> -> memref<10240x128xf32, #tpu.memory_space<vmem_shared>>
    tpu.wait_indirect_dma semaphore(%arg13 : memref<!tpu.dma_semaphore, #tpu.memory_space<semaphore_mem>>) src(%arg9 : memref<125x128xf32, #tpu.memory_space<vmem>>) dst(%dma_wait3A_98 : memref<10240x128xf32, #tpu.memory_space<vmem_shared>>)
    %dma_wait3A_99 = arith.constant 39 : i32
    %dma_wait3A_100 = arith.constant 0 : i32
    %dma_wait3A_101 = tpu.memref_slice %arg8[%dma_wait3A_99, %dma_wait3A_100] : memref<40x125xi32, #tpu.memory_space<vmem>> -> memref<1x125xi32, #tpu.memory_space<vmem>>
    %dma_wait3A_102 = tpu.memref_squeeze %dma_wait3A_101 : memref<1x125xi32, #tpu.memory_space<vmem>> -> memref<125xi32, #tpu.memory_space<vmem>>
    %dma_wait3A_103 = arith.constant 0 : i32
    %dma_wait3A_104 = arith.constant 0 : i32
    %dma_wait3A_105 = tpu.memref_slice %arg15[%dma_wait3A_103, %dma_wait3A_104] : memref<10240x128xf32, #tpu.memory_space<vmem_shared>> -> memref<10240x128xf32, #tpu.memory_space<vmem_shared>>
    tpu.wait_indirect_dma semaphore(%arg14 : memref<!tpu.dma_semaphore, #tpu.memory_space<semaphore_mem>>) src(%arg10 : memref<125x128xf32, #tpu.memory_space<vmem>>) dst(%dma_wait3A_105 : memref<10240x128xf32, #tpu.memory_space<vmem_shared>>)
    %barrier3A_106 = arith.constant 0 : index
    tpu.barrier barrier_id(%barrier3A_106)
    %mul3A_107 = arith.constant 640 : i32
    %mul3A_108 = arith.muli %arg1, %mul3A_107 : i32
    %mul3A_109 = arith.constant 10240 : i32
    %mul3A_110 = arith.muli %arg0, %mul3A_109 : i32
    %mul3A_111 = arith.constant 640 : i32
    %mul3A_112 = arith.muli %arg1, %mul3A_111 : i32
    %add3A_113 = arith.addi %mul3A_110, %mul3A_112 : i32
    "tpu.region"() ({
      %run_scoped3A = tpu.sem_alloc : memref<!tpu.dma_semaphore, #tpu.memory_space<semaphore_mem>>
      %dma_start3A_114 = arith.constant 0 : i32
      %dma_start3A_115 = tpu.memref_slice %arg6[%add3A_113, %dma_start3A_114] : memref<20480x128xf32, #tpu.memory_space<hbm>> -> memref<640x128xf32, #tpu.memory_space<hbm>>
      %dma_start3A_116 = arith.constant 0 : i32
      %dma_start3A_117 = tpu.memref_slice %arg15[%mul3A_108, %dma_start3A_116] : memref<10240x128xf32, #tpu.memory_space<vmem_shared>> -> memref<640x128xf32, #tpu.memory_space<vmem_shared>>
      tpu.enqueue_dma source(%dma_start3A_117 : memref<640x128xf32, #tpu.memory_space<vmem_shared>>) target(%dma_start3A_115 : memref<640x128xf32, #tpu.memory_space<hbm>>) target_semaphore(%run_scoped3A : memref<!tpu.dma_semaphore, #tpu.memory_space<semaphore_mem>>)
      %dma_wait3A_118 = arith.constant 0 : i32
      %dma_wait3A_119 = tpu.memref_slice %arg6[%add3A_113, %dma_wait3A_118] : memref<20480x128xf32, #tpu.memory_space<hbm>> -> memref<640x128xf32, #tpu.memory_space<hbm>>
      %dma_wait3A_120 = arith.constant 0 : i32
      %dma_wait3A_121 = tpu.memref_slice %arg15[%mul3A_108, %dma_wait3A_120] : memref<10240x128xf32, #tpu.memory_space<vmem_shared>> -> memref<640x128xf32, #tpu.memory_space<vmem_shared>>
      tpu.wait_dma2 semaphore(%run_scoped3A : memref<!tpu.dma_semaphore, #tpu.memory_space<semaphore_mem>>) src(%dma_wait3A_121 : memref<640x128xf32, #tpu.memory_space<vmem_shared>>) dst(%dma_wait3A_119 : memref<640x128xf32, #tpu.memory_space<hbm>>)
      tpu.yield
    }) : () -> ()
    return
  }
}

module attributes {stable_mosaic.version = 14 : i64} {
  func.func @_d1_body(%arg0: i32, %arg1: memref<1024x128xf32, #tpu.memory_space<vmem>>, %arg2: memref<1024x128xf32, #tpu.memory_space<vmem>>, %arg3: memref<128x128xf32, #tpu.memory_space<vmem>>, %arg4: memref<1x128xf32, #tpu.memory_space<vmem>>, %arg5: memref<128x128xf32, #tpu.memory_space<vmem>>, %arg6: memref<1x128xf32, #tpu.memory_space<vmem>>, %arg7: memref<128x64xf32, #tpu.memory_space<vmem>>, %arg8: memref<1x64xf32, #tpu.memory_space<vmem>>, %arg9: memref<128x64xf32, #tpu.memory_space<vmem>>, %arg10: memref<1x64xf32, #tpu.memory_space<vmem>>, %arg11: memref<1024x128xf32, #tpu.memory_space<vmem>>, %arg12: memref<1024x64xf32, #tpu.memory_space<vmem>>, %arg13: memref<1024x64xf32, #tpu.memory_space<vmem>>) attributes {dimension_semantics = [#tpu.dimension_semantics<arbitrary>], iteration_bounds = array<i64: 10>, scalar_prefetch = 0 : i64, scratch_operands = 0 : i64, tpu.core_type = #tpu.core_type<tc>, window_params = [{transform_indices = @transform_0, window_bounds = array<i64: 1024, 128>}, {transform_indices = @transform_1, window_bounds = array<i64: 1024, 128>}, {pipeline_mode = #tpu.pipeline_mode<synchronous>, transform_indices = @transform_2, window_bounds = array<i64: 128, 128>}, {pipeline_mode = #tpu.pipeline_mode<synchronous>, transform_indices = @transform_3, window_bounds = array<i64: 1, 128>}, {pipeline_mode = #tpu.pipeline_mode<synchronous>, transform_indices = @transform_4, window_bounds = array<i64: 128, 128>}, {pipeline_mode = #tpu.pipeline_mode<synchronous>, transform_indices = @transform_5, window_bounds = array<i64: 1, 128>}, {pipeline_mode = #tpu.pipeline_mode<synchronous>, transform_indices = @transform_6, window_bounds = array<i64: 128, 64>}, {pipeline_mode = #tpu.pipeline_mode<synchronous>, transform_indices = @transform_7, window_bounds = array<i64: 1, 64>}, {pipeline_mode = #tpu.pipeline_mode<synchronous>, transform_indices = @transform_8, window_bounds = array<i64: 128, 64>}, {pipeline_mode = #tpu.pipeline_mode<synchronous>, transform_indices = @transform_9, window_bounds = array<i64: 1, 64>}, {transform_indices = @transform_10, window_bounds = array<i64: 1024, 128>}, {transform_indices = @transform_11, window_bounds = array<i64: 1024, 64>}, {transform_indices = @transform_12, window_bounds = array<i64: 1024, 64>}]} {
    %get3A = arith.constant 0 : index
    %get3A_0 = arith.constant 0 : index
    %get3A_1 = vector.load %arg1[%get3A, %get3A_0] : memref<1024x128xf32, #tpu.memory_space<vmem>>, vector<1024x128xf32>
    %get3A_2 = arith.constant 0 : index
    %get3A_3 = arith.constant 0 : index
    %get3A_4 = vector.load %arg2[%get3A_2, %get3A_3] : memref<1024x128xf32, #tpu.memory_space<vmem>>, vector<1024x128xf32>
    %get3A_5 = arith.constant 0 : index
    %get3A_6 = arith.constant 0 : index
    %get3A_7 = vector.load %arg3[%get3A_5, %get3A_6] : memref<128x128xf32, #tpu.memory_space<vmem>>, vector<128x128xf32>
    %dot_general3A = arith.constant dense<0.000000e+00> : vector<1024x128xf32>
    %dot_general3A_8 = tpu.matmul %get3A_1, %get3A_7, %dot_general3A {dimension_numbers = #tpu.dot_dimension_numbers<[1], [0], [0], [1], [0, 0, 1, 1], [], []>, transpose_lhs_hint = false} : vector<1024x128xf32>, vector<128x128xf32>, vector<1024x128xf32> -> vector<1024x128xf32>
    %get3A_9 = arith.constant 0 : index
    %get3A_10 = arith.constant 0 : index
    %get3A_11 = vector.load %arg4[%get3A_9, %get3A_10] : memref<1x128xf32, #tpu.memory_space<vmem>>, vector<1x128xf32>
    %add3A = vector.broadcast %get3A_11 : vector<1x128xf32> to vector<1024x128xf32>
    %add3A_12 = arith.addf %dot_general3A_8, %add3A : vector<1024x128xf32>
    %max3A = arith.constant 0.000000e+00 : f32
    %max3A_13 = vector.broadcast %max3A : f32 to vector<1024x128xf32>
    %max3A_14 = arith.maximumf %add3A_12, %max3A_13 : vector<1024x128xf32>
    %swap3A = arith.constant 0 : index
    %swap3A_15 = arith.constant 0 : index
    %swap3A_16 = vector.load %arg11[%swap3A, %swap3A_15] : memref<1024x128xf32, #tpu.memory_space<vmem>>, vector<1024x128xf32>
    tpu.vector_store %arg11[%swap3A, %swap3A_15], %max3A_14 {strides = array<i32>} : memref<1024x128xf32, #tpu.memory_space<vmem>>, vector<1024x128xf32>,
    %get3A_17 = arith.constant 0 : index
    %get3A_18 = arith.constant 0 : index
    %get3A_19 = vector.load %arg5[%get3A_17, %get3A_18] : memref<128x128xf32, #tpu.memory_space<vmem>>, vector<128x128xf32>
    %dot_general3A_20 = arith.constant dense<0.000000e+00> : vector<1024x128xf32>
    %dot_general3A_21 = tpu.matmul %get3A_4, %get3A_19, %dot_general3A_20 {dimension_numbers = #tpu.dot_dimension_numbers<[1], [0], [0], [1], [0, 0, 1, 1], [], []>, transpose_lhs_hint = false} : vector<1024x128xf32>, vector<128x128xf32>, vector<1024x128xf32> -> vector<1024x128xf32>
    %get3A_22 = arith.constant 0 : index
    %get3A_23 = arith.constant 0 : index
    %get3A_24 = vector.load %arg6[%get3A_22, %get3A_23] : memref<1x128xf32, #tpu.memory_space<vmem>>, vector<1x128xf32>
    %add3A_25 = vector.broadcast %get3A_24 : vector<1x128xf32> to vector<1024x128xf32>
    %add3A_26 = arith.addf %dot_general3A_21, %add3A_25 : vector<1024x128xf32>
    %max3A_27 = arith.constant 0.000000e+00 : f32
    %max3A_28 = vector.broadcast %max3A_27 : f32 to vector<1024x128xf32>
    %max3A_29 = arith.maximumf %add3A_26, %max3A_28 : vector<1024x128xf32>
    %get3A_30 = arith.constant 0 : index
    %get3A_31 = arith.constant 0 : index
    %get3A_32 = vector.load %arg7[%get3A_30, %get3A_31] : memref<128x64xf32, #tpu.memory_space<vmem>>, vector<128x64xf32>
    %dot_general3A_33 = arith.constant dense<0.000000e+00> : vector<1024x64xf32>
    %dot_general3A_34 = tpu.matmul %max3A_29, %get3A_32, %dot_general3A_33 {dimension_numbers = #tpu.dot_dimension_numbers<[1], [0], [0], [1], [0, 0, 1, 1], [], []>, transpose_lhs_hint = false} : vector<1024x128xf32>, vector<128x64xf32>, vector<1024x64xf32> -> vector<1024x64xf32>
    %get3A_35 = arith.constant 0 : index
    %get3A_36 = arith.constant 0 : index
    %get3A_37 = vector.load %arg8[%get3A_35, %get3A_36] : memref<1x64xf32, #tpu.memory_space<vmem>>, vector<1x64xf32>
    %add3A_38 = vector.broadcast %get3A_37 : vector<1x64xf32> to vector<1024x64xf32>
    %add3A_39 = arith.addf %dot_general3A_34, %add3A_38 : vector<1024x64xf32>
    %swap3A_40 = arith.constant 0 : index
    %swap3A_41 = arith.constant 0 : index
    %swap3A_42 = vector.load %arg12[%swap3A_40, %swap3A_41] : memref<1024x64xf32, #tpu.memory_space<vmem>>, vector<1024x64xf32>
    tpu.vector_store %arg12[%swap3A_40, %swap3A_41], %add3A_39 {strides = array<i32>} : memref<1024x64xf32, #tpu.memory_space<vmem>>, vector<1024x64xf32>,
    %get3A_43 = arith.constant 0 : index
    %get3A_44 = arith.constant 0 : index
    %get3A_45 = vector.load %arg9[%get3A_43, %get3A_44] : memref<128x64xf32, #tpu.memory_space<vmem>>, vector<128x64xf32>
    %dot_general3A_46 = arith.constant dense<0.000000e+00> : vector<1024x64xf32>
    %dot_general3A_47 = tpu.matmul %max3A_29, %get3A_45, %dot_general3A_46 {dimension_numbers = #tpu.dot_dimension_numbers<[1], [0], [0], [1], [0, 0, 1, 1], [], []>, transpose_lhs_hint = false} : vector<1024x128xf32>, vector<128x64xf32>, vector<1024x64xf32> -> vector<1024x64xf32>
    %get3A_48 = arith.constant 0 : index
    %get3A_49 = arith.constant 0 : index
    %get3A_50 = vector.load %arg10[%get3A_48, %get3A_49] : memref<1x64xf32, #tpu.memory_space<vmem>>, vector<1x64xf32>
    %add3A_51 = vector.broadcast %get3A_50 : vector<1x64xf32> to vector<1024x64xf32>
    %add3A_52 = arith.addf %dot_general3A_47, %add3A_51 : vector<1024x64xf32>
    %abs3A = math.absf %add3A_52 : vector<1024x64xf32>
    %neg3A = arith.constant 0.000000e+00 : f32
    %neg3A_53 = vector.broadcast %neg3A : f32 to vector<1024x64xf32>
    %neg3A_54 = arith.subf %neg3A_53, %abs3A : vector<1024x64xf32>
    %exp3A = math.exp %neg3A_54 : vector<1024x64xf32>
    %log1p3A = math.log1p %exp3A : vector<1024x64xf32>
    %max3A_55 = arith.constant 0.000000e+00 : f32
    %max3A_56 = vector.broadcast %max3A_55 : f32 to vector<1024x64xf32>
    %max3A_57 = arith.maximumf %add3A_52, %max3A_56 : vector<1024x64xf32>
    %add3A_58 = arith.addf %log1p3A, %max3A_57 : vector<1024x64xf32>
    %swap3A_59 = arith.constant 0 : index
    %swap3A_60 = arith.constant 0 : index
    %swap3A_61 = vector.load %arg13[%swap3A_59, %swap3A_60] : memref<1024x64xf32, #tpu.memory_space<vmem>>, vector<1024x64xf32>
    tpu.vector_store %arg13[%swap3A_59, %swap3A_60], %add3A_58 {strides = array<i32>} : memref<1024x64xf32, #tpu.memory_space<vmem>>, vector<1024x64xf32>,
    return
  }
  func.func @transform_0(%arg0: i32) -> (i32, i32) {
    %c0_i32 = arith.constant 0 : i32
    %c0_i32_0 = arith.constant 0 : i32
    return %arg0, %c0_i32 : i32, i32
  }
  func.func @transform_1(%arg0: i32) -> (i32, i32) {
    %c0_i32 = arith.constant 0 : i32
    %c0_i32_0 = arith.constant 0 : i32
    return %arg0, %c0_i32 : i32, i32
  }
  func.func @transform_2(%arg0: i32) -> (i32, i32) {
    %c0_i32 = arith.constant 0 : i32
    %c0_i32_0 = arith.constant 0 : i32
    %c0_i32_1 = arith.constant 0 : i32
    return %c0_i32, %c0_i32_0 : i32, i32
  }
  func.func @transform_3(%arg0: i32) -> (i32, i32) {
    %c0_i32 = arith.constant 0 : i32
    %c0_i32_0 = arith.constant 0 : i32
    %c0_i32_1 = arith.constant 0 : i32
    return %c0_i32, %c0_i32_0 : i32, i32
  }
  func.func @transform_4(%arg0: i32) -> (i32, i32) {
    %c0_i32 = arith.constant 0 : i32
    %c0_i32_0 = arith.constant 0 : i32
    %c0_i32_1 = arith.constant 0 : i32
    return %c0_i32, %c0_i32_0 : i32, i32
  }
  func.func @transform_5(%arg0: i32) -> (i32, i32) {
    %c0_i32 = arith.constant 0 : i32
    %c0_i32_0 = arith.constant 0 : i32
    %c0_i32_1 = arith.constant 0 : i32
    return %c0_i32, %c0_i32_0 : i32, i32
  }
  func.func @transform_6(%arg0: i32) -> (i32, i32) {
    %c0_i32 = arith.constant 0 : i32
    %c0_i32_0 = arith.constant 0 : i32
    %c0_i32_1 = arith.constant 0 : i32
    return %c0_i32, %c0_i32_0 : i32, i32
  }
  func.func @transform_7(%arg0: i32) -> (i32, i32) {
    %c0_i32 = arith.constant 0 : i32
    %c0_i32_0 = arith.constant 0 : i32
    %c0_i32_1 = arith.constant 0 : i32
    return %c0_i32, %c0_i32_0 : i32, i32
  }
  func.func @transform_8(%arg0: i32) -> (i32, i32) {
    %c0_i32 = arith.constant 0 : i32
    %c0_i32_0 = arith.constant 0 : i32
    %c0_i32_1 = arith.constant 0 : i32
    return %c0_i32, %c0_i32_0 : i32, i32
  }
  func.func @transform_9(%arg0: i32) -> (i32, i32) {
    %c0_i32 = arith.constant 0 : i32
    %c0_i32_0 = arith.constant 0 : i32
    %c0_i32_1 = arith.constant 0 : i32
    return %c0_i32, %c0_i32_0 : i32, i32
  }
  func.func @transform_10(%arg0: i32) -> (i32, i32) {
    %c0_i32 = arith.constant 0 : i32
    %c0_i32_0 = arith.constant 0 : i32
    return %arg0, %c0_i32 : i32, i32
  }
  func.func @transform_11(%arg0: i32) -> (i32, i32) {
    %c0_i32 = arith.constant 0 : i32
    %c0_i32_0 = arith.constant 0 : i32
    return %arg0, %c0_i32 : i32, i32
  }
  func.func @transform_12(%arg0: i32) -> (i32, i32) {
    %c0_i32 = arith.constant 0 : i32
    %c0_i32_0 = arith.constant 0 : i32
    return %arg0, %c0_i32 : i32, i32
  }
}

module attributes {stable_mosaic.version = 14 : i64} {
  func.func @_d2_body(%arg0: i32, %arg1: memref<2x1024x128xf32, #tpu.memory_space<vmem>>, %arg2: memref<1024x128xf32, #tpu.memory_space<vmem>>, %arg3: memref<1024x128xf32, #tpu.memory_space<vmem>>, %arg4: memref<128x128xf32, #tpu.memory_space<vmem>>, %arg5: memref<128x128xf32, #tpu.memory_space<vmem>>, %arg6: memref<1024x16xf32, #tpu.memory_space<vmem>>, %arg7: memref<1024x128xf32, #tpu.memory_space<vmem>>) attributes {dimension_semantics = [#tpu.dimension_semantics<arbitrary>], iteration_bounds = array<i64: 10>, scalar_prefetch = 0 : i64, scratch_operands = 0 : i64, tpu.core_type = #tpu.core_type<tc>, window_params = [{transform_indices = @transform_0, window_bounds = array<i64: 2, 1024, 128>}, {transform_indices = @transform_1, window_bounds = array<i64: 1024, 128>}, {transform_indices = @transform_2, window_bounds = array<i64: 1024, 128>}, {pipeline_mode = #tpu.pipeline_mode<synchronous>, transform_indices = @transform_3, window_bounds = array<i64: 128, 128>}, {pipeline_mode = #tpu.pipeline_mode<synchronous>, transform_indices = @transform_4, window_bounds = array<i64: 128, 128>}, {transform_indices = @transform_5, window_bounds = array<i64: 1024, 16>}, {transform_indices = @transform_6, window_bounds = array<i64: 1024, 128>}]} {
    %get3A = arith.constant 0 : index
    %get3A_0 = arith.constant 0 : index
    %get3A_1 = arith.constant 0 : index
    %get3A_2 = vector.load %arg1[%get3A, %get3A_0, %get3A_1] : memref<2x1024x128xf32, #tpu.memory_space<vmem>>, vector<1x1024x1xf32>
    %get3A_3 = vector.shape_cast %get3A_2 : vector<1x1024x1xf32> to vector<1024x1xf32>
    %get3A_4 = arith.constant 1 : index
    %get3A_5 = arith.constant 0 : index
    %get3A_6 = arith.constant 0 : index
    %get3A_7 = vector.load %arg1[%get3A_4, %get3A_5, %get3A_6] : memref<2x1024x128xf32, #tpu.memory_space<vmem>>, vector<1x1024x1xf32>
    %get3A_8 = vector.shape_cast %get3A_7 : vector<1x1024x1xf32> to vector<1024x1xf32>
    %add3A = arith.addf %get3A_3, %get3A_8 : vector<1024x1xf32>
    %add3A_9 = arith.constant 1.000000e+00 : f32
    %add3A_10 = vector.broadcast %add3A_9 : f32 to vector<1024x1xf32>
    %add3A_11 = arith.addf %add3A, %add3A_10 : vector<1024x1xf32>
    %jit3A = arith.constant 1.000000e+00 : f32
    %max3A = vector.broadcast %jit3A : f32 to vector<1024x1xf32>
    %max3A_12 = arith.maximumf %max3A, %add3A_11 : vector<1024x1xf32>
    %sqrt3A = math.sqrt %max3A_12 : vector<1024x1xf32>
    %div3A = arith.constant 1.000000e+00 : f32
    %div3A_13 = vector.broadcast %div3A : f32 to vector<1024x1xf32>
    %div3A_14 = arith.divf %div3A_13, %sqrt3A : vector<1024x1xf32>
    %broadcast_in_dim3A = vector.shape_cast %div3A_14 : vector<1024x1xf32> to vector<1024x1xf32>
    %broadcast_in_dim3A_15 = vector.broadcast %broadcast_in_dim3A : vector<1024x1xf32> to vector<1024x16xf32>
    %swap3A = arith.constant 0 : index
    %swap3A_16 = arith.constant 0 : index
    %swap3A_17 = vector.load %arg6[%swap3A, %swap3A_16] : memref<1024x16xf32, #tpu.memory_space<vmem>>, vector<1024x16xf32>
    tpu.vector_store %arg6[%swap3A, %swap3A_16], %broadcast_in_dim3A_15 {strides = array<i32>} : memref<1024x16xf32, #tpu.memory_space<vmem>>, vector<1024x16xf32>,
    %get3A_18 = arith.constant 0 : index
    %get3A_19 = arith.constant 0 : index
    %get3A_20 = vector.load %arg2[%get3A_18, %get3A_19] : memref<1024x128xf32, #tpu.memory_space<vmem>>, vector<1024x128xf32>
    %get3A_21 = arith.constant 0 : index
    %get3A_22 = arith.constant 0 : index
    %get3A_23 = vector.load %arg4[%get3A_21, %get3A_22] : memref<128x128xf32, #tpu.memory_space<vmem>>, vector<128x128xf32>
    %dot_general3A = arith.constant dense<0.000000e+00> : vector<1024x128xf32>
    %dot_general3A_24 = tpu.matmul %get3A_20, %get3A_23, %dot_general3A {dimension_numbers = #tpu.dot_dimension_numbers<[1], [0], [0], [1], [0, 0, 1, 1], [], []>, transpose_lhs_hint = false} : vector<1024x128xf32>, vector<128x128xf32>, vector<1024x128xf32> -> vector<1024x128xf32>
    %get3A_25 = arith.constant 0 : index
    %get3A_26 = arith.constant 0 : index
    %get3A_27 = vector.load %arg3[%get3A_25, %get3A_26] : memref<1024x128xf32, #tpu.memory_space<vmem>>, vector<1024x128xf32>
    %get3A_28 = arith.constant 0 : index
    %get3A_29 = arith.constant 0 : index
    %get3A_30 = vector.load %arg5[%get3A_28, %get3A_29] : memref<128x128xf32, #tpu.memory_space<vmem>>, vector<128x128xf32>
    %dot_general3A_31 = arith.constant dense<0.000000e+00> : vector<1024x128xf32>
    %dot_general3A_32 = tpu.matmul %get3A_27, %get3A_30, %dot_general3A_31 {dimension_numbers = #tpu.dot_dimension_numbers<[1], [0], [0], [1], [0, 0, 1, 1], [], []>, transpose_lhs_hint = false} : vector<1024x128xf32>, vector<128x128xf32>, vector<1024x128xf32> -> vector<1024x128xf32>
    %add3A_33 = arith.addf %dot_general3A_24, %dot_general3A_32 : vector<1024x128xf32>
    %mul3A = vector.broadcast %div3A_14 : vector<1024x1xf32> to vector<1024x128xf32>
    %mul3A_34 = arith.mulf %mul3A, %add3A_33 : vector<1024x128xf32>
    %swap3A_35 = arith.constant 0 : index
    %swap3A_36 = arith.constant 0 : index
    %swap3A_37 = vector.load %arg7[%swap3A_35, %swap3A_36] : memref<1024x128xf32, #tpu.memory_space<vmem>>, vector<1024x128xf32>
    tpu.vector_store %arg7[%swap3A_35, %swap3A_36], %mul3A_34 {strides = array<i32>} : memref<1024x128xf32, #tpu.memory_space<vmem>>, vector<1024x128xf32>,
    return
  }
  func.func @transform_0(%arg0: i32) -> (i32, i32, i32) {
    %c0_i32 = arith.constant 0 : i32
    %c0_i32_0 = arith.constant 0 : i32
    %c0_i32_1 = arith.constant 0 : i32
    return %c0_i32, %arg0, %c0_i32_0 : i32, i32, i32
  }
  func.func @transform_1(%arg0: i32) -> (i32, i32) {
    %c0_i32 = arith.constant 0 : i32
    %c0_i32_0 = arith.constant 0 : i32
    return %arg0, %c0_i32 : i32, i32
  }
  func.func @transform_2(%arg0: i32) -> (i32, i32) {
    %c0_i32 = arith.constant 0 : i32
    %c0_i32_0 = arith.constant 0 : i32
    return %arg0, %c0_i32 : i32, i32
  }
  func.func @transform_3(%arg0: i32) -> (i32, i32) {
    %c0_i32 = arith.constant 0 : i32
    %c0_i32_0 = arith.constant 0 : i32
    %c0_i32_1 = arith.constant 0 : i32
    return %c0_i32, %c0_i32_0 : i32, i32
  }
  func.func @transform_4(%arg0: i32) -> (i32, i32) {
    %c0_i32 = arith.constant 0 : i32
    %c0_i32_0 = arith.constant 0 : i32
    %c0_i32_1 = arith.constant 0 : i32
    return %c0_i32, %c0_i32_0 : i32, i32
  }
  func.func @transform_5(%arg0: i32) -> (i32, i32) {
    %c0_i32 = arith.constant 0 : i32
    %c0_i32_0 = arith.constant 0 : i32
    return %arg0, %c0_i32 : i32, i32
  }
  func.func @transform_6(%arg0: i32) -> (i32, i32) {
    %c0_i32 = arith.constant 0 : i32
    %c0_i32_0 = arith.constant 0 : i32
    return %arg0, %c0_i32 : i32, i32
  }
}

module attributes {stable_mosaic.version = 14 : i64} {
  func.func @_d3_body(%arg0: i32, %arg1: memref<2x1024x128xf32, #tpu.memory_space<vmem>>, %arg2: memref<1024x128xf32, #tpu.memory_space<vmem>>, %arg3: memref<1024x16xf32, #tpu.memory_space<vmem>>, %arg4: memref<128x64xf32, #tpu.memory_space<vmem>>, %arg5: memref<128x64xf32, #tpu.memory_space<vmem>>, %arg6: memref<1x128xf32, #tpu.memory_space<vmem>>, %arg7: memref<1024x128xf32, #tpu.memory_space<vmem>>) attributes {dimension_semantics = [#tpu.dimension_semantics<arbitrary>], iteration_bounds = array<i64: 10>, scalar_prefetch = 0 : i64, scratch_operands = 0 : i64, tpu.core_type = #tpu.core_type<tc>, window_params = [{transform_indices = @transform_0, window_bounds = array<i64: 2, 1024, 128>}, {transform_indices = @transform_1, window_bounds = array<i64: 1024, 128>}, {transform_indices = @transform_2, window_bounds = array<i64: 1024, 16>}, {pipeline_mode = #tpu.pipeline_mode<synchronous>, transform_indices = @transform_3, window_bounds = array<i64: 128, 64>}, {pipeline_mode = #tpu.pipeline_mode<synchronous>, transform_indices = @transform_4, window_bounds = array<i64: 128, 64>}, {pipeline_mode = #tpu.pipeline_mode<synchronous>, transform_indices = @transform_5, window_bounds = array<i64: 1, 128>}, {transform_indices = @transform_6, window_bounds = array<i64: 1024, 128>}]} {
    %get3A = arith.constant 0 : index
    %get3A_0 = arith.constant 0 : index
    %get3A_1 = vector.load %arg3[%get3A, %get3A_0] : memref<1024x16xf32, #tpu.memory_space<vmem>>, vector<1024x1xf32>
    %get3A_2 = arith.constant 0 : index
    %get3A_3 = arith.constant 0 : index
    %get3A_4 = arith.constant 0 : index
    %get3A_5 = vector.load %arg1[%get3A_2, %get3A_3, %get3A_4] : memref<2x1024x128xf32, #tpu.memory_space<vmem>>, vector<1x1024x128xf32>
    %get3A_6 = vector.shape_cast %get3A_5 : vector<1x1024x128xf32> to vector<1024x128xf32>
    %get3A_7 = arith.constant 1 : index
    %get3A_8 = arith.constant 0 : index
    %get3A_9 = arith.constant 0 : index
    %get3A_10 = vector.load %arg1[%get3A_7, %get3A_8, %get3A_9] : memref<2x1024x128xf32, #tpu.memory_space<vmem>>, vector<1x1024x128xf32>
    %get3A_11 = vector.shape_cast %get3A_10 : vector<1x1024x128xf32> to vector<1024x128xf32>
    %add3A = arith.addf %get3A_6, %get3A_11 : vector<1024x128xf32>
    %get3A_12 = arith.constant 0 : index
    %get3A_13 = arith.constant 0 : index
    %get3A_14 = vector.load %arg2[%get3A_12, %get3A_13] : memref<1024x128xf32, #tpu.memory_space<vmem>>, vector<1024x128xf32>
    %add3A_15 = arith.addf %add3A, %get3A_14 : vector<1024x128xf32>
    %mul3A = vector.broadcast %get3A_1 : vector<1024x1xf32> to vector<1024x128xf32>
    %mul3A_16 = arith.mulf %mul3A, %add3A_15 : vector<1024x128xf32>
    %get3A_17 = arith.constant 0 : index
    %get3A_18 = arith.constant 0 : index
    %get3A_19 = vector.load %arg6[%get3A_17, %get3A_18] : memref<1x128xf32, #tpu.memory_space<vmem>>, vector<1x128xf32>
    %add3A_20 = vector.broadcast %get3A_19 : vector<1x128xf32> to vector<1024x128xf32>
    %add3A_21 = arith.addf %mul3A_16, %add3A_20 : vector<1024x128xf32>
    %get3A_22 = arith.constant 0 : index
    %get3A_23 = arith.constant 0 : index
    %get3A_24 = vector.load %arg4[%get3A_22, %get3A_23] : memref<128x64xf32, #tpu.memory_space<vmem>>, vector<128x64xf32>
    %dot_general3A = arith.constant dense<0.000000e+00> : vector<1024x64xf32>
    %dot_general3A_25 = tpu.matmul %add3A_21, %get3A_24, %dot_general3A {dimension_numbers = #tpu.dot_dimension_numbers<[1], [0], [0], [1], [0, 0, 1, 1], [], []>, transpose_lhs_hint = false} : vector<1024x128xf32>, vector<128x64xf32>, vector<1024x64xf32> -> vector<1024x64xf32>
    %get3A_26 = arith.constant 0 : index
    %get3A_27 = arith.constant 0 : index
    %get3A_28 = vector.load %arg5[%get3A_26, %get3A_27] : memref<128x64xf32, #tpu.memory_space<vmem>>, vector<128x64xf32>
    %dot_general3A_29 = arith.constant dense<0.000000e+00> : vector<1024x64xf32>
    %dot_general3A_30 = tpu.matmul %add3A_21, %get3A_28, %dot_general3A_29 {dimension_numbers = #tpu.dot_dimension_numbers<[1], [0], [0], [1], [0, 0, 1, 1], [], []>, transpose_lhs_hint = false} : vector<1024x128xf32>, vector<128x64xf32>, vector<1024x64xf32> -> vector<1024x64xf32>
    %concatenate3A = tpu.concatenate %dot_general3A_25, %dot_general3A_30 in 1 : vector<1024x64xf32>, vector<1024x64xf32> -> vector<1024x128xf32>
    %mul3A_31 = vector.broadcast %get3A_1 : vector<1024x1xf32> to vector<1024x128xf32>
    %mul3A_32 = arith.mulf %mul3A_31, %concatenate3A : vector<1024x128xf32>
    %swap3A = arith.constant 0 : index
    %swap3A_33 = arith.constant 0 : index
    %swap3A_34 = vector.load %arg7[%swap3A, %swap3A_33] : memref<1024x128xf32, #tpu.memory_space<vmem>>, vector<1024x128xf32>
    tpu.vector_store %arg7[%swap3A, %swap3A_33], %mul3A_32 {strides = array<i32>} : memref<1024x128xf32, #tpu.memory_space<vmem>>, vector<1024x128xf32>,
    return
  }
  func.func @transform_0(%arg0: i32) -> (i32, i32, i32) {
    %c0_i32 = arith.constant 0 : i32
    %c0_i32_0 = arith.constant 0 : i32
    %c0_i32_1 = arith.constant 0 : i32
    return %c0_i32, %arg0, %c0_i32_0 : i32, i32, i32
  }
  func.func @transform_1(%arg0: i32) -> (i32, i32) {
    %c0_i32 = arith.constant 0 : i32
    %c0_i32_0 = arith.constant 0 : i32
    return %arg0, %c0_i32 : i32, i32
  }
  func.func @transform_2(%arg0: i32) -> (i32, i32) {
    %c0_i32 = arith.constant 0 : i32
    %c0_i32_0 = arith.constant 0 : i32
    return %arg0, %c0_i32 : i32, i32
  }
  func.func @transform_3(%arg0: i32) -> (i32, i32) {
    %c0_i32 = arith.constant 0 : i32
    %c0_i32_0 = arith.constant 0 : i32
    %c0_i32_1 = arith.constant 0 : i32
    return %c0_i32, %c0_i32_0 : i32, i32
  }
  func.func @transform_4(%arg0: i32) -> (i32, i32) {
    %c0_i32 = arith.constant 0 : i32
    %c0_i32_0 = arith.constant 0 : i32
    %c0_i32_1 = arith.constant 0 : i32
    return %c0_i32, %c0_i32_0 : i32, i32
  }
  func.func @transform_5(%arg0: i32) -> (i32, i32) {
    %c0_i32 = arith.constant 0 : i32
    %c0_i32_0 = arith.constant 0 : i32
    %c0_i32_1 = arith.constant 0 : i32
    return %c0_i32, %c0_i32_0 : i32, i32
  }
  func.func @transform_6(%arg0: i32) -> (i32, i32) {
    %c0_i32 = arith.constant 0 : i32
    %c0_i32_0 = arith.constant 0 : i32
    return %arg0, %c0_i32 : i32, i32
  }
}

module attributes {stable_mosaic.version = 14 : i64} {
  func.func @_d4_body(%arg0: i32, %arg1: memref<2x1024x128xf32, #tpu.memory_space<vmem>>, %arg2: memref<1024x128xf32, #tpu.memory_space<vmem>>, %arg3: memref<1024x16xf32, #tpu.memory_space<vmem>>, %arg4: memref<1024x64xf32, #tpu.memory_space<vmem>>, %arg5: memref<1x64xf32, #tpu.memory_space<vmem>>, %arg6: memref<1x64xf32, #tpu.memory_space<vmem>>, %arg7: memref<1024x128xf32, #tpu.memory_space<vmem>>, %arg8: memref<1024x128xf32, #tpu.memory_space<vmem>>, %arg9: memref<64x128xf32, #tpu.memory_space<vmem>>, %arg10: memref<1x128xf32, #tpu.memory_space<vmem>>, %arg11: memref<128x128xf32, #tpu.memory_space<vmem>>, %arg12: memref<128x128xf32, #tpu.memory_space<vmem>>, %arg13: memref<128x128xf32, #tpu.memory_space<vmem>>, %arg14: memref<128x128xf32, #tpu.memory_space<vmem>>, %arg15: memref<128x128xf32, #tpu.memory_space<vmem>>, %arg16: memref<128x128xf32, #tpu.memory_space<vmem>>, %arg17: memref<128x128xf32, #tpu.memory_space<vmem>>, %arg18: memref<128x128xf32, #tpu.memory_space<vmem>>, %arg19: memref<1024x64xf32, #tpu.memory_space<vmem>>, %arg20: memref<1024x64xf32, #tpu.memory_space<vmem>>, %arg21: memref<1024x128xf32, #tpu.memory_space<vmem>>, %arg22: memref<1024x128xf32, #tpu.memory_space<vmem>>, %arg23: memref<1024x128xf32, #tpu.memory_space<vmem>>) attributes {dimension_semantics = [#tpu.dimension_semantics<arbitrary>], iteration_bounds = array<i64: 10>, scalar_prefetch = 0 : i64, scratch_operands = 0 : i64, tpu.core_type = #tpu.core_type<tc>, window_params = [{transform_indices = @transform_0, window_bounds = array<i64: 2, 1024, 128>}, {transform_indices = @transform_1, window_bounds = array<i64: 1024, 128>}, {transform_indices = @transform_2, window_bounds = array<i64: 1024, 16>}, {transform_indices = @transform_3, window_bounds = array<i64: 1024, 64>}, {pipeline_mode = #tpu.pipeline_mode<synchronous>, transform_indices = @transform_4, window_bounds = array<i64: 1, 64>}, {pipeline_mode = #tpu.pipeline_mode<synchronous>, transform_indices = @transform_5, window_bounds = array<i64: 1, 64>}, {transform_indices = @transform_6, window_bounds = array<i64: 1024, 128>}, {transform_indices = @transform_7, window_bounds = array<i64: 1024, 128>}, {pipeline_mode = #tpu.pipeline_mode<synchronous>, transform_indices = @transform_8, window_bounds = array<i64: 64, 128>}, {pipeline_mode = #tpu.pipeline_mode<synchronous>, transform_indices = @transform_9, window_bounds = array<i64: 1, 128>}, {pipeline_mode = #tpu.pipeline_mode<synchronous>, transform_indices = @transform_10, window_bounds = array<i64: 128, 128>}, {pipeline_mode = #tpu.pipeline_mode<synchronous>, transform_indices = @transform_11, window_bounds = array<i64: 128, 128>}, {pipeline_mode = #tpu.pipeline_mode<synchronous>, transform_indices = @transform_12, window_bounds = array<i64: 128, 128>}, {pipeline_mode = #tpu.pipeline_mode<synchronous>, transform_indices = @transform_13, window_bounds = array<i64: 128, 128>}, {pipeline_mode = #tpu.pipeline_mode<synchronous>, transform_indices = @transform_14, window_bounds = array<i64: 128, 128>}, {pipeline_mode = #tpu.pipeline_mode<synchronous>, transform_indices = @transform_15, window_bounds = array<i64: 128, 128>}, {pipeline_mode = #tpu.pipeline_mode<synchronous>, transform_indices = @transform_16, window_bounds = array<i64: 128, 128>}, {pipeline_mode = #tpu.pipeline_mode<synchronous>, transform_indices = @transform_17, window_bounds = array<i64: 128, 128>}, {transform_indices = @transform_18, window_bounds = array<i64: 1024, 64>}, {transform_indices = @transform_19, window_bounds = array<i64: 1024, 64>}, {transform_indices = @transform_20, window_bounds = array<i64: 1024, 128>}, {transform_indices = @transform_21, window_bounds = array<i64: 1024, 128>}, {transform_indices = @transform_22, window_bounds = array<i64: 1024, 128>}]} {
    %get3A = arith.constant 0 : index
    %get3A_0 = arith.constant 0 : index
    %get3A_1 = vector.load %arg3[%get3A, %get3A_0] : memref<1024x16xf32, #tpu.memory_space<vmem>>, vector<1024x1xf32>
    %get3A_2 = arith.constant 0 : index
    %get3A_3 = arith.constant 0 : index
    %get3A_4 = arith.constant 0 : index
    %get3A_5 = vector.load %arg1[%get3A_2, %get3A_3, %get3A_4] : memref<2x1024x128xf32, #tpu.memory_space<vmem>>, vector<1x1024x128xf32>
    %get3A_6 = vector.shape_cast %get3A_5 : vector<1x1024x128xf32> to vector<1024x128xf32>
    %get3A_7 = arith.constant 1 : index
    %get3A_8 = arith.constant 0 : index
    %get3A_9 = arith.constant 0 : index
    %get3A_10 = vector.load %arg1[%get3A_7, %get3A_8, %get3A_9] : memref<2x1024x128xf32, #tpu.memory_space<vmem>>, vector<1x1024x128xf32>
    %get3A_11 = vector.shape_cast %get3A_10 : vector<1x1024x128xf32> to vector<1024x128xf32>
    %add3A = arith.addf %get3A_6, %get3A_11 : vector<1024x128xf32>
    %get3A_12 = arith.constant 0 : index
    %get3A_13 = arith.constant 0 : index
    %get3A_14 = vector.load %arg2[%get3A_12, %get3A_13] : memref<1024x128xf32, #tpu.memory_space<vmem>>, vector<1024x128xf32>
    %add3A_15 = arith.addf %add3A, %get3A_14 : vector<1024x128xf32>
    %mul3A = vector.broadcast %get3A_1 : vector<1024x1xf32> to vector<1024x128xf32>
    %mul3A_16 = arith.mulf %mul3A, %add3A_15 : vector<1024x128xf32>
    %slice3A = vector.extract_strided_slice %mul3A_16 {offsets = [0, 0], sizes = [1024, 64], strides = [1, 1]} : vector<1024x128xf32> to vector<1024x64xf32>
    %get3A_17 = arith.constant 0 : index
    %get3A_18 = arith.constant 0 : index
    %get3A_19 = vector.load %arg5[%get3A_17, %get3A_18] : memref<1x64xf32, #tpu.memory_space<vmem>>, vector<1x64xf32>
    %add3A_20 = vector.broadcast %get3A_19 : vector<1x64xf32> to vector<1024x64xf32>
    %add3A_21 = arith.addf %slice3A, %add3A_20 : vector<1024x64xf32>
    %slice3A_22 = vector.extract_strided_slice %mul3A_16 {offsets = [0, 64], sizes = [1024, 64], strides = [1, 1]} : vector<1024x128xf32> to vector<1024x64xf32>
    %get3A_23 = arith.constant 0 : index
    %get3A_24 = arith.constant 0 : index
    %get3A_25 = vector.load %arg6[%get3A_23, %get3A_24] : memref<1x64xf32, #tpu.memory_space<vmem>>, vector<1x64xf32>
    %add3A_26 = vector.broadcast %get3A_25 : vector<1x64xf32> to vector<1024x64xf32>
    %add3A_27 = arith.addf %slice3A_22, %add3A_26 : vector<1024x64xf32>
    %abs3A = math.absf %add3A_27 : vector<1024x64xf32>
    %neg3A = arith.constant 0.000000e+00 : f32
    %neg3A_28 = vector.broadcast %neg3A : f32 to vector<1024x64xf32>
    %neg3A_29 = arith.subf %neg3A_28, %abs3A : vector<1024x64xf32>
    %exp3A = math.exp %neg3A_29 : vector<1024x64xf32>
    %log1p3A = math.log1p %exp3A : vector<1024x64xf32>
    %max3A = arith.constant 0.000000e+00 : f32
    %max3A_30 = vector.broadcast %max3A : f32 to vector<1024x64xf32>
    %max3A_31 = arith.maximumf %add3A_27, %max3A_30 : vector<1024x64xf32>
    %add3A_32 = arith.addf %log1p3A, %max3A_31 : vector<1024x64xf32>
    %swap3A = arith.constant 0 : index
    %swap3A_33 = arith.constant 0 : index
    %swap3A_34 = vector.load %arg19[%swap3A, %swap3A_33] : memref<1024x64xf32, #tpu.memory_space<vmem>>, vector<1024x64xf32>
    tpu.vector_store %arg19[%swap3A, %swap3A_33], %add3A_21 {strides = array<i32>} : memref<1024x64xf32, #tpu.memory_space<vmem>>, vector<1024x64xf32>,
    %swap3A_35 = arith.constant 0 : index
    %swap3A_36 = arith.constant 0 : index
    %swap3A_37 = vector.load %arg20[%swap3A_35, %swap3A_36] : memref<1024x64xf32, #tpu.memory_space<vmem>>, vector<1024x64xf32>
    tpu.vector_store %arg20[%swap3A_35, %swap3A_36], %add3A_32 {strides = array<i32>} : memref<1024x64xf32, #tpu.memory_space<vmem>>, vector<1024x64xf32>,
    %get3A_38 = arith.constant 0 : index
    %get3A_39 = arith.constant 0 : index
    %get3A_40 = vector.load %arg4[%get3A_38, %get3A_39] : memref<1024x64xf32, #tpu.memory_space<vmem>>, vector<1024x64xf32>
    %mul3A_41 = arith.mulf %add3A_32, %get3A_40 : vector<1024x64xf32>
    %add3A_42 = arith.addf %add3A_21, %mul3A_41 : vector<1024x64xf32>
    %get3A_43 = arith.constant 0 : index
    %get3A_44 = arith.constant 0 : index
    %get3A_45 = vector.load %arg9[%get3A_43, %get3A_44] : memref<64x128xf32, #tpu.memory_space<vmem>>, vector<64x128xf32>
    %dot_general3A = arith.constant dense<0.000000e+00> : vector<1024x128xf32>
    %dot_general3A_46 = tpu.matmul %add3A_42, %get3A_45, %dot_general3A {dimension_numbers = #tpu.dot_dimension_numbers<[1], [0], [0], [1], [0, 0, 1, 1], [], []>, transpose_lhs_hint = false} : vector<1024x64xf32>, vector<64x128xf32>, vector<1024x128xf32> -> vector<1024x128xf32>
    %get3A_47 = arith.constant 0 : index
    %get3A_48 = arith.constant 0 : index
    %get3A_49 = vector.load %arg10[%get3A_47, %get3A_48] : memref<1x128xf32, #tpu.memory_space<vmem>>, vector<1x128xf32>
    %add3A_50 = vector.broadcast %get3A_49 : vector<1x128xf32> to vector<1024x128xf32>
    %add3A_51 = arith.addf %dot_general3A_46, %add3A_50 : vector<1024x128xf32>
    %max3A_52 = arith.constant 0.000000e+00 : f32
    %max3A_53 = vector.broadcast %max3A_52 : f32 to vector<1024x128xf32>
    %max3A_54 = arith.maximumf %add3A_51, %max3A_53 : vector<1024x128xf32>
    %get3A_55 = arith.constant 0 : index
    %get3A_56 = arith.constant 0 : index
    %get3A_57 = vector.load %arg7[%get3A_55, %get3A_56] : memref<1024x128xf32, #tpu.memory_space<vmem>>, vector<1024x128xf32>
    %get3A_58 = arith.constant 0 : index
    %get3A_59 = arith.constant 0 : index
    %get3A_60 = vector.load %arg8[%get3A_58, %get3A_59] : memref<1024x128xf32, #tpu.memory_space<vmem>>, vector<1024x128xf32>
    %get3A_61 = arith.constant 0 : index
    %get3A_62 = arith.constant 0 : index
    %get3A_63 = vector.load %arg11[%get3A_61, %get3A_62] : memref<128x128xf32, #tpu.memory_space<vmem>>, vector<128x128xf32>
    %dot_general3A_64 = arith.constant dense<0.000000e+00> : vector<1024x128xf32>
    %dot_general3A_65 = tpu.matmul %get3A_57, %get3A_63, %dot_general3A_64 {dimension_numbers = #tpu.dot_dimension_numbers<[1], [0], [0], [1], [0, 0, 1, 1], [], []>, transpose_lhs_hint = false} : vector<1024x128xf32>, vector<128x128xf32>, vector<1024x128xf32> -> vector<1024x128xf32>
    %get3A_66 = arith.constant 0 : index
    %get3A_67 = arith.constant 0 : index
    %get3A_68 = vector.load %arg12[%get3A_66, %get3A_67] : memref<128x128xf32, #tpu.memory_space<vmem>>, vector<128x128xf32>
    %dot_general3A_69 = arith.constant dense<0.000000e+00> : vector<1024x128xf32>
    %dot_general3A_70 = tpu.matmul %max3A_54, %get3A_68, %dot_general3A_69 {dimension_numbers = #tpu.dot_dimension_numbers<[1], [0], [0], [1], [0, 0, 1, 1], [], []>, transpose_lhs_hint = false} : vector<1024x128xf32>, vector<128x128xf32>, vector<1024x128xf32> -> vector<1024x128xf32>
    %add3A_71 = arith.addf %dot_general3A_65, %dot_general3A_70 : vector<1024x128xf32>
    %get3A_72 = arith.constant 0 : index
    %get3A_73 = arith.constant 0 : index
    %get3A_74 = vector.load %arg13[%get3A_72, %get3A_73] : memref<128x128xf32, #tpu.memory_space<vmem>>, vector<128x128xf32>
    %dot_general3A_75 = arith.constant dense<0.000000e+00> : vector<1024x128xf32>
    %dot_general3A_76 = tpu.matmul %get3A_60, %get3A_74, %dot_general3A_75 {dimension_numbers = #tpu.dot_dimension_numbers<[1], [0], [0], [1], [0, 0, 1, 1], [], []>, transpose_lhs_hint = false} : vector<1024x128xf32>, vector<128x128xf32>, vector<1024x128xf32> -> vector<1024x128xf32>
    %add3A_77 = arith.addf %add3A_71, %dot_general3A_76 : vector<1024x128xf32>
    %mul3A_78 = vector.broadcast %get3A_1 : vector<1024x1xf32> to vector<1024x128xf32>
    %mul3A_79 = arith.mulf %mul3A_78, %add3A_77 : vector<1024x128xf32>
    %swap3A_80 = arith.constant 0 : index
    %swap3A_81 = arith.constant 0 : index
    %swap3A_82 = vector.load %arg21[%swap3A_80, %swap3A_81] : memref<1024x128xf32, #tpu.memory_space<vmem>>, vector<1024x128xf32>
    tpu.vector_store %arg21[%swap3A_80, %swap3A_81], %mul3A_79 {strides = array<i32>} : memref<1024x128xf32, #tpu.memory_space<vmem>>, vector<1024x128xf32>,
    %get3A_83 = arith.constant 0 : index
    %get3A_84 = arith.constant 0 : index
    %get3A_85 = vector.load %arg14[%get3A_83, %get3A_84] : memref<128x128xf32, #tpu.memory_space<vmem>>, vector<128x128xf32>
    %dot_general3A_86 = arith.constant dense<0.000000e+00> : vector<1024x128xf32>
    %dot_general3A_87 = tpu.matmul %get3A_57, %get3A_85, %dot_general3A_86 {dimension_numbers = #tpu.dot_dimension_numbers<[1], [0], [0], [1], [0, 0, 1, 1], [], []>, transpose_lhs_hint = false} : vector<1024x128xf32>, vector<128x128xf32>, vector<1024x128xf32> -> vector<1024x128xf32>
    %get3A_88 = arith.constant 0 : index
    %get3A_89 = arith.constant 0 : index
    %get3A_90 = vector.load %arg15[%get3A_88, %get3A_89] : memref<128x128xf32, #tpu.memory_space<vmem>>, vector<128x128xf32>
    %dot_general3A_91 = arith.constant dense<0.000000e+00> : vector<1024x128xf32>
    %dot_general3A_92 = tpu.matmul %max3A_54, %get3A_90, %dot_general3A_91 {dimension_numbers = #tpu.dot_dimension_numbers<[1], [0], [0], [1], [0, 0, 1, 1], [], []>, transpose_lhs_hint = false} : vector<1024x128xf32>, vector<128x128xf32>, vector<1024x128xf32> -> vector<1024x128xf32>
    %add3A_93 = arith.addf %dot_general3A_87, %dot_general3A_92 : vector<1024x128xf32>
    %get3A_94 = arith.constant 0 : index
    %get3A_95 = arith.constant 0 : index
    %get3A_96 = vector.load %arg16[%get3A_94, %get3A_95] : memref<128x128xf32, #tpu.memory_space<vmem>>, vector<128x128xf32>
    %dot_general3A_97 = arith.constant dense<0.000000e+00> : vector<1024x128xf32>
    %dot_general3A_98 = tpu.matmul %get3A_60, %get3A_96, %dot_general3A_97 {dimension_numbers = #tpu.dot_dimension_numbers<[1], [0], [0], [1], [0, 0, 1, 1], [], []>, transpose_lhs_hint = false} : vector<1024x128xf32>, vector<128x128xf32>, vector<1024x128xf32> -> vector<1024x128xf32>
    %add3A_99 = arith.addf %add3A_93, %dot_general3A_98 : vector<1024x128xf32>
    %mul3A_100 = vector.broadcast %get3A_1 : vector<1024x1xf32> to vector<1024x128xf32>
    %mul3A_101 = arith.mulf %mul3A_100, %add3A_99 : vector<1024x128xf32>
    %swap3A_102 = arith.constant 0 : index
    %swap3A_103 = arith.constant 0 : index
    %swap3A_104 = vector.load %arg22[%swap3A_102, %swap3A_103] : memref<1024x128xf32, #tpu.memory_space<vmem>>, vector<1024x128xf32>
    tpu.vector_store %arg22[%swap3A_102, %swap3A_103], %mul3A_101 {strides = array<i32>} : memref<1024x128xf32, #tpu.memory_space<vmem>>, vector<1024x128xf32>,
    %get3A_105 = arith.constant 0 : index
    %get3A_106 = arith.constant 0 : index
    %get3A_107 = vector.load %arg17[%get3A_105, %get3A_106] : memref<128x128xf32, #tpu.memory_space<vmem>>, vector<128x128xf32>
    %dot_general3A_108 = arith.constant dense<0.000000e+00> : vector<1024x128xf32>
    %dot_general3A_109 = tpu.matmul %get3A_57, %get3A_107, %dot_general3A_108 {dimension_numbers = #tpu.dot_dimension_numbers<[1], [0], [0], [1], [0, 0, 1, 1], [], []>, transpose_lhs_hint = false} : vector<1024x128xf32>, vector<128x128xf32>, vector<1024x128xf32> -> vector<1024x128xf32>
    %get3A_110 = arith.constant 0 : index
    %get3A_111 = arith.constant 0 : index
    %get3A_112 = vector.load %arg18[%get3A_110, %get3A_111] : memref<128x128xf32, #tpu.memory_space<vmem>>, vector<128x128xf32>
    %dot_general3A_113 = arith.constant dense<0.000000e+00> : vector<1024x128xf32>
    %dot_general3A_114 = tpu.matmul %max3A_54, %get3A_112, %dot_general3A_113 {dimension_numbers = #tpu.dot_dimension_numbers<[1], [0], [0], [1], [0, 0, 1, 1], [], []>, transpose_lhs_hint = false} : vector<1024x128xf32>, vector<128x128xf32>, vector<1024x128xf32> -> vector<1024x128xf32>
    %add3A_115 = arith.addf %dot_general3A_109, %dot_general3A_114 : vector<1024x128xf32>
    %mul3A_116 = vector.broadcast %get3A_1 : vector<1024x1xf32> to vector<1024x128xf32>
    %mul3A_117 = arith.mulf %mul3A_116, %add3A_115 : vector<1024x128xf32>
    %swap3A_118 = arith.constant 0 : index
    %swap3A_119 = arith.constant 0 : index
    %swap3A_120 = vector.load %arg23[%swap3A_118, %swap3A_119] : memref<1024x128xf32, #tpu.memory_space<vmem>>, vector<1024x128xf32>
    tpu.vector_store %arg23[%swap3A_118, %swap3A_119], %mul3A_117 {strides = array<i32>} : memref<1024x128xf32, #tpu.memory_space<vmem>>, vector<1024x128xf32>,
    return
  }
  func.func @transform_0(%arg0: i32) -> (i32, i32, i32) {
    %c0_i32 = arith.constant 0 : i32
    %c0_i32_0 = arith.constant 0 : i32
    %c0_i32_1 = arith.constant 0 : i32
    return %c0_i32, %arg0, %c0_i32_0 : i32, i32, i32
  }
  func.func @transform_1(%arg0: i32) -> (i32, i32) {
    %c0_i32 = arith.constant 0 : i32
    %c0_i32_0 = arith.constant 0 : i32
    return %arg0, %c0_i32 : i32, i32
  }
  func.func @transform_2(%arg0: i32) -> (i32, i32) {
    %c0_i32 = arith.constant 0 : i32
    %c0_i32_0 = arith.constant 0 : i32
    return %arg0, %c0_i32 : i32, i32
  }
  func.func @transform_3(%arg0: i32) -> (i32, i32) {
    %c0_i32 = arith.constant 0 : i32
    %c0_i32_0 = arith.constant 0 : i32
    return %arg0, %c0_i32 : i32, i32
  }
  func.func @transform_4(%arg0: i32) -> (i32, i32) {
    %c0_i32 = arith.constant 0 : i32
    %c0_i32_0 = arith.constant 0 : i32
    %c0_i32_1 = arith.constant 0 : i32
    return %c0_i32, %c0_i32_0 : i32, i32
  }
  func.func @transform_5(%arg0: i32) -> (i32, i32) {
    %c0_i32 = arith.constant 0 : i32
    %c0_i32_0 = arith.constant 0 : i32
    %c0_i32_1 = arith.constant 0 : i32
    return %c0_i32, %c0_i32_0 : i32, i32
  }
  func.func @transform_6(%arg0: i32) -> (i32, i32) {
    %c0_i32 = arith.constant 0 : i32
    %c0_i32_0 = arith.constant 0 : i32
    return %arg0, %c0_i32 : i32, i32
  }
  func.func @transform_7(%arg0: i32) -> (i32, i32) {
    %c0_i32 = arith.constant 0 : i32
    %c0_i32_0 = arith.constant 0 : i32
    return %arg0, %c0_i32 : i32, i32
  }
  func.func @transform_8(%arg0: i32) -> (i32, i32) {
    %c0_i32 = arith.constant 0 : i32
    %c0_i32_0 = arith.constant 0 : i32
    %c0_i32_1 = arith.constant 0 : i32
    return %c0_i32, %c0_i32_0 : i32, i32
  }
  func.func @transform_9(%arg0: i32) -> (i32, i32) {
    %c0_i32 = arith.constant 0 : i32
    %c0_i32_0 = arith.constant 0 : i32
    %c0_i32_1 = arith.constant 0 : i32
    return %c0_i32, %c0_i32_0 : i32, i32
  }
  func.func @transform_10(%arg0: i32) -> (i32, i32) {
    %c0_i32 = arith.constant 0 : i32
    %c0_i32_0 = arith.constant 0 : i32
    %c0_i32_1 = arith.constant 0 : i32
    return %c0_i32, %c0_i32_0 : i32, i32
  }
  func.func @transform_11(%arg0: i32) -> (i32, i32) {
    %c0_i32 = arith.constant 0 : i32
    %c0_i32_0 = arith.constant 0 : i32
    %c0_i32_1 = arith.constant 0 : i32
    return %c0_i32, %c0_i32_0 : i32, i32
  }
  func.func @transform_12(%arg0: i32) -> (i32, i32) {
    %c0_i32 = arith.constant 0 : i32
    %c0_i32_0 = arith.constant 0 : i32
    %c0_i32_1 = arith.constant 0 : i32
    return %c0_i32, %c0_i32_0 : i32, i32
  }
  func.func @transform_13(%arg0: i32) -> (i32, i32) {
    %c0_i32 = arith.constant 0 : i32
    %c0_i32_0 = arith.constant 0 : i32
    %c0_i32_1 = arith.constant 0 : i32
    return %c0_i32, %c0_i32_0 : i32, i32
  }
  func.func @transform_14(%arg0: i32) -> (i32, i32) {
    %c0_i32 = arith.constant 0 : i32
    %c0_i32_0 = arith.constant 0 : i32
    %c0_i32_1 = arith.constant 0 : i32
    return %c0_i32, %c0_i32_0 : i32, i32
  }
  func.func @transform_15(%arg0: i32) -> (i32, i32) {
    %c0_i32 = arith.constant 0 : i32
    %c0_i32_0 = arith.constant 0 : i32
    %c0_i32_1 = arith.constant 0 : i32
    return %c0_i32, %c0_i32_0 : i32, i32
  }
  func.func @transform_16(%arg0: i32) -> (i32, i32) {
    %c0_i32 = arith.constant 0 : i32
    %c0_i32_0 = arith.constant 0 : i32
    %c0_i32_1 = arith.constant 0 : i32
    return %c0_i32, %c0_i32_0 : i32, i32
  }
  func.func @transform_17(%arg0: i32) -> (i32, i32) {
    %c0_i32 = arith.constant 0 : i32
    %c0_i32_0 = arith.constant 0 : i32
    %c0_i32_1 = arith.constant 0 : i32
    return %c0_i32, %c0_i32_0 : i32, i32
  }
  func.func @transform_18(%arg0: i32) -> (i32, i32) {
    %c0_i32 = arith.constant 0 : i32
    %c0_i32_0 = arith.constant 0 : i32
    return %arg0, %c0_i32 : i32, i32
  }
  func.func @transform_19(%arg0: i32) -> (i32, i32) {
    %c0_i32 = arith.constant 0 : i32
    %c0_i32_0 = arith.constant 0 : i32
    return %arg0, %c0_i32 : i32, i32
  }
  func.func @transform_20(%arg0: i32) -> (i32, i32) {
    %c0_i32 = arith.constant 0 : i32
    %c0_i32_0 = arith.constant 0 : i32
    return %arg0, %c0_i32 : i32, i32
  }
  func.func @transform_21(%arg0: i32) -> (i32, i32) {
    %c0_i32 = arith.constant 0 : i32
    %c0_i32_0 = arith.constant 0 : i32
    return %arg0, %c0_i32 : i32, i32
  }
  func.func @transform_22(%arg0: i32) -> (i32, i32) {
    %c0_i32 = arith.constant 0 : i32
    %c0_i32_0 = arith.constant 0 : i32
    return %arg0, %c0_i32 : i32, i32
  }
}

module attributes {stable_mosaic.version = 14 : i64} {
  func.func @_d5_body(%arg0: i32, %arg1: memref<2x1024x128xf32, #tpu.memory_space<vmem>>, %arg2: memref<2x1024x128xf32, #tpu.memory_space<vmem>>, %arg3: memref<1024x128xf32, #tpu.memory_space<vmem>>, %arg4: memref<1024x128xf32, #tpu.memory_space<vmem>>, %arg5: memref<1024x16xf32, #tpu.memory_space<vmem>>, %arg6: memref<1024x128xf32, #tpu.memory_space<vmem>>, %arg7: memref<128x128xf32, #tpu.memory_space<vmem>>, %arg8: memref<1024x128xf32, #tpu.memory_space<vmem>>, %arg9: memref<1024x128xf32, #tpu.memory_space<vmem>>) attributes {dimension_semantics = [#tpu.dimension_semantics<arbitrary>], iteration_bounds = array<i64: 10>, scalar_prefetch = 0 : i64, scratch_operands = 0 : i64, tpu.core_type = #tpu.core_type<tc>, window_params = [{transform_indices = @transform_0, window_bounds = array<i64: 2, 1024, 128>}, {transform_indices = @transform_1, window_bounds = array<i64: 2, 1024, 128>}, {transform_indices = @transform_2, window_bounds = array<i64: 1024, 128>}, {transform_indices = @transform_3, window_bounds = array<i64: 1024, 128>}, {transform_indices = @transform_4, window_bounds = array<i64: 1024, 16>}, {transform_indices = @transform_5, window_bounds = array<i64: 1024, 128>}, {pipeline_mode = #tpu.pipeline_mode<synchronous>, transform_indices = @transform_6, window_bounds = array<i64: 128, 128>}, {transform_indices = @transform_7, window_bounds = array<i64: 1024, 128>}, {transform_indices = @transform_8, window_bounds = array<i64: 1024, 128>}]} {
    %get3A = arith.constant 0 : index
    %get3A_0 = arith.constant 0 : index
    %get3A_1 = vector.load %arg5[%get3A, %get3A_0] : memref<1024x16xf32, #tpu.memory_space<vmem>>, vector<1024x1xf32>
    %get3A_2 = arith.constant 0 : index
    %get3A_3 = arith.constant 0 : index
    %get3A_4 = arith.constant 0 : index
    %get3A_5 = vector.load %arg1[%get3A_2, %get3A_3, %get3A_4] : memref<2x1024x128xf32, #tpu.memory_space<vmem>>, vector<1x1024x128xf32>
    %get3A_6 = vector.shape_cast %get3A_5 : vector<1x1024x128xf32> to vector<1024x128xf32>
    %get3A_7 = arith.constant 1 : index
    %get3A_8 = arith.constant 0 : index
    %get3A_9 = arith.constant 0 : index
    %get3A_10 = vector.load %arg1[%get3A_7, %get3A_8, %get3A_9] : memref<2x1024x128xf32, #tpu.memory_space<vmem>>, vector<1x1024x128xf32>
    %get3A_11 = vector.shape_cast %get3A_10 : vector<1x1024x128xf32> to vector<1024x128xf32>
    %add3A = arith.addf %get3A_6, %get3A_11 : vector<1024x128xf32>
    %get3A_12 = arith.constant 0 : index
    %get3A_13 = arith.constant 0 : index
    %get3A_14 = vector.load %arg3[%get3A_12, %get3A_13] : memref<1024x128xf32, #tpu.memory_space<vmem>>, vector<1024x128xf32>
    %add3A_15 = arith.addf %add3A, %get3A_14 : vector<1024x128xf32>
    %mul3A = vector.broadcast %get3A_1 : vector<1024x1xf32> to vector<1024x128xf32>
    %mul3A_16 = arith.mulf %mul3A, %add3A_15 : vector<1024x128xf32>
    %logistic3A = arith.negf %mul3A_16 : vector<1024x128xf32>
    %logistic3A_17 = math.exp %logistic3A : vector<1024x128xf32>
    %logistic3A_18 = arith.constant 1.000000e+00 : f32
    %logistic3A_19 = vector.broadcast %logistic3A_18 : f32 to vector<1024x128xf32>
    %logistic3A_20 = arith.addf %logistic3A_19, %logistic3A_17 : vector<1024x128xf32>
    %logistic3A_21 = arith.divf %logistic3A_19, %logistic3A_20 : vector<1024x128xf32>
    %get3A_22 = arith.constant 0 : index
    %get3A_23 = arith.constant 0 : index
    %get3A_24 = arith.constant 0 : index
    %get3A_25 = vector.load %arg2[%get3A_22, %get3A_23, %get3A_24] : memref<2x1024x128xf32, #tpu.memory_space<vmem>>, vector<1x1024x128xf32>
    %get3A_26 = vector.shape_cast %get3A_25 : vector<1x1024x128xf32> to vector<1024x128xf32>
    %get3A_27 = arith.constant 1 : index
    %get3A_28 = arith.constant 0 : index
    %get3A_29 = arith.constant 0 : index
    %get3A_30 = vector.load %arg2[%get3A_27, %get3A_28, %get3A_29] : memref<2x1024x128xf32, #tpu.memory_space<vmem>>, vector<1x1024x128xf32>
    %get3A_31 = vector.shape_cast %get3A_30 : vector<1x1024x128xf32> to vector<1024x128xf32>
    %add3A_32 = arith.addf %get3A_26, %get3A_31 : vector<1024x128xf32>
    %get3A_33 = arith.constant 0 : index
    %get3A_34 = arith.constant 0 : index
    %get3A_35 = vector.load %arg4[%get3A_33, %get3A_34] : memref<1024x128xf32, #tpu.memory_space<vmem>>, vector<1024x128xf32>
    %add3A_36 = arith.addf %add3A_32, %get3A_35 : vector<1024x128xf32>
    %mul3A_37 = vector.broadcast %get3A_1 : vector<1024x1xf32> to vector<1024x128xf32>
    %mul3A_38 = arith.mulf %mul3A_37, %add3A_36 : vector<1024x128xf32>
    %logistic3A_39 = arith.negf %mul3A_38 : vector<1024x128xf32>
    %logistic3A_40 = math.exp %logistic3A_39 : vector<1024x128xf32>
    %logistic3A_41 = arith.constant 1.000000e+00 : f32
    %logistic3A_42 = vector.broadcast %logistic3A_41 : f32 to vector<1024x128xf32>
    %logistic3A_43 = arith.addf %logistic3A_42, %logistic3A_40 : vector<1024x128xf32>
    %logistic3A_44 = arith.divf %logistic3A_42, %logistic3A_43 : vector<1024x128xf32>
    %swap3A = arith.constant 0 : index
    %swap3A_45 = arith.constant 0 : index
    %swap3A_46 = vector.load %arg8[%swap3A, %swap3A_45] : memref<1024x128xf32, #tpu.memory_space<vmem>>, vector<1024x128xf32>
    tpu.vector_store %arg8[%swap3A, %swap3A_45], %logistic3A_21 {strides = array<i32>} : memref<1024x128xf32, #tpu.memory_space<vmem>>, vector<1024x128xf32>,
    %get3A_47 = arith.constant 0 : index
    %get3A_48 = arith.constant 0 : index
    %get3A_49 = vector.load %arg6[%get3A_47, %get3A_48] : memref<1024x128xf32, #tpu.memory_space<vmem>>, vector<1024x128xf32>
    %mul3A_50 = arith.mulf %logistic3A_44, %get3A_49 : vector<1024x128xf32>
    %get3A_51 = arith.constant 0 : index
    %get3A_52 = arith.constant 0 : index
    %get3A_53 = vector.load %arg7[%get3A_51, %get3A_52] : memref<128x128xf32, #tpu.memory_space<vmem>>, vector<128x128xf32>
    %dot_general3A = arith.constant dense<0.000000e+00> : vector<1024x128xf32>
    %dot_general3A_54 = tpu.matmul %mul3A_50, %get3A_53, %dot_general3A {dimension_numbers = #tpu.dot_dimension_numbers<[1], [0], [0], [1], [0, 0, 1, 1], [], []>, transpose_lhs_hint = false} : vector<1024x128xf32>, vector<128x128xf32>, vector<1024x128xf32> -> vector<1024x128xf32>
    %mul3A_55 = vector.broadcast %get3A_1 : vector<1024x1xf32> to vector<1024x128xf32>
    %mul3A_56 = arith.mulf %mul3A_55, %dot_general3A_54 : vector<1024x128xf32>
    %swap3A_57 = arith.constant 0 : index
    %swap3A_58 = arith.constant 0 : index
    %swap3A_59 = vector.load %arg9[%swap3A_57, %swap3A_58] : memref<1024x128xf32, #tpu.memory_space<vmem>>, vector<1024x128xf32>
    tpu.vector_store %arg9[%swap3A_57, %swap3A_58], %mul3A_56 {strides = array<i32>} : memref<1024x128xf32, #tpu.memory_space<vmem>>, vector<1024x128xf32>,
    return
  }
  func.func @transform_0(%arg0: i32) -> (i32, i32, i32) {
    %c0_i32 = arith.constant 0 : i32
    %c0_i32_0 = arith.constant 0 : i32
    %c0_i32_1 = arith.constant 0 : i32
    return %c0_i32, %arg0, %c0_i32_0 : i32, i32, i32
  }
  func.func @transform_1(%arg0: i32) -> (i32, i32, i32) {
    %c0_i32 = arith.constant 0 : i32
    %c0_i32_0 = arith.constant 0 : i32
    %c0_i32_1 = arith.constant 0 : i32
    return %c0_i32, %arg0, %c0_i32_0 : i32, i32, i32
  }
  func.func @transform_2(%arg0: i32) -> (i32, i32) {
    %c0_i32 = arith.constant 0 : i32
    %c0_i32_0 = arith.constant 0 : i32
    return %arg0, %c0_i32 : i32, i32
  }
  func.func @transform_3(%arg0: i32) -> (i32, i32) {
    %c0_i32 = arith.constant 0 : i32
    %c0_i32_0 = arith.constant 0 : i32
    return %arg0, %c0_i32 : i32, i32
  }
  func.func @transform_4(%arg0: i32) -> (i32, i32) {
    %c0_i32 = arith.constant 0 : i32
    %c0_i32_0 = arith.constant 0 : i32
    return %arg0, %c0_i32 : i32, i32
  }
  func.func @transform_5(%arg0: i32) -> (i32, i32) {
    %c0_i32 = arith.constant 0 : i32
    %c0_i32_0 = arith.constant 0 : i32
    return %arg0, %c0_i32 : i32, i32
  }
  func.func @transform_6(%arg0: i32) -> (i32, i32) {
    %c0_i32 = arith.constant 0 : i32
    %c0_i32_0 = arith.constant 0 : i32
    %c0_i32_1 = arith.constant 0 : i32
    return %c0_i32, %c0_i32_0 : i32, i32
  }
  func.func @transform_7(%arg0: i32) -> (i32, i32) {
    %c0_i32 = arith.constant 0 : i32
    %c0_i32_0 = arith.constant 0 : i32
    return %arg0, %c0_i32 : i32, i32
  }
  func.func @transform_8(%arg0: i32) -> (i32, i32) {
    %c0_i32 = arith.constant 0 : i32
    %c0_i32_0 = arith.constant 0 : i32
    return %arg0, %c0_i32 : i32, i32
  }
}

module attributes {stable_mosaic.version = 14 : i64} {
  func.func @_d6_body(%arg0: i32, %arg1: memref<2x1024x128xf32, #tpu.memory_space<vmem>>, %arg2: memref<1024x128xf32, #tpu.memory_space<vmem>>, %arg3: memref<2x1024x128xf32, #tpu.memory_space<vmem>>, %arg4: memref<1024x128xf32, #tpu.memory_space<vmem>>, %arg5: memref<1024x16xf32, #tpu.memory_space<vmem>>, %arg6: memref<1024x128xf32, #tpu.memory_space<vmem>>, %arg7: memref<1024x128xf32, #tpu.memory_space<vmem>>, %arg8: memref<1024x128xf32, #tpu.memory_space<vmem>>) attributes {dimension_semantics = [#tpu.dimension_semantics<arbitrary>], iteration_bounds = array<i64: 10>, scalar_prefetch = 0 : i64, scratch_operands = 0 : i64, tpu.core_type = #tpu.core_type<tc>, window_params = [{transform_indices = @transform_0, window_bounds = array<i64: 2, 1024, 128>}, {transform_indices = @transform_1, window_bounds = array<i64: 1024, 128>}, {transform_indices = @transform_2, window_bounds = array<i64: 2, 1024, 128>}, {transform_indices = @transform_3, window_bounds = array<i64: 1024, 128>}, {transform_indices = @transform_4, window_bounds = array<i64: 1024, 16>}, {transform_indices = @transform_5, window_bounds = array<i64: 1024, 128>}, {transform_indices = @transform_6, window_bounds = array<i64: 1024, 128>}, {transform_indices = @transform_7, window_bounds = array<i64: 1024, 128>}]} {
    %get3A = arith.constant 0 : index
    %get3A_0 = arith.constant 0 : index
    %get3A_1 = vector.load %arg5[%get3A, %get3A_0] : memref<1024x16xf32, #tpu.memory_space<vmem>>, vector<1024x1xf32>
    %get3A_2 = arith.constant 0 : index
    %get3A_3 = arith.constant 0 : index
    %get3A_4 = arith.constant 0 : index
    %get3A_5 = vector.load %arg1[%get3A_2, %get3A_3, %get3A_4] : memref<2x1024x128xf32, #tpu.memory_space<vmem>>, vector<1x1024x128xf32>
    %get3A_6 = vector.shape_cast %get3A_5 : vector<1x1024x128xf32> to vector<1024x128xf32>
    %get3A_7 = arith.constant 1 : index
    %get3A_8 = arith.constant 0 : index
    %get3A_9 = arith.constant 0 : index
    %get3A_10 = vector.load %arg1[%get3A_7, %get3A_8, %get3A_9] : memref<2x1024x128xf32, #tpu.memory_space<vmem>>, vector<1x1024x128xf32>
    %get3A_11 = vector.shape_cast %get3A_10 : vector<1x1024x128xf32> to vector<1024x128xf32>
    %add3A = arith.addf %get3A_6, %get3A_11 : vector<1024x128xf32>
    %get3A_12 = arith.constant 0 : index
    %get3A_13 = arith.constant 0 : index
    %get3A_14 = vector.load %arg2[%get3A_12, %get3A_13] : memref<1024x128xf32, #tpu.memory_space<vmem>>, vector<1024x128xf32>
    %add3A_15 = arith.addf %add3A, %get3A_14 : vector<1024x128xf32>
    %mul3A = vector.broadcast %get3A_1 : vector<1024x1xf32> to vector<1024x128xf32>
    %mul3A_16 = arith.mulf %mul3A, %add3A_15 : vector<1024x128xf32>
    %get3A_17 = arith.constant 0 : index
    %get3A_18 = arith.constant 0 : index
    %get3A_19 = arith.constant 0 : index
    %get3A_20 = vector.load %arg3[%get3A_17, %get3A_18, %get3A_19] : memref<2x1024x128xf32, #tpu.memory_space<vmem>>, vector<1x1024x128xf32>
    %get3A_21 = vector.shape_cast %get3A_20 : vector<1x1024x128xf32> to vector<1024x128xf32>
    %get3A_22 = arith.constant 1 : index
    %get3A_23 = arith.constant 0 : index
    %get3A_24 = arith.constant 0 : index
    %get3A_25 = vector.load %arg3[%get3A_22, %get3A_23, %get3A_24] : memref<2x1024x128xf32, #tpu.memory_space<vmem>>, vector<1x1024x128xf32>
    %get3A_26 = vector.shape_cast %get3A_25 : vector<1x1024x128xf32> to vector<1024x128xf32>
    %add3A_27 = arith.addf %get3A_21, %get3A_26 : vector<1024x128xf32>
    %get3A_28 = arith.constant 0 : index
    %get3A_29 = arith.constant 0 : index
    %get3A_30 = vector.load %arg4[%get3A_28, %get3A_29] : memref<1024x128xf32, #tpu.memory_space<vmem>>, vector<1024x128xf32>
    %add3A_31 = arith.addf %add3A_27, %get3A_30 : vector<1024x128xf32>
    %mul3A_32 = vector.broadcast %get3A_1 : vector<1024x1xf32> to vector<1024x128xf32>
    %mul3A_33 = arith.mulf %mul3A_32, %add3A_31 : vector<1024x128xf32>
    %add3A_34 = arith.addf %mul3A_16, %mul3A_33 : vector<1024x128xf32>
    %tanh3A = math.tanh %add3A_34 : vector<1024x128xf32>
    %get3A_35 = arith.constant 0 : index
    %get3A_36 = arith.constant 0 : index
    %get3A_37 = vector.load %arg6[%get3A_35, %get3A_36] : memref<1024x128xf32, #tpu.memory_space<vmem>>, vector<1024x128xf32>
    %get3A_38 = arith.constant 0 : index
    %get3A_39 = arith.constant 0 : index
    %get3A_40 = vector.load %arg7[%get3A_38, %get3A_39] : memref<1024x128xf32, #tpu.memory_space<vmem>>, vector<1024x128xf32>
    %mul3A_41 = arith.mulf %get3A_37, %get3A_40 : vector<1024x128xf32>
    %sub3A = arith.constant 1.000000e+00 : f32
    %sub3A_42 = vector.broadcast %sub3A : f32 to vector<1024x128xf32>
    %sub3A_43 = arith.subf %sub3A_42, %get3A_37 : vector<1024x128xf32>
    %mul3A_44 = arith.mulf %sub3A_43, %tanh3A : vector<1024x128xf32>
    %add3A_45 = arith.addf %mul3A_41, %mul3A_44 : vector<1024x128xf32>
    %swap3A = arith.constant 0 : index
    %swap3A_46 = arith.constant 0 : index
    %swap3A_47 = vector.load %arg8[%swap3A, %swap3A_46] : memref<1024x128xf32, #tpu.memory_space<vmem>>, vector<1024x128xf32>
    tpu.vector_store %arg8[%swap3A, %swap3A_46], %add3A_45 {strides = array<i32>} : memref<1024x128xf32, #tpu.memory_space<vmem>>, vector<1024x128xf32>,
    return
  }
  func.func @transform_0(%arg0: i32) -> (i32, i32, i32) {
    %c0_i32 = arith.constant 0 : i32
    %c0_i32_0 = arith.constant 0 : i32
    %c0_i32_1 = arith.constant 0 : i32
    return %c0_i32, %arg0, %c0_i32_0 : i32, i32, i32
  }
  func.func @transform_1(%arg0: i32) -> (i32, i32) {
    %c0_i32 = arith.constant 0 : i32
    %c0_i32_0 = arith.constant 0 : i32
    return %arg0, %c0_i32 : i32, i32
  }
  func.func @transform_2(%arg0: i32) -> (i32, i32, i32) {
    %c0_i32 = arith.constant 0 : i32
    %c0_i32_0 = arith.constant 0 : i32
    %c0_i32_1 = arith.constant 0 : i32
    return %c0_i32, %arg0, %c0_i32_0 : i32, i32, i32
  }
  func.func @transform_3(%arg0: i32) -> (i32, i32) {
    %c0_i32 = arith.constant 0 : i32
    %c0_i32_0 = arith.constant 0 : i32
    return %arg0, %c0_i32 : i32, i32
  }
  func.func @transform_4(%arg0: i32) -> (i32, i32) {
    %c0_i32 = arith.constant 0 : i32
    %c0_i32_0 = arith.constant 0 : i32
    return %arg0, %c0_i32 : i32, i32
  }
  func.func @transform_5(%arg0: i32) -> (i32, i32) {
    %c0_i32 = arith.constant 0 : i32
    %c0_i32_0 = arith.constant 0 : i32
    return %arg0, %c0_i32 : i32, i32
  }
  func.func @transform_6(%arg0: i32) -> (i32, i32) {
    %c0_i32 = arith.constant 0 : i32
    %c0_i32_0 = arith.constant 0 : i32
    return %arg0, %c0_i32 : i32, i32
  }
  func.func @transform_7(%arg0: i32) -> (i32, i32) {
    %c0_i32 = arith.constant 0 : i32
    %c0_i32_0 = arith.constant 0 : i32
    return %arg0, %c0_i32 : i32, i32
  }
}

</mosaic_0001>

<sc_bundles>
// kernel: kernel.15.cloned.1.call-start
scs
__scs_entry_jumppad:
0x0: {  	(pc) =	sbr.rel $0x88, $3  }
0x1: {  	(tag) =	ssettag $0x0;
	lr =	simm.s32 $0x1  }
0x2: {  	[smem:$0x3F87] =	sst lr;
	_ =	strace $0xD0000000  }
0x3: {  	_ = 	snop  }
0x4: {  	_ = 	snop  }
0x5: {  	_ = 	snop  }
0x6: {  	_ = 	snop  }
0x7: {  	_ = 	snop  }
__scs_overlays_trampoline_lowered:
0x8: {  	[smem:$0x3F96] =	sst s0  }
0x9: {  	[smem:$0x3F97] =	sst s1  }
0xa: {  	[smem:$0x3F98] =	sst s2  }
0xb: {  	[smem:$0x3F99] =	sst s3  }
0xc: {  	[smem:$0x3F9A] =	sst s4  }
0xd: {  	[smem:$0x3F9B] =	sst s5  }
0xe: {  	[smem:$0x3F9C] =	sst s6  }
0xf: {  	[smem:$0x3F9D] =	sst s7  }
0x10: {  	[smem:$0x3F9E] =	sst s8  }
0x11: {  	[smem:$0x3F9F] =	sst s9;
	s0 =	simm.s32 @!p0 $0x0  }
0x12: {  	s1 =	sld [smem:$0x3F85];
	s0 =	simm.s32 @p0 $0x1  }
0x13: {  	[smem:$0x3FA0] =	sst s0;
	s0 =	simm.s32 @!p1 $0x0  }
0x14: {  	s2 =	sld [smem:$0x3F84];
	s0 =	simm.s32 @p1 $0x1  }
0x15: {  	[smem:$0x3FA1] =	sst s0;
	s0 =	simm.s32 @!p2 $0x0  }
0x16: {  	s3 =	sld [smem:$0x3FDB];
	s0 =	simm.s32 @p2 $0x1  }
0x17: {  	s4 =	simm.s32 $0x1BF5;
	[smem:$0x3FA3] =	sst s0  }
0x18: {  	s0 =	sld [smem:$0x3F86];
	_ =	swait.ge [sflag:s4], $0x0  }
0x19: {  	s7 =	sld [smem:$0x3F87]  }
0x1a: {  	s8 =	sadd.s32 $0xFFFFE003, lr  }
0x1b: {  	s9 =	sadd.s32 $0xFFFFFEF7, lr;
	s5 =	simm.s32 $0xFFFFFFFF;
	p2 =	slt.u32 s8, $0xFFFFF086  }
0x1c: {  	p1 =	slt.u32 s9, $0xF7A;
	s5 =	simm.s32 @!p2 $0x0  }
0x1d: {  	s5 =	simm.s32 @p1 $0x1;
	p0 =	seq.s32 s7, s2  }
0x1e: {  	s7 =	smul.u32 @!p0 $0xF7A, s2;
	p2 =	seq.s32 @!p0 s5, $0x0  }
0x1f: {  	s9 =	smul.u32 $0xF7A, s1;
	s8 =	simm.s32 @!p0 $0x1BF5;
	p2 =	por !p2, p0  }
0x20: {  	[sflag:s8] =	ssyncset.s32 @!p0 $0xFFFFF086;
	s6 =	sadd.s32 @!p0 s3, s7;
	s7 =	simm.s32 @!p0 $0x108  }
0x21: {  	s3 =	sadd.s32 s3, s9;
	s6 =	sadd.s32 @!p0 $0x88, s6;
	s7 =	simm.s32 @p2 $0x1082  }
0x22: {  	[simem:s7], [sflag:s8] =	dma.local @!p0 [hbm:s6], $0xF7A  }
0x23: {  	s9 =	sor.u32 $0xD0000000, s2;
	s6 =	simm.s32 $0x108;
	_ =	swait.ge @!p0 [sflag:s8], $0x0  }
0x24: {  	s3 =	sadd.s32 $0x88, s3;
	s6 =	simm.s32 @!p1 $0x1082;
	[sflag:s4] =	ssyncset.s32 $0xFFFFF086  }
0x25: {  	[simem:s6], [sflag:s4] =	dma.local [hbm:s3], $0xF7A  }
0x26: {  	[smem:$0x3F87] =	sst s1;
	(tag) =	ssettag s2;
	_ =	strace s9  }
0x27: {  	s1 =	sld [smem:$0x3F97]  }
0x28: {  	s2 =	sld [smem:$0x3F98]  }
0x29: {  	s4 =	sld [smem:$0x3F9A]  }
0x2a: {  	p0 =	seq.s32 s5, $0x0;
	s5 =	sld [smem:$0x3F9B]  }
0x2b: {  	s6 =	sld [smem:$0x3F9C]  }
0x2c: {  	s7 =	sld [smem:$0x3F9D]  }
0x2d: {  	s3 =	simm.s32 $0x108;
	s8 =	sld [smem:$0x3F9E]  }
0x2e: {  	s3 =	simm.s32 @!p0 $0x1082;
	s9 =	sld [smem:$0x3F9F]  }
0x2f: {  	lr =	sadd.s32 s0, s3;
	s0 =	sld [smem:$0x3F96]  }
0x30: {  	s3 =	sld [smem:$0x3F99]  }
0x31: {  	[smem:$0x3FA2] =	sst s10  }
0x32: {  	s10 =	sld [smem:$0x3FA0];
	_ =	sdelay $0x3  }
0x33: {  	p0 =	seq.s32 s10, $0x1;
	s10 =	sld [smem:$0x3FA2];
	_ =	sdelay $0x3  }
0x34: {  	[smem:$0x3FA2] =	sst s10  }
0x35: {  	s10 =	sld [smem:$0x3FA1];
	_ =	sdelay $0x3  }
0x36: {  	p1 =	seq.s32 s10, $0x1;
	s10 =	sld [smem:$0x3FA2];
	_ =	sdelay $0x3  }
0x37: {  	[smem:$0x3FA2] =	sst s10  }
0x38: {  	s10 =	sld [smem:$0x3FA3]  }
0x39: {  	_ = 	snop;
	(pc) =	sbr.ind lr, $3  }
0x3a: {  	_ = 	snop  }
0x3b: {  	_ = 	snop  }
0x3c: {  	p2 =	seq.s32 s10, $0x1;
	s10 =	sld [smem:$0x3FA2]  }
0x3d: {  	_ =	shalt  }
0x3e: {  	_ =	shalt  }
0x3f: {  	_ =	shalt  }
0x40: {  	_ =	shalt  }
0x41: {  	_ =	shalt  }
0x42: {  	_ =	shalt  }
0x43: {  	_ =	shalt  }
0x44: {  	_ =	shalt  }
0x45: {  	_ =	shalt  }
0x46: {  	_ =	shalt  }
0x47: {  	_ =	shalt  }
0x48: {  	_ =	shalt  }
0x49: {  	_ =	shalt  }
0x4a: {  	_ =	shalt  }
0x4b: {  	_ =	shalt  }
0x4c: {  	_ =	shalt  }
0x4d: {  	_ =	shalt  }
0x4e: {  	_ =	shalt  }
0x4f: {  	_ =	shalt  }
0x50: {  	_ =	shalt  }
0x51: {  	_ =	shalt  }
0x52: {  	_ =	shalt  }
0x53: {  	_ =	shalt  }
0x54: {  	_ =	shalt  }
0x55: {  	_ =	shalt  }
0x56: {  	_ =	shalt  }
0x57: {  	_ =	shalt  }
0x58: {  	_ =	shalt  }
0x59: {  	_ =	shalt  }
0x5a: {  	_ =	shalt  }
0x5b: {  	_ =	shalt  }
0x5c: {  	_ =	shalt  }
0x5d: {  	_ =	shalt  }
0x5e: {  	_ =	shalt  }
0x5f: {  	_ =	shalt  }
0x60: {  	_ =	shalt  }
0x61: {  	_ =	shalt  }
0x62: {  	_ =	shalt  }
0x63: {  	_ =	shalt  }
0x64: {  	_ =	shalt  }
0x65: {  	_ =	shalt  }
0x66: {  	_ =	shalt  }
0x67: {  	_ =	shalt  }
0x68: {  	_ =	shalt  }
0x69: {  	_ =	shalt  }
0x6a: {  	_ =	shalt  }
0x6b: {  	_ =	shalt  }
0x6c: {  	_ =	shalt  }
0x6d: {  	_ =	shalt  }
0x6e: {  	_ =	shalt  }
0x6f: {  	_ =	shalt  }
0x70: {  	_ =	shalt  }
0x71: {  	_ =	shalt  }
0x72: {  	_ =	shalt  }
0x73: {  	_ =	shalt  }
0x74: {  	_ =	shalt  }
0x75: {  	_ =	shalt  }
0x76: {  	_ =	shalt  }
0x77: {  	_ =	shalt  }
0x78: {  	_ =	shalt  }
0x79: {  	_ =	shalt  }
0x7a: {  	_ =	shalt  }
0x7b: {  	_ =	shalt  }
0x7c: {  	_ =	shalt  }
0x7d: {  	_ =	shalt  }
0x7e: {  	_ =	shalt  }
0x7f: {  	_ =	shalt  }
0x80: {  	_ =	shalt  }
0x81: {  	_ =	shalt  }
0x82: {  	_ =	shalt  }
0x83: {  	_ =	shalt  }
0x84: {  	_ =	shalt  }
0x85: {  	_ =	shalt  }
0x86: {  	_ =	shalt  }
0x87: {  	_ =	shalt  }
.Lfunc_end0:
.L_simem_size_0:
called_computation_lowered:
.L_overlay_start_0:
0x88: {  	s2 =	sld [smem:$0x3FD9]  }
0x89: {  	s3 =	sld [smem:$0x3FFE];
	_ =	sdelay $0x1  }
0x8a: {  	s1 =	srdreg.scid  }
0x8b: {  	s0 =	sand.u32 $0x1, s1  }
0x8c: {  	s14 =	sshll.u32 s0, $0xA;
	s2 =	sadd.s32 s3, s2  }
0x8d: {  	s2 =	sadd.s32 s2, s14  }
0x8e: {  	[smem:$0x3FAE] =	sst s2  }
0x8f: {  	_ = 	snop  }
0x90: {  	s2 =	sld [smem:$0x3FD0];
	_ =	sdelay $0x2  }
0x91: {  	s15 =	simm.s32 $0xC;
	s4 =	simm.s32 $0x10  }
0x92: {  	[smem:s4], [sflag:s15] =	dma.local [hbm:s2], $0x1  }
0x93: {  	_ =	swait.eq [sflag:s15], $0x1  }
0x94: {  	[sflag:s15] =	ssyncset.done $0x0  }
0x95: {  	s16 =	sld [smem:$0x13];
	[sflag:s15] =	ssyncadd.s32 $0xFFFFFFFF  }
0x96: {  	s17 =	sld [smem:$0x14];
	(tm) =	ssettm $0x1  }
0x97: {  	s18 =	sld [smem:$0x3FFB];
	_ =	sdelay $0x3  }
0x98: {  	_ =	strace s18  }
0x99: {  	s4 =	sld [smem:$0x3FFC];
	_ =	sdelay $0x3  }
0x9a: {  	_ =	strace s4  }
0x9b: {  	s4 =	sld [smem:$0x3FFD];
	_ =	sdelay $0x3  }
0x9c: {  	_ =	strace s4  }
0x9d: {  	_ =	strace $0x8FFFFFFF  }
0x9e: {  	s19 =	sld [smem:$0x3FDB];
	_ =	sdelay $0x1  }
0x9f: {  	s5 =	simm.s32 $_scs_section_size  }
0xa0: {  	s6 =	simm.s32 $_size__tile_overlayer_lowered;
	s7 =	simm.s32 $_tile_overlayer_lowered  }
0xa1: {  	s22 =	simm.s32 $0x1BFF;
	s21 =	sshll.u32 s7, $0x1;
	s4 =	sadd.s32 s5, s19  }
0xa2: {  	s8 =	simm.s32 $0x0;
	s20 =	sshll.u32 s6, $0x1;
	s6 =	sadd.s32 s21, s4  }
0xa3: {  	[timem:s8], [sflag:s22] =	dma.local [hbm:s6], s20  }
0xa4: {  	_ =	swait.ge [sflag:s22], s20  }
0xa5: {  	s5 =	ssub.s32 $0x0, s20;
	[sflag:s22] =	ssyncset.done $0x0  }
0xa6: {  	[sflag:s22] =	ssyncadd.s32 s5;
	_ =	sdelay $0x1  }
0xa7: {  	s23 =	simm.s32 $0x1B8B  }
0xa8: {  	_ =	swait.ge [sflag:s23], $0x1  }
0xa9: {  	[sflag:s23] =	ssyncset.done $0x0  }
0xaa: {  	s25 =	simm.s32 $0x1B8E;
	s24 =	sld [smem:$0x3FFE];
	[sflag:s23] =	ssyncadd.s32 $0xFFFFFFFF  }
0xab: {  	s26 =	simm.s32 $execute0_lowered;
	[smem:$0x3FD2] =	sst s25  }
0xac: {  	s6 =	sshll.u32 s26, $0x1;
	_ =	strace $0x80000046;
	[dreg:$0x1] =	wrdreg $0xFFFFFFFF  }
0xad: {  	s28 =	simm.s32 $_size_execute0_lowered;
	s4 =	sadd.s32 s4, s6;
	[dreg:$0x0] =	wrdreg $0x0  }
0xae: {  	s6 =	sshll.u32 s28, $0x1;
	[dreg:$0x2] =	wrdreg s4  }
0xaf: {  	[dreg:$0x3] =	wrdreg s6  }
0xb0: {  	[dreg:$0x4] =	wrdreg $0xC0  }
0xb1: {  	_ =	task [dreg:s8], $0x5FFFF  }
0xb2: {  	[dreg:$0x1] =	wrdreg $0xFFFFFFFF  }
0xb3: {  	[dreg:$0x0] =	wrdreg $0x60  }
0xb4: {  	[dreg:$0x2] =	wrdreg s17  }
0xb5: {  	[dreg:$0x3] =	wrdreg s16  }
0xb6: {  	[dreg:$0x4] =	wrdreg s24  }
0xb7: {  	[dreg:$0x5] =	wrdreg $0x68000  }
0xb8: {  	[dreg:$0x6] =	wrdreg $0x9  }
0xb9: {  	_ =	task.clear_ibuf [dreg:s8], $0x7FFFF;
	_ =	strace $0x90000046  }
0xba: {  	s29 =	simm.s32 $0x9;
	_ =	strace $0x80000048  }
0xbb: {  	_ =	swait.ge [sflag:s29], $0x1  }
0xbc: {  	[sflag:s29] =	ssyncadd.s32 $0xFFFFFFFF  }
0xbd: {  	_ =	strace $0x90000048  }
0xbe: {  	_ =	sfence  }
0xbf: {  	s30 =	sld [smem:$0x0];
	_ =	sdelay $0x2  }
0xc0: {  	s31 =	sshll.u32 s1, $0xD;
	s1 =	sshrl.u32 s1, $0x2  }
0xc1: {  	s3 =	sand.u32 $0x4000, s31;
	s1 =	sadd.s32 s1, s30  }
0xc2: {  	s0 =	sor.u32 s3, s0;
	s1 =	sshll.u32 s1, $0x11  }
0xc3: {  	s0 =	sor.u32 s1, s0  }
0xc4: {  	s0 =	sadd.s32 $0x8F2B, s0  }
0xc5: {  	[sflag:s0] =	ssyncadd.remote.s32 $0x1  }
0xc6: {  	_ =	sfence.sel $0xFFFF  }
0xc7: {  	[dreg:$0x0] =	wrdreg $0xFFFFFFFF;
	(pc) =	sbr.abs _section_cstart, $3  }
0xc8: {  	[dreg:$0x1] =	wrdreg $0xFFFFFFFF  }
0xc9: {  	_ =	task.clear_ibuf [dreg:s8], $0x2FFFF;
	_ =	strace $0x9FFFFFFF  }
0xca: {  	(tm) =	ssettm $0x7FFFFFFF  }
0xcb: {  	_ =	shalt  }
tec
execute0_lowered:
.L_overlay_start_1:
0x0: {  	(tag) =	ssettag $0x1  }
0x1: {  	s7 =	rddreg [dreg:$0x0]  }
0x2: {  	s1 =	rddreg [dreg:$0x1]  }
0x3: {  	s6 =	rddreg [dreg:$0x2]  }
0x4: {  	s3 =	rddreg [dreg:$0x3]  }
0x5: {  	s0 =	rddreg [dreg:$0x4]  }
0x6: {  	s5 =	srdreg.scid;
	s2 =	stileid.u32  }
0x7: {  	s4 =	simm.s32 $0x0;
	s13 =	simm.s32 $0x7D;
	s15 =	simm.s32 $0x2  }
0x8: {  	s16 =	simm.s32 $0x0;
	s8 =	sand.u32 $0x1, s5;
	s9 =	smul.u32 $0x2800, s2  }
0x9: {  	[smem:$0x7FF] =	sst s4;
	s5 =	sadd.s32 $0xCA00, s6;
	s12 =	smul.u32 $0x50000, s2  }
0xa: {  	s26 =	sshll.u32 s2, $0x1;
	s14 =	sshll.u32 s2, $0x6;
	s10 =	smul.u32 $0x28000, s8  }
0xb: {  	_ =	strace $0x80000047;
	s11 =	ssub.s32 $0x2, s8;
	s8 =	sor.u32 s8, s26  }
0xc: {  	s28 =	sshrl.u32 s11, $0x1;
	s8 =	smul.u32 $0x500, s8;
	s30 =	sshrl.u32 s12, $0x2  }
0xd: {  	s12 =	simm.s32 $0x1;
	s9 =	sadd.s32 s9, s10;
	s29 =	ssub.s32 s11, s28  }
0xe: {  	s31 =	sadd.s32 s30, s3;
	s11 =	simm.s32 $0x2800;
	s9 =	sadd.s32 s9, s6  }
0xf: {  	s6 =	sor.u32 $0x1C01, s14;
	s7 =	sadd.s32 s7, s8;
	s10 =	sshrl.u32 s31, $0x3  }
0x10: {  	s14 =	sor.u32 $0x1C02, s14;
	s8 =	sadd.s32 $0xF200, s9;
	s9 =	smax.u32 s29, $0x1  }
.LBB2_1:
0x11: {  	[spmem:s10], [sflag:s6] =	dma.local [hbm:s5], $0x2800  }
0x12: {  	[tilespmem:s4], [sflag:$0x1] =	stream.linear.gather [hbm4b:s7+s4], $0x2800, $0x38;
	[tilespmem:$0x1A800] =	vst v63  }
0x13: {  	_ = 	snop  }
0x14: {  	[tilespmem:s11], [sflag:$0x1] =	stream.linear.gather [hbm4b:s1+s4], $0x3E80, $0x38;
	[tilespmem:$0x1A800] =	vst v63  }
0x15: {  	_ =	swait.ge [sflag:s12], $0x2800  }
0x16: {  	[sflag:s12] =	ssyncset.done $0x0  }
0x17: {  	[sflag:s12] =	ssyncadd.s32 $0xFFFFD800  }
0x18: {  	_ =	swait.ge [sflag:s12], $0x2800  }
0x19: {  	[sflag:s12] =	ssyncset.done $0x0  }
0x1a: {  	[sflag:s12] =	ssyncadd.s32 $0xFFFFD800  }
0x1b: {  	_ =	swait.ge [sflag:s12], $0x3E80  }
0x1c: {  	[sflag:s12] =	ssyncset.done $0x0  }
0x1d: {  	[sflag:s12] =	ssyncadd.s32 $0xFFFFC180  }
0x1e: {  	s17 =	simm.s32 $0x0;
	[bflag:$0x0] =	sbarrier.arrive $0xFFFF  }
.LBB2_2:
0x1f: {  	p0 =	sne.s32 s17, $0x9E00  }
.Ltmp0:
0x20: {  	_ = 	snop;
	(pc) =	sbr.rel @p0 .LBB2_2-.Ltmp0, $3  }
0x21: {  	_ =	sdelay $0x1  }
0x22: {  	s18 =	sshra.s32 s17, $0x2;
	s17 =	sadd.s32 $0x200, s17  }
0x23: {  	[spmem:s3] =	stream.indirect.scatter.add.f32 [tilespmem:s11], [sflag:$0x1], $0x80, s18, s13, $0xb8;
	[tilespmem:$0x1A800] =	vst v63  }
0x24: {  	_ =	swait.ge [sflag:s12], $0x3E80  }
0x25: {  	s17 =	simm.s32 $0x4F;
	[sflag:s12] =	ssyncset.done $0x0  }
.LBB2_4:
0x26: {  	p0 =	sne.s32 s17, $0x1;
	s17 =	sadd.s32 $0xFFFFFFFF, s17;
	[sflag:s12] =	ssyncadd.s32 $0xFFFFC180  }
.Ltmp1:
0x27: {  	(pc) =	sbr.rel @p0 .LBB2_4-.Ltmp1, $3  }
0x28: {  	_ =	sdelay $0x1  }
0x29: {  	_ =	swait.ge [sflag:s12], $0x3E80  }
0x2a: {  	[sflag:s12] =	ssyncset.done $0x0  }
0x2b: {  	s16 =	sadd.s32 $0x1, s16  }
0x2c: {  	[sflag:s12] =	ssyncadd.s32 $0xFFFFC180;
	p0 =	sne.s32 s16, s9  }
.Ltmp2:
0x2d: {  	[bflag:$0x0] =	sbarrier.arrive $0xFFFF;
	(pc) =	sbr.rel @p0 .LBB2_1-.Ltmp2, $4  }
0x2e: {  	[hbm:s8], [sflag:s14] =	dma.local [spmem:s10], $0x2800  }
0x2f: {  	_ =	swait.ge [sflag:s15], $0x2800  }
0x30: {  	[sflag:s15] =	ssyncset.done $0x0  }
0x31: {  	[sflag:s15] =	ssyncadd.s32 $0xFFFFD800  }
0x32: {  	_ =	sfence.sel $0x180000  }
0x33: {  	[bflag:$0x0] =	sbarrier.arrive $0xFFFF  }
0x34: {  	p0 =	sne.s32 s2, $0x0;
	_ =	strace $0x90000047  }
0x35: {  	s0 =	sadd.s32 @!p0 $0x100000, s0;
	[bflag:$0x2] =	sbarrier.arrive $0xFFFF  }
0x36: {  	[sflag:s0] =	ssyncadd.tile.s32 @!p0 $0x1;
	_ =	shalt  }
.Lfunc_end2:
_tile_overlayer_lowered:
.L_overlay_start_2:
0x37: {  	(tag) =	ssettag $0x2  }
0x38: {  	s0 =	rddreg [dreg:$0x0];
	s2 =	stileid.u32  }
0x39: {  	s1 =	rddreg [dreg:$0x1];
	p0 =	sne.s32 s2, $0x0  }
0x3a: {  	s3 =	rddreg [dreg:$0x2];
	[bflag:$0x3] =	sbarrier.arrive $0xFFFF;
	s2 =	simm.s32 @!p0 $0x1C02  }
0x3b: {  	[timem:s3], [sflag:s2] =	dma.local @!p0 [hbm:s0], s1  }
0x3c: {  	s0 =	simm.s32 @!p0 $0x2  }
0x3d: {  	_ =	swait.ge @!p0 [sflag:s0], s1  }
0x3e: {  	s1 =	ssub.s32 @!p0 $0x0, s1;
	[sflag:s0] =	ssyncset.done @!p0 $0x0  }
0x3f: {  	[sflag:s0] =	ssyncadd.s32 @!p0 s1  }
0x40: {  	[bflag:$0x3] =	sbarrier.arrive $0xFFFF  }
0x41: {  	_ =	shalt  }

// kernel: kernel.18.cloned.1.call-start
scs
__scs_entry_jumppad:
0x0: {  	(pc) =	sbr.rel $0x88, $3  }
0x1: {  	(tag) =	ssettag $0x0;
	lr =	simm.s32 $0x1  }
0x2: {  	[smem:$0x3F87] =	sst lr;
	_ =	strace $0xD0000000  }
0x3: {  	_ = 	snop  }
0x4: {  	_ = 	snop  }
0x5: {  	_ = 	snop  }
0x6: {  	_ = 	snop  }
0x7: {  	_ = 	snop  }
__scs_overlays_trampoline_lowered:
0x8: {  	[smem:$0x3F96] =	sst s0  }
0x9: {  	[smem:$0x3F97] =	sst s1  }
0xa: {  	[smem:$0x3F98] =	sst s2  }
0xb: {  	[smem:$0x3F99] =	sst s3  }
0xc: {  	[smem:$0x3F9A] =	sst s4  }
0xd: {  	[smem:$0x3F9B] =	sst s5  }
0xe: {  	[smem:$0x3F9C] =	sst s6  }
0xf: {  	[smem:$0x3F9D] =	sst s7  }
0x10: {  	[smem:$0x3F9E] =	sst s8  }
0x11: {  	[smem:$0x3F9F] =	sst s9;
	s0 =	simm.s32 @!p0 $0x0  }
0x12: {  	s1 =	sld [smem:$0x3F85];
	s0 =	simm.s32 @p0 $0x1  }
0x13: {  	[smem:$0x3FA0] =	sst s0;
	s0 =	simm.s32 @!p1 $0x0  }
0x14: {  	s2 =	sld [smem:$0x3F84];
	s0 =	simm.s32 @p1 $0x1  }
0x15: {  	[smem:$0x3FA1] =	sst s0;
	s0 =	simm.s32 @!p2 $0x0  }
0x16: {  	s3 =	sld [smem:$0x3FDB];
	s0 =	simm.s32 @p2 $0x1  }
0x17: {  	s4 =	simm.s32 $0x1BF5;
	[smem:$0x3FA3] =	sst s0  }
0x18: {  	s0 =	sld [smem:$0x3F86];
	_ =	swait.ge [sflag:s4], $0x0  }
0x19: {  	s7 =	sld [smem:$0x3F87]  }
0x1a: {  	s8 =	sadd.s32 $0xFFFFE003, lr  }
0x1b: {  	s9 =	sadd.s32 $0xFFFFFEF7, lr;
	s5 =	simm.s32 $0xFFFFFFFF;
	p2 =	slt.u32 s8, $0xFFFFF086  }
0x1c: {  	p1 =	slt.u32 s9, $0xF7A;
	s5 =	simm.s32 @!p2 $0x0  }
0x1d: {  	s5 =	simm.s32 @p1 $0x1;
	p0 =	seq.s32 s7, s2  }
0x1e: {  	s7 =	smul.u32 @!p0 $0xF7A, s2;
	p2 =	seq.s32 @!p0 s5, $0x0  }
0x1f: {  	s9 =	smul.u32 $0xF7A, s1;
	s8 =	simm.s32 @!p0 $0x1BF5;
	p2 =	por !p2, p0  }
0x20: {  	[sflag:s8] =	ssyncset.s32 @!p0 $0xFFFFF086;
	s6 =	sadd.s32 @!p0 s3, s7;
	s7 =	simm.s32 @!p0 $0x108  }
0x21: {  	s3 =	sadd.s32 s3, s9;
	s6 =	sadd.s32 @!p0 $0x88, s6;
	s7 =	simm.s32 @p2 $0x1082  }
0x22: {  	[simem:s7], [sflag:s8] =	dma.local @!p0 [hbm:s6], $0xF7A  }
0x23: {  	s9 =	sor.u32 $0xD0000000, s2;
	s6 =	simm.s32 $0x108;
	_ =	swait.ge @!p0 [sflag:s8], $0x0  }
0x24: {  	s3 =	sadd.s32 $0x88, s3;
	s6 =	simm.s32 @!p1 $0x1082;
	[sflag:s4] =	ssyncset.s32 $0xFFFFF086  }
0x25: {  	[simem:s6], [sflag:s4] =	dma.local [hbm:s3], $0xF7A  }
0x26: {  	[smem:$0x3F87] =	sst s1;
	(tag) =	ssettag s2;
	_ =	strace s9  }
0x27: {  	s1 =	sld [smem:$0x3F97]  }
0x28: {  	s2 =	sld [smem:$0x3F98]  }
0x29: {  	s4 =	sld [smem:$0x3F9A]  }
0x2a: {  	p0 =	seq.s32 s5, $0x0;
	s5 =	sld [smem:$0x3F9B]  }
0x2b: {  	s6 =	sld [smem:$0x3F9C]  }
0x2c: {  	s7 =	sld [smem:$0x3F9D]  }
0x2d: {  	s3 =	simm.s32 $0x108;
	s8 =	sld [smem:$0x3F9E]  }
0x2e: {  	s3 =	simm.s32 @!p0 $0x1082;
	s9 =	sld [smem:$0x3F9F]  }
0x2f: {  	lr =	sadd.s32 s0, s3;
	s0 =	sld [smem:$0x3F96]  }
0x30: {  	s3 =	sld [smem:$0x3F99]  }
0x31: {  	[smem:$0x3FA2] =	sst s10  }
0x32: {  	s10 =	sld [smem:$0x3FA0];
	_ =	sdelay $0x3  }
0x33: {  	p0 =	seq.s32 s10, $0x1;
	s10 =	sld [smem:$0x3FA2];
	_ =	sdelay $0x3  }
0x34: {  	[smem:$0x3FA2] =	sst s10  }
0x35: {  	s10 =	sld [smem:$0x3FA1];
	_ =	sdelay $0x3  }
0x36: {  	p1 =	seq.s32 s10, $0x1;
	s10 =	sld [smem:$0x3FA2];
	_ =	sdelay $0x3  }
0x37: {  	[smem:$0x3FA2] =	sst s10  }
0x38: {  	s10 =	sld [smem:$0x3FA3]  }
0x39: {  	_ = 	snop;
	(pc) =	sbr.ind lr, $3  }
0x3a: {  	_ = 	snop  }
0x3b: {  	_ = 	snop  }
0x3c: {  	p2 =	seq.s32 s10, $0x1;
	s10 =	sld [smem:$0x3FA2]  }
0x3d: {  	_ =	shalt  }
0x3e: {  	_ =	shalt  }
0x3f: {  	_ =	shalt  }
0x40: {  	_ =	shalt  }
0x41: {  	_ =	shalt  }
0x42: {  	_ =	shalt  }
0x43: {  	_ =	shalt  }
0x44: {  	_ =	shalt  }
0x45: {  	_ =	shalt  }
0x46: {  	_ =	shalt  }
0x47: {  	_ =	shalt  }
0x48: {  	_ =	shalt  }
0x49: {  	_ =	shalt  }
0x4a: {  	_ =	shalt  }
0x4b: {  	_ =	shalt  }
0x4c: {  	_ =	shalt  }
0x4d: {  	_ =	shalt  }
0x4e: {  	_ =	shalt  }
0x4f: {  	_ =	shalt  }
0x50: {  	_ =	shalt  }
0x51: {  	_ =	shalt  }
0x52: {  	_ =	shalt  }
0x53: {  	_ =	shalt  }
0x54: {  	_ =	shalt  }
0x55: {  	_ =	shalt  }
0x56: {  	_ =	shalt  }
0x57: {  	_ =	shalt  }
0x58: {  	_ =	shalt  }
0x59: {  	_ =	shalt  }
0x5a: {  	_ =	shalt  }
0x5b: {  	_ =	shalt  }
0x5c: {  	_ =	shalt  }
0x5d: {  	_ =	shalt  }
0x5e: {  	_ =	shalt  }
0x5f: {  	_ =	shalt  }
0x60: {  	_ =	shalt  }
0x61: {  	_ =	shalt  }
0x62: {  	_ =	shalt  }
0x63: {  	_ =	shalt  }
0x64: {  	_ =	shalt  }
0x65: {  	_ =	shalt  }
0x66: {  	_ =	shalt  }
0x67: {  	_ =	shalt  }
0x68: {  	_ =	shalt  }
0x69: {  	_ =	shalt  }
0x6a: {  	_ =	shalt  }
0x6b: {  	_ =	shalt  }
0x6c: {  	_ =	shalt  }
0x6d: {  	_ =	shalt  }
0x6e: {  	_ =	shalt  }
0x6f: {  	_ =	shalt  }
0x70: {  	_ =	shalt  }
0x71: {  	_ =	shalt  }
0x72: {  	_ =	shalt  }
0x73: {  	_ =	shalt  }
0x74: {  	_ =	shalt  }
0x75: {  	_ =	shalt  }
0x76: {  	_ =	shalt  }
0x77: {  	_ =	shalt  }
0x78: {  	_ =	shalt  }
0x79: {  	_ =	shalt  }
0x7a: {  	_ =	shalt  }
0x7b: {  	_ =	shalt  }
0x7c: {  	_ =	shalt  }
0x7d: {  	_ =	shalt  }
0x7e: {  	_ =	shalt  }
0x7f: {  	_ =	shalt  }
0x80: {  	_ =	shalt  }
0x81: {  	_ =	shalt  }
0x82: {  	_ =	shalt  }
0x83: {  	_ =	shalt  }
0x84: {  	_ =	shalt  }
0x85: {  	_ =	shalt  }
0x86: {  	_ =	shalt  }
0x87: {  	_ =	shalt  }
.Lfunc_end0:
.L_simem_size_0:
called_computation.1_lowered:
.L_overlay_start_0:
0x88: {  	s2 =	sld [smem:$0x3FD9]  }
0x89: {  	s3 =	sld [smem:$0x3FFE];
	_ =	sdelay $0x1  }
0x8a: {  	s1 =	srdreg.scid  }
0x8b: {  	s0 =	sand.u32 $0x1, s1  }
0x8c: {  	s14 =	sshll.u32 s0, $0xA;
	s2 =	sadd.s32 s3, s2  }
0x8d: {  	s2 =	sadd.s32 s2, s14  }
0x8e: {  	[smem:$0x3FAE] =	sst s2  }
0x8f: {  	_ = 	snop  }
0x90: {  	s2 =	sld [smem:$0x3FD0];
	_ =	sdelay $0x2  }
0x91: {  	s15 =	simm.s32 $0xC;
	s4 =	simm.s32 $0x10  }
0x92: {  	[smem:s4], [sflag:s15] =	dma.local [hbm:s2], $0x1  }
0x93: {  	_ =	swait.eq [sflag:s15], $0x1  }
0x94: {  	[sflag:s15] =	ssyncset.done $0x0  }
0x95: {  	[sflag:s15] =	ssyncadd.s32 $0xFFFFFFFF  }
0x96: {  	s16 =	sld [smem:$0x14];
	(tm) =	ssettm $0x1  }
0x97: {  	s17 =	sld [smem:$0x3FFB];
	_ =	sdelay $0x3  }
0x98: {  	_ =	strace s17  }
0x99: {  	s3 =	sld [smem:$0x3FFC];
	_ =	sdelay $0x3  }
0x9a: {  	_ =	strace s3  }
0x9b: {  	s3 =	sld [smem:$0x3FFD];
	_ =	sdelay $0x3  }
0x9c: {  	_ =	strace s3  }
0x9d: {  	_ =	strace $0x8FFFFFFF  }
0x9e: {  	s18 =	sld [smem:$0x3FDB];
	_ =	sdelay $0x1  }
0x9f: {  	s19 =	simm.s32 $_scs_section_size  }
0xa0: {  	s5 =	simm.s32 $_size__tile_overlayer_lowered;
	s6 =	simm.s32 $_tile_overlayer_lowered  }
0xa1: {  	s22 =	simm.s32 $0x1BFF;
	s21 =	sshll.u32 s6, $0x1;
	s3 =	sadd.s32 s19, s18  }
0xa2: {  	s7 =	simm.s32 $0x0;
	s20 =	sshll.u32 s5, $0x1;
	s5 =	sadd.s32 s21, s3  }
0xa3: {  	[timem:s7], [sflag:s22] =	dma.local [hbm:s5], s20  }
0xa4: {  	_ =	swait.ge [sflag:s22], s20  }
0xa5: {  	s4 =	ssub.s32 $0x0, s20;
	[sflag:s22] =	ssyncset.done $0x0  }
0xa6: {  	[sflag:s22] =	ssyncadd.s32 s4;
	_ =	sdelay $0x1  }
0xa7: {  	s23 =	simm.s32 $0x1B8B  }
0xa8: {  	_ =	swait.ge [sflag:s23], $0x1  }
0xa9: {  	[sflag:s23] =	ssyncset.done $0x0  }
0xaa: {  	s25 =	simm.s32 $0x1B8E;
	s24 =	sld [smem:$0x3FFE];
	[sflag:s23] =	ssyncadd.s32 $0xFFFFFFFF  }
0xab: {  	s26 =	simm.s32 $execute0_lowered;
	[smem:$0x3FD2] =	sst s25  }
0xac: {  	s5 =	sshll.u32 s26, $0x1;
	_ =	strace $0x80000049;
	[dreg:$0x1] =	wrdreg $0xFFFFFFFF  }
0xad: {  	s28 =	simm.s32 $_size_execute0_lowered;
	s3 =	sadd.s32 s3, s5;
	[dreg:$0x0] =	wrdreg $0x0  }
0xae: {  	s5 =	sshll.u32 s28, $0x1;
	[dreg:$0x2] =	wrdreg s3  }
0xaf: {  	[dreg:$0x3] =	wrdreg s5  }
0xb0: {  	[dreg:$0x4] =	wrdreg $0xC0  }
0xb1: {  	_ =	task [dreg:s7], $0x5FFFF  }
0xb2: {  	[dreg:$0x1] =	wrdreg $0xFFFFFFFF  }
0xb3: {  	[dreg:$0x0] =	wrdreg $0x60  }
0xb4: {  	[dreg:$0x2] =	wrdreg s24  }
0xb5: {  	[dreg:$0x3] =	wrdreg s16  }
0xb6: {  	[dreg:$0x4] =	wrdreg $0xA8000  }
0xb7: {  	[dreg:$0x5] =	wrdreg $0x9  }
0xb8: {  	_ =	task.clear_ibuf [dreg:s7], $0x6FFFF;
	_ =	strace $0x90000049  }
0xb9: {  	s29 =	simm.s32 $0x9;
	_ =	strace $0x8000004B  }
0xba: {  	_ =	swait.ge [sflag:s29], $0x1  }
0xbb: {  	[sflag:s29] =	ssyncadd.s32 $0xFFFFFFFF  }
0xbc: {  	_ =	strace $0x9000004B  }
0xbd: {  	_ =	sfence  }
0xbe: {  	s30 =	sld [smem:$0x0];
	_ =	sdelay $0x2  }
0xbf: {  	s31 =	sshll.u32 s1, $0xD;
	s1 =	sshrl.u32 s1, $0x2  }
0xc0: {  	s3 =	sand.u32 $0x4000, s31;
	s1 =	sadd.s32 s1, s30  }
0xc1: {  	s0 =	sor.u32 s3, s0;
	s1 =	sshll.u32 s1, $0x11  }
0xc2: {  	s0 =	sor.u32 s1, s0  }
0xc3: {  	s0 =	sadd.s32 $0x8F2B, s0  }
0xc4: {  	[sflag:s0] =	ssyncadd.remote.s32 $0x1  }
0xc5: {  	_ =	sfence.sel $0xFFFF  }
0xc6: {  	[dreg:$0x0] =	wrdreg $0xFFFFFFFF;
	(pc) =	sbr.abs _section_cstart, $3  }
0xc7: {  	[dreg:$0x1] =	wrdreg $0xFFFFFFFF  }
0xc8: {  	_ =	task.clear_ibuf [dreg:s7], $0x2FFFF;
	_ =	strace $0x9FFFFFFF  }
0xc9: {  	(tm) =	ssettm $0x7FFFFFFF  }
tec
execute0_lowered:
.L_overlay_start_1:
0x0: {  	(tag) =	ssettag $0x1  }
0x1: {  	s6 =	rddreg [dreg:$0x0]  }
0x2: {  	s11 =	rddreg [dreg:$0x1]  }
0x3: {  	s2 =	rddreg [dreg:$0x2]  }
0x4: {  	s0 =	rddreg [dreg:$0x3];
	s3 =	simm.s32 $0x0;
	s4 =	srdreg.scid  }
0x5: {  	s1 =	stileid.u32;
	s17 =	simm.s32 $0x1;
	s18 =	simm.s32 $0x2  }
0x6: {  	s19 =	simm.s32 $0x7D;
	s20 =	simm.s32 $0x2800;
	s21 =	simm.s32 $0x80  }
0x7: {  	s22 =	simm.s32 $0x6800;
	s23 =	simm.s32 $0x4;
	s28 =	simm.s32 $0x0  }
0x8: {  	[smem:$0x7FF] =	sst s3;
	s7 =	sand.u32 $0x1, s4;
	s8 =	smul.u32 $0x2800, s1  }
0x9: {  	s4 =	sadd.s32 $0xF200, s6;
	s10 =	sadd.s32 $0x5F200, s6;
	s5 =	sadd.s32 $0xCA00, s6  }
0xa: {  	s12 =	sshll.u32 s1, $0x1;
	s25 =	smul.u32 $0x50000, s1;
	_ =	strace $0x8000004A  }
0xb: {  	s9 =	smul.u32 $0x28000, s7;
	s24 =	ssub.s32 $0x2, s7;
	s7 =	sor.u32 s7, s12  }
0xc: {  	s13 =	sshrl.u32 s24, $0x1;
	s26 =	smul.u32 $0x2800, s7;
	s29 =	sshrl.u32 s25, $0x2  }
0xd: {  	s30 =	smul.u32 $0x500, s7;
	s25 =	simm.s32 $0x2780;
	s8 =	sadd.s32 s8, s9  }
0xe: {  	s13 =	ssub.s32 s24, s13;
	s15 =	sadd.s32 s29, s2;
	s24 =	simm.s32 $0x2700  }
0xf: {  	s14 =	sadd.s32 s8, s6;
	s6 =	sshll.u32 s1, $0x6;
	s16 =	sshrl.u32 s26, $0x3  }
0x10: {  	s8 =	sadd.s32 s10, s30;
	s9 =	sadd.s32 s11, s30;
	s13 =	smax.u32 s13, $0x1  }
0x11: {  	s26 =	simm.s32 $0x5;
	s7 =	sor.u32 $0x1C03, s6;
	s31 =	sadd.s32 $0x280, s16  }
0x12: {  	s12 =	sadd.s32 $0x109200, s14;
	s14 =	sshrl.u32 s15, $0x3;
	s15 =	simm.s32 $0x1400  }
0x13: {  	s16 =	simm.s32 $0x3;
	s10 =	sadd.s32 s10, s31;
	s11 =	sadd.s32 s11, s31  }
.LBB2_1:
0x14: {  	[spmem:s14], [sflag:s7] =	dma.local [hbm:s5], $0x2800  }
0x15: {  	[tilespmem:s3], [sflag:$0x1] =	stream.linear.gather [hbm4b:s8+s3], $0x1400, $0x38;
	[tilespmem:$0x1E800] =	vst v63  }
0x16: {  	_ = 	snop  }
0x17: {  	[tilespmem:s15], [sflag:$0x2] =	stream.linear.gather [hbm4b:s9+s3], $0x1400, $0x38;
	[tilespmem:$0x1E800] =	vst v63  }
0x18: {  	_ =	swait.ge [sflag:s16], $0x2800  }
0x19: {  	[sflag:s16] =	ssyncset.done $0x0  }
0x1a: {  	[sflag:s16] =	ssyncadd.s32 $0xFFFFD800  }
0x1b: {  	_ =	swait.ge [sflag:s17], $0x1400  }
0x1c: {  	[sflag:s17] =	ssyncset.done $0x0  }
0x1d: {  	[sflag:s17] =	ssyncadd.s32 $0xFFFFEC00  }
0x1e: {  	_ =	swait.ge [sflag:s18], $0x1400  }
0x1f: {  	[sflag:s18] =	ssyncset.done $0x0  }
0x20: {  	[sflag:s18] =	ssyncadd.s32 $0xFFFFEC00  }
0x21: {  	[bflag:$0x0] =	sbarrier.arrive $0xFFFF  }
0x22: {  	[tilespmem:s20], [sflag:$0x1] =	stream.indirect.gather [hbm4b:s4+s19], $0x80, s3, s19, $0xb8;
	[tilespmem:$0x1E800] =	vst v63  }
0x23: {  	_ = 	snop  }
0x24: {  	[tilespmem:s22], [sflag:$0x2] =	stream.indirect.gather [hbm4b:s4+s19], $0x80, s21, s19, $0xb8;
	[tilespmem:$0x1E800] =	vst v63  }
0x25: {  	_ =	swait.ge [sflag:s17], $0x3E80  }
0x26: {  	[sflag:s17] =	ssyncset.done $0x0  }
0x27: {  	s29 =	simm.s32 $0x1400;
	[sflag:s17] =	ssyncadd.s32 $0xFFFFC180  }
0x28: {  	[spmem:s2] =	stream.indirect.scatter.add.f32 [tilespmem:s20], [sflag:$0x3], $0x80, s29, s19, $0xb8;
	[tilespmem:$0x1E800] =	vst v63  }
0x29: {  	_ =	swait.ge [sflag:s18], $0x3E80  }
0x2a: {  	[sflag:s18] =	ssyncset.done $0x0  }
0x2b: {  	s29 =	simm.s32 $0x1480;
	[sflag:s18] =	ssyncadd.s32 $0xFFFFC180  }
0x2c: {  	[spmem:s2] =	stream.indirect.scatter.add.f32 [tilespmem:s22], [sflag:$0x4], $0x80, s29, s19, $0xb8;
	[tilespmem:$0x1E800] =	vst v63  }
0x2d: {  	_ =	swait.ge [sflag:s16], $0x3E80  }
0x2e: {  	[sflag:s16] =	ssyncset.done $0x0  }
0x2f: {  	s29 =	simm.s32 $0x100;
	[sflag:s16] =	ssyncadd.s32 $0xFFFFC180  }
0x30: {  	[tilespmem:s20], [sflag:$0x1] =	stream.indirect.gather [hbm4b:s4+s19], $0x80, s29, s19, $0xb8;
	[tilespmem:$0x1E800] =	vst v63  }
0x31: {  	_ =	swait.ge [sflag:s23], $0x3E80  }
0x32: {  	[sflag:s23] =	ssyncset.done $0x0  }
0x33: {  	s30 =	simm.s32 $0x180;
	s29 =	simm.s32 $0x400;
	[sflag:s23] =	ssyncadd.s32 $0xFFFFC180  }
.LBB2_2:
0x34: {  	[tilespmem:s22], [sflag:$0x2] =	stream.indirect.gather [hbm4b:s4+s19], $0x80, s30, s19, $0xb8;
	[tilespmem:$0x1E800] =	vst v63  }
0x35: {  	s30 =	smov.u32 s29  }
0x36: {  	p0 =	sne.s32 s29, $0x4800;
	s29 =	sadd.s32 $0x400, s29;
	_ =	swait.ge [sflag:s17], $0x3E80  }
0x37: {  	s30 =	sshra.s32 s30, $0x2;
	[sflag:s17] =	ssyncset.done $0x0  }
0x38: {  	s31 =	sadd.s32 $0x1400, s30;
	[sflag:s17] =	ssyncadd.s32 $0xFFFFC180  }
0x39: {  	[spmem:s2] =	stream.indirect.scatter.add.f32 [tilespmem:s20], [sflag:$0x3], $0x80, s31, s19, $0xb8;
	[tilespmem:$0x1E800] =	vst v63  }
0x3a: {  	_ =	swait.ge [sflag:s18], $0x3E80  }
0x3b: {  	[sflag:s18] =	ssyncset.done $0x0  }
0x3c: {  	s31 =	sadd.s32 $0x1480, s30;
	[sflag:s18] =	ssyncadd.s32 $0xFFFFC180  }
0x3d: {  	[spmem:s2] =	stream.indirect.scatter.add.f32 [tilespmem:s22], [sflag:$0x4], $0x80, s31, s19, $0xb8;
	[tilespmem:$0x1E800] =	vst v63  }
0x3e: {  	_ =	swait.ge [sflag:s16], $0x3E80  }
0x3f: {  	[sflag:s16] =	ssyncset.done $0x0  }
.Ltmp0:
0x40: {  	s31 =	sadd.s32 $0x100, s30;
	[sflag:s16] =	ssyncadd.s32 $0xFFFFC180;
	(pc) =	sbr.rel @p0 .LBB2_2-.Ltmp0, $4  }
0x41: {  	[tilespmem:s20], [sflag:$0x1] =	stream.indirect.gather [hbm4b:s4+s19], $0x80, s31, s19, $0xb8;
	[tilespmem:$0x1E800] =	vst v63  }
0x42: {  	_ =	swait.ge [sflag:s23], $0x3E80  }
0x43: {  	[sflag:s23] =	ssyncset.done $0x0  }
0x44: {  	s30 =	sadd.s32 $0x180, s30;
	[sflag:s23] =	ssyncadd.s32 $0xFFFFC180  }
0x45: {  	[tilespmem:s22], [sflag:$0x2] =	stream.indirect.gather [hbm4b:s4+s19], $0x80, s30, s19, $0xb8;
	[tilespmem:$0x1E800] =	vst v63  }
0x46: {  	_ =	swait.ge [sflag:s17], $0x3E80  }
0x47: {  	[sflag:s17] =	ssyncset.done $0x0  }
0x48: {  	[sflag:s17] =	ssyncadd.s32 $0xFFFFC180  }
0x49: {  	[spmem:s2] =	stream.indirect.scatter.add.f32 [tilespmem:s20], [sflag:$0x3], $0x80, s24, s19, $0xb8;
	[tilespmem:$0x1E800] =	vst v63  }
0x4a: {  	_ =	swait.ge [sflag:s18], $0x3E80  }
0x4b: {  	[sflag:s18] =	ssyncset.done $0x0  }
0x4c: {  	[sflag:s18] =	ssyncadd.s32 $0xFFFFC180  }
0x4d: {  	[spmem:s2] =	stream.indirect.scatter.add.f32 [tilespmem:s22], [sflag:$0x4], $0x80, s25, s19, $0xb8;
	[tilespmem:$0x1E800] =	vst v63  }
0x4e: {  	_ =	swait.ge [sflag:s16], $0x3E80  }
0x4f: {  	[sflag:s16] =	ssyncset.done $0x0  }
0x50: {  	[sflag:s16] =	ssyncadd.s32 $0xFFFFC180  }
0x51: {  	_ =	swait.ge [sflag:s23], $0x3E80  }
0x52: {  	[sflag:s23] =	ssyncset.done $0x0  }
0x53: {  	s29 =	simm.s32 $0x0;
	[sflag:s23] =	ssyncadd.s32 $0xFFFFC180  }
0x54: {  	[tilespmem:s29], [sflag:$0x5] =	stream.linear.gather [hbm4b:s10+s29], $0x1400, $0x38;
	[tilespmem:$0x1E800] =	vst v63  }
0x55: {  	_ =	swait.ge [sflag:s26], $0x1400  }
0x56: {  	[sflag:s26] =	ssyncset.done $0x0  }
0x57: {  	[sflag:s26] =	ssyncadd.s32 $0xFFFFEC00  }
0x58: {  	[tilespmem:s15], [sflag:$0x5] =	stream.linear.gather [hbm4b:s11+s29], $0x1400, $0x38;
	[tilespmem:$0x1E800] =	vst v63  }
0x59: {  	_ =	swait.ge [sflag:s26], $0x1400  }
0x5a: {  	[sflag:s26] =	ssyncset.done $0x0  }
0x5b: {  	[sflag:s26] =	ssyncadd.s32 $0xFFFFEC00  }
0x5c: {  	[tilespmem:s20], [sflag:$0x1] =	stream.indirect.gather [hbm4b:s4+s19], $0x80, s29, s19, $0xb8;
	[tilespmem:$0x1E800] =	vst v63  }
0x5d: {  	_ = 	snop  }
0x5e: {  	[tilespmem:s22], [sflag:$0x2] =	stream.indirect.gather [hbm4b:s4+s19], $0x80, s21, s19, $0xb8;
	[tilespmem:$0x1E800] =	vst v63  }
0x5f: {  	_ =	swait.ge [sflag:s17], $0x3E80  }
0x60: {  	[sflag:s17] =	ssyncset.done $0x0  }
0x61: {  	s29 =	simm.s32 $0x1400;
	[sflag:s17] =	ssyncadd.s32 $0xFFFFC180  }
0x62: {  	[spmem:s2] =	stream.indirect.scatter.add.f32 [tilespmem:s20], [sflag:$0x3], $0x80, s29, s19, $0xb8;
	[tilespmem:$0x1E800] =	vst v63  }
0x63: {  	_ =	swait.ge [sflag:s18], $0x3E80  }
0x64: {  	[sflag:s18] =	ssyncset.done $0x0  }
0x65: {  	s29 =	simm.s32 $0x1480;
	[sflag:s18] =	ssyncadd.s32 $0xFFFFC180  }
0x66: {  	[spmem:s2] =	stream.indirect.scatter.add.f32 [tilespmem:s22], [sflag:$0x4], $0x80, s29, s19, $0xb8;
	[tilespmem:$0x1E800] =	vst v63  }
0x67: {  	_ =	swait.ge [sflag:s16], $0x3E80  }
0x68: {  	[sflag:s16] =	ssyncset.done $0x0  }
0x69: {  	s29 =	simm.s32 $0x100;
	[sflag:s16] =	ssyncadd.s32 $0xFFFFC180  }
0x6a: {  	[tilespmem:s20], [sflag:$0x1] =	stream.indirect.gather [hbm4b:s4+s19], $0x80, s29, s19, $0xb8;
	[tilespmem:$0x1E800] =	vst v63  }
0x6b: {  	_ =	swait.ge [sflag:s23], $0x3E80  }
0x6c: {  	[sflag:s23] =	ssyncset.done $0x0  }
0x6d: {  	s30 =	simm.s32 $0x180;
	s29 =	simm.s32 $0x400;
	[sflag:s23] =	ssyncadd.s32 $0xFFFFC180  }
.LBB2_4:
0x6e: {  	[tilespmem:s22], [sflag:$0x2] =	stream.indirect.gather [hbm4b:s4+s19], $0x80, s30, s19, $0xb8;
	[tilespmem:$0x1E800] =	vst v63  }
0x6f: {  	s30 =	smov.u32 s29  }
0x70: {  	p0 =	sne.s32 s29, $0x4800;
	s29 =	sadd.s32 $0x400, s29;
	_ =	swait.ge [sflag:s17], $0x3E80  }
0x71: {  	s30 =	sshra.s32 s30, $0x2;
	[sflag:s17] =	ssyncset.done $0x0  }
0x72: {  	s31 =	sadd.s32 $0x1400, s30;
	[sflag:s17] =	ssyncadd.s32 $0xFFFFC180  }
0x73: {  	[spmem:s2] =	stream.indirect.scatter.add.f32 [tilespmem:s20], [sflag:$0x3], $0x80, s31, s19, $0xb8;
	[tilespmem:$0x1E800] =	vst v63  }
0x74: {  	_ =	swait.ge [sflag:s18], $0x3E80  }
0x75: {  	[sflag:s18] =	ssyncset.done $0x0  }
0x76: {  	s31 =	sadd.s32 $0x1480, s30;
	[sflag:s18] =	ssyncadd.s32 $0xFFFFC180  }
0x77: {  	[spmem:s2] =	stream.indirect.scatter.add.f32 [tilespmem:s22], [sflag:$0x4], $0x80, s31, s19, $0xb8;
	[tilespmem:$0x1E800] =	vst v63  }
0x78: {  	_ =	swait.ge [sflag:s16], $0x3E80  }
0x79: {  	[sflag:s16] =	ssyncset.done $0x0  }
.Ltmp1:
0x7a: {  	s31 =	sadd.s32 $0x100, s30;
	[sflag:s16] =	ssyncadd.s32 $0xFFFFC180;
	(pc) =	sbr.rel @p0 .LBB2_4-.Ltmp1, $4  }
0x7b: {  	[tilespmem:s20], [sflag:$0x1] =	stream.indirect.gather [hbm4b:s4+s19], $0x80, s31, s19, $0xb8;
	[tilespmem:$0x1E800] =	vst v63  }
0x7c: {  	_ =	swait.ge [sflag:s23], $0x3E80  }
0x7d: {  	[sflag:s23] =	ssyncset.done $0x0  }
0x7e: {  	s30 =	sadd.s32 $0x180, s30;
	[sflag:s23] =	ssyncadd.s32 $0xFFFFC180  }
0x7f: {  	[tilespmem:s22], [sflag:$0x2] =	stream.indirect.gather [hbm4b:s4+s19], $0x80, s30, s19, $0xb8;
	[tilespmem:$0x1E800] =	vst v63  }
0x80: {  	_ =	swait.ge [sflag:s17], $0x3E80  }
0x81: {  	[sflag:s17] =	ssyncset.done $0x0  }
0x82: {  	[sflag:s17] =	ssyncadd.s32 $0xFFFFC180  }
0x83: {  	[spmem:s2] =	stream.indirect.scatter.add.f32 [tilespmem:s20], [sflag:$0x3], $0x80, s24, s19, $0xb8;
	[tilespmem:$0x1E800] =	vst v63  }
0x84: {  	_ =	swait.ge [sflag:s18], $0x3E80  }
0x85: {  	[sflag:s18] =	ssyncset.done $0x0  }
0x86: {  	[sflag:s18] =	ssyncadd.s32 $0xFFFFC180  }
0x87: {  	[spmem:s2] =	stream.indirect.scatter.add.f32 [tilespmem:s22], [sflag:$0x4], $0x80, s25, s19, $0xb8;
	[tilespmem:$0x1E800] =	vst v63  }
0x88: {  	_ =	swait.ge [sflag:s16], $0x3E80  }
0x89: {  	[sflag:s16] =	ssyncset.done $0x0  }
0x8a: {  	[sflag:s16] =	ssyncadd.s32 $0xFFFFC180  }
0x8b: {  	_ =	swait.ge [sflag:s23], $0x3E80  }
0x8c: {  	s28 =	sadd.s32 $0x1, s28;
	[sflag:s23] =	ssyncset.done $0x0  }
0x8d: {  	p0 =	sne.s32 s28, s13;
	[sflag:s23] =	ssyncadd.s32 $0xFFFFC180  }
.Ltmp2:
0x8e: {  	s29 =	sor.u32 $0x1C05, s6;
	[bflag:$0x0] =	sbarrier.arrive $0xFFFF;
	(pc) =	sbr.rel @p0 .LBB2_1-.Ltmp2, $4  }
0x8f: {  	[hbm:s12], [sflag:s29] =	dma.local [spmem:s14], $0x2800  }
0x90: {  	_ =	swait.ge [sflag:s26], $0x2800  }
0x91: {  	[sflag:s26] =	ssyncset.done $0x0  }
0x92: {  	[sflag:s26] =	ssyncadd.s32 $0xFFFFD800  }
0x93: {  	_ =	sfence.sel $0x180000  }
0x94: {  	[bflag:$0x0] =	sbarrier.arrive $0xFFFF  }
0x95: {  	p0 =	sne.s32 s1, $0x0;
	_ =	strace $0x9000004A  }
0x96: {  	s0 =	sadd.s32 @!p0 $0x100000, s0;
	[bflag:$0x2] =	sbarrier.arrive $0xFFFF  }
0x97: {  	[sflag:s0] =	ssyncadd.tile.s32 @!p0 $0x1;
	_ =	shalt  }
.Lfunc_end2:
_tile_overlayer_lowered:
.L_overlay_start_2:
0x98: {  	(tag) =	ssettag $0x2  }
0x99: {  	s0 =	rddreg [dreg:$0x0];
	s2 =	stileid.u32  }
0x9a: {  	s1 =	rddreg [dreg:$0x1];
	p0 =	sne.s32 s2, $0x0  }
0x9b: {  	s3 =	rddreg [dreg:$0x2];
	[bflag:$0x3] =	sbarrier.arrive $0xFFFF;
	s2 =	simm.s32 @!p0 $0x1C05  }
0x9c: {  	[timem:s3], [sflag:s2] =	dma.local @!p0 [hbm:s0], s1  }
0x9d: {  	s0 =	simm.s32 @!p0 $0x5  }
0x9e: {  	_ =	swait.ge @!p0 [sflag:s0], s1  }
0x9f: {  	s1 =	ssub.s32 @!p0 $0x0, s1;
	[sflag:s0] =	ssyncset.done @!p0 $0x0  }
0xa0: {  	[sflag:s0] =	ssyncadd.s32 @!p0 s1  }
0xa1: {  	[bflag:$0x3] =	sbarrier.arrive $0xFFFF  }
0xa2: {  	_ =	shalt  }

// kernel: kernel.21.cloned.1.call-start
scs
__scs_entry_jumppad:
0x0: {  	(pc) =	sbr.rel $0x88, $3  }
0x1: {  	(tag) =	ssettag $0x0;
	lr =	simm.s32 $0x1  }
0x2: {  	[smem:$0x3F87] =	sst lr;
	_ =	strace $0xD0000000  }
0x3: {  	_ = 	snop  }
0x4: {  	_ = 	snop  }
0x5: {  	_ = 	snop  }
0x6: {  	_ = 	snop  }
0x7: {  	_ = 	snop  }
__scs_overlays_trampoline_lowered:
0x8: {  	[smem:$0x3F96] =	sst s0  }
0x9: {  	[smem:$0x3F97] =	sst s1  }
0xa: {  	[smem:$0x3F98] =	sst s2  }
0xb: {  	[smem:$0x3F99] =	sst s3  }
0xc: {  	[smem:$0x3F9A] =	sst s4  }
0xd: {  	[smem:$0x3F9B] =	sst s5  }
0xe: {  	[smem:$0x3F9C] =	sst s6  }
0xf: {  	[smem:$0x3F9D] =	sst s7  }
0x10: {  	[smem:$0x3F9E] =	sst s8  }
0x11: {  	[smem:$0x3F9F] =	sst s9;
	s0 =	simm.s32 @!p0 $0x0  }
0x12: {  	s1 =	sld [smem:$0x3F85];
	s0 =	simm.s32 @p0 $0x1  }
0x13: {  	[smem:$0x3FA0] =	sst s0;
	s0 =	simm.s32 @!p1 $0x0  }
0x14: {  	s2 =	sld [smem:$0x3F84];
	s0 =	simm.s32 @p1 $0x1  }
0x15: {  	[smem:$0x3FA1] =	sst s0;
	s0 =	simm.s32 @!p2 $0x0  }
0x16: {  	s3 =	sld [smem:$0x3FDB];
	s0 =	simm.s32 @p2 $0x1  }
0x17: {  	s4 =	simm.s32 $0x1BF5;
	[smem:$0x3FA3] =	sst s0  }
0x18: {  	s0 =	sld [smem:$0x3F86];
	_ =	swait.ge [sflag:s4], $0x0  }
0x19: {  	s7 =	sld [smem:$0x3F87]  }
0x1a: {  	s8 =	sadd.s32 $0xFFFFE003, lr  }
0x1b: {  	s9 =	sadd.s32 $0xFFFFFEF7, lr;
	s5 =	simm.s32 $0xFFFFFFFF;
	p2 =	slt.u32 s8, $0xFFFFF086  }
0x1c: {  	p1 =	slt.u32 s9, $0xF7A;
	s5 =	simm.s32 @!p2 $0x0  }
0x1d: {  	s5 =	simm.s32 @p1 $0x1;
	p0 =	seq.s32 s7, s2  }
0x1e: {  	s7 =	smul.u32 @!p0 $0xF7A, s2;
	p2 =	seq.s32 @!p0 s5, $0x0  }
0x1f: {  	s9 =	smul.u32 $0xF7A, s1;
	s8 =	simm.s32 @!p0 $0x1BF5;
	p2 =	por !p2, p0  }
0x20: {  	[sflag:s8] =	ssyncset.s32 @!p0 $0xFFFFF086;
	s6 =	sadd.s32 @!p0 s3, s7;
	s7 =	simm.s32 @!p0 $0x108  }
0x21: {  	s3 =	sadd.s32 s3, s9;
	s6 =	sadd.s32 @!p0 $0x88, s6;
	s7 =	simm.s32 @p2 $0x1082  }
0x22: {  	[simem:s7], [sflag:s8] =	dma.local @!p0 [hbm:s6], $0xF7A  }
0x23: {  	s9 =	sor.u32 $0xD0000000, s2;
	s6 =	simm.s32 $0x108;
	_ =	swait.ge @!p0 [sflag:s8], $0x0  }
0x24: {  	s3 =	sadd.s32 $0x88, s3;
	s6 =	simm.s32 @!p1 $0x1082;
	[sflag:s4] =	ssyncset.s32 $0xFFFFF086  }
0x25: {  	[simem:s6], [sflag:s4] =	dma.local [hbm:s3], $0xF7A  }
0x26: {  	[smem:$0x3F87] =	sst s1;
	(tag) =	ssettag s2;
	_ =	strace s9  }
0x27: {  	s1 =	sld [smem:$0x3F97]  }
0x28: {  	s2 =	sld [smem:$0x3F98]  }
0x29: {  	s4 =	sld [smem:$0x3F9A]  }
0x2a: {  	p0 =	seq.s32 s5, $0x0;
	s5 =	sld [smem:$0x3F9B]  }
0x2b: {  	s6 =	sld [smem:$0x3F9C]  }
0x2c: {  	s7 =	sld [smem:$0x3F9D]  }
0x2d: {  	s3 =	simm.s32 $0x108;
	s8 =	sld [smem:$0x3F9E]  }
0x2e: {  	s3 =	simm.s32 @!p0 $0x1082;
	s9 =	sld [smem:$0x3F9F]  }
0x2f: {  	lr =	sadd.s32 s0, s3;
	s0 =	sld [smem:$0x3F96]  }
0x30: {  	s3 =	sld [smem:$0x3F99]  }
0x31: {  	[smem:$0x3FA2] =	sst s10  }
0x32: {  	s10 =	sld [smem:$0x3FA0];
	_ =	sdelay $0x3  }
0x33: {  	p0 =	seq.s32 s10, $0x1;
	s10 =	sld [smem:$0x3FA2];
	_ =	sdelay $0x3  }
0x34: {  	[smem:$0x3FA2] =	sst s10  }
0x35: {  	s10 =	sld [smem:$0x3FA1];
	_ =	sdelay $0x3  }
0x36: {  	p1 =	seq.s32 s10, $0x1;
	s10 =	sld [smem:$0x3FA2];
	_ =	sdelay $0x3  }
0x37: {  	[smem:$0x3FA2] =	sst s10  }
0x38: {  	s10 =	sld [smem:$0x3FA3]  }
0x39: {  	_ = 	snop;
	(pc) =	sbr.ind lr, $3  }
0x3a: {  	_ = 	snop  }
0x3b: {  	_ = 	snop  }
0x3c: {  	p2 =	seq.s32 s10, $0x1;
	s10 =	sld [smem:$0x3FA2]  }
0x3d: {  	_ =	shalt  }
0x3e: {  	_ =	shalt  }
0x3f: {  	_ =	shalt  }
0x40: {  	_ =	shalt  }
0x41: {  	_ =	shalt  }
0x42: {  	_ =	shalt  }
0x43: {  	_ =	shalt  }
0x44: {  	_ =	shalt  }
0x45: {  	_ =	shalt  }
0x46: {  	_ =	shalt  }
0x47: {  	_ =	shalt  }
0x48: {  	_ =	shalt  }
0x49: {  	_ =	shalt  }
0x4a: {  	_ =	shalt  }
0x4b: {  	_ =	shalt  }
0x4c: {  	_ =	shalt  }
0x4d: {  	_ =	shalt  }
0x4e: {  	_ =	shalt  }
0x4f: {  	_ =	shalt  }
0x50: {  	_ =	shalt  }
0x51: {  	_ =	shalt  }
0x52: {  	_ =	shalt  }
0x53: {  	_ =	shalt  }
0x54: {  	_ =	shalt  }
0x55: {  	_ =	shalt  }
0x56: {  	_ =	shalt  }
0x57: {  	_ =	shalt  }
0x58: {  	_ =	shalt  }
0x59: {  	_ =	shalt  }
0x5a: {  	_ =	shalt  }
0x5b: {  	_ =	shalt  }
0x5c: {  	_ =	shalt  }
0x5d: {  	_ =	shalt  }
0x5e: {  	_ =	shalt  }
0x5f: {  	_ =	shalt  }
0x60: {  	_ =	shalt  }
0x61: {  	_ =	shalt  }
0x62: {  	_ =	shalt  }
0x63: {  	_ =	shalt  }
0x64: {  	_ =	shalt  }
0x65: {  	_ =	shalt  }
0x66: {  	_ =	shalt  }
0x67: {  	_ =	shalt  }
0x68: {  	_ =	shalt  }
0x69: {  	_ =	shalt  }
0x6a: {  	_ =	shalt  }
0x6b: {  	_ =	shalt  }
0x6c: {  	_ =	shalt  }
0x6d: {  	_ =	shalt  }
0x6e: {  	_ =	shalt  }
0x6f: {  	_ =	shalt  }
0x70: {  	_ =	shalt  }
0x71: {  	_ =	shalt  }
0x72: {  	_ =	shalt  }
0x73: {  	_ =	shalt  }
0x74: {  	_ =	shalt  }
0x75: {  	_ =	shalt  }
0x76: {  	_ =	shalt  }
0x77: {  	_ =	shalt  }
0x78: {  	_ =	shalt  }
0x79: {  	_ =	shalt  }
0x7a: {  	_ =	shalt  }
0x7b: {  	_ =	shalt  }
0x7c: {  	_ =	shalt  }
0x7d: {  	_ =	shalt  }
0x7e: {  	_ =	shalt  }
0x7f: {  	_ =	shalt  }
0x80: {  	_ =	shalt  }
0x81: {  	_ =	shalt  }
0x82: {  	_ =	shalt  }
0x83: {  	_ =	shalt  }
0x84: {  	_ =	shalt  }
0x85: {  	_ =	shalt  }
0x86: {  	_ =	shalt  }
0x87: {  	_ =	shalt  }
.Lfunc_end0:
.L_simem_size_0:
called_computation.2_lowered:
.L_overlay_start_0:
0x88: {  	s2 =	sld [smem:$0x3FD9]  }
0x89: {  	s3 =	sld [smem:$0x3FFE];
	_ =	sdelay $0x1  }
0x8a: {  	s1 =	srdreg.scid  }
0x8b: {  	s0 =	sand.u32 $0x1, s1  }
0x8c: {  	s14 =	sshll.u32 s0, $0xA;
	s2 =	sadd.s32 s3, s2  }
0x8d: {  	s2 =	sadd.s32 s2, s14  }
0x8e: {  	[smem:$0x3FAE] =	sst s2  }
0x8f: {  	_ = 	snop  }
0x90: {  	s2 =	sld [smem:$0x3FD0];
	_ =	sdelay $0x2  }
0x91: {  	s15 =	simm.s32 $0xC;
	s4 =	simm.s32 $0x10  }
0x92: {  	[smem:s4], [sflag:s15] =	dma.local [hbm:s2], $0x1  }
0x93: {  	_ =	swait.eq [sflag:s15], $0x1  }
0x94: {  	[sflag:s15] =	ssyncset.done $0x0  }
0x95: {  	[sflag:s15] =	ssyncadd.s32 $0xFFFFFFFF  }
0x96: {  	s16 =	sld [smem:$0x14];
	(tm) =	ssettm $0x1  }
0x97: {  	s17 =	sld [smem:$0x3FFB];
	_ =	sdelay $0x3  }
0x98: {  	_ =	strace s17  }
0x99: {  	s3 =	sld [smem:$0x3FFC];
	_ =	sdelay $0x3  }
0x9a: {  	_ =	strace s3  }
0x9b: {  	s3 =	sld [smem:$0x3FFD];
	_ =	sdelay $0x3  }
0x9c: {  	_ =	strace s3  }
0x9d: {  	_ =	strace $0x8FFFFFFF  }
0x9e: {  	s18 =	sld [smem:$0x3FDB];
	_ =	sdelay $0x1  }
0x9f: {  	s19 =	simm.s32 $_scs_section_size  }
0xa0: {  	s5 =	simm.s32 $_size__tile_overlayer_lowered;
	s6 =	simm.s32 $_tile_overlayer_lowered  }
0xa1: {  	s22 =	simm.s32 $0x1BFF;
	s21 =	sshll.u32 s6, $0x1;
	s3 =	sadd.s32 s19, s18  }
0xa2: {  	s7 =	simm.s32 $0x0;
	s20 =	sshll.u32 s5, $0x1;
	s5 =	sadd.s32 s21, s3  }
0xa3: {  	[timem:s7], [sflag:s22] =	dma.local [hbm:s5], s20  }
0xa4: {  	_ =	swait.ge [sflag:s22], s20  }
0xa5: {  	s4 =	ssub.s32 $0x0, s20;
	[sflag:s22] =	ssyncset.done $0x0  }
0xa6: {  	[sflag:s22] =	ssyncadd.s32 s4;
	_ =	sdelay $0x1  }
0xa7: {  	s23 =	simm.s32 $0x1B8B  }
0xa8: {  	_ =	swait.ge [sflag:s23], $0x1  }
0xa9: {  	[sflag:s23] =	ssyncset.done $0x0  }
0xaa: {  	s25 =	simm.s32 $0x1B8E;
	s24 =	sld [smem:$0x3FFE];
	[sflag:s23] =	ssyncadd.s32 $0xFFFFFFFF  }
0xab: {  	s26 =	simm.s32 $execute0_lowered;
	[smem:$0x3FD2] =	sst s25  }
0xac: {  	s5 =	sshll.u32 s26, $0x1;
	_ =	strace $0x8000004C;
	[dreg:$0x1] =	wrdreg $0xFFFFFFFF  }
0xad: {  	s28 =	simm.s32 $_size_execute0_lowered;
	s3 =	sadd.s32 s3, s5;
	[dreg:$0x0] =	wrdreg $0x0  }
0xae: {  	s5 =	sshll.u32 s28, $0x1;
	[dreg:$0x2] =	wrdreg s3  }
0xaf: {  	[dreg:$0x3] =	wrdreg s5  }
0xb0: {  	[dreg:$0x4] =	wrdreg $0xC0  }
0xb1: {  	_ =	task [dreg:s7], $0x5FFFF  }
0xb2: {  	[dreg:$0x1] =	wrdreg $0xFFFFFFFF  }
0xb3: {  	[dreg:$0x0] =	wrdreg $0x60  }
0xb4: {  	[dreg:$0x2] =	wrdreg s24  }
0xb5: {  	[dreg:$0x3] =	wrdreg s16  }
0xb6: {  	[dreg:$0x4] =	wrdreg $0xA8000  }
0xb7: {  	[dreg:$0x5] =	wrdreg $0x9  }
0xb8: {  	_ =	task.clear_ibuf [dreg:s7], $0x6FFFF;
	_ =	strace $0x9000004C  }
0xb9: {  	s29 =	simm.s32 $0x9;
	_ =	strace $0x8000004E  }
0xba: {  	_ =	swait.ge [sflag:s29], $0x1  }
0xbb: {  	[sflag:s29] =	ssyncadd.s32 $0xFFFFFFFF  }
0xbc: {  	_ =	strace $0x9000004E  }
0xbd: {  	_ =	sfence  }
0xbe: {  	s30 =	sld [smem:$0x0];
	_ =	sdelay $0x2  }
0xbf: {  	s31 =	sshll.u32 s1, $0xD;
	s1 =	sshrl.u32 s1, $0x2  }
0xc0: {  	s3 =	sand.u32 $0x4000, s31;
	s1 =	sadd.s32 s1, s30  }
0xc1: {  	s0 =	sor.u32 s3, s0;
	s1 =	sshll.u32 s1, $0x11  }
0xc2: {  	s0 =	sor.u32 s1, s0  }
0xc3: {  	s0 =	sadd.s32 $0x8F2B, s0  }
0xc4: {  	[sflag:s0] =	ssyncadd.remote.s32 $0x1  }
0xc5: {  	_ =	sfence.sel $0xFFFF  }
0xc6: {  	[dreg:$0x0] =	wrdreg $0xFFFFFFFF;
	(pc) =	sbr.abs _section_cstart, $3  }
0xc7: {  	[dreg:$0x1] =	wrdreg $0xFFFFFFFF  }
0xc8: {  	_ =	task.clear_ibuf [dreg:s7], $0x2FFFF;
	_ =	strace $0x9FFFFFFF  }
0xc9: {  	(tm) =	ssettm $0x7FFFFFFF  }
tec
execute0_lowered:
.L_overlay_start_1:
0x0: {  	(tag) =	ssettag $0x1  }
0x1: {  	s6 =	rddreg [dreg:$0x0]  }
0x2: {  	s11 =	rddreg [dreg:$0x1]  }
0x3: {  	s2 =	rddreg [dreg:$0x2]  }
0x4: {  	s0 =	rddreg [dreg:$0x3];
	s3 =	simm.s32 $0x0;
	s4 =	srdreg.scid  }
0x5: {  	s1 =	stileid.u32;
	s17 =	simm.s32 $0x1;
	s18 =	simm.s32 $0x2  }
0x6: {  	s19 =	simm.s32 $0x7D;
	s20 =	simm.s32 $0x2800;
	s21 =	simm.s32 $0x80  }
0x7: {  	s22 =	simm.s32 $0x6800;
	s23 =	simm.s32 $0x4;
	s28 =	simm.s32 $0x0  }
0x8: {  	[smem:$0x7FF] =	sst s3;
	s7 =	sand.u32 $0x1, s4;
	s8 =	smul.u32 $0x2800, s1  }
0x9: {  	s4 =	sadd.s32 $0xF200, s6;
	s10 =	sadd.s32 $0x5F200, s6;
	s5 =	sadd.s32 $0xCA00, s6  }
0xa: {  	s12 =	sshll.u32 s1, $0x1;
	s25 =	smul.u32 $0x50000, s1;
	_ =	strace $0x8000004D  }
0xb: {  	s9 =	smul.u32 $0x28000, s7;
	s24 =	ssub.s32 $0x2, s7;
	s7 =	sor.u32 s7, s12  }
0xc: {  	s13 =	sshrl.u32 s24, $0x1;
	s26 =	smul.u32 $0x2800, s7;
	s29 =	sshrl.u32 s25, $0x2  }
0xd: {  	s30 =	smul.u32 $0x500, s7;
	s25 =	simm.s32 $0x2780;
	s8 =	sadd.s32 s8, s9  }
0xe: {  	s13 =	ssub.s32 s24, s13;
	s15 =	sadd.s32 s29, s2;
	s24 =	simm.s32 $0x2700  }
0xf: {  	s14 =	sadd.s32 s8, s6;
	s6 =	sshll.u32 s1, $0x6;
	s16 =	sshrl.u32 s26, $0x3  }
0x10: {  	s8 =	sadd.s32 s10, s30;
	s9 =	sadd.s32 s11, s30;
	s13 =	smax.u32 s13, $0x1  }
0x11: {  	s26 =	simm.s32 $0x5;
	s7 =	sor.u32 $0x1C03, s6;
	s31 =	sadd.s32 $0x280, s16  }
0x12: {  	s12 =	sadd.s32 $0x109200, s14;
	s14 =	sshrl.u32 s15, $0x3;
	s15 =	simm.s32 $0x1400  }
0x13: {  	s16 =	simm.s32 $0x3;
	s10 =	sadd.s32 s10, s31;
	s11 =	sadd.s32 s11, s31  }
.LBB2_1:
0x14: {  	[spmem:s14], [sflag:s7] =	dma.local [hbm:s5], $0x2800  }
0x15: {  	[tilespmem:s3], [sflag:$0x1] =	stream.linear.gather [hbm4b:s8+s3], $0x1400, $0x38;
	[tilespmem:$0x1E800] =	vst v63  }
0x16: {  	_ = 	snop  }
0x17: {  	[tilespmem:s15], [sflag:$0x2] =	stream.linear.gather [hbm4b:s9+s3], $0x1400, $0x38;
	[tilespmem:$0x1E800] =	vst v63  }
0x18: {  	_ =	swait.ge [sflag:s16], $0x2800  }
0x19: {  	[sflag:s16] =	ssyncset.done $0x0  }
0x1a: {  	[sflag:s16] =	ssyncadd.s32 $0xFFFFD800  }
0x1b: {  	_ =	swait.ge [sflag:s17], $0x1400  }
0x1c: {  	[sflag:s17] =	ssyncset.done $0x0  }
0x1d: {  	[sflag:s17] =	ssyncadd.s32 $0xFFFFEC00  }
0x1e: {  	_ =	swait.ge [sflag:s18], $0x1400  }
0x1f: {  	[sflag:s18] =	ssyncset.done $0x0  }
0x20: {  	[sflag:s18] =	ssyncadd.s32 $0xFFFFEC00  }
0x21: {  	[bflag:$0x0] =	sbarrier.arrive $0xFFFF  }
0x22: {  	[tilespmem:s20], [sflag:$0x1] =	stream.indirect.gather [hbm4b:s4+s19], $0x80, s3, s19, $0xb8;
	[tilespmem:$0x1E800] =	vst v63  }
0x23: {  	_ = 	snop  }
0x24: {  	[tilespmem:s22], [sflag:$0x2] =	stream.indirect.gather [hbm4b:s4+s19], $0x80, s21, s19, $0xb8;
	[tilespmem:$0x1E800] =	vst v63  }
0x25: {  	_ =	swait.ge [sflag:s17], $0x3E80  }
0x26: {  	[sflag:s17] =	ssyncset.done $0x0  }
0x27: {  	s29 =	simm.s32 $0x1400;
	[sflag:s17] =	ssyncadd.s32 $0xFFFFC180  }
0x28: {  	[spmem:s2] =	stream.indirect.scatter.add.f32 [tilespmem:s20], [sflag:$0x3], $0x80, s29, s19, $0xb8;
	[tilespmem:$0x1E800] =	vst v63  }
0x29: {  	_ =	swait.ge [sflag:s18], $0x3E80  }
0x2a: {  	[sflag:s18] =	ssyncset.done $0x0  }
0x2b: {  	s29 =	simm.s32 $0x1480;
	[sflag:s18] =	ssyncadd.s32 $0xFFFFC180  }
0x2c: {  	[spmem:s2] =	stream.indirect.scatter.add.f32 [tilespmem:s22], [sflag:$0x4], $0x80, s29, s19, $0xb8;
	[tilespmem:$0x1E800] =	vst v63  }
0x2d: {  	_ =	swait.ge [sflag:s16], $0x3E80  }
0x2e: {  	[sflag:s16] =	ssyncset.done $0x0  }
0x2f: {  	s29 =	simm.s32 $0x100;
	[sflag:s16] =	ssyncadd.s32 $0xFFFFC180  }
0x30: {  	[tilespmem:s20], [sflag:$0x1] =	stream.indirect.gather [hbm4b:s4+s19], $0x80, s29, s19, $0xb8;
	[tilespmem:$0x1E800] =	vst v63  }
0x31: {  	_ =	swait.ge [sflag:s23], $0x3E80  }
0x32: {  	[sflag:s23] =	ssyncset.done $0x0  }
0x33: {  	s30 =	simm.s32 $0x180;
	s29 =	simm.s32 $0x400;
	[sflag:s23] =	ssyncadd.s32 $0xFFFFC180  }
.LBB2_2:
0x34: {  	[tilespmem:s22], [sflag:$0x2] =	stream.indirect.gather [hbm4b:s4+s19], $0x80, s30, s19, $0xb8;
	[tilespmem:$0x1E800] =	vst v63  }
0x35: {  	s30 =	smov.u32 s29  }
0x36: {  	p0 =	sne.s32 s29, $0x4800;
	s29 =	sadd.s32 $0x400, s29;
	_ =	swait.ge [sflag:s17], $0x3E80  }
0x37: {  	s30 =	sshra.s32 s30, $0x2;
	[sflag:s17] =	ssyncset.done $0x0  }
0x38: {  	s31 =	sadd.s32 $0x1400, s30;
	[sflag:s17] =	ssyncadd.s32 $0xFFFFC180  }
0x39: {  	[spmem:s2] =	stream.indirect.scatter.add.f32 [tilespmem:s20], [sflag:$0x3], $0x80, s31, s19, $0xb8;
	[tilespmem:$0x1E800] =	vst v63  }
0x3a: {  	_ =	swait.ge [sflag:s18], $0x3E80  }
0x3b: {  	[sflag:s18] =	ssyncset.done $0x0  }
0x3c: {  	s31 =	sadd.s32 $0x1480, s30;
	[sflag:s18] =	ssyncadd.s32 $0xFFFFC180  }
0x3d: {  	[spmem:s2] =	stream.indirect.scatter.add.f32 [tilespmem:s22], [sflag:$0x4], $0x80, s31, s19, $0xb8;
	[tilespmem:$0x1E800] =	vst v63  }
0x3e: {  	_ =	swait.ge [sflag:s16], $0x3E80  }
0x3f: {  	[sflag:s16] =	ssyncset.done $0x0  }
.Ltmp0:
0x40: {  	s31 =	sadd.s32 $0x100, s30;
	[sflag:s16] =	ssyncadd.s32 $0xFFFFC180;
	(pc) =	sbr.rel @p0 .LBB2_2-.Ltmp0, $4  }
0x41: {  	[tilespmem:s20], [sflag:$0x1] =	stream.indirect.gather [hbm4b:s4+s19], $0x80, s31, s19, $0xb8;
	[tilespmem:$0x1E800] =	vst v63  }
0x42: {  	_ =	swait.ge [sflag:s23], $0x3E80  }
0x43: {  	[sflag:s23] =	ssyncset.done $0x0  }
0x44: {  	s30 =	sadd.s32 $0x180, s30;
	[sflag:s23] =	ssyncadd.s32 $0xFFFFC180  }
0x45: {  	[tilespmem:s22], [sflag:$0x2] =	stream.indirect.gather [hbm4b:s4+s19], $0x80, s30, s19, $0xb8;
	[tilespmem:$0x1E800] =	vst v63  }
0x46: {  	_ =	swait.ge [sflag:s17], $0x3E80  }
0x47: {  	[sflag:s17] =	ssyncset.done $0x0  }
0x48: {  	[sflag:s17] =	ssyncadd.s32 $0xFFFFC180  }
0x49: {  	[spmem:s2] =	stream.indirect.scatter.add.f32 [tilespmem:s20], [sflag:$0x3], $0x80, s24, s19, $0xb8;
	[tilespmem:$0x1E800] =	vst v63  }
0x4a: {  	_ =	swait.ge [sflag:s18], $0x3E80  }
0x4b: {  	[sflag:s18] =	ssyncset.done $0x0  }
0x4c: {  	[sflag:s18] =	ssyncadd.s32 $0xFFFFC180  }
0x4d: {  	[spmem:s2] =	stream.indirect.scatter.add.f32 [tilespmem:s22], [sflag:$0x4], $0x80, s25, s19, $0xb8;
	[tilespmem:$0x1E800] =	vst v63  }
0x4e: {  	_ =	swait.ge [sflag:s16], $0x3E80  }
0x4f: {  	[sflag:s16] =	ssyncset.done $0x0  }
0x50: {  	[sflag:s16] =	ssyncadd.s32 $0xFFFFC180  }
0x51: {  	_ =	swait.ge [sflag:s23], $0x3E80  }
0x52: {  	[sflag:s23] =	ssyncset.done $0x0  }
0x53: {  	s29 =	simm.s32 $0x0;
	[sflag:s23] =	ssyncadd.s32 $0xFFFFC180  }
0x54: {  	[tilespmem:s29], [sflag:$0x5] =	stream.linear.gather [hbm4b:s10+s29], $0x1400, $0x38;
	[tilespmem:$0x1E800] =	vst v63  }
0x55: {  	_ =	swait.ge [sflag:s26], $0x1400  }
0x56: {  	[sflag:s26] =	ssyncset.done $0x0  }
0x57: {  	[sflag:s26] =	ssyncadd.s32 $0xFFFFEC00  }
0x58: {  	[tilespmem:s15], [sflag:$0x5] =	stream.linear.gather [hbm4b:s11+s29], $0x1400, $0x38;
	[tilespmem:$0x1E800] =	vst v63  }
0x59: {  	_ =	swait.ge [sflag:s26], $0x1400  }
0x5a: {  	[sflag:s26] =	ssyncset.done $0x0  }
0x5b: {  	[sflag:s26] =	ssyncadd.s32 $0xFFFFEC00  }
0x5c: {  	[tilespmem:s20], [sflag:$0x1] =	stream.indirect.gather [hbm4b:s4+s19], $0x80, s29, s19, $0xb8;
	[tilespmem:$0x1E800] =	vst v63  }
0x5d: {  	_ = 	snop  }
0x5e: {  	[tilespmem:s22], [sflag:$0x2] =	stream.indirect.gather [hbm4b:s4+s19], $0x80, s21, s19, $0xb8;
	[tilespmem:$0x1E800] =	vst v63  }
0x5f: {  	_ =	swait.ge [sflag:s17], $0x3E80  }
0x60: {  	[sflag:s17] =	ssyncset.done $0x0  }
0x61: {  	s29 =	simm.s32 $0x1400;
	[sflag:s17] =	ssyncadd.s32 $0xFFFFC180  }
0x62: {  	[spmem:s2] =	stream.indirect.scatter.add.f32 [tilespmem:s20], [sflag:$0x3], $0x80, s29, s19, $0xb8;
	[tilespmem:$0x1E800] =	vst v63  }
0x63: {  	_ =	swait.ge [sflag:s18], $0x3E80  }
0x64: {  	[sflag:s18] =	ssyncset.done $0x0  }
0x65: {  	s29 =	simm.s32 $0x1480;
	[sflag:s18] =	ssyncadd.s32 $0xFFFFC180  }
0x66: {  	[spmem:s2] =	stream.indirect.scatter.add.f32 [tilespmem:s22], [sflag:$0x4], $0x80, s29, s19, $0xb8;
	[tilespmem:$0x1E800] =	vst v63  }
0x67: {  	_ =	swait.ge [sflag:s16], $0x3E80  }
0x68: {  	[sflag:s16] =	ssyncset.done $0x0  }
0x69: {  	s29 =	simm.s32 $0x100;
	[sflag:s16] =	ssyncadd.s32 $0xFFFFC180  }
0x6a: {  	[tilespmem:s20], [sflag:$0x1] =	stream.indirect.gather [hbm4b:s4+s19], $0x80, s29, s19, $0xb8;
	[tilespmem:$0x1E800] =	vst v63  }
0x6b: {  	_ =	swait.ge [sflag:s23], $0x3E80  }
0x6c: {  	[sflag:s23] =	ssyncset.done $0x0  }
0x6d: {  	s30 =	simm.s32 $0x180;
	s29 =	simm.s32 $0x400;
	[sflag:s23] =	ssyncadd.s32 $0xFFFFC180  }
.LBB2_4:
0x6e: {  	[tilespmem:s22], [sflag:$0x2] =	stream.indirect.gather [hbm4b:s4+s19], $0x80, s30, s19, $0xb8;
	[tilespmem:$0x1E800] =	vst v63  }
0x6f: {  	s30 =	smov.u32 s29  }
0x70: {  	p0 =	sne.s32 s29, $0x4800;
	s29 =	sadd.s32 $0x400, s29;
	_ =	swait.ge [sflag:s17], $0x3E80  }
0x71: {  	s30 =	sshra.s32 s30, $0x2;
	[sflag:s17] =	ssyncset.done $0x0  }
0x72: {  	s31 =	sadd.s32 $0x1400, s30;
	[sflag:s17] =	ssyncadd.s32 $0xFFFFC180  }
0x73: {  	[spmem:s2] =	stream.indirect.scatter.add.f32 [tilespmem:s20], [sflag:$0x3], $0x80, s31, s19, $0xb8;
	[tilespmem:$0x1E800] =	vst v63  }
0x74: {  	_ =	swait.ge [sflag:s18], $0x3E80  }
0x75: {  	[sflag:s18] =	ssyncset.done $0x0  }
0x76: {  	s31 =	sadd.s32 $0x1480, s30;
	[sflag:s18] =	ssyncadd.s32 $0xFFFFC180  }
0x77: {  	[spmem:s2] =	stream.indirect.scatter.add.f32 [tilespmem:s22], [sflag:$0x4], $0x80, s31, s19, $0xb8;
	[tilespmem:$0x1E800] =	vst v63  }
0x78: {  	_ =	swait.ge [sflag:s16], $0x3E80  }
0x79: {  	[sflag:s16] =	ssyncset.done $0x0  }
.Ltmp1:
0x7a: {  	s31 =	sadd.s32 $0x100, s30;
	[sflag:s16] =	ssyncadd.s32 $0xFFFFC180;
	(pc) =	sbr.rel @p0 .LBB2_4-.Ltmp1, $4  }
0x7b: {  	[tilespmem:s20], [sflag:$0x1] =	stream.indirect.gather [hbm4b:s4+s19], $0x80, s31, s19, $0xb8;
	[tilespmem:$0x1E800] =	vst v63  }
0x7c: {  	_ =	swait.ge [sflag:s23], $0x3E80  }
0x7d: {  	[sflag:s23] =	ssyncset.done $0x0  }
0x7e: {  	s30 =	sadd.s32 $0x180, s30;
	[sflag:s23] =	ssyncadd.s32 $0xFFFFC180  }
0x7f: {  	[tilespmem:s22], [sflag:$0x2] =	stream.indirect.gather [hbm4b:s4+s19], $0x80, s30, s19, $0xb8;
	[tilespmem:$0x1E800] =	vst v63  }
0x80: {  	_ =	swait.ge [sflag:s17], $0x3E80  }
0x81: {  	[sflag:s17] =	ssyncset.done $0x0  }
0x82: {  	[sflag:s17] =	ssyncadd.s32 $0xFFFFC180  }
0x83: {  	[spmem:s2] =	stream.indirect.scatter.add.f32 [tilespmem:s20], [sflag:$0x3], $0x80, s24, s19, $0xb8;
	[tilespmem:$0x1E800] =	vst v63  }
0x84: {  	_ =	swait.ge [sflag:s18], $0x3E80  }
0x85: {  	[sflag:s18] =	ssyncset.done $0x0  }
0x86: {  	[sflag:s18] =	ssyncadd.s32 $0xFFFFC180  }
0x87: {  	[spmem:s2] =	stream.indirect.scatter.add.f32 [tilespmem:s22], [sflag:$0x4], $0x80, s25, s19, $0xb8;
	[tilespmem:$0x1E800] =	vst v63  }
0x88: {  	_ =	swait.ge [sflag:s16], $0x3E80  }
0x89: {  	[sflag:s16] =	ssyncset.done $0x0  }
0x8a: {  	[sflag:s16] =	ssyncadd.s32 $0xFFFFC180  }
0x8b: {  	_ =	swait.ge [sflag:s23], $0x3E80  }
0x8c: {  	s28 =	sadd.s32 $0x1, s28;
	[sflag:s23] =	ssyncset.done $0x0  }
0x8d: {  	p0 =	sne.s32 s28, s13;
	[sflag:s23] =	ssyncadd.s32 $0xFFFFC180  }
.Ltmp2:
0x8e: {  	s29 =	sor.u32 $0x1C05, s6;
	[bflag:$0x0] =	sbarrier.arrive $0xFFFF;
	(pc) =	sbr.rel @p0 .LBB2_1-.Ltmp2, $4  }
0x8f: {  	[hbm:s12], [sflag:s29] =	dma.local [spmem:s14], $0x2800  }
0x90: {  	_ =	swait.ge [sflag:s26], $0x2800  }
0x91: {  	[sflag:s26] =	ssyncset.done $0x0  }
0x92: {  	[sflag:s26] =	ssyncadd.s32 $0xFFFFD800  }
0x93: {  	_ =	sfence.sel $0x180000  }
0x94: {  	[bflag:$0x0] =	sbarrier.arrive $0xFFFF  }
0x95: {  	p0 =	sne.s32 s1, $0x0;
	_ =	strace $0x9000004D  }
0x96: {  	s0 =	sadd.s32 @!p0 $0x100000, s0;
	[bflag:$0x2] =	sbarrier.arrive $0xFFFF  }
0x97: {  	[sflag:s0] =	ssyncadd.tile.s32 @!p0 $0x1;
	_ =	shalt  }
.Lfunc_end2:
_tile_overlayer_lowered:
.L_overlay_start_2:
0x98: {  	(tag) =	ssettag $0x2  }
0x99: {  	s0 =	rddreg [dreg:$0x0];
	s2 =	stileid.u32  }
0x9a: {  	s1 =	rddreg [dreg:$0x1];
	p0 =	sne.s32 s2, $0x0  }
0x9b: {  	s3 =	rddreg [dreg:$0x2];
	[bflag:$0x3] =	sbarrier.arrive $0xFFFF;
	s2 =	simm.s32 @!p0 $0x1C05  }
0x9c: {  	[timem:s3], [sflag:s2] =	dma.local @!p0 [hbm:s0], s1  }
0x9d: {  	s0 =	simm.s32 @!p0 $0x5  }
0x9e: {  	_ =	swait.ge @!p0 [sflag:s0], s1  }
0x9f: {  	s1 =	ssub.s32 @!p0 $0x0, s1;
	[sflag:s0] =	ssyncset.done @!p0 $0x0  }
0xa0: {  	[sflag:s0] =	ssyncadd.s32 @!p0 s1  }
0xa1: {  	[bflag:$0x3] =	sbarrier.arrive $0xFFFF  }
0xa2: {  	_ =	shalt  }

// kernel: kernel.24.cloned.1.call-start
scs
__scs_entry_jumppad:
0x0: {  	(pc) =	sbr.rel $0x88, $3  }
0x1: {  	(tag) =	ssettag $0x0;
	lr =	simm.s32 $0x1  }
0x2: {  	[smem:$0x3F87] =	sst lr;
	_ =	strace $0xD0000000  }
0x3: {  	_ = 	snop  }
0x4: {  	_ = 	snop  }
0x5: {  	_ = 	snop  }
0x6: {  	_ = 	snop  }
0x7: {  	_ = 	snop  }
__scs_overlays_trampoline_lowered:
0x8: {  	[smem:$0x3F96] =	sst s0  }
0x9: {  	[smem:$0x3F97] =	sst s1  }
0xa: {  	[smem:$0x3F98] =	sst s2  }
0xb: {  	[smem:$0x3F99] =	sst s3  }
0xc: {  	[smem:$0x3F9A] =	sst s4  }
0xd: {  	[smem:$0x3F9B] =	sst s5  }
0xe: {  	[smem:$0x3F9C] =	sst s6  }
0xf: {  	[smem:$0x3F9D] =	sst s7  }
0x10: {  	[smem:$0x3F9E] =	sst s8  }
0x11: {  	[smem:$0x3F9F] =	sst s9;
	s0 =	simm.s32 @!p0 $0x0  }
0x12: {  	s1 =	sld [smem:$0x3F85];
	s0 =	simm.s32 @p0 $0x1  }
0x13: {  	[smem:$0x3FA0] =	sst s0;
	s0 =	simm.s32 @!p1 $0x0  }
0x14: {  	s2 =	sld [smem:$0x3F84];
	s0 =	simm.s32 @p1 $0x1  }
0x15: {  	[smem:$0x3FA1] =	sst s0;
	s0 =	simm.s32 @!p2 $0x0  }
0x16: {  	s3 =	sld [smem:$0x3FDB];
	s0 =	simm.s32 @p2 $0x1  }
0x17: {  	s4 =	simm.s32 $0x1BF5;
	[smem:$0x3FA3] =	sst s0  }
0x18: {  	s0 =	sld [smem:$0x3F86];
	_ =	swait.ge [sflag:s4], $0x0  }
0x19: {  	s7 =	sld [smem:$0x3F87]  }
0x1a: {  	s8 =	sadd.s32 $0xFFFFE003, lr  }
0x1b: {  	s9 =	sadd.s32 $0xFFFFFEF7, lr;
	s5 =	simm.s32 $0xFFFFFFFF;
	p2 =	slt.u32 s8, $0xFFFFF086  }
0x1c: {  	p1 =	slt.u32 s9, $0xF7A;
	s5 =	simm.s32 @!p2 $0x0  }
0x1d: {  	s5 =	simm.s32 @p1 $0x1;
	p0 =	seq.s32 s7, s2  }
0x1e: {  	s7 =	smul.u32 @!p0 $0xF7A, s2;
	p2 =	seq.s32 @!p0 s5, $0x0  }
0x1f: {  	s9 =	smul.u32 $0xF7A, s1;
	s8 =	simm.s32 @!p0 $0x1BF5;
	p2 =	por !p2, p0  }
0x20: {  	[sflag:s8] =	ssyncset.s32 @!p0 $0xFFFFF086;
	s6 =	sadd.s32 @!p0 s3, s7;
	s7 =	simm.s32 @!p0 $0x108  }
0x21: {  	s3 =	sadd.s32 s3, s9;
	s6 =	sadd.s32 @!p0 $0x88, s6;
	s7 =	simm.s32 @p2 $0x1082  }
0x22: {  	[simem:s7], [sflag:s8] =	dma.local @!p0 [hbm:s6], $0xF7A  }
0x23: {  	s9 =	sor.u32 $0xD0000000, s2;
	s6 =	simm.s32 $0x108;
	_ =	swait.ge @!p0 [sflag:s8], $0x0  }
0x24: {  	s3 =	sadd.s32 $0x88, s3;
	s6 =	simm.s32 @!p1 $0x1082;
	[sflag:s4] =	ssyncset.s32 $0xFFFFF086  }
0x25: {  	[simem:s6], [sflag:s4] =	dma.local [hbm:s3], $0xF7A  }
0x26: {  	[smem:$0x3F87] =	sst s1;
	(tag) =	ssettag s2;
	_ =	strace s9  }
0x27: {  	s1 =	sld [smem:$0x3F97]  }
0x28: {  	s2 =	sld [smem:$0x3F98]  }
0x29: {  	s4 =	sld [smem:$0x3F9A]  }
0x2a: {  	p0 =	seq.s32 s5, $0x0;
	s5 =	sld [smem:$0x3F9B]  }
0x2b: {  	s6 =	sld [smem:$0x3F9C]  }
0x2c: {  	s7 =	sld [smem:$0x3F9D]  }
0x2d: {  	s3 =	simm.s32 $0x108;
	s8 =	sld [smem:$0x3F9E]  }
0x2e: {  	s3 =	simm.s32 @!p0 $0x1082;
	s9 =	sld [smem:$0x3F9F]  }
0x2f: {  	lr =	sadd.s32 s0, s3;
	s0 =	sld [smem:$0x3F96]  }
0x30: {  	s3 =	sld [smem:$0x3F99]  }
0x31: {  	[smem:$0x3FA2] =	sst s10  }
0x32: {  	s10 =	sld [smem:$0x3FA0];
	_ =	sdelay $0x3  }
0x33: {  	p0 =	seq.s32 s10, $0x1;
	s10 =	sld [smem:$0x3FA2];
	_ =	sdelay $0x3  }
0x34: {  	[smem:$0x3FA2] =	sst s10  }
0x35: {  	s10 =	sld [smem:$0x3FA1];
	_ =	sdelay $0x3  }
0x36: {  	p1 =	seq.s32 s10, $0x1;
	s10 =	sld [smem:$0x3FA2];
	_ =	sdelay $0x3  }
0x37: {  	[smem:$0x3FA2] =	sst s10  }
0x38: {  	s10 =	sld [smem:$0x3FA3]  }
0x39: {  	_ = 	snop;
	(pc) =	sbr.ind lr, $3  }
0x3a: {  	_ = 	snop  }
0x3b: {  	_ = 	snop  }
0x3c: {  	p2 =	seq.s32 s10, $0x1;
	s10 =	sld [smem:$0x3FA2]  }
0x3d: {  	_ =	shalt  }
0x3e: {  	_ =	shalt  }
0x3f: {  	_ =	shalt  }
0x40: {  	_ =	shalt  }
0x41: {  	_ =	shalt  }
0x42: {  	_ =	shalt  }
0x43: {  	_ =	shalt  }
0x44: {  	_ =	shalt  }
0x45: {  	_ =	shalt  }
0x46: {  	_ =	shalt  }
0x47: {  	_ =	shalt  }
0x48: {  	_ =	shalt  }
0x49: {  	_ =	shalt  }
0x4a: {  	_ =	shalt  }
0x4b: {  	_ =	shalt  }
0x4c: {  	_ =	shalt  }
0x4d: {  	_ =	shalt  }
0x4e: {  	_ =	shalt  }
0x4f: {  	_ =	shalt  }
0x50: {  	_ =	shalt  }
0x51: {  	_ =	shalt  }
0x52: {  	_ =	shalt  }
0x53: {  	_ =	shalt  }
0x54: {  	_ =	shalt  }
0x55: {  	_ =	shalt  }
0x56: {  	_ =	shalt  }
0x57: {  	_ =	shalt  }
0x58: {  	_ =	shalt  }
0x59: {  	_ =	shalt  }
0x5a: {  	_ =	shalt  }
0x5b: {  	_ =	shalt  }
0x5c: {  	_ =	shalt  }
0x5d: {  	_ =	shalt  }
0x5e: {  	_ =	shalt  }
0x5f: {  	_ =	shalt  }
0x60: {  	_ =	shalt  }
0x61: {  	_ =	shalt  }
0x62: {  	_ =	shalt  }
0x63: {  	_ =	shalt  }
0x64: {  	_ =	shalt  }
0x65: {  	_ =	shalt  }
0x66: {  	_ =	shalt  }
0x67: {  	_ =	shalt  }
0x68: {  	_ =	shalt  }
0x69: {  	_ =	shalt  }
0x6a: {  	_ =	shalt  }
0x6b: {  	_ =	shalt  }
0x6c: {  	_ =	shalt  }
0x6d: {  	_ =	shalt  }
0x6e: {  	_ =	shalt  }
0x6f: {  	_ =	shalt  }
0x70: {  	_ =	shalt  }
0x71: {  	_ =	shalt  }
0x72: {  	_ =	shalt  }
0x73: {  	_ =	shalt  }
0x74: {  	_ =	shalt  }
0x75: {  	_ =	shalt  }
0x76: {  	_ =	shalt  }
0x77: {  	_ =	shalt  }
0x78: {  	_ =	shalt  }
0x79: {  	_ =	shalt  }
0x7a: {  	_ =	shalt  }
0x7b: {  	_ =	shalt  }
0x7c: {  	_ =	shalt  }
0x7d: {  	_ =	shalt  }
0x7e: {  	_ =	shalt  }
0x7f: {  	_ =	shalt  }
0x80: {  	_ =	shalt  }
0x81: {  	_ =	shalt  }
0x82: {  	_ =	shalt  }
0x83: {  	_ =	shalt  }
0x84: {  	_ =	shalt  }
0x85: {  	_ =	shalt  }
0x86: {  	_ =	shalt  }
0x87: {  	_ =	shalt  }
.Lfunc_end0:
.L_simem_size_0:
called_computation.3_lowered:
.L_overlay_start_0:
0x88: {  	s2 =	sld [smem:$0x3FD9]  }
0x89: {  	s3 =	sld [smem:$0x3FFE];
	_ =	sdelay $0x1  }
0x8a: {  	s1 =	srdreg.scid  }
0x8b: {  	s0 =	sand.u32 $0x1, s1  }
0x8c: {  	s14 =	sshll.u32 s0, $0xA;
	s2 =	sadd.s32 s3, s2  }
0x8d: {  	s2 =	sadd.s32 s2, s14  }
0x8e: {  	[smem:$0x3FAE] =	sst s2  }
0x8f: {  	_ = 	snop  }
0x90: {  	s2 =	sld [smem:$0x3FD0];
	_ =	sdelay $0x2  }
0x91: {  	s15 =	simm.s32 $0xC;
	s4 =	simm.s32 $0x10  }
0x92: {  	[smem:s4], [sflag:s15] =	dma.local [hbm:s2], $0x1  }
0x93: {  	_ =	swait.eq [sflag:s15], $0x1  }
0x94: {  	[sflag:s15] =	ssyncset.done $0x0  }
0x95: {  	[sflag:s15] =	ssyncadd.s32 $0xFFFFFFFF  }
0x96: {  	s16 =	sld [smem:$0x14];
	(tm) =	ssettm $0x1  }
0x97: {  	s17 =	sld [smem:$0x3FFB];
	_ =	sdelay $0x3  }
0x98: {  	_ =	strace s17  }
0x99: {  	s3 =	sld [smem:$0x3FFC];
	_ =	sdelay $0x3  }
0x9a: {  	_ =	strace s3  }
0x9b: {  	s3 =	sld [smem:$0x3FFD];
	_ =	sdelay $0x3  }
0x9c: {  	_ =	strace s3  }
0x9d: {  	_ =	strace $0x8FFFFFFF  }
0x9e: {  	s18 =	sld [smem:$0x3FDB];
	_ =	sdelay $0x1  }
0x9f: {  	s19 =	simm.s32 $_scs_section_size  }
0xa0: {  	s5 =	simm.s32 $_size__tile_overlayer_lowered;
	s6 =	simm.s32 $_tile_overlayer_lowered  }
0xa1: {  	s22 =	simm.s32 $0x1BFF;
	s21 =	sshll.u32 s6, $0x1;
	s3 =	sadd.s32 s19, s18  }
0xa2: {  	s7 =	simm.s32 $0x0;
	s20 =	sshll.u32 s5, $0x1;
	s5 =	sadd.s32 s21, s3  }
0xa3: {  	[timem:s7], [sflag:s22] =	dma.local [hbm:s5], s20  }
0xa4: {  	_ =	swait.ge [sflag:s22], s20  }
0xa5: {  	s4 =	ssub.s32 $0x0, s20;
	[sflag:s22] =	ssyncset.done $0x0  }
0xa6: {  	[sflag:s22] =	ssyncadd.s32 s4;
	_ =	sdelay $0x1  }
0xa7: {  	s23 =	simm.s32 $0x1B8B  }
0xa8: {  	_ =	swait.ge [sflag:s23], $0x1  }
0xa9: {  	[sflag:s23] =	ssyncset.done $0x0  }
0xaa: {  	s25 =	simm.s32 $0x1B8E;
	s24 =	sld [smem:$0x3FFE];
	[sflag:s23] =	ssyncadd.s32 $0xFFFFFFFF  }
0xab: {  	s26 =	simm.s32 $execute0_lowered;
	[smem:$0x3FD2] =	sst s25  }
0xac: {  	s5 =	sshll.u32 s26, $0x1;
	_ =	strace $0x8000004F;
	[dreg:$0x1] =	wrdreg $0xFFFFFFFF  }
0xad: {  	s28 =	simm.s32 $_size_execute0_lowered;
	s3 =	sadd.s32 s3, s5;
	[dreg:$0x0] =	wrdreg $0x0  }
0xae: {  	s5 =	sshll.u32 s28, $0x1;
	[dreg:$0x2] =	wrdreg s3  }
0xaf: {  	[dreg:$0x3] =	wrdreg s5  }
0xb0: {  	[dreg:$0x4] =	wrdreg $0xC0  }
0xb1: {  	_ =	task [dreg:s7], $0x5FFFF  }
0xb2: {  	[dreg:$0x1] =	wrdreg $0xFFFFFFFF  }
0xb3: {  	[dreg:$0x0] =	wrdreg $0x60  }
0xb4: {  	[dreg:$0x2] =	wrdreg s24  }
0xb5: {  	[dreg:$0x3] =	wrdreg s16  }
0xb6: {  	[dreg:$0x4] =	wrdreg $0xA8000  }
0xb7: {  	[dreg:$0x5] =	wrdreg $0xA  }
0xb8: {  	_ =	task.clear_ibuf [dreg:s7], $0x6FFFF;
	_ =	strace $0x9000004F  }
0xb9: {  	s29 =	simm.s32 $0xA;
	_ =	strace $0x80000051  }
0xba: {  	_ =	swait.ge [sflag:s29], $0x1  }
0xbb: {  	[sflag:s29] =	ssyncadd.s32 $0xFFFFFFFF  }
0xbc: {  	_ =	strace $0x90000051  }
0xbd: {  	_ =	sfence  }
0xbe: {  	s30 =	sld [smem:$0x0];
	_ =	sdelay $0x2  }
0xbf: {  	s31 =	sshll.u32 s1, $0xD;
	s1 =	sshrl.u32 s1, $0x2  }
0xc0: {  	s3 =	sand.u32 $0x4000, s31;
	s1 =	sadd.s32 s1, s30  }
0xc1: {  	s0 =	sor.u32 s3, s0;
	s1 =	sshll.u32 s1, $0x11  }
0xc2: {  	s0 =	sor.u32 s1, s0  }
0xc3: {  	s0 =	sadd.s32 $0x8F2B, s0  }
0xc4: {  	[sflag:s0] =	ssyncadd.remote.s32 $0x1  }
0xc5: {  	_ =	sfence.sel $0xFFFF  }
0xc6: {  	[dreg:$0x0] =	wrdreg $0xFFFFFFFF;
	(pc) =	sbr.abs _section_cstart, $3  }
0xc7: {  	[dreg:$0x1] =	wrdreg $0xFFFFFFFF  }
0xc8: {  	_ =	task.clear_ibuf [dreg:s7], $0x2FFFF;
	_ =	strace $0x9FFFFFFF  }
0xc9: {  	(tm) =	ssettm $0x7FFFFFFF  }
tec
execute0_lowered:
.L_overlay_start_1:
0x0: {  	(tag) =	ssettag $0x1  }
0x1: {  	s6 =	rddreg [dreg:$0x0]  }
0x2: {  	s11 =	rddreg [dreg:$0x1]  }
0x3: {  	s2 =	rddreg [dreg:$0x2]  }
0x4: {  	s0 =	rddreg [dreg:$0x3];
	s3 =	simm.s32 $0x0;
	s4 =	srdreg.scid  }
0x5: {  	s1 =	stileid.u32;
	s17 =	simm.s32 $0x1;
	s18 =	simm.s32 $0x2  }
0x6: {  	s19 =	simm.s32 $0x7D;
	s20 =	simm.s32 $0x2800;
	s21 =	simm.s32 $0x80  }
0x7: {  	s22 =	simm.s32 $0x6800;
	s23 =	simm.s32 $0x4;
	s28 =	simm.s32 $0x0  }
0x8: {  	[smem:$0x7FF] =	sst s3;
	s7 =	sand.u32 $0x1, s4;
	s8 =	smul.u32 $0x2800, s1  }
0x9: {  	s4 =	sadd.s32 $0xF200, s6;
	s10 =	sadd.s32 $0x5F200, s6;
	s5 =	sadd.s32 $0xCA00, s6  }
0xa: {  	s12 =	sshll.u32 s1, $0x1;
	s25 =	smul.u32 $0x50000, s1;
	_ =	strace $0x80000050  }
0xb: {  	s9 =	smul.u32 $0x28000, s7;
	s24 =	ssub.s32 $0x2, s7;
	s7 =	sor.u32 s7, s12  }
0xc: {  	s13 =	sshrl.u32 s24, $0x1;
	s26 =	smul.u32 $0x2800, s7;
	s29 =	sshrl.u32 s25, $0x2  }
0xd: {  	s30 =	smul.u32 $0x500, s7;
	s25 =	simm.s32 $0x2780;
	s8 =	sadd.s32 s8, s9  }
0xe: {  	s13 =	ssub.s32 s24, s13;
	s15 =	sadd.s32 s29, s2;
	s24 =	simm.s32 $0x2700  }
0xf: {  	s14 =	sadd.s32 s8, s6;
	s6 =	sshll.u32 s1, $0x6;
	s16 =	sshrl.u32 s26, $0x3  }
0x10: {  	s8 =	sadd.s32 s10, s30;
	s9 =	sadd.s32 s11, s30;
	s13 =	smax.u32 s13, $0x1  }
0x11: {  	s26 =	simm.s32 $0x5;
	s7 =	sor.u32 $0x1C03, s6;
	s31 =	sadd.s32 $0x280, s16  }
0x12: {  	s12 =	sadd.s32 $0x1A9200, s14;
	s14 =	sshrl.u32 s15, $0x3;
	s15 =	simm.s32 $0x1400  }
0x13: {  	s16 =	simm.s32 $0x3;
	s10 =	sadd.s32 s10, s31;
	s11 =	sadd.s32 s11, s31  }
.LBB2_1:
0x14: {  	[spmem:s14], [sflag:s7] =	dma.local [hbm:s5], $0x2800  }
0x15: {  	[tilespmem:s3], [sflag:$0x1] =	stream.linear.gather [hbm4b:s8+s3], $0x1400, $0x38;
	[tilespmem:$0x1E800] =	vst v63  }
0x16: {  	_ = 	snop  }
0x17: {  	[tilespmem:s15], [sflag:$0x2] =	stream.linear.gather [hbm4b:s9+s3], $0x1400, $0x38;
	[tilespmem:$0x1E800] =	vst v63  }
0x18: {  	_ =	swait.ge [sflag:s16], $0x2800  }
0x19: {  	[sflag:s16] =	ssyncset.done $0x0  }
0x1a: {  	[sflag:s16] =	ssyncadd.s32 $0xFFFFD800  }
0x1b: {  	_ =	swait.ge [sflag:s17], $0x1400  }
0x1c: {  	[sflag:s17] =	ssyncset.done $0x0  }
0x1d: {  	[sflag:s17] =	ssyncadd.s32 $0xFFFFEC00  }
0x1e: {  	_ =	swait.ge [sflag:s18], $0x1400  }
0x1f: {  	[sflag:s18] =	ssyncset.done $0x0  }
0x20: {  	[sflag:s18] =	ssyncadd.s32 $0xFFFFEC00  }
0x21: {  	[bflag:$0x0] =	sbarrier.arrive $0xFFFF  }
0x22: {  	[tilespmem:s20], [sflag:$0x1] =	stream.indirect.gather [hbm4b:s4+s19], $0x80, s3, s19, $0xb8;
	[tilespmem:$0x1E800] =	vst v63  }
0x23: {  	_ = 	snop  }
0x24: {  	[tilespmem:s22], [sflag:$0x2] =	stream.indirect.gather [hbm4b:s4+s19], $0x80, s21, s19, $0xb8;
	[tilespmem:$0x1E800] =	vst v63  }
0x25: {  	_ =	swait.ge [sflag:s17], $0x3E80  }
0x26: {  	[sflag:s17] =	ssyncset.done $0x0  }
0x27: {  	s29 =	simm.s32 $0x1400;
	[sflag:s17] =	ssyncadd.s32 $0xFFFFC180  }
0x28: {  	[spmem:s2] =	stream.indirect.scatter.add.f32 [tilespmem:s20], [sflag:$0x3], $0x80, s29, s19, $0xb8;
	[tilespmem:$0x1E800] =	vst v63  }
0x29: {  	_ =	swait.ge [sflag:s18], $0x3E80  }
0x2a: {  	[sflag:s18] =	ssyncset.done $0x0  }
0x2b: {  	s29 =	simm.s32 $0x1480;
	[sflag:s18] =	ssyncadd.s32 $0xFFFFC180  }
0x2c: {  	[spmem:s2] =	stream.indirect.scatter.add.f32 [tilespmem:s22], [sflag:$0x4], $0x80, s29, s19, $0xb8;
	[tilespmem:$0x1E800] =	vst v63  }
0x2d: {  	_ =	swait.ge [sflag:s16], $0x3E80  }
0x2e: {  	[sflag:s16] =	ssyncset.done $0x0  }
0x2f: {  	s29 =	simm.s32 $0x100;
	[sflag:s16] =	ssyncadd.s32 $0xFFFFC180  }
0x30: {  	[tilespmem:s20], [sflag:$0x1] =	stream.indirect.gather [hbm4b:s4+s19], $0x80, s29, s19, $0xb8;
	[tilespmem:$0x1E800] =	vst v63  }
0x31: {  	_ =	swait.ge [sflag:s23], $0x3E80  }
0x32: {  	[sflag:s23] =	ssyncset.done $0x0  }
0x33: {  	s30 =	simm.s32 $0x180;
	s29 =	simm.s32 $0x400;
	[sflag:s23] =	ssyncadd.s32 $0xFFFFC180  }
.LBB2_2:
0x34: {  	[tilespmem:s22], [sflag:$0x2] =	stream.indirect.gather [hbm4b:s4+s19], $0x80, s30, s19, $0xb8;
	[tilespmem:$0x1E800] =	vst v63  }
0x35: {  	s30 =	smov.u32 s29  }
0x36: {  	p0 =	sne.s32 s29, $0x4800;
	s29 =	sadd.s32 $0x400, s29;
	_ =	swait.ge [sflag:s17], $0x3E80  }
0x37: {  	s30 =	sshra.s32 s30, $0x2;
	[sflag:s17] =	ssyncset.done $0x0  }
0x38: {  	s31 =	sadd.s32 $0x1400, s30;
	[sflag:s17] =	ssyncadd.s32 $0xFFFFC180  }
0x39: {  	[spmem:s2] =	stream.indirect.scatter.add.f32 [tilespmem:s20], [sflag:$0x3], $0x80, s31, s19, $0xb8;
	[tilespmem:$0x1E800] =	vst v63  }
0x3a: {  	_ =	swait.ge [sflag:s18], $0x3E80  }
0x3b: {  	[sflag:s18] =	ssyncset.done $0x0  }
0x3c: {  	s31 =	sadd.s32 $0x1480, s30;
	[sflag:s18] =	ssyncadd.s32 $0xFFFFC180  }
0x3d: {  	[spmem:s2] =	stream.indirect.scatter.add.f32 [tilespmem:s22], [sflag:$0x4], $0x80, s31, s19, $0xb8;
	[tilespmem:$0x1E800] =	vst v63  }
0x3e: {  	_ =	swait.ge [sflag:s16], $0x3E80  }
0x3f: {  	[sflag:s16] =	ssyncset.done $0x0  }
.Ltmp0:
0x40: {  	s31 =	sadd.s32 $0x100, s30;
	[sflag:s16] =	ssyncadd.s32 $0xFFFFC180;
	(pc) =	sbr.rel @p0 .LBB2_2-.Ltmp0, $4  }
0x41: {  	[tilespmem:s20], [sflag:$0x1] =	stream.indirect.gather [hbm4b:s4+s19], $0x80, s31, s19, $0xb8;
	[tilespmem:$0x1E800] =	vst v63  }
0x42: {  	_ =	swait.ge [sflag:s23], $0x3E80  }
0x43: {  	[sflag:s23] =	ssyncset.done $0x0  }
0x44: {  	s30 =	sadd.s32 $0x180, s30;
	[sflag:s23] =	ssyncadd.s32 $0xFFFFC180  }
0x45: {  	[tilespmem:s22], [sflag:$0x2] =	stream.indirect.gather [hbm4b:s4+s19], $0x80, s30, s19, $0xb8;
	[tilespmem:$0x1E800] =	vst v63  }
0x46: {  	_ =	swait.ge [sflag:s17], $0x3E80  }
0x47: {  	[sflag:s17] =	ssyncset.done $0x0  }
0x48: {  	[sflag:s17] =	ssyncadd.s32 $0xFFFFC180  }
0x49: {  	[spmem:s2] =	stream.indirect.scatter.add.f32 [tilespmem:s20], [sflag:$0x3], $0x80, s24, s19, $0xb8;
	[tilespmem:$0x1E800] =	vst v63  }
0x4a: {  	_ =	swait.ge [sflag:s18], $0x3E80  }
0x4b: {  	[sflag:s18] =	ssyncset.done $0x0  }
0x4c: {  	[sflag:s18] =	ssyncadd.s32 $0xFFFFC180  }
0x4d: {  	[spmem:s2] =	stream.indirect.scatter.add.f32 [tilespmem:s22], [sflag:$0x4], $0x80, s25, s19, $0xb8;
	[tilespmem:$0x1E800] =	vst v63  }
0x4e: {  	_ =	swait.ge [sflag:s16], $0x3E80  }
0x4f: {  	[sflag:s16] =	ssyncset.done $0x0  }
0x50: {  	[sflag:s16] =	ssyncadd.s32 $0xFFFFC180  }
0x51: {  	_ =	swait.ge [sflag:s23], $0x3E80  }
0x52: {  	[sflag:s23] =	ssyncset.done $0x0  }
0x53: {  	s29 =	simm.s32 $0x0;
	[sflag:s23] =	ssyncadd.s32 $0xFFFFC180  }
0x54: {  	[tilespmem:s29], [sflag:$0x5] =	stream.linear.gather [hbm4b:s10+s29], $0x1400, $0x38;
	[tilespmem:$0x1E800] =	vst v63  }
0x55: {  	_ =	swait.ge [sflag:s26], $0x1400  }
0x56: {  	[sflag:s26] =	ssyncset.done $0x0  }
0x57: {  	[sflag:s26] =	ssyncadd.s32 $0xFFFFEC00  }
0x58: {  	[tilespmem:s15], [sflag:$0x5] =	stream.linear.gather [hbm4b:s11+s29], $0x1400, $0x38;
	[tilespmem:$0x1E800] =	vst v63  }
0x59: {  	_ =	swait.ge [sflag:s26], $0x1400  }
0x5a: {  	[sflag:s26] =	ssyncset.done $0x0  }
0x5b: {  	[sflag:s26] =	ssyncadd.s32 $0xFFFFEC00  }
0x5c: {  	[tilespmem:s20], [sflag:$0x1] =	stream.indirect.gather [hbm4b:s4+s19], $0x80, s29, s19, $0xb8;
	[tilespmem:$0x1E800] =	vst v63  }
0x5d: {  	_ = 	snop  }
0x5e: {  	[tilespmem:s22], [sflag:$0x2] =	stream.indirect.gather [hbm4b:s4+s19], $0x80, s21, s19, $0xb8;
	[tilespmem:$0x1E800] =	vst v63  }
0x5f: {  	_ =	swait.ge [sflag:s17], $0x3E80  }
0x60: {  	[sflag:s17] =	ssyncset.done $0x0  }
0x61: {  	s29 =	simm.s32 $0x1400;
	[sflag:s17] =	ssyncadd.s32 $0xFFFFC180  }
0x62: {  	[spmem:s2] =	stream.indirect.scatter.add.f32 [tilespmem:s20], [sflag:$0x3], $0x80, s29, s19, $0xb8;
	[tilespmem:$0x1E800] =	vst v63  }
0x63: {  	_ =	swait.ge [sflag:s18], $0x3E80  }
0x64: {  	[sflag:s18] =	ssyncset.done $0x0  }
0x65: {  	s29 =	simm.s32 $0x1480;
	[sflag:s18] =	ssyncadd.s32 $0xFFFFC180  }
0x66: {  	[spmem:s2] =	stream.indirect.scatter.add.f32 [tilespmem:s22], [sflag:$0x4], $0x80, s29, s19, $0xb8;
	[tilespmem:$0x1E800] =	vst v63  }
0x67: {  	_ =	swait.ge [sflag:s16], $0x3E80  }
0x68: {  	[sflag:s16] =	ssyncset.done $0x0  }
0x69: {  	s29 =	simm.s32 $0x100;
	[sflag:s16] =	ssyncadd.s32 $0xFFFFC180  }
0x6a: {  	[tilespmem:s20], [sflag:$0x1] =	stream.indirect.gather [hbm4b:s4+s19], $0x80, s29, s19, $0xb8;
	[tilespmem:$0x1E800] =	vst v63  }
0x6b: {  	_ =	swait.ge [sflag:s23], $0x3E80  }
0x6c: {  	[sflag:s23] =	ssyncset.done $0x0  }
0x6d: {  	s30 =	simm.s32 $0x180;
	s29 =	simm.s32 $0x400;
	[sflag:s23] =	ssyncadd.s32 $0xFFFFC180  }
.LBB2_4:
0x6e: {  	[tilespmem:s22], [sflag:$0x2] =	stream.indirect.gather [hbm4b:s4+s19], $0x80, s30, s19, $0xb8;
	[tilespmem:$0x1E800] =	vst v63  }
0x6f: {  	s30 =	smov.u32 s29  }
0x70: {  	p0 =	sne.s32 s29, $0x4800;
	s29 =	sadd.s32 $0x400, s29;
	_ =	swait.ge [sflag:s17], $0x3E80  }
0x71: {  	s30 =	sshra.s32 s30, $0x2;
	[sflag:s17] =	ssyncset.done $0x0  }
0x72: {  	s31 =	sadd.s32 $0x1400, s30;
	[sflag:s17] =	ssyncadd.s32 $0xFFFFC180  }
0x73: {  	[spmem:s2] =	stream.indirect.scatter.add.f32 [tilespmem:s20], [sflag:$0x3], $0x80, s31, s19, $0xb8;
	[tilespmem:$0x1E800] =	vst v63  }
0x74: {  	_ =	swait.ge [sflag:s18], $0x3E80  }
0x75: {  	[sflag:s18] =	ssyncset.done $0x0  }
0x76: {  	s31 =	sadd.s32 $0x1480, s30;
	[sflag:s18] =	ssyncadd.s32 $0xFFFFC180  }
0x77: {  	[spmem:s2] =	stream.indirect.scatter.add.f32 [tilespmem:s22], [sflag:$0x4], $0x80, s31, s19, $0xb8;
	[tilespmem:$0x1E800] =	vst v63  }
0x78: {  	_ =	swait.ge [sflag:s16], $0x3E80  }
0x79: {  	[sflag:s16] =	ssyncset.done $0x0  }
.Ltmp1:
0x7a: {  	s31 =	sadd.s32 $0x100, s30;
	[sflag:s16] =	ssyncadd.s32 $0xFFFFC180;
	(pc) =	sbr.rel @p0 .LBB2_4-.Ltmp1, $4  }
0x7b: {  	[tilespmem:s20], [sflag:$0x1] =	stream.indirect.gather [hbm4b:s4+s19], $0x80, s31, s19, $0xb8;
	[tilespmem:$0x1E800] =	vst v63  }
0x7c: {  	_ =	swait.ge [sflag:s23], $0x3E80  }
0x7d: {  	[sflag:s23] =	ssyncset.done $0x0  }
0x7e: {  	s30 =	sadd.s32 $0x180, s30;
	[sflag:s23] =	ssyncadd.s32 $0xFFFFC180  }
0x7f: {  	[tilespmem:s22], [sflag:$0x2] =	stream.indirect.gather [hbm4b:s4+s19], $0x80, s30, s19, $0xb8;
	[tilespmem:$0x1E800] =	vst v63  }
0x80: {  	_ =	swait.ge [sflag:s17], $0x3E80  }
0x81: {  	[sflag:s17] =	ssyncset.done $0x0  }
0x82: {  	[sflag:s17] =	ssyncadd.s32 $0xFFFFC180  }
0x83: {  	[spmem:s2] =	stream.indirect.scatter.add.f32 [tilespmem:s20], [sflag:$0x3], $0x80, s24, s19, $0xb8;
	[tilespmem:$0x1E800] =	vst v63  }
0x84: {  	_ =	swait.ge [sflag:s18], $0x3E80  }
0x85: {  	[sflag:s18] =	ssyncset.done $0x0  }
0x86: {  	[sflag:s18] =	ssyncadd.s32 $0xFFFFC180  }
0x87: {  	[spmem:s2] =	stream.indirect.scatter.add.f32 [tilespmem:s22], [sflag:$0x4], $0x80, s25, s19, $0xb8;
	[tilespmem:$0x1E800] =	vst v63  }
0x88: {  	_ =	swait.ge [sflag:s16], $0x3E80  }
0x89: {  	[sflag:s16] =	ssyncset.done $0x0  }
0x8a: {  	[sflag:s16] =	ssyncadd.s32 $0xFFFFC180  }
0x8b: {  	_ =	swait.ge [sflag:s23], $0x3E80  }
0x8c: {  	s28 =	sadd.s32 $0x1, s28;
	[sflag:s23] =	ssyncset.done $0x0  }
0x8d: {  	p0 =	sne.s32 s28, s13;
	[sflag:s23] =	ssyncadd.s32 $0xFFFFC180  }
.Ltmp2:
0x8e: {  	s29 =	sor.u32 $0x1C05, s6;
	[bflag:$0x0] =	sbarrier.arrive $0xFFFF;
	(pc) =	sbr.rel @p0 .LBB2_1-.Ltmp2, $4  }
0x8f: {  	[hbm:s12], [sflag:s29] =	dma.local [spmem:s14], $0x2800  }
0x90: {  	_ =	swait.ge [sflag:s26], $0x2800  }
0x91: {  	[sflag:s26] =	ssyncset.done $0x0  }
0x92: {  	[sflag:s26] =	ssyncadd.s32 $0xFFFFD800  }
0x93: {  	_ =	sfence.sel $0x180000  }
0x94: {  	[bflag:$0x0] =	sbarrier.arrive $0xFFFF  }
0x95: {  	p0 =	sne.s32 s1, $0x0;
	_ =	strace $0x90000050  }
0x96: {  	s0 =	sadd.s32 @!p0 $0x100000, s0;
	[bflag:$0x2] =	sbarrier.arrive $0xFFFF  }
0x97: {  	[sflag:s0] =	ssyncadd.tile.s32 @!p0 $0x1;
	_ =	shalt  }
.Lfunc_end2:
_tile_overlayer_lowered:
.L_overlay_start_2:
0x98: {  	(tag) =	ssettag $0x2  }
0x99: {  	s0 =	rddreg [dreg:$0x0];
	s2 =	stileid.u32  }
0x9a: {  	s1 =	rddreg [dreg:$0x1];
	p0 =	sne.s32 s2, $0x0  }
0x9b: {  	s3 =	rddreg [dreg:$0x2];
	[bflag:$0x3] =	sbarrier.arrive $0xFFFF;
	s2 =	simm.s32 @!p0 $0x1C05  }
0x9c: {  	[timem:s3], [sflag:s2] =	dma.local @!p0 [hbm:s0], s1  }
0x9d: {  	s0 =	simm.s32 @!p0 $0x5  }
0x9e: {  	_ =	swait.ge @!p0 [sflag:s0], s1  }
0x9f: {  	s1 =	ssub.s32 @!p0 $0x0, s1;
	[sflag:s0] =	ssyncset.done @!p0 $0x0  }
0xa0: {  	[sflag:s0] =	ssyncadd.s32 @!p0 s1  }
0xa1: {  	[bflag:$0x3] =	sbarrier.arrive $0xFFFF  }
0xa2: {  	_ =	shalt  }

// kernel: kernel.27.cloned.1.call-start
scs
__scs_entry_jumppad:
0x0: {  	(pc) =	sbr.rel $0x88, $3  }
0x1: {  	(tag) =	ssettag $0x0;
	lr =	simm.s32 $0x1  }
0x2: {  	[smem:$0x3F87] =	sst lr;
	_ =	strace $0xD0000000  }
0x3: {  	_ = 	snop  }
0x4: {  	_ = 	snop  }
0x5: {  	_ = 	snop  }
0x6: {  	_ = 	snop  }
0x7: {  	_ = 	snop  }
__scs_overlays_trampoline_lowered:
0x8: {  	[smem:$0x3F96] =	sst s0  }
0x9: {  	[smem:$0x3F97] =	sst s1  }
0xa: {  	[smem:$0x3F98] =	sst s2  }
0xb: {  	[smem:$0x3F99] =	sst s3  }
0xc: {  	[smem:$0x3F9A] =	sst s4  }
0xd: {  	[smem:$0x3F9B] =	sst s5  }
0xe: {  	[smem:$0x3F9C] =	sst s6  }
0xf: {  	[smem:$0x3F9D] =	sst s7  }
0x10: {  	[smem:$0x3F9E] =	sst s8  }
0x11: {  	[smem:$0x3F9F] =	sst s9;
	s0 =	simm.s32 @!p0 $0x0  }
0x12: {  	s1 =	sld [smem:$0x3F85];
	s0 =	simm.s32 @p0 $0x1  }
0x13: {  	[smem:$0x3FA0] =	sst s0;
	s0 =	simm.s32 @!p1 $0x0  }
0x14: {  	s2 =	sld [smem:$0x3F84];
	s0 =	simm.s32 @p1 $0x1  }
0x15: {  	[smem:$0x3FA1] =	sst s0;
	s0 =	simm.s32 @!p2 $0x0  }
0x16: {  	s3 =	sld [smem:$0x3FDB];
	s0 =	simm.s32 @p2 $0x1  }
0x17: {  	s4 =	simm.s32 $0x1BF5;
	[smem:$0x3FA3] =	sst s0  }
0x18: {  	s0 =	sld [smem:$0x3F86];
	_ =	swait.ge [sflag:s4], $0x0  }
0x19: {  	s7 =	sld [smem:$0x3F87]  }
0x1a: {  	s8 =	sadd.s32 $0xFFFFE003, lr  }
0x1b: {  	s9 =	sadd.s32 $0xFFFFFEF7, lr;
	s5 =	simm.s32 $0xFFFFFFFF;
	p2 =	slt.u32 s8, $0xFFFFF086  }
0x1c: {  	p1 =	slt.u32 s9, $0xF7A;
	s5 =	simm.s32 @!p2 $0x0  }
0x1d: {  	s5 =	simm.s32 @p1 $0x1;
	p0 =	seq.s32 s7, s2  }
0x1e: {  	s7 =	smul.u32 @!p0 $0xF7A, s2;
	p2 =	seq.s32 @!p0 s5, $0x0  }
0x1f: {  	s9 =	smul.u32 $0xF7A, s1;
	s8 =	simm.s32 @!p0 $0x1BF5;
	p2 =	por !p2, p0  }
0x20: {  	[sflag:s8] =	ssyncset.s32 @!p0 $0xFFFFF086;
	s6 =	sadd.s32 @!p0 s3, s7;
	s7 =	simm.s32 @!p0 $0x108  }
0x21: {  	s3 =	sadd.s32 s3, s9;
	s6 =	sadd.s32 @!p0 $0x88, s6;
	s7 =	simm.s32 @p2 $0x1082  }
0x22: {  	[simem:s7], [sflag:s8] =	dma.local @!p0 [hbm:s6], $0xF7A  }
0x23: {  	s9 =	sor.u32 $0xD0000000, s2;
	s6 =	simm.s32 $0x108;
	_ =	swait.ge @!p0 [sflag:s8], $0x0  }
0x24: {  	s3 =	sadd.s32 $0x88, s3;
	s6 =	simm.s32 @!p1 $0x1082;
	[sflag:s4] =	ssyncset.s32 $0xFFFFF086  }
0x25: {  	[simem:s6], [sflag:s4] =	dma.local [hbm:s3], $0xF7A  }
0x26: {  	[smem:$0x3F87] =	sst s1;
	(tag) =	ssettag s2;
	_ =	strace s9  }
0x27: {  	s1 =	sld [smem:$0x3F97]  }
0x28: {  	s2 =	sld [smem:$0x3F98]  }
0x29: {  	s4 =	sld [smem:$0x3F9A]  }
0x2a: {  	p0 =	seq.s32 s5, $0x0;
	s5 =	sld [smem:$0x3F9B]  }
0x2b: {  	s6 =	sld [smem:$0x3F9C]  }
0x2c: {  	s7 =	sld [smem:$0x3F9D]  }
0x2d: {  	s3 =	simm.s32 $0x108;
	s8 =	sld [smem:$0x3F9E]  }
0x2e: {  	s3 =	simm.s32 @!p0 $0x1082;
	s9 =	sld [smem:$0x3F9F]  }
0x2f: {  	lr =	sadd.s32 s0, s3;
	s0 =	sld [smem:$0x3F96]  }
0x30: {  	s3 =	sld [smem:$0x3F99]  }
0x31: {  	[smem:$0x3FA2] =	sst s10  }
0x32: {  	s10 =	sld [smem:$0x3FA0];
	_ =	sdelay $0x3  }
0x33: {  	p0 =	seq.s32 s10, $0x1;
	s10 =	sld [smem:$0x3FA2];
	_ =	sdelay $0x3  }
0x34: {  	[smem:$0x3FA2] =	sst s10  }
0x35: {  	s10 =	sld [smem:$0x3FA1];
	_ =	sdelay $0x3  }
0x36: {  	p1 =	seq.s32 s10, $0x1;
	s10 =	sld [smem:$0x3FA2];
	_ =	sdelay $0x3  }
0x37: {  	[smem:$0x3FA2] =	sst s10  }
0x38: {  	s10 =	sld [smem:$0x3FA3]  }
0x39: {  	_ = 	snop;
	(pc) =	sbr.ind lr, $3  }
0x3a: {  	_ = 	snop  }
0x3b: {  	_ = 	snop  }
0x3c: {  	p2 =	seq.s32 s10, $0x1;
	s10 =	sld [smem:$0x3FA2]  }
0x3d: {  	_ =	shalt  }
0x3e: {  	_ =	shalt  }
0x3f: {  	_ =	shalt  }
0x40: {  	_ =	shalt  }
0x41: {  	_ =	shalt  }
0x42: {  	_ =	shalt  }
0x43: {  	_ =	shalt  }
0x44: {  	_ =	shalt  }
0x45: {  	_ =	shalt  }
0x46: {  	_ =	shalt  }
0x47: {  	_ =	shalt  }
0x48: {  	_ =	shalt  }
0x49: {  	_ =	shalt  }
0x4a: {  	_ =	shalt  }
0x4b: {  	_ =	shalt  }
0x4c: {  	_ =	shalt  }
0x4d: {  	_ =	shalt  }
0x4e: {  	_ =	shalt  }
0x4f: {  	_ =	shalt  }
0x50: {  	_ =	shalt  }
0x51: {  	_ =	shalt  }
0x52: {  	_ =	shalt  }
0x53: {  	_ =	shalt  }
0x54: {  	_ =	shalt  }
0x55: {  	_ =	shalt  }
0x56: {  	_ =	shalt  }
0x57: {  	_ =	shalt  }
0x58: {  	_ =	shalt  }
0x59: {  	_ =	shalt  }
0x5a: {  	_ =	shalt  }
0x5b: {  	_ =	shalt  }
0x5c: {  	_ =	shalt  }
0x5d: {  	_ =	shalt  }
0x5e: {  	_ =	shalt  }
0x5f: {  	_ =	shalt  }
0x60: {  	_ =	shalt  }
0x61: {  	_ =	shalt  }
0x62: {  	_ =	shalt  }
0x63: {  	_ =	shalt  }
0x64: {  	_ =	shalt  }
0x65: {  	_ =	shalt  }
0x66: {  	_ =	shalt  }
0x67: {  	_ =	shalt  }
0x68: {  	_ =	shalt  }
0x69: {  	_ =	shalt  }
0x6a: {  	_ =	shalt  }
0x6b: {  	_ =	shalt  }
0x6c: {  	_ =	shalt  }
0x6d: {  	_ =	shalt  }
0x6e: {  	_ =	shalt  }
0x6f: {  	_ =	shalt  }
0x70: {  	_ =	shalt  }
0x71: {  	_ =	shalt  }
0x72: {  	_ =	shalt  }
0x73: {  	_ =	shalt  }
0x74: {  	_ =	shalt  }
0x75: {  	_ =	shalt  }
0x76: {  	_ =	shalt  }
0x77: {  	_ =	shalt  }
0x78: {  	_ =	shalt  }
0x79: {  	_ =	shalt  }
0x7a: {  	_ =	shalt  }
0x7b: {  	_ =	shalt  }
0x7c: {  	_ =	shalt  }
0x7d: {  	_ =	shalt  }
0x7e: {  	_ =	shalt  }
0x7f: {  	_ =	shalt  }
0x80: {  	_ =	shalt  }
0x81: {  	_ =	shalt  }
0x82: {  	_ =	shalt  }
0x83: {  	_ =	shalt  }
0x84: {  	_ =	shalt  }
0x85: {  	_ =	shalt  }
0x86: {  	_ =	shalt  }
0x87: {  	_ =	shalt  }
.Lfunc_end0:
.L_simem_size_0:
called_computation.4_lowered:
.L_overlay_start_0:
0x88: {  	s2 =	sld [smem:$0x3FD9]  }
0x89: {  	s3 =	sld [smem:$0x3FFE];
	_ =	sdelay $0x1  }
0x8a: {  	s1 =	srdreg.scid  }
0x8b: {  	s0 =	sand.u32 $0x1, s1  }
0x8c: {  	s15 =	sshll.u32 s0, $0xA;
	s2 =	sadd.s32 s3, s2  }
0x8d: {  	s2 =	sadd.s32 s2, s15  }
0x8e: {  	[smem:$0x3FAE] =	sst s2  }
0x8f: {  	_ = 	snop  }
0x90: {  	s2 =	sld [smem:$0x3FD0];
	_ =	sdelay $0x2  }
0x91: {  	s16 =	simm.s32 $0xC;
	s4 =	simm.s32 $0x10  }
0x92: {  	[smem:s4], [sflag:s16] =	dma.local [hbm:s2], $0x1  }
0x93: {  	_ =	swait.eq [sflag:s16], $0x1  }
0x94: {  	[sflag:s16] =	ssyncset.done $0x0  }
0x95: {  	[sflag:s16] =	ssyncadd.s32 $0xFFFFFFFF  }
0x96: {  	s17 =	sld [smem:$0x14];
	(tm) =	ssettm $0x1  }
0x97: {  	s18 =	sld [smem:$0x3FFB];
	_ =	sdelay $0x3  }
0x98: {  	_ =	strace s18  }
0x99: {  	s2 =	sld [smem:$0x3FFC];
	_ =	sdelay $0x3  }
0x9a: {  	_ =	strace s2  }
0x9b: {  	s2 =	sld [smem:$0x3FFD];
	_ =	sdelay $0x3  }
0x9c: {  	_ =	strace s2  }
0x9d: {  	_ =	strace $0x8FFFFFFF  }
0x9e: {  	s19 =	sld [smem:$0x3FDB];
	_ =	sdelay $0x1  }
0x9f: {  	s20 =	simm.s32 $_scs_section_size  }
0xa0: {  	s5 =	simm.s32 $_size__tile_overlayer_lowered;
	s6 =	simm.s32 $_tile_overlayer_lowered  }
0xa1: {  	s7 =	simm.s32 $0x1BFF;
	s21 =	sshll.u32 s6, $0x1;
	s4 =	sadd.s32 s20, s19  }
0xa2: {  	s22 =	simm.s32 $0x0;
	s5 =	sshll.u32 s5, $0x1;
	s6 =	sadd.s32 s21, s4  }
0xa3: {  	[timem:s22], [sflag:s7] =	dma.local [hbm:s6], s5  }
0xa4: {  	_ =	swait.ge [sflag:s7], s5  }
0xa5: {  	s5 =	ssub.s32 $0x0, s5;
	[sflag:s7] =	ssyncset.done $0x0  }
0xa6: {  	[sflag:s7] =	ssyncadd.s32 s5;
	_ =	sdelay $0x1  }
0xa7: {  	s23 =	simm.s32 $0x1B8B  }
0xa8: {  	_ =	swait.ge [sflag:s23], $0x1  }
0xa9: {  	[sflag:s23] =	ssyncset.done $0x0  }
0xaa: {  	[sflag:s23] =	ssyncadd.s32 $0xFFFFFFFF  }
0xab: {  	s5 =	sld [smem:$0x0]  }
0xac: {  	s6 =	sand.u32 $0xFFFFFFFE, s1  }
0xad: {  	p0 =	sne.s32 s1, s6  }
0xae: {  	s6 =	sshll.u32 @p0 s6, $0xE  }
0xaf: {  	s6 =	sadd.s32 @p0 $0x11B8D, s6;
	s7 =	sshll.u32 @p0 s5, $0x11  }
0xb0: {  	s6 =	sor.u32 @p0 s7, s6  }
0xb1: {  	[sflag:s6] =	ssyncadd.remote.s32 @p0 $0x1;
	_ =	sdelay $0x1  }
0xb2: {  	s6 =	simm.s32 @p0 $0x1B8D  }
0xb3: {  	_ =	swait.eq @p0 [sflag:s6], $0x1  }
0xb4: {  	[sflag:s6] =	ssyncadd.s32 @p0 $0xFFFFFFFF  }
0xb5: {  	s7 =	sshll.u32 @!p0 s1, $0xE  }
0xb6: {  	s7 =	sor.u32 @!p0 $0x4000, s7;
	s6 =	simm.s32 @!p0 $0x1B8D  }
0xb7: {  	s5 =	sshll.u32 @!p0 s5, $0x11;
	s7 =	sadd.s32 @!p0 $0x11B8D, s7;
	_ =	swait.eq @!p0 [sflag:s6], $0x1  }
0xb8: {  	s5 =	sor.u32 @!p0 s5, s7;
	[sflag:s6] =	ssyncadd.s32 @!p0 $0xFFFFFFFF  }
0xb9: {  	s25 =	simm.s32 $0x1B8E;
	s24 =	sld [smem:$0x3FFE];
	[sflag:s5] =	ssyncadd.remote.s32 @!p0 $0x1  }
0xba: {  	s26 =	simm.s32 $execute0_lowered;
	[smem:$0x3FD2] =	sst s25  }
0xbb: {  	s6 =	sshll.u32 s26, $0x1;
	_ =	strace $0x80000052;
	[dreg:$0x1] =	wrdreg $0xFFFFFFFF  }
0xbc: {  	s28 =	simm.s32 $_size_execute0_lowered;
	s4 =	sadd.s32 s4, s6;
	[dreg:$0x0] =	wrdreg $0x0  }
0xbd: {  	s6 =	sshll.u32 s28, $0x1;
	[dreg:$0x2] =	wrdreg s4  }
0xbe: {  	[dreg:$0x3] =	wrdreg s6  }
0xbf: {  	[dreg:$0x4] =	wrdreg $0xC0  }
0xc0: {  	_ =	task [dreg:s22], $0x5FFFF  }
0xc1: {  	[dreg:$0x1] =	wrdreg $0xFFFFFFFF  }
0xc2: {  	[dreg:$0x0] =	wrdreg $0x60  }
0xc3: {  	[dreg:$0x2] =	wrdreg s24  }
0xc4: {  	[dreg:$0x3] =	wrdreg s17  }
0xc5: {  	[dreg:$0x4] =	wrdreg $0xA8000  }
0xc6: {  	[dreg:$0x5] =	wrdreg $0xB  }
0xc7: {  	_ =	task.clear_ibuf [dreg:s22], $0x6FFFF;
	_ =	strace $0x90000052  }
0xc8: {  	s29 =	simm.s32 $0xB;
	_ =	strace $0x80000054  }
0xc9: {  	_ =	swait.ge [sflag:s29], $0x1  }
0xca: {  	[sflag:s29] =	ssyncadd.s32 $0xFFFFFFFF  }
0xcb: {  	_ =	strace $0x90000054  }
0xcc: {  	_ =	sfence  }
0xcd: {  	s30 =	sld [smem:$0x0];
	_ =	sdelay $0x2  }
0xce: {  	s31 =	sshll.u32 s1, $0xD;
	s1 =	sshrl.u32 s1, $0x2  }
0xcf: {  	s4 =	sand.u32 $0x4000, s31;
	s1 =	sadd.s32 s1, s30  }
0xd0: {  	s0 =	sor.u32 s4, s0;
	s1 =	sshll.u32 s1, $0x11  }
0xd1: {  	s0 =	sor.u32 s1, s0  }
0xd2: {  	s0 =	sadd.s32 $0x8F2B, s0  }
0xd3: {  	[sflag:s0] =	ssyncadd.remote.s32 $0x1  }
0xd4: {  	_ =	sfence.sel $0xFFFF  }
0xd5: {  	[dreg:$0x0] =	wrdreg $0xFFFFFFFF;
	(pc) =	sbr.abs _section_cstart, $3  }
0xd6: {  	[dreg:$0x1] =	wrdreg $0xFFFFFFFF  }
0xd7: {  	_ =	task.clear_ibuf [dreg:s22], $0x2FFFF;
	_ =	strace $0x9FFFFFFF  }
0xd8: {  	(tm) =	ssettm $0x7FFFFFFF  }
0xd9: {  	_ =	shalt  }
tec
execute0_lowered:
.L_overlay_start_1:
0x0: {  	(tag) =	ssettag $0x1  }
0x1: {  	s6 =	rddreg [dreg:$0x0]  }
0x2: {  	s11 =	rddreg [dreg:$0x1]  }
0x3: {  	s2 =	rddreg [dreg:$0x2]  }
0x4: {  	s0 =	rddreg [dreg:$0x3];
	s3 =	simm.s32 $0x0;
	s4 =	srdreg.scid  }
0x5: {  	s1 =	stileid.u32;
	s17 =	simm.s32 $0x1;
	s18 =	simm.s32 $0x2  }
0x6: {  	s19 =	simm.s32 $0x7D;
	s20 =	simm.s32 $0x2800;
	s21 =	simm.s32 $0x80  }
0x7: {  	s22 =	simm.s32 $0x6800;
	s23 =	simm.s32 $0x4;
	s28 =	simm.s32 $0x0  }
0x8: {  	[smem:$0x7FF] =	sst s3;
	s7 =	sand.u32 $0x1, s4;
	s8 =	smul.u32 $0x2800, s1  }
0x9: {  	s4 =	sadd.s32 $0xB9200, s6;
	s10 =	sadd.s32 $0x5F200, s6;
	s5 =	sadd.s32 $0xCA00, s6  }
0xa: {  	s12 =	sshll.u32 s1, $0x1;
	s25 =	smul.u32 $0x50000, s1;
	_ =	strace $0x80000053  }
0xb: {  	s9 =	smul.u32 $0x28000, s7;
	s24 =	ssub.s32 $0x2, s7;
	s7 =	sor.u32 s7, s12  }
0xc: {  	s13 =	sshrl.u32 s24, $0x1;
	s26 =	smul.u32 $0x2800, s7;
	s29 =	sshrl.u32 s25, $0x2  }
0xd: {  	s30 =	smul.u32 $0x500, s7;
	s25 =	simm.s32 $0x2780;
	s8 =	sadd.s32 s8, s9  }
0xe: {  	s13 =	ssub.s32 s24, s13;
	s15 =	sadd.s32 s29, s2;
	s24 =	simm.s32 $0x2700  }
0xf: {  	s14 =	sadd.s32 s8, s6;
	s6 =	sshll.u32 s1, $0x6;
	s16 =	sshrl.u32 s26, $0x3  }
0x10: {  	s8 =	sadd.s32 s10, s30;
	s9 =	sadd.s32 s11, s30;
	s13 =	smax.u32 s13, $0x1  }
0x11: {  	s26 =	simm.s32 $0x5;
	s7 =	sor.u32 $0x1C03, s6;
	s31 =	sadd.s32 $0x280, s16  }
0x12: {  	s12 =	sadd.s32 $0x1F9200, s14;
	s14 =	sshrl.u32 s15, $0x3;
	s15 =	simm.s32 $0x1400  }
0x13: {  	s16 =	simm.s32 $0x3;
	s10 =	sadd.s32 s10, s31;
	s11 =	sadd.s32 s11, s31  }
.LBB2_1:
0x14: {  	[spmem:s14], [sflag:s7] =	dma.local [hbm:s5], $0x2800  }
0x15: {  	[tilespmem:s3], [sflag:$0x1] =	stream.linear.gather [hbm4b:s8+s3], $0x1400, $0x38;
	[tilespmem:$0x1E800] =	vst v63  }
0x16: {  	_ = 	snop  }
0x17: {  	[tilespmem:s15], [sflag:$0x2] =	stream.linear.gather [hbm4b:s9+s3], $0x1400, $0x38;
	[tilespmem:$0x1E800] =	vst v63  }
0x18: {  	_ =	swait.ge [sflag:s16], $0x2800  }
0x19: {  	[sflag:s16] =	ssyncset.done $0x0  }
0x1a: {  	[sflag:s16] =	ssyncadd.s32 $0xFFFFD800  }
0x1b: {  	_ =	swait.ge [sflag:s17], $0x1400  }
0x1c: {  	[sflag:s17] =	ssyncset.done $0x0  }
0x1d: {  	[sflag:s17] =	ssyncadd.s32 $0xFFFFEC00  }
0x1e: {  	_ =	swait.ge [sflag:s18], $0x1400  }
0x1f: {  	[sflag:s18] =	ssyncset.done $0x0  }
0x20: {  	[sflag:s18] =	ssyncadd.s32 $0xFFFFEC00  }
0x21: {  	[bflag:$0x0] =	sbarrier.arrive $0xFFFF  }
0x22: {  	[tilespmem:s20], [sflag:$0x1] =	stream.indirect.gather [hbm4b:s4+s19], $0x80, s3, s19, $0xb8;
	[tilespmem:$0x1E800] =	vst v63  }
0x23: {  	_ = 	snop  }
0x24: {  	[tilespmem:s22], [sflag:$0x2] =	stream.indirect.gather [hbm4b:s4+s19], $0x80, s21, s19, $0xb8;
	[tilespmem:$0x1E800] =	vst v63  }
0x25: {  	_ =	swait.ge [sflag:s17], $0x3E80  }
0x26: {  	[sflag:s17] =	ssyncset.done $0x0  }
0x27: {  	s29 =	simm.s32 $0x1400;
	[sflag:s17] =	ssyncadd.s32 $0xFFFFC180  }
0x28: {  	[spmem:s2] =	stream.indirect.scatter.add.f32 [tilespmem:s20], [sflag:$0x3], $0x80, s29, s19, $0xb8;
	[tilespmem:$0x1E800] =	vst v63  }
0x29: {  	_ =	swait.ge [sflag:s18], $0x3E80  }
0x2a: {  	[sflag:s18] =	ssyncset.done $0x0  }
0x2b: {  	s29 =	simm.s32 $0x1480;
	[sflag:s18] =	ssyncadd.s32 $0xFFFFC180  }
0x2c: {  	[spmem:s2] =	stream.indirect.scatter.add.f32 [tilespmem:s22], [sflag:$0x4], $0x80, s29, s19, $0xb8;
	[tilespmem:$0x1E800] =	vst v63  }
0x2d: {  	_ =	swait.ge [sflag:s16], $0x3E80  }
0x2e: {  	[sflag:s16] =	ssyncset.done $0x0  }
0x2f: {  	s29 =	simm.s32 $0x100;
	[sflag:s16] =	ssyncadd.s32 $0xFFFFC180  }
0x30: {  	[tilespmem:s20], [sflag:$0x1] =	stream.indirect.gather [hbm4b:s4+s19], $0x80, s29, s19, $0xb8;
	[tilespmem:$0x1E800] =	vst v63  }
0x31: {  	_ =	swait.ge [sflag:s23], $0x3E80  }
0x32: {  	[sflag:s23] =	ssyncset.done $0x0  }
0x33: {  	s30 =	simm.s32 $0x180;
	s29 =	simm.s32 $0x400;
	[sflag:s23] =	ssyncadd.s32 $0xFFFFC180  }
.LBB2_2:
0x34: {  	[tilespmem:s22], [sflag:$0x2] =	stream.indirect.gather [hbm4b:s4+s19], $0x80, s30, s19, $0xb8;
	[tilespmem:$0x1E800] =	vst v63  }
0x35: {  	s30 =	smov.u32 s29  }
0x36: {  	p0 =	sne.s32 s29, $0x4800;
	s29 =	sadd.s32 $0x400, s29;
	_ =	swait.ge [sflag:s17], $0x3E80  }
0x37: {  	s30 =	sshra.s32 s30, $0x2;
	[sflag:s17] =	ssyncset.done $0x0  }
0x38: {  	s31 =	sadd.s32 $0x1400, s30;
	[sflag:s17] =	ssyncadd.s32 $0xFFFFC180  }
0x39: {  	[spmem:s2] =	stream.indirect.scatter.add.f32 [tilespmem:s20], [sflag:$0x3], $0x80, s31, s19, $0xb8;
	[tilespmem:$0x1E800] =	vst v63  }
0x3a: {  	_ =	swait.ge [sflag:s18], $0x3E80  }
0x3b: {  	[sflag:s18] =	ssyncset.done $0x0  }
0x3c: {  	s31 =	sadd.s32 $0x1480, s30;
	[sflag:s18] =	ssyncadd.s32 $0xFFFFC180  }
0x3d: {  	[spmem:s2] =	stream.indirect.scatter.add.f32 [tilespmem:s22], [sflag:$0x4], $0x80, s31, s19, $0xb8;
	[tilespmem:$0x1E800] =	vst v63  }
0x3e: {  	_ =	swait.ge [sflag:s16], $0x3E80  }
0x3f: {  	[sflag:s16] =	ssyncset.done $0x0  }
.Ltmp0:
0x40: {  	s31 =	sadd.s32 $0x100, s30;
	[sflag:s16] =	ssyncadd.s32 $0xFFFFC180;
	(pc) =	sbr.rel @p0 .LBB2_2-.Ltmp0, $4  }
0x41: {  	[tilespmem:s20], [sflag:$0x1] =	stream.indirect.gather [hbm4b:s4+s19], $0x80, s31, s19, $0xb8;
	[tilespmem:$0x1E800] =	vst v63  }
0x42: {  	_ =	swait.ge [sflag:s23], $0x3E80  }
0x43: {  	[sflag:s23] =	ssyncset.done $0x0  }
0x44: {  	s30 =	sadd.s32 $0x180, s30;
	[sflag:s23] =	ssyncadd.s32 $0xFFFFC180  }
0x45: {  	[tilespmem:s22], [sflag:$0x2] =	stream.indirect.gather [hbm4b:s4+s19], $0x80, s30, s19, $0xb8;
	[tilespmem:$0x1E800] =	vst v63  }
0x46: {  	_ =	swait.ge [sflag:s17], $0x3E80  }
0x47: {  	[sflag:s17] =	ssyncset.done $0x0  }
0x48: {  	[sflag:s17] =	ssyncadd.s32 $0xFFFFC180  }
0x49: {  	[spmem:s2] =	stream.indirect.scatter.add.f32 [tilespmem:s20], [sflag:$0x3], $0x80, s24, s19, $0xb8;
	[tilespmem:$0x1E800] =	vst v63  }
0x4a: {  	_ =	swait.ge [sflag:s18], $0x3E80  }
0x4b: {  	[sflag:s18] =	ssyncset.done $0x0  }
0x4c: {  	[sflag:s18] =	ssyncadd.s32 $0xFFFFC180  }
0x4d: {  	[spmem:s2] =	stream.indirect.scatter.add.f32 [tilespmem:s22], [sflag:$0x4], $0x80, s25, s19, $0xb8;
	[tilespmem:$0x1E800] =	vst v63  }
0x4e: {  	_ =	swait.ge [sflag:s16], $0x3E80  }
0x4f: {  	[sflag:s16] =	ssyncset.done $0x0  }
0x50: {  	[sflag:s16] =	ssyncadd.s32 $0xFFFFC180  }
0x51: {  	_ =	swait.ge [sflag:s23], $0x3E80  }
0x52: {  	[sflag:s23] =	ssyncset.done $0x0  }
0x53: {  	s29 =	simm.s32 $0x0;
	[sflag:s23] =	ssyncadd.s32 $0xFFFFC180  }
0x54: {  	[tilespmem:s29], [sflag:$0x5] =	stream.linear.gather [hbm4b:s10+s29], $0x1400, $0x38;
	[tilespmem:$0x1E800] =	vst v63  }
0x55: {  	_ =	swait.ge [sflag:s26], $0x1400  }
0x56: {  	[sflag:s26] =	ssyncset.done $0x0  }
0x57: {  	[sflag:s26] =	ssyncadd.s32 $0xFFFFEC00  }
0x58: {  	[tilespmem:s15], [sflag:$0x5] =	stream.linear.gather [hbm4b:s11+s29], $0x1400, $0x38;
	[tilespmem:$0x1E800] =	vst v63  }
0x59: {  	_ =	swait.ge [sflag:s26], $0x1400  }
0x5a: {  	[sflag:s26] =	ssyncset.done $0x0  }
0x5b: {  	[sflag:s26] =	ssyncadd.s32 $0xFFFFEC00  }
0x5c: {  	[tilespmem:s20], [sflag:$0x1] =	stream.indirect.gather [hbm4b:s4+s19], $0x80, s29, s19, $0xb8;
	[tilespmem:$0x1E800] =	vst v63  }
0x5d: {  	_ = 	snop  }
0x5e: {  	[tilespmem:s22], [sflag:$0x2] =	stream.indirect.gather [hbm4b:s4+s19], $0x80, s21, s19, $0xb8;
	[tilespmem:$0x1E800] =	vst v63  }
0x5f: {  	_ =	swait.ge [sflag:s17], $0x3E80  }
0x60: {  	[sflag:s17] =	ssyncset.done $0x0  }
0x61: {  	s29 =	simm.s32 $0x1400;
	[sflag:s17] =	ssyncadd.s32 $0xFFFFC180  }
0x62: {  	[spmem:s2] =	stream.indirect.scatter.add.f32 [tilespmem:s20], [sflag:$0x3], $0x80, s29, s19, $0xb8;
	[tilespmem:$0x1E800] =	vst v63  }
0x63: {  	_ =	swait.ge [sflag:s18], $0x3E80  }
0x64: {  	[sflag:s18] =	ssyncset.done $0x0  }
0x65: {  	s29 =	simm.s32 $0x1480;
	[sflag:s18] =	ssyncadd.s32 $0xFFFFC180  }
0x66: {  	[spmem:s2] =	stream.indirect.scatter.add.f32 [tilespmem:s22], [sflag:$0x4], $0x80, s29, s19, $0xb8;
	[tilespmem:$0x1E800] =	vst v63  }
0x67: {  	_ =	swait.ge [sflag:s16], $0x3E80  }
0x68: {  	[sflag:s16] =	ssyncset.done $0x0  }
0x69: {  	s29 =	simm.s32 $0x100;
	[sflag:s16] =	ssyncadd.s32 $0xFFFFC180  }
0x6a: {  	[tilespmem:s20], [sflag:$0x1] =	stream.indirect.gather [hbm4b:s4+s19], $0x80, s29, s19, $0xb8;
	[tilespmem:$0x1E800] =	vst v63  }
0x6b: {  	_ =	swait.ge [sflag:s23], $0x3E80  }
0x6c: {  	[sflag:s23] =	ssyncset.done $0x0  }
0x6d: {  	s30 =	simm.s32 $0x180;
	s29 =	simm.s32 $0x400;
	[sflag:s23] =	ssyncadd.s32 $0xFFFFC180  }
.LBB2_4:
0x6e: {  	[tilespmem:s22], [sflag:$0x2] =	stream.indirect.gather [hbm4b:s4+s19], $0x80, s30, s19, $0xb8;
	[tilespmem:$0x1E800] =	vst v63  }
0x6f: {  	s30 =	smov.u32 s29  }
0x70: {  	p0 =	sne.s32 s29, $0x4800;
	s29 =	sadd.s32 $0x400, s29;
	_ =	swait.ge [sflag:s17], $0x3E80  }
0x71: {  	s30 =	sshra.s32 s30, $0x2;
	[sflag:s17] =	ssyncset.done $0x0  }
0x72: {  	s31 =	sadd.s32 $0x1400, s30;
	[sflag:s17] =	ssyncadd.s32 $0xFFFFC180  }
0x73: {  	[spmem:s2] =	stream.indirect.scatter.add.f32 [tilespmem:s20], [sflag:$0x3], $0x80, s31, s19, $0xb8;
	[tilespmem:$0x1E800] =	vst v63  }
0x74: {  	_ =	swait.ge [sflag:s18], $0x3E80  }
0x75: {  	[sflag:s18] =	ssyncset.done $0x0  }
0x76: {  	s31 =	sadd.s32 $0x1480, s30;
	[sflag:s18] =	ssyncadd.s32 $0xFFFFC180  }
0x77: {  	[spmem:s2] =	stream.indirect.scatter.add.f32 [tilespmem:s22], [sflag:$0x4], $0x80, s31, s19, $0xb8;
	[tilespmem:$0x1E800] =	vst v63  }
0x78: {  	_ =	swait.ge [sflag:s16], $0x3E80  }
0x79: {  	[sflag:s16] =	ssyncset.done $0x0  }
.Ltmp1:
0x7a: {  	s31 =	sadd.s32 $0x100, s30;
	[sflag:s16] =	ssyncadd.s32 $0xFFFFC180;
	(pc) =	sbr.rel @p0 .LBB2_4-.Ltmp1, $4  }
0x7b: {  	[tilespmem:s20], [sflag:$0x1] =	stream.indirect.gather [hbm4b:s4+s19], $0x80, s31, s19, $0xb8;
	[tilespmem:$0x1E800] =	vst v63  }
0x7c: {  	_ =	swait.ge [sflag:s23], $0x3E80  }
0x7d: {  	[sflag:s23] =	ssyncset.done $0x0  }
0x7e: {  	s30 =	sadd.s32 $0x180, s30;
	[sflag:s23] =	ssyncadd.s32 $0xFFFFC180  }
0x7f: {  	[tilespmem:s22], [sflag:$0x2] =	stream.indirect.gather [hbm4b:s4+s19], $0x80, s30, s19, $0xb8;
	[tilespmem:$0x1E800] =	vst v63  }
0x80: {  	_ =	swait.ge [sflag:s17], $0x3E80  }
0x81: {  	[sflag:s17] =	ssyncset.done $0x0  }
0x82: {  	[sflag:s17] =	ssyncadd.s32 $0xFFFFC180  }
0x83: {  	[spmem:s2] =	stream.indirect.scatter.add.f32 [tilespmem:s20], [sflag:$0x3], $0x80, s24, s19, $0xb8;
	[tilespmem:$0x1E800] =	vst v63  }
0x84: {  	_ =	swait.ge [sflag:s18], $0x3E80  }
0x85: {  	[sflag:s18] =	ssyncset.done $0x0  }
0x86: {  	[sflag:s18] =	ssyncadd.s32 $0xFFFFC180  }
0x87: {  	[spmem:s2] =	stream.indirect.scatter.add.f32 [tilespmem:s22], [sflag:$0x4], $0x80, s25, s19, $0xb8;
	[tilespmem:$0x1E800] =	vst v63  }
0x88: {  	_ =	swait.ge [sflag:s16], $0x3E80  }
0x89: {  	[sflag:s16] =	ssyncset.done $0x0  }
0x8a: {  	[sflag:s16] =	ssyncadd.s32 $0xFFFFC180  }
0x8b: {  	_ =	swait.ge [sflag:s23], $0x3E80  }
0x8c: {  	s28 =	sadd.s32 $0x1, s28;
	[sflag:s23] =	ssyncset.done $0x0  }
0x8d: {  	p0 =	sne.s32 s28, s13;
	[sflag:s23] =	ssyncadd.s32 $0xFFFFC180  }
.Ltmp2:
0x8e: {  	s29 =	sor.u32 $0x1C05, s6;
	[bflag:$0x0] =	sbarrier.arrive $0xFFFF;
	(pc) =	sbr.rel @p0 .LBB2_1-.Ltmp2, $4  }
0x8f: {  	[hbm:s12], [sflag:s29] =	dma.local [spmem:s14], $0x2800  }
0x90: {  	_ =	swait.ge [sflag:s26], $0x2800  }
0x91: {  	[sflag:s26] =	ssyncset.done $0x0  }
0x92: {  	[sflag:s26] =	ssyncadd.s32 $0xFFFFD800  }
0x93: {  	_ =	sfence.sel $0x180000  }
0x94: {  	[bflag:$0x0] =	sbarrier.arrive $0xFFFF  }
0x95: {  	p0 =	sne.s32 s1, $0x0;
	_ =	strace $0x90000053  }
0x96: {  	s0 =	sadd.s32 @!p0 $0x100000, s0;
	[bflag:$0x2] =	sbarrier.arrive $0xFFFF  }
0x97: {  	[sflag:s0] =	ssyncadd.tile.s32 @!p0 $0x1;
	_ =	shalt  }
.Lfunc_end2:
_tile_overlayer_lowered:
.L_overlay_start_2:
0x98: {  	(tag) =	ssettag $0x2  }
0x99: {  	s0 =	rddreg [dreg:$0x0];
	s2 =	stileid.u32  }
0x9a: {  	s1 =	rddreg [dreg:$0x1];
	p0 =	sne.s32 s2, $0x0  }
0x9b: {  	s3 =	rddreg [dreg:$0x2];
	[bflag:$0x3] =	sbarrier.arrive $0xFFFF;
	s2 =	simm.s32 @!p0 $0x1C05  }
0x9c: {  	[timem:s3], [sflag:s2] =	dma.local @!p0 [hbm:s0], s1  }
0x9d: {  	s0 =	simm.s32 @!p0 $0x5  }
0x9e: {  	_ =	swait.ge @!p0 [sflag:s0], s1  }
0x9f: {  	s1 =	ssub.s32 @!p0 $0x0, s1;
	[sflag:s0] =	ssyncset.done @!p0 $0x0  }
0xa0: {  	[sflag:s0] =	ssyncadd.s32 @!p0 s1  }
0xa1: {  	[bflag:$0x3] =	sbarrier.arrive $0xFFFF  }
0xa2: {  	_ =	shalt  }

// kernel: kernel.30.cloned.1.call-start
scs
__scs_entry_jumppad:
0x0: {  	(pc) =	sbr.rel $0x88, $3  }
0x1: {  	(tag) =	ssettag $0x0;
	lr =	simm.s32 $0x1  }
0x2: {  	[smem:$0x3F87] =	sst lr;
	_ =	strace $0xD0000000  }
0x3: {  	_ = 	snop  }
0x4: {  	_ = 	snop  }
0x5: {  	_ = 	snop  }
0x6: {  	_ = 	snop  }
0x7: {  	_ = 	snop  }
__scs_overlays_trampoline_lowered:
0x8: {  	[smem:$0x3F96] =	sst s0  }
0x9: {  	[smem:$0x3F97] =	sst s1  }
0xa: {  	[smem:$0x3F98] =	sst s2  }
0xb: {  	[smem:$0x3F99] =	sst s3  }
0xc: {  	[smem:$0x3F9A] =	sst s4  }
0xd: {  	[smem:$0x3F9B] =	sst s5  }
0xe: {  	[smem:$0x3F9C] =	sst s6  }
0xf: {  	[smem:$0x3F9D] =	sst s7  }
0x10: {  	[smem:$0x3F9E] =	sst s8  }
0x11: {  	[smem:$0x3F9F] =	sst s9;
	s0 =	simm.s32 @!p0 $0x0  }
0x12: {  	s1 =	sld [smem:$0x3F85];
	s0 =	simm.s32 @p0 $0x1  }
0x13: {  	[smem:$0x3FA0] =	sst s0;
	s0 =	simm.s32 @!p1 $0x0  }
0x14: {  	s2 =	sld [smem:$0x3F84];
	s0 =	simm.s32 @p1 $0x1  }
0x15: {  	[smem:$0x3FA1] =	sst s0;
	s0 =	simm.s32 @!p2 $0x0  }
0x16: {  	s3 =	sld [smem:$0x3FDB];
	s0 =	simm.s32 @p2 $0x1  }
0x17: {  	s4 =	simm.s32 $0x1BF5;
	[smem:$0x3FA3] =	sst s0  }
0x18: {  	s0 =	sld [smem:$0x3F86];
	_ =	swait.ge [sflag:s4], $0x0  }
0x19: {  	s7 =	sld [smem:$0x3F87]  }
0x1a: {  	s8 =	sadd.s32 $0xFFFFE003, lr  }
0x1b: {  	s9 =	sadd.s32 $0xFFFFFEF7, lr;
	s5 =	simm.s32 $0xFFFFFFFF;
	p2 =	slt.u32 s8, $0xFFFFF086  }
0x1c: {  	p1 =	slt.u32 s9, $0xF7A;
	s5 =	simm.s32 @!p2 $0x0  }
0x1d: {  	s5 =	simm.s32 @p1 $0x1;
	p0 =	seq.s32 s7, s2  }
0x1e: {  	s7 =	smul.u32 @!p0 $0xF7A, s2;
	p2 =	seq.s32 @!p0 s5, $0x0  }
0x1f: {  	s9 =	smul.u32 $0xF7A, s1;
	s8 =	simm.s32 @!p0 $0x1BF5;
	p2 =	por !p2, p0  }
0x20: {  	[sflag:s8] =	ssyncset.s32 @!p0 $0xFFFFF086;
	s6 =	sadd.s32 @!p0 s3, s7;
	s7 =	simm.s32 @!p0 $0x108  }
0x21: {  	s3 =	sadd.s32 s3, s9;
	s6 =	sadd.s32 @!p0 $0x88, s6;
	s7 =	simm.s32 @p2 $0x1082  }
0x22: {  	[simem:s7], [sflag:s8] =	dma.local @!p0 [hbm:s6], $0xF7A  }
0x23: {  	s9 =	sor.u32 $0xD0000000, s2;
	s6 =	simm.s32 $0x108;
	_ =	swait.ge @!p0 [sflag:s8], $0x0  }
0x24: {  	s3 =	sadd.s32 $0x88, s3;
	s6 =	simm.s32 @!p1 $0x1082;
	[sflag:s4] =	ssyncset.s32 $0xFFFFF086  }
0x25: {  	[simem:s6], [sflag:s4] =	dma.local [hbm:s3], $0xF7A  }
0x26: {  	[smem:$0x3F87] =	sst s1;
	(tag) =	ssettag s2;
	_ =	strace s9  }
0x27: {  	s1 =	sld [smem:$0x3F97]  }
0x28: {  	s2 =	sld [smem:$0x3F98]  }
0x29: {  	s4 =	sld [smem:$0x3F9A]  }
0x2a: {  	p0 =	seq.s32 s5, $0x0;
	s5 =	sld [smem:$0x3F9B]  }
0x2b: {  	s6 =	sld [smem:$0x3F9C]  }
0x2c: {  	s7 =	sld [smem:$0x3F9D]  }
0x2d: {  	s3 =	simm.s32 $0x108;
	s8 =	sld [smem:$0x3F9E]  }
0x2e: {  	s3 =	simm.s32 @!p0 $0x1082;
	s9 =	sld [smem:$0x3F9F]  }
0x2f: {  	lr =	sadd.s32 s0, s3;
	s0 =	sld [smem:$0x3F96]  }
0x30: {  	s3 =	sld [smem:$0x3F99]  }
0x31: {  	[smem:$0x3FA2] =	sst s10  }
0x32: {  	s10 =	sld [smem:$0x3FA0];
	_ =	sdelay $0x3  }
0x33: {  	p0 =	seq.s32 s10, $0x1;
	s10 =	sld [smem:$0x3FA2];
	_ =	sdelay $0x3  }
0x34: {  	[smem:$0x3FA2] =	sst s10  }
0x35: {  	s10 =	sld [smem:$0x3FA1];
	_ =	sdelay $0x3  }
0x36: {  	p1 =	seq.s32 s10, $0x1;
	s10 =	sld [smem:$0x3FA2];
	_ =	sdelay $0x3  }
0x37: {  	[smem:$0x3FA2] =	sst s10  }
0x38: {  	s10 =	sld [smem:$0x3FA3]  }
0x39: {  	_ = 	snop;
	(pc) =	sbr.ind lr, $3  }
0x3a: {  	_ = 	snop  }
0x3b: {  	_ = 	snop  }
0x3c: {  	p2 =	seq.s32 s10, $0x1;
	s10 =	sld [smem:$0x3FA2]  }
0x3d: {  	_ =	shalt  }
0x3e: {  	_ =	shalt  }
0x3f: {  	_ =	shalt  }
0x40: {  	_ =	shalt  }
0x41: {  	_ =	shalt  }
0x42: {  	_ =	shalt  }
0x43: {  	_ =	shalt  }
0x44: {  	_ =	shalt  }
0x45: {  	_ =	shalt  }
0x46: {  	_ =	shalt  }
0x47: {  	_ =	shalt  }
0x48: {  	_ =	shalt  }
0x49: {  	_ =	shalt  }
0x4a: {  	_ =	shalt  }
0x4b: {  	_ =	shalt  }
0x4c: {  	_ =	shalt  }
0x4d: {  	_ =	shalt  }
0x4e: {  	_ =	shalt  }
0x4f: {  	_ =	shalt  }
0x50: {  	_ =	shalt  }
0x51: {  	_ =	shalt  }
0x52: {  	_ =	shalt  }
0x53: {  	_ =	shalt  }
0x54: {  	_ =	shalt  }
0x55: {  	_ =	shalt  }
0x56: {  	_ =	shalt  }
0x57: {  	_ =	shalt  }
0x58: {  	_ =	shalt  }
0x59: {  	_ =	shalt  }
0x5a: {  	_ =	shalt  }
0x5b: {  	_ =	shalt  }
0x5c: {  	_ =	shalt  }
0x5d: {  	_ =	shalt  }
0x5e: {  	_ =	shalt  }
0x5f: {  	_ =	shalt  }
0x60: {  	_ =	shalt  }
0x61: {  	_ =	shalt  }
0x62: {  	_ =	shalt  }
0x63: {  	_ =	shalt  }
0x64: {  	_ =	shalt  }
0x65: {  	_ =	shalt  }
0x66: {  	_ =	shalt  }
0x67: {  	_ =	shalt  }
0x68: {  	_ =	shalt  }
0x69: {  	_ =	shalt  }
0x6a: {  	_ =	shalt  }
0x6b: {  	_ =	shalt  }
0x6c: {  	_ =	shalt  }
0x6d: {  	_ =	shalt  }
0x6e: {  	_ =	shalt  }
0x6f: {  	_ =	shalt  }
0x70: {  	_ =	shalt  }
0x71: {  	_ =	shalt  }
0x72: {  	_ =	shalt  }
0x73: {  	_ =	shalt  }
0x74: {  	_ =	shalt  }
0x75: {  	_ =	shalt  }
0x76: {  	_ =	shalt  }
0x77: {  	_ =	shalt  }
0x78: {  	_ =	shalt  }
0x79: {  	_ =	shalt  }
0x7a: {  	_ =	shalt  }
0x7b: {  	_ =	shalt  }
0x7c: {  	_ =	shalt  }
0x7d: {  	_ =	shalt  }
0x7e: {  	_ =	shalt  }
0x7f: {  	_ =	shalt  }
0x80: {  	_ =	shalt  }
0x81: {  	_ =	shalt  }
0x82: {  	_ =	shalt  }
0x83: {  	_ =	shalt  }
0x84: {  	_ =	shalt  }
0x85: {  	_ =	shalt  }
0x86: {  	_ =	shalt  }
0x87: {  	_ =	shalt  }
.Lfunc_end0:
.L_simem_size_0:
called_computation.5_lowered:
.L_overlay_start_0:
0x88: {  	s2 =	sld [smem:$0x3FD9]  }
0x89: {  	s3 =	sld [smem:$0x3FFE];
	_ =	sdelay $0x1  }
0x8a: {  	s1 =	srdreg.scid  }
0x8b: {  	s0 =	sand.u32 $0x1, s1  }
0x8c: {  	s15 =	sshll.u32 s0, $0xA;
	s2 =	sadd.s32 s3, s2  }
0x8d: {  	s2 =	sadd.s32 s2, s15  }
0x8e: {  	[smem:$0x3FAE] =	sst s2  }
0x8f: {  	_ = 	snop  }
0x90: {  	s2 =	sld [smem:$0x3FD0];
	_ =	sdelay $0x2  }
0x91: {  	s16 =	simm.s32 $0xC;
	s4 =	simm.s32 $0x10  }
0x92: {  	[smem:s4], [sflag:s16] =	dma.local [hbm:s2], $0x1  }
0x93: {  	_ =	swait.eq [sflag:s16], $0x1  }
0x94: {  	[sflag:s16] =	ssyncset.done $0x0  }
0x95: {  	[sflag:s16] =	ssyncadd.s32 $0xFFFFFFFF  }
0x96: {  	s17 =	sld [smem:$0x14];
	(tm) =	ssettm $0x1  }
0x97: {  	s18 =	sld [smem:$0x3FFB];
	_ =	sdelay $0x3  }
0x98: {  	_ =	strace s18  }
0x99: {  	s2 =	sld [smem:$0x3FFC];
	_ =	sdelay $0x3  }
0x9a: {  	_ =	strace s2  }
0x9b: {  	s2 =	sld [smem:$0x3FFD];
	_ =	sdelay $0x3  }
0x9c: {  	_ =	strace s2  }
0x9d: {  	_ =	strace $0x8FFFFFFF  }
0x9e: {  	s19 =	sld [smem:$0x3FDB];
	_ =	sdelay $0x1  }
0x9f: {  	s20 =	simm.s32 $_scs_section_size  }
0xa0: {  	s5 =	simm.s32 $_size__tile_overlayer_lowered;
	s6 =	simm.s32 $_tile_overlayer_lowered  }
0xa1: {  	s7 =	simm.s32 $0x1BFF;
	s21 =	sshll.u32 s6, $0x1;
	s4 =	sadd.s32 s20, s19  }
0xa2: {  	s22 =	simm.s32 $0x0;
	s5 =	sshll.u32 s5, $0x1;
	s6 =	sadd.s32 s21, s4  }
0xa3: {  	[timem:s22], [sflag:s7] =	dma.local [hbm:s6], s5  }
0xa4: {  	_ =	swait.ge [sflag:s7], s5  }
0xa5: {  	s5 =	ssub.s32 $0x0, s5;
	[sflag:s7] =	ssyncset.done $0x0  }
0xa6: {  	[sflag:s7] =	ssyncadd.s32 s5;
	_ =	sdelay $0x1  }
0xa7: {  	s23 =	simm.s32 $0x1B8B  }
0xa8: {  	_ =	swait.ge [sflag:s23], $0x1  }
0xa9: {  	[sflag:s23] =	ssyncset.done $0x0  }
0xaa: {  	[sflag:s23] =	ssyncadd.s32 $0xFFFFFFFF  }
0xab: {  	s5 =	sld [smem:$0x0]  }
0xac: {  	s6 =	sand.u32 $0xFFFFFFFE, s1  }
0xad: {  	p0 =	sne.s32 s1, s6  }
0xae: {  	s6 =	sshll.u32 @p0 s6, $0xE  }
0xaf: {  	s6 =	sadd.s32 @p0 $0x11B8D, s6;
	s7 =	sshll.u32 @p0 s5, $0x11  }
0xb0: {  	s6 =	sor.u32 @p0 s7, s6  }
0xb1: {  	[sflag:s6] =	ssyncadd.remote.s32 @p0 $0x1;
	_ =	sdelay $0x1  }
0xb2: {  	s6 =	simm.s32 @p0 $0x1B8D  }
0xb3: {  	_ =	swait.eq @p0 [sflag:s6], $0x1  }
0xb4: {  	[sflag:s6] =	ssyncadd.s32 @p0 $0xFFFFFFFF  }
0xb5: {  	s7 =	sshll.u32 @!p0 s1, $0xE  }
0xb6: {  	s7 =	sor.u32 @!p0 $0x4000, s7;
	s6 =	simm.s32 @!p0 $0x1B8D  }
0xb7: {  	s5 =	sshll.u32 @!p0 s5, $0x11;
	s7 =	sadd.s32 @!p0 $0x11B8D, s7;
	_ =	swait.eq @!p0 [sflag:s6], $0x1  }
0xb8: {  	s5 =	sor.u32 @!p0 s5, s7;
	[sflag:s6] =	ssyncadd.s32 @!p0 $0xFFFFFFFF  }
0xb9: {  	s25 =	simm.s32 $0x1B8E;
	s24 =	sld [smem:$0x3FFE];
	[sflag:s5] =	ssyncadd.remote.s32 @!p0 $0x1  }
0xba: {  	s26 =	simm.s32 $execute0_lowered;
	[smem:$0x3FD2] =	sst s25  }
0xbb: {  	s6 =	sshll.u32 s26, $0x1;
	_ =	strace $0x80000055;
	[dreg:$0x1] =	wrdreg $0xFFFFFFFF  }
0xbc: {  	s28 =	simm.s32 $_size_execute0_lowered;
	s4 =	sadd.s32 s4, s6;
	[dreg:$0x0] =	wrdreg $0x0  }
0xbd: {  	s6 =	sshll.u32 s28, $0x1;
	[dreg:$0x2] =	wrdreg s4  }
0xbe: {  	[dreg:$0x3] =	wrdreg s6  }
0xbf: {  	[dreg:$0x4] =	wrdreg $0xC0  }
0xc0: {  	_ =	task [dreg:s22], $0x5FFFF  }
0xc1: {  	[dreg:$0x1] =	wrdreg $0xFFFFFFFF  }
0xc2: {  	[dreg:$0x0] =	wrdreg $0x60  }
0xc3: {  	[dreg:$0x2] =	wrdreg s24  }
0xc4: {  	[dreg:$0x3] =	wrdreg s17  }
0xc5: {  	[dreg:$0x4] =	wrdreg $0xA8000  }
0xc6: {  	[dreg:$0x5] =	wrdreg $0x9  }
0xc7: {  	_ =	task.clear_ibuf [dreg:s22], $0x6FFFF;
	_ =	strace $0x90000055  }
0xc8: {  	s29 =	simm.s32 $0x9;
	_ =	strace $0x80000057  }
0xc9: {  	_ =	swait.ge [sflag:s29], $0x1  }
0xca: {  	[sflag:s29] =	ssyncadd.s32 $0xFFFFFFFF  }
0xcb: {  	_ =	strace $0x90000057  }
0xcc: {  	_ =	sfence  }
0xcd: {  	s30 =	sld [smem:$0x0];
	_ =	sdelay $0x2  }
0xce: {  	s31 =	sshll.u32 s1, $0xD;
	s1 =	sshrl.u32 s1, $0x2  }
0xcf: {  	s4 =	sand.u32 $0x4000, s31;
	s1 =	sadd.s32 s1, s30  }
0xd0: {  	s0 =	sor.u32 s4, s0;
	s1 =	sshll.u32 s1, $0x11  }
0xd1: {  	s0 =	sor.u32 s1, s0  }
0xd2: {  	s0 =	sadd.s32 $0x8F2B, s0  }
0xd3: {  	[sflag:s0] =	ssyncadd.remote.s32 $0x1  }
0xd4: {  	_ =	sfence.sel $0xFFFF  }
0xd5: {  	[dreg:$0x0] =	wrdreg $0xFFFFFFFF;
	(pc) =	sbr.abs _section_cstart, $3  }
0xd6: {  	[dreg:$0x1] =	wrdreg $0xFFFFFFFF  }
0xd7: {  	_ =	task.clear_ibuf [dreg:s22], $0x2FFFF;
	_ =	strace $0x9FFFFFFF  }
0xd8: {  	(tm) =	ssettm $0x7FFFFFFF  }
0xd9: {  	_ =	shalt  }
tec
execute0_lowered:
.L_overlay_start_1:
0x0: {  	(tag) =	ssettag $0x1  }
0x1: {  	s6 =	rddreg [dreg:$0x0]  }
0x2: {  	s11 =	rddreg [dreg:$0x1]  }
0x3: {  	s2 =	rddreg [dreg:$0x2]  }
0x4: {  	s0 =	rddreg [dreg:$0x3];
	s3 =	simm.s32 $0x0;
	s4 =	srdreg.scid  }
0x5: {  	s1 =	stileid.u32;
	s17 =	simm.s32 $0x1;
	s18 =	simm.s32 $0x2  }
0x6: {  	s19 =	simm.s32 $0x7D;
	s20 =	simm.s32 $0x2800;
	s21 =	simm.s32 $0x80  }
0x7: {  	s22 =	simm.s32 $0x6800;
	s23 =	simm.s32 $0x4;
	s28 =	simm.s32 $0x0  }
0x8: {  	[smem:$0x7FF] =	sst s3;
	s7 =	sand.u32 $0x1, s4;
	s8 =	smul.u32 $0x2800, s1  }
0x9: {  	s4 =	sadd.s32 $0x181200, s6;
	s10 =	sadd.s32 $0x5F200, s6;
	s5 =	sadd.s32 $0xCA00, s6  }
0xa: {  	s12 =	sshll.u32 s1, $0x1;
	s25 =	smul.u32 $0x50000, s1;
	_ =	strace $0x80000056  }
0xb: {  	s9 =	smul.u32 $0x28000, s7;
	s24 =	ssub.s32 $0x2, s7;
	s7 =	sor.u32 s7, s12  }
0xc: {  	s13 =	sshrl.u32 s24, $0x1;
	s26 =	smul.u32 $0x2800, s7;
	s29 =	sshrl.u32 s25, $0x2  }
0xd: {  	s30 =	smul.u32 $0x500, s7;
	s25 =	simm.s32 $0x2780;
	s8 =	sadd.s32 s8, s9  }
0xe: {  	s13 =	ssub.s32 s24, s13;
	s15 =	sadd.s32 s29, s2;
	s24 =	simm.s32 $0x2700  }
0xf: {  	s14 =	sadd.s32 s8, s6;
	s6 =	sshll.u32 s1, $0x6;
	s16 =	sshrl.u32 s26, $0x3  }
0x10: {  	s8 =	sadd.s32 s10, s30;
	s9 =	sadd.s32 s11, s30;
	s13 =	smax.u32 s13, $0x1  }
0x11: {  	s26 =	simm.s32 $0x5;
	s7 =	sor.u32 $0x1C03, s6;
	s31 =	sadd.s32 $0x280, s16  }
0x12: {  	s12 =	sadd.s32 $0x249200, s14;
	s14 =	sshrl.u32 s15, $0x3;
	s15 =	simm.s32 $0x1400  }
0x13: {  	s16 =	simm.s32 $0x3;
	s10 =	sadd.s32 s10, s31;
	s11 =	sadd.s32 s11, s31  }
.LBB2_1:
0x14: {  	[spmem:s14], [sflag:s7] =	dma.local [hbm:s5], $0x2800  }
0x15: {  	[tilespmem:s3], [sflag:$0x1] =	stream.linear.gather [hbm4b:s8+s3], $0x1400, $0x38;
	[tilespmem:$0x1E800] =	vst v63  }
0x16: {  	_ = 	snop  }
0x17: {  	[tilespmem:s15], [sflag:$0x2] =	stream.linear.gather [hbm4b:s9+s3], $0x1400, $0x38;
	[tilespmem:$0x1E800] =	vst v63  }
0x18: {  	_ =	swait.ge [sflag:s16], $0x2800  }
0x19: {  	[sflag:s16] =	ssyncset.done $0x0  }
0x1a: {  	[sflag:s16] =	ssyncadd.s32 $0xFFFFD800  }
0x1b: {  	_ =	swait.ge [sflag:s17], $0x1400  }
0x1c: {  	[sflag:s17] =	ssyncset.done $0x0  }
0x1d: {  	[sflag:s17] =	ssyncadd.s32 $0xFFFFEC00  }
0x1e: {  	_ =	swait.ge [sflag:s18], $0x1400  }
0x1f: {  	[sflag:s18] =	ssyncset.done $0x0  }
0x20: {  	[sflag:s18] =	ssyncadd.s32 $0xFFFFEC00  }
0x21: {  	[bflag:$0x0] =	sbarrier.arrive $0xFFFF  }
0x22: {  	[tilespmem:s20], [sflag:$0x1] =	stream.indirect.gather [hbm4b:s4+s19], $0x80, s3, s19, $0xb8;
	[tilespmem:$0x1E800] =	vst v63  }
0x23: {  	_ = 	snop  }
0x24: {  	[tilespmem:s22], [sflag:$0x2] =	stream.indirect.gather [hbm4b:s4+s19], $0x80, s21, s19, $0xb8;
	[tilespmem:$0x1E800] =	vst v63  }
0x25: {  	_ =	swait.ge [sflag:s17], $0x3E80  }
0x26: {  	[sflag:s17] =	ssyncset.done $0x0  }
0x27: {  	s29 =	simm.s32 $0x1400;
	[sflag:s17] =	ssyncadd.s32 $0xFFFFC180  }
0x28: {  	[spmem:s2] =	stream.indirect.scatter.add.f32 [tilespmem:s20], [sflag:$0x3], $0x80, s29, s19, $0xb8;
	[tilespmem:$0x1E800] =	vst v63  }
0x29: {  	_ =	swait.ge [sflag:s18], $0x3E80  }
0x2a: {  	[sflag:s18] =	ssyncset.done $0x0  }
0x2b: {  	s29 =	simm.s32 $0x1480;
	[sflag:s18] =	ssyncadd.s32 $0xFFFFC180  }
0x2c: {  	[spmem:s2] =	stream.indirect.scatter.add.f32 [tilespmem:s22], [sflag:$0x4], $0x80, s29, s19, $0xb8;
	[tilespmem:$0x1E800] =	vst v63  }
0x2d: {  	_ =	swait.ge [sflag:s16], $0x3E80  }
0x2e: {  	[sflag:s16] =	ssyncset.done $0x0  }
0x2f: {  	s29 =	simm.s32 $0x100;
	[sflag:s16] =	ssyncadd.s32 $0xFFFFC180  }
0x30: {  	[tilespmem:s20], [sflag:$0x1] =	stream.indirect.gather [hbm4b:s4+s19], $0x80, s29, s19, $0xb8;
	[tilespmem:$0x1E800] =	vst v63  }
0x31: {  	_ =	swait.ge [sflag:s23], $0x3E80  }
0x32: {  	[sflag:s23] =	ssyncset.done $0x0  }
0x33: {  	s30 =	simm.s32 $0x180;
	s29 =	simm.s32 $0x400;
	[sflag:s23] =	ssyncadd.s32 $0xFFFFC180  }
.LBB2_2:
0x34: {  	[tilespmem:s22], [sflag:$0x2] =	stream.indirect.gather [hbm4b:s4+s19], $0x80, s30, s19, $0xb8;
	[tilespmem:$0x1E800] =	vst v63  }
0x35: {  	s30 =	smov.u32 s29  }
0x36: {  	p0 =	sne.s32 s29, $0x4800;
	s29 =	sadd.s32 $0x400, s29;
	_ =	swait.ge [sflag:s17], $0x3E80  }
0x37: {  	s30 =	sshra.s32 s30, $0x2;
	[sflag:s17] =	ssyncset.done $0x0  }
0x38: {  	s31 =	sadd.s32 $0x1400, s30;
	[sflag:s17] =	ssyncadd.s32 $0xFFFFC180  }
0x39: {  	[spmem:s2] =	stream.indirect.scatter.add.f32 [tilespmem:s20], [sflag:$0x3], $0x80, s31, s19, $0xb8;
	[tilespmem:$0x1E800] =	vst v63  }
0x3a: {  	_ =	swait.ge [sflag:s18], $0x3E80  }
0x3b: {  	[sflag:s18] =	ssyncset.done $0x0  }
0x3c: {  	s31 =	sadd.s32 $0x1480, s30;
	[sflag:s18] =	ssyncadd.s32 $0xFFFFC180  }
0x3d: {  	[spmem:s2] =	stream.indirect.scatter.add.f32 [tilespmem:s22], [sflag:$0x4], $0x80, s31, s19, $0xb8;
	[tilespmem:$0x1E800] =	vst v63  }
0x3e: {  	_ =	swait.ge [sflag:s16], $0x3E80  }
0x3f: {  	[sflag:s16] =	ssyncset.done $0x0  }
.Ltmp0:
0x40: {  	s31 =	sadd.s32 $0x100, s30;
	[sflag:s16] =	ssyncadd.s32 $0xFFFFC180;
	(pc) =	sbr.rel @p0 .LBB2_2-.Ltmp0, $4  }
0x41: {  	[tilespmem:s20], [sflag:$0x1] =	stream.indirect.gather [hbm4b:s4+s19], $0x80, s31, s19, $0xb8;
	[tilespmem:$0x1E800] =	vst v63  }
0x42: {  	_ =	swait.ge [sflag:s23], $0x3E80  }
0x43: {  	[sflag:s23] =	ssyncset.done $0x0  }
0x44: {  	s30 =	sadd.s32 $0x180, s30;
	[sflag:s23] =	ssyncadd.s32 $0xFFFFC180  }
0x45: {  	[tilespmem:s22], [sflag:$0x2] =	stream.indirect.gather [hbm4b:s4+s19], $0x80, s30, s19, $0xb8;
	[tilespmem:$0x1E800] =	vst v63  }
0x46: {  	_ =	swait.ge [sflag:s17], $0x3E80  }
0x47: {  	[sflag:s17] =	ssyncset.done $0x0  }
0x48: {  	[sflag:s17] =	ssyncadd.s32 $0xFFFFC180  }
0x49: {  	[spmem:s2] =	stream.indirect.scatter.add.f32 [tilespmem:s20], [sflag:$0x3], $0x80, s24, s19, $0xb8;
	[tilespmem:$0x1E800] =	vst v63  }
0x4a: {  	_ =	swait.ge [sflag:s18], $0x3E80  }
0x4b: {  	[sflag:s18] =	ssyncset.done $0x0  }
0x4c: {  	[sflag:s18] =	ssyncadd.s32 $0xFFFFC180  }
0x4d: {  	[spmem:s2] =	stream.indirect.scatter.add.f32 [tilespmem:s22], [sflag:$0x4], $0x80, s25, s19, $0xb8;
	[tilespmem:$0x1E800] =	vst v63  }
0x4e: {  	_ =	swait.ge [sflag:s16], $0x3E80  }
0x4f: {  	[sflag:s16] =	ssyncset.done $0x0  }
0x50: {  	[sflag:s16] =	ssyncadd.s32 $0xFFFFC180  }
0x51: {  	_ =	swait.ge [sflag:s23], $0x3E80  }
0x52: {  	[sflag:s23] =	ssyncset.done $0x0  }
0x53: {  	s29 =	simm.s32 $0x0;
	[sflag:s23] =	ssyncadd.s32 $0xFFFFC180  }
0x54: {  	[tilespmem:s29], [sflag:$0x5] =	stream.linear.gather [hbm4b:s10+s29], $0x1400, $0x38;
	[tilespmem:$0x1E800] =	vst v63  }
0x55: {  	_ =	swait.ge [sflag:s26], $0x1400  }
0x56: {  	[sflag:s26] =	ssyncset.done $0x0  }
0x57: {  	[sflag:s26] =	ssyncadd.s32 $0xFFFFEC00  }
0x58: {  	[tilespmem:s15], [sflag:$0x5] =	stream.linear.gather [hbm4b:s11+s29], $0x1400, $0x38;
	[tilespmem:$0x1E800] =	vst v63  }
0x59: {  	_ =	swait.ge [sflag:s26], $0x1400  }
0x5a: {  	[sflag:s26] =	ssyncset.done $0x0  }
0x5b: {  	[sflag:s26] =	ssyncadd.s32 $0xFFFFEC00  }
0x5c: {  	[tilespmem:s20], [sflag:$0x1] =	stream.indirect.gather [hbm4b:s4+s19], $0x80, s29, s19, $0xb8;
	[tilespmem:$0x1E800] =	vst v63  }
0x5d: {  	_ = 	snop  }
0x5e: {  	[tilespmem:s22], [sflag:$0x2] =	stream.indirect.gather [hbm4b:s4+s19], $0x80, s21, s19, $0xb8;
	[tilespmem:$0x1E800] =	vst v63  }
0x5f: {  	_ =	swait.ge [sflag:s17], $0x3E80  }
0x60: {  	[sflag:s17] =	ssyncset.done $0x0  }
0x61: {  	s29 =	simm.s32 $0x1400;
	[sflag:s17] =	ssyncadd.s32 $0xFFFFC180  }
0x62: {  	[spmem:s2] =	stream.indirect.scatter.add.f32 [tilespmem:s20], [sflag:$0x3], $0x80, s29, s19, $0xb8;
	[tilespmem:$0x1E800] =	vst v63  }
0x63: {  	_ =	swait.ge [sflag:s18], $0x3E80  }
0x64: {  	[sflag:s18] =	ssyncset.done $0x0  }
0x65: {  	s29 =	simm.s32 $0x1480;
	[sflag:s18] =	ssyncadd.s32 $0xFFFFC180  }
0x66: {  	[spmem:s2] =	stream.indirect.scatter.add.f32 [tilespmem:s22], [sflag:$0x4], $0x80, s29, s19, $0xb8;
	[tilespmem:$0x1E800] =	vst v63  }
0x67: {  	_ =	swait.ge [sflag:s16], $0x3E80  }
0x68: {  	[sflag:s16] =	ssyncset.done $0x0  }
0x69: {  	s29 =	simm.s32 $0x100;
	[sflag:s16] =	ssyncadd.s32 $0xFFFFC180  }
0x6a: {  	[tilespmem:s20], [sflag:$0x1] =	stream.indirect.gather [hbm4b:s4+s19], $0x80, s29, s19, $0xb8;
	[tilespmem:$0x1E800] =	vst v63  }
0x6b: {  	_ =	swait.ge [sflag:s23], $0x3E80  }
0x6c: {  	[sflag:s23] =	ssyncset.done $0x0  }
0x6d: {  	s30 =	simm.s32 $0x180;
	s29 =	simm.s32 $0x400;
	[sflag:s23] =	ssyncadd.s32 $0xFFFFC180  }
.LBB2_4:
0x6e: {  	[tilespmem:s22], [sflag:$0x2] =	stream.indirect.gather [hbm4b:s4+s19], $0x80, s30, s19, $0xb8;
	[tilespmem:$0x1E800] =	vst v63  }
0x6f: {  	s30 =	smov.u32 s29  }
0x70: {  	p0 =	sne.s32 s29, $0x4800;
	s29 =	sadd.s32 $0x400, s29;
	_ =	swait.ge [sflag:s17], $0x3E80  }
0x71: {  	s30 =	sshra.s32 s30, $0x2;
	[sflag:s17] =	ssyncset.done $0x0  }
0x72: {  	s31 =	sadd.s32 $0x1400, s30;
	[sflag:s17] =	ssyncadd.s32 $0xFFFFC180  }
0x73: {  	[spmem:s2] =	stream.indirect.scatter.add.f32 [tilespmem:s20], [sflag:$0x3], $0x80, s31, s19, $0xb8;
	[tilespmem:$0x1E800] =	vst v63  }
0x74: {  	_ =	swait.ge [sflag:s18], $0x3E80  }
0x75: {  	[sflag:s18] =	ssyncset.done $0x0  }
0x76: {  	s31 =	sadd.s32 $0x1480, s30;
	[sflag:s18] =	ssyncadd.s32 $0xFFFFC180  }
0x77: {  	[spmem:s2] =	stream.indirect.scatter.add.f32 [tilespmem:s22], [sflag:$0x4], $0x80, s31, s19, $0xb8;
	[tilespmem:$0x1E800] =	vst v63  }
0x78: {  	_ =	swait.ge [sflag:s16], $0x3E80  }
0x79: {  	[sflag:s16] =	ssyncset.done $0x0  }
.Ltmp1:
0x7a: {  	s31 =	sadd.s32 $0x100, s30;
	[sflag:s16] =	ssyncadd.s32 $0xFFFFC180;
	(pc) =	sbr.rel @p0 .LBB2_4-.Ltmp1, $4  }
0x7b: {  	[tilespmem:s20], [sflag:$0x1] =	stream.indirect.gather [hbm4b:s4+s19], $0x80, s31, s19, $0xb8;
	[tilespmem:$0x1E800] =	vst v63  }
0x7c: {  	_ =	swait.ge [sflag:s23], $0x3E80  }
0x7d: {  	[sflag:s23] =	ssyncset.done $0x0  }
0x7e: {  	s30 =	sadd.s32 $0x180, s30;
	[sflag:s23] =	ssyncadd.s32 $0xFFFFC180  }
0x7f: {  	[tilespmem:s22], [sflag:$0x2] =	stream.indirect.gather [hbm4b:s4+s19], $0x80, s30, s19, $0xb8;
	[tilespmem:$0x1E800] =	vst v63  }
0x80: {  	_ =	swait.ge [sflag:s17], $0x3E80  }
0x81: {  	[sflag:s17] =	ssyncset.done $0x0  }
0x82: {  	[sflag:s17] =	ssyncadd.s32 $0xFFFFC180  }
0x83: {  	[spmem:s2] =	stream.indirect.scatter.add.f32 [tilespmem:s20], [sflag:$0x3], $0x80, s24, s19, $0xb8;
	[tilespmem:$0x1E800] =	vst v63  }
0x84: {  	_ =	swait.ge [sflag:s18], $0x3E80  }
0x85: {  	[sflag:s18] =	ssyncset.done $0x0  }
0x86: {  	[sflag:s18] =	ssyncadd.s32 $0xFFFFC180  }
0x87: {  	[spmem:s2] =	stream.indirect.scatter.add.f32 [tilespmem:s22], [sflag:$0x4], $0x80, s25, s19, $0xb8;
	[tilespmem:$0x1E800] =	vst v63  }
0x88: {  	_ =	swait.ge [sflag:s16], $0x3E80  }
0x89: {  	[sflag:s16] =	ssyncset.done $0x0  }
0x8a: {  	[sflag:s16] =	ssyncadd.s32 $0xFFFFC180  }
0x8b: {  	_ =	swait.ge [sflag:s23], $0x3E80  }
0x8c: {  	s28 =	sadd.s32 $0x1, s28;
	[sflag:s23] =	ssyncset.done $0x0  }
0x8d: {  	p0 =	sne.s32 s28, s13;
	[sflag:s23] =	ssyncadd.s32 $0xFFFFC180  }
.Ltmp2:
0x8e: {  	s29 =	sor.u32 $0x1C05, s6;
	[bflag:$0x0] =	sbarrier.arrive $0xFFFF;
	(pc) =	sbr.rel @p0 .LBB2_1-.Ltmp2, $4  }
0x8f: {  	[hbm:s12], [sflag:s29] =	dma.local [spmem:s14], $0x2800  }
0x90: {  	_ =	swait.ge [sflag:s26], $0x2800  }
0x91: {  	[sflag:s26] =	ssyncset.done $0x0  }
0x92: {  	[sflag:s26] =	ssyncadd.s32 $0xFFFFD800  }
0x93: {  	_ =	sfence.sel $0x180000  }
0x94: {  	[bflag:$0x0] =	sbarrier.arrive $0xFFFF  }
0x95: {  	p0 =	sne.s32 s1, $0x0;
	_ =	strace $0x90000056  }
0x96: {  	s0 =	sadd.s32 @!p0 $0x100000, s0;
	[bflag:$0x2] =	sbarrier.arrive $0xFFFF  }
0x97: {  	[sflag:s0] =	ssyncadd.tile.s32 @!p0 $0x1;
	_ =	shalt  }
.Lfunc_end2:
_tile_overlayer_lowered:
.L_overlay_start_2:
0x98: {  	(tag) =	ssettag $0x2  }
0x99: {  	s0 =	rddreg [dreg:$0x0];
	s2 =	stileid.u32  }
0x9a: {  	s1 =	rddreg [dreg:$0x1];
	p0 =	sne.s32 s2, $0x0  }
0x9b: {  	s3 =	rddreg [dreg:$0x2];
	[bflag:$0x3] =	sbarrier.arrive $0xFFFF;
	s2 =	simm.s32 @!p0 $0x1C05  }
0x9c: {  	[timem:s3], [sflag:s2] =	dma.local @!p0 [hbm:s0], s1  }
0x9d: {  	s0 =	simm.s32 @!p0 $0x5  }
0x9e: {  	_ =	swait.ge @!p0 [sflag:s0], s1  }
0x9f: {  	s1 =	ssub.s32 @!p0 $0x0, s1;
	[sflag:s0] =	ssyncset.done @!p0 $0x0  }
0xa0: {  	[sflag:s0] =	ssyncadd.s32 @!p0 s1  }
0xa1: {  	[bflag:$0x3] =	sbarrier.arrive $0xFFFF  }
0xa2: {  	_ =	shalt  }

// kernel: kernel.33.cloned.1.call-start
scs
__scs_entry_jumppad:
0x0: {  	(pc) =	sbr.rel $0x88, $3  }
0x1: {  	(tag) =	ssettag $0x0;
	lr =	simm.s32 $0x1  }
0x2: {  	[smem:$0x3F87] =	sst lr;
	_ =	strace $0xD0000000  }
0x3: {  	_ = 	snop  }
0x4: {  	_ = 	snop  }
0x5: {  	_ = 	snop  }
0x6: {  	_ = 	snop  }
0x7: {  	_ = 	snop  }
__scs_overlays_trampoline_lowered:
0x8: {  	[smem:$0x3F96] =	sst s0  }
0x9: {  	[smem:$0x3F97] =	sst s1  }
0xa: {  	[smem:$0x3F98] =	sst s2  }
0xb: {  	[smem:$0x3F99] =	sst s3  }
0xc: {  	[smem:$0x3F9A] =	sst s4  }
0xd: {  	[smem:$0x3F9B] =	sst s5  }
0xe: {  	[smem:$0x3F9C] =	sst s6  }
0xf: {  	[smem:$0x3F9D] =	sst s7  }
0x10: {  	[smem:$0x3F9E] =	sst s8  }
0x11: {  	[smem:$0x3F9F] =	sst s9;
	s0 =	simm.s32 @!p0 $0x0  }
0x12: {  	s1 =	sld [smem:$0x3F85];
	s0 =	simm.s32 @p0 $0x1  }
0x13: {  	[smem:$0x3FA0] =	sst s0;
	s0 =	simm.s32 @!p1 $0x0  }
0x14: {  	s2 =	sld [smem:$0x3F84];
	s0 =	simm.s32 @p1 $0x1  }
0x15: {  	[smem:$0x3FA1] =	sst s0;
	s0 =	simm.s32 @!p2 $0x0  }
0x16: {  	s3 =	sld [smem:$0x3FDB];
	s0 =	simm.s32 @p2 $0x1  }
0x17: {  	s4 =	simm.s32 $0x1BF5;
	[smem:$0x3FA3] =	sst s0  }
0x18: {  	s0 =	sld [smem:$0x3F86];
	_ =	swait.ge [sflag:s4], $0x0  }
0x19: {  	s7 =	sld [smem:$0x3F87]  }
0x1a: {  	s8 =	sadd.s32 $0xFFFFE003, lr  }
0x1b: {  	s9 =	sadd.s32 $0xFFFFFEF7, lr;
	s5 =	simm.s32 $0xFFFFFFFF;
	p2 =	slt.u32 s8, $0xFFFFF086  }
0x1c: {  	p1 =	slt.u32 s9, $0xF7A;
	s5 =	simm.s32 @!p2 $0x0  }
0x1d: {  	s5 =	simm.s32 @p1 $0x1;
	p0 =	seq.s32 s7, s2  }
0x1e: {  	s7 =	smul.u32 @!p0 $0xF7A, s2;
	p2 =	seq.s32 @!p0 s5, $0x0  }
0x1f: {  	s9 =	smul.u32 $0xF7A, s1;
	s8 =	simm.s32 @!p0 $0x1BF5;
	p2 =	por !p2, p0  }
0x20: {  	[sflag:s8] =	ssyncset.s32 @!p0 $0xFFFFF086;
	s6 =	sadd.s32 @!p0 s3, s7;
	s7 =	simm.s32 @!p0 $0x108  }
0x21: {  	s3 =	sadd.s32 s3, s9;
	s6 =	sadd.s32 @!p0 $0x88, s6;
	s7 =	simm.s32 @p2 $0x1082  }
0x22: {  	[simem:s7], [sflag:s8] =	dma.local @!p0 [hbm:s6], $0xF7A  }
0x23: {  	s9 =	sor.u32 $0xD0000000, s2;
	s6 =	simm.s32 $0x108;
	_ =	swait.ge @!p0 [sflag:s8], $0x0  }
0x24: {  	s3 =	sadd.s32 $0x88, s3;
	s6 =	simm.s32 @!p1 $0x1082;
	[sflag:s4] =	ssyncset.s32 $0xFFFFF086  }
0x25: {  	[simem:s6], [sflag:s4] =	dma.local [hbm:s3], $0xF7A  }
0x26: {  	[smem:$0x3F87] =	sst s1;
	(tag) =	ssettag s2;
	_ =	strace s9  }
0x27: {  	s1 =	sld [smem:$0x3F97]  }
0x28: {  	s2 =	sld [smem:$0x3F98]  }
0x29: {  	s4 =	sld [smem:$0x3F9A]  }
0x2a: {  	p0 =	seq.s32 s5, $0x0;
	s5 =	sld [smem:$0x3F9B]  }
0x2b: {  	s6 =	sld [smem:$0x3F9C]  }
0x2c: {  	s7 =	sld [smem:$0x3F9D]  }
0x2d: {  	s3 =	simm.s32 $0x108;
	s8 =	sld [smem:$0x3F9E]  }
0x2e: {  	s3 =	simm.s32 @!p0 $0x1082;
	s9 =	sld [smem:$0x3F9F]  }
0x2f: {  	lr =	sadd.s32 s0, s3;
	s0 =	sld [smem:$0x3F96]  }
0x30: {  	s3 =	sld [smem:$0x3F99]  }
0x31: {  	[smem:$0x3FA2] =	sst s10  }
0x32: {  	s10 =	sld [smem:$0x3FA0];
	_ =	sdelay $0x3  }
0x33: {  	p0 =	seq.s32 s10, $0x1;
	s10 =	sld [smem:$0x3FA2];
	_ =	sdelay $0x3  }
0x34: {  	[smem:$0x3FA2] =	sst s10  }
0x35: {  	s10 =	sld [smem:$0x3FA1];
	_ =	sdelay $0x3  }
0x36: {  	p1 =	seq.s32 s10, $0x1;
	s10 =	sld [smem:$0x3FA2];
	_ =	sdelay $0x3  }
0x37: {  	[smem:$0x3FA2] =	sst s10  }
0x38: {  	s10 =	sld [smem:$0x3FA3]  }
0x39: {  	_ = 	snop;
	(pc) =	sbr.ind lr, $3  }
0x3a: {  	_ = 	snop  }
0x3b: {  	_ = 	snop  }
0x3c: {  	p2 =	seq.s32 s10, $0x1;
	s10 =	sld [smem:$0x3FA2]  }
0x3d: {  	_ =	shalt  }
0x3e: {  	_ =	shalt  }
0x3f: {  	_ =	shalt  }
0x40: {  	_ =	shalt  }
0x41: {  	_ =	shalt  }
0x42: {  	_ =	shalt  }
0x43: {  	_ =	shalt  }
0x44: {  	_ =	shalt  }
0x45: {  	_ =	shalt  }
0x46: {  	_ =	shalt  }
0x47: {  	_ =	shalt  }
0x48: {  	_ =	shalt  }
0x49: {  	_ =	shalt  }
0x4a: {  	_ =	shalt  }
0x4b: {  	_ =	shalt  }
0x4c: {  	_ =	shalt  }
0x4d: {  	_ =	shalt  }
0x4e: {  	_ =	shalt  }
0x4f: {  	_ =	shalt  }
0x50: {  	_ =	shalt  }
0x51: {  	_ =	shalt  }
0x52: {  	_ =	shalt  }
0x53: {  	_ =	shalt  }
0x54: {  	_ =	shalt  }
0x55: {  	_ =	shalt  }
0x56: {  	_ =	shalt  }
0x57: {  	_ =	shalt  }
0x58: {  	_ =	shalt  }
0x59: {  	_ =	shalt  }
0x5a: {  	_ =	shalt  }
0x5b: {  	_ =	shalt  }
0x5c: {  	_ =	shalt  }
0x5d: {  	_ =	shalt  }
0x5e: {  	_ =	shalt  }
0x5f: {  	_ =	shalt  }
0x60: {  	_ =	shalt  }
0x61: {  	_ =	shalt  }
0x62: {  	_ =	shalt  }
0x63: {  	_ =	shalt  }
0x64: {  	_ =	shalt  }
0x65: {  	_ =	shalt  }
0x66: {  	_ =	shalt  }
0x67: {  	_ =	shalt  }
0x68: {  	_ =	shalt  }
0x69: {  	_ =	shalt  }
0x6a: {  	_ =	shalt  }
0x6b: {  	_ =	shalt  }
0x6c: {  	_ =	shalt  }
0x6d: {  	_ =	shalt  }
0x6e: {  	_ =	shalt  }
0x6f: {  	_ =	shalt  }
0x70: {  	_ =	shalt  }
0x71: {  	_ =	shalt  }
0x72: {  	_ =	shalt  }
0x73: {  	_ =	shalt  }
0x74: {  	_ =	shalt  }
0x75: {  	_ =	shalt  }
0x76: {  	_ =	shalt  }
0x77: {  	_ =	shalt  }
0x78: {  	_ =	shalt  }
0x79: {  	_ =	shalt  }
0x7a: {  	_ =	shalt  }
0x7b: {  	_ =	shalt  }
0x7c: {  	_ =	shalt  }
0x7d: {  	_ =	shalt  }
0x7e: {  	_ =	shalt  }
0x7f: {  	_ =	shalt  }
0x80: {  	_ =	shalt  }
0x81: {  	_ =	shalt  }
0x82: {  	_ =	shalt  }
0x83: {  	_ =	shalt  }
0x84: {  	_ =	shalt  }
0x85: {  	_ =	shalt  }
0x86: {  	_ =	shalt  }
0x87: {  	_ =	shalt  }
.Lfunc_end0:
.L_simem_size_0:
called_computation.6_lowered:
.L_overlay_start_0:
0x88: {  	s2 =	sld [smem:$0x3FD9]  }
0x89: {  	s3 =	sld [smem:$0x3FFE];
	_ =	sdelay $0x1  }
0x8a: {  	s1 =	srdreg.scid  }
0x8b: {  	s0 =	sand.u32 $0x1, s1  }
0x8c: {  	s15 =	sshll.u32 s0, $0xA;
	s2 =	sadd.s32 s3, s2  }
0x8d: {  	s2 =	sadd.s32 s2, s15  }
0x8e: {  	[smem:$0x3FAE] =	sst s2  }
0x8f: {  	_ = 	snop  }
0x90: {  	s2 =	sld [smem:$0x3FD0];
	_ =	sdelay $0x2  }
0x91: {  	s16 =	simm.s32 $0xC;
	s4 =	simm.s32 $0x10  }
0x92: {  	[smem:s4], [sflag:s16] =	dma.local [hbm:s2], $0x1  }
0x93: {  	_ =	swait.eq [sflag:s16], $0x1  }
0x94: {  	[sflag:s16] =	ssyncset.done $0x0  }
0x95: {  	[sflag:s16] =	ssyncadd.s32 $0xFFFFFFFF  }
0x96: {  	s17 =	sld [smem:$0x14];
	(tm) =	ssettm $0x1  }
0x97: {  	s18 =	sld [smem:$0x3FFB];
	_ =	sdelay $0x3  }
0x98: {  	_ =	strace s18  }
0x99: {  	s2 =	sld [smem:$0x3FFC];
	_ =	sdelay $0x3  }
0x9a: {  	_ =	strace s2  }
0x9b: {  	s2 =	sld [smem:$0x3FFD];
	_ =	sdelay $0x3  }
0x9c: {  	_ =	strace s2  }
0x9d: {  	_ =	strace $0x8FFFFFFF  }
0x9e: {  	s19 =	sld [smem:$0x3FDB];
	_ =	sdelay $0x1  }
0x9f: {  	s20 =	simm.s32 $_scs_section_size  }
0xa0: {  	s5 =	simm.s32 $_size__tile_overlayer_lowered;
	s6 =	simm.s32 $_tile_overlayer_lowered  }
0xa1: {  	s7 =	simm.s32 $0x1BFF;
	s21 =	sshll.u32 s6, $0x1;
	s4 =	sadd.s32 s20, s19  }
0xa2: {  	s22 =	simm.s32 $0x0;
	s5 =	sshll.u32 s5, $0x1;
	s6 =	sadd.s32 s21, s4  }
0xa3: {  	[timem:s22], [sflag:s7] =	dma.local [hbm:s6], s5  }
0xa4: {  	_ =	swait.ge [sflag:s7], s5  }
0xa5: {  	s5 =	ssub.s32 $0x0, s5;
	[sflag:s7] =	ssyncset.done $0x0  }
0xa6: {  	[sflag:s7] =	ssyncadd.s32 s5;
	_ =	sdelay $0x1  }
0xa7: {  	s23 =	simm.s32 $0x1B8B  }
0xa8: {  	_ =	swait.ge [sflag:s23], $0x1  }
0xa9: {  	[sflag:s23] =	ssyncset.done $0x0  }
0xaa: {  	[sflag:s23] =	ssyncadd.s32 $0xFFFFFFFF  }
0xab: {  	s5 =	sld [smem:$0x0]  }
0xac: {  	s6 =	sand.u32 $0xFFFFFFFE, s1  }
0xad: {  	p0 =	sne.s32 s1, s6  }
0xae: {  	s6 =	sshll.u32 @p0 s6, $0xE  }
0xaf: {  	s6 =	sadd.s32 @p0 $0x11B8D, s6;
	s7 =	sshll.u32 @p0 s5, $0x11  }
0xb0: {  	s6 =	sor.u32 @p0 s7, s6  }
0xb1: {  	[sflag:s6] =	ssyncadd.remote.s32 @p0 $0x1;
	_ =	sdelay $0x1  }
0xb2: {  	s6 =	simm.s32 @p0 $0x1B8D  }
0xb3: {  	_ =	swait.eq @p0 [sflag:s6], $0x1  }
0xb4: {  	[sflag:s6] =	ssyncadd.s32 @p0 $0xFFFFFFFF  }
0xb5: {  	s7 =	sshll.u32 @!p0 s1, $0xE  }
0xb6: {  	s7 =	sor.u32 @!p0 $0x4000, s7;
	s6 =	simm.s32 @!p0 $0x1B8D  }
0xb7: {  	s5 =	sshll.u32 @!p0 s5, $0x11;
	s7 =	sadd.s32 @!p0 $0x11B8D, s7;
	_ =	swait.eq @!p0 [sflag:s6], $0x1  }
0xb8: {  	s5 =	sor.u32 @!p0 s5, s7;
	[sflag:s6] =	ssyncadd.s32 @!p0 $0xFFFFFFFF  }
0xb9: {  	s25 =	simm.s32 $0x1B8E;
	s24 =	sld [smem:$0x3FFE];
	[sflag:s5] =	ssyncadd.remote.s32 @!p0 $0x1  }
0xba: {  	s26 =	simm.s32 $execute0_lowered;
	[smem:$0x3FD2] =	sst s25  }
0xbb: {  	s6 =	sshll.u32 s26, $0x1;
	_ =	strace $0x80000058;
	[dreg:$0x1] =	wrdreg $0xFFFFFFFF  }
0xbc: {  	s28 =	simm.s32 $_size_execute0_lowered;
	s4 =	sadd.s32 s4, s6;
	[dreg:$0x0] =	wrdreg $0x0  }
0xbd: {  	s6 =	sshll.u32 s28, $0x1;
	[dreg:$0x2] =	wrdreg s4  }
0xbe: {  	[dreg:$0x3] =	wrdreg s6  }
0xbf: {  	[dreg:$0x4] =	wrdreg $0xC0  }
0xc0: {  	_ =	task [dreg:s22], $0x5FFFF  }
0xc1: {  	[dreg:$0x1] =	wrdreg $0xFFFFFFFF  }
0xc2: {  	[dreg:$0x0] =	wrdreg $0x60  }
0xc3: {  	[dreg:$0x2] =	wrdreg s24  }
0xc4: {  	[dreg:$0x3] =	wrdreg s17  }
0xc5: {  	[dreg:$0x4] =	wrdreg $0xA8000  }
0xc6: {  	[dreg:$0x5] =	wrdreg $0xA  }
0xc7: {  	_ =	task.clear_ibuf [dreg:s22], $0x6FFFF;
	_ =	strace $0x90000058  }
0xc8: {  	s29 =	simm.s32 $0xA;
	_ =	strace $0x8000005A  }
0xc9: {  	_ =	swait.ge [sflag:s29], $0x1  }
0xca: {  	[sflag:s29] =	ssyncadd.s32 $0xFFFFFFFF  }
0xcb: {  	_ =	strace $0x9000005A  }
0xcc: {  	_ =	sfence  }
0xcd: {  	s30 =	sld [smem:$0x0];
	_ =	sdelay $0x2  }
0xce: {  	s31 =	sshll.u32 s1, $0xD;
	s1 =	sshrl.u32 s1, $0x2  }
0xcf: {  	s4 =	sand.u32 $0x4000, s31;
	s1 =	sadd.s32 s1, s30  }
0xd0: {  	s0 =	sor.u32 s4, s0;
	s1 =	sshll.u32 s1, $0x11  }
0xd1: {  	s0 =	sor.u32 s1, s0  }
0xd2: {  	s0 =	sadd.s32 $0x8F2B, s0  }
0xd3: {  	[sflag:s0] =	ssyncadd.remote.s32 $0x1  }
0xd4: {  	_ =	sfence.sel $0xFFFF  }
0xd5: {  	[dreg:$0x0] =	wrdreg $0xFFFFFFFF;
	(pc) =	sbr.abs _section_cstart, $3  }
0xd6: {  	[dreg:$0x1] =	wrdreg $0xFFFFFFFF  }
0xd7: {  	_ =	task.clear_ibuf [dreg:s22], $0x2FFFF;
	_ =	strace $0x9FFFFFFF  }
0xd8: {  	(tm) =	ssettm $0x7FFFFFFF  }
0xd9: {  	_ =	shalt  }
tec
execute0_lowered:
.L_overlay_start_1:
0x0: {  	(tag) =	ssettag $0x1  }
0x1: {  	s6 =	rddreg [dreg:$0x0]  }
0x2: {  	s11 =	rddreg [dreg:$0x1]  }
0x3: {  	s2 =	rddreg [dreg:$0x2]  }
0x4: {  	s0 =	rddreg [dreg:$0x3];
	s3 =	simm.s32 $0x0;
	s4 =	srdreg.scid  }
0x5: {  	s1 =	stileid.u32;
	s17 =	simm.s32 $0x1;
	s18 =	simm.s32 $0x2  }
0x6: {  	s19 =	simm.s32 $0x7D;
	s20 =	simm.s32 $0x2800;
	s21 =	simm.s32 $0x80  }
0x7: {  	s22 =	simm.s32 $0x6800;
	s23 =	simm.s32 $0x4;
	s28 =	simm.s32 $0x0  }
0x8: {  	[smem:$0x7FF] =	sst s3;
	s7 =	sand.u32 $0x1, s4;
	s8 =	smul.u32 $0x2800, s1  }
0x9: {  	s4 =	sadd.s32 $0xF200, s6;
	s10 =	sadd.s32 $0x5F200, s6;
	s5 =	sadd.s32 $0xCA00, s6  }
0xa: {  	s12 =	sshll.u32 s1, $0x1;
	s25 =	smul.u32 $0x50000, s1;
	_ =	strace $0x80000059  }
0xb: {  	s9 =	smul.u32 $0x28000, s7;
	s24 =	ssub.s32 $0x2, s7;
	s7 =	sor.u32 s7, s12  }
0xc: {  	s13 =	sshrl.u32 s24, $0x1;
	s26 =	smul.u32 $0x2800, s7;
	s29 =	sshrl.u32 s25, $0x2  }
0xd: {  	s30 =	smul.u32 $0x500, s7;
	s25 =	simm.s32 $0x2780;
	s8 =	sadd.s32 s8, s9  }
0xe: {  	s13 =	ssub.s32 s24, s13;
	s15 =	sadd.s32 s29, s2;
	s24 =	simm.s32 $0x2700  }
0xf: {  	s14 =	sadd.s32 s8, s6;
	s6 =	sshll.u32 s1, $0x6;
	s16 =	sshrl.u32 s26, $0x3  }
0x10: {  	s8 =	sadd.s32 s10, s30;
	s9 =	sadd.s32 s11, s30;
	s13 =	smax.u32 s13, $0x1  }
0x11: {  	s26 =	simm.s32 $0x5;
	s7 =	sor.u32 $0x1C03, s6;
	s31 =	sadd.s32 $0x280, s16  }
0x12: {  	s12 =	sadd.s32 $0x1A9200, s14;
	s14 =	sshrl.u32 s15, $0x3;
	s15 =	simm.s32 $0x1400  }
0x13: {  	s16 =	simm.s32 $0x3;
	s10 =	sadd.s32 s10, s31;
	s11 =	sadd.s32 s11, s31  }
.LBB2_1:
0x14: {  	[spmem:s14], [sflag:s7] =	dma.local [hbm:s5], $0x2800  }
0x15: {  	[tilespmem:s3], [sflag:$0x1] =	stream.linear.gather [hbm4b:s8+s3], $0x1400, $0x38;
	[tilespmem:$0x1E800] =	vst v63  }
0x16: {  	_ = 	snop  }
0x17: {  	[tilespmem:s15], [sflag:$0x2] =	stream.linear.gather [hbm4b:s9+s3], $0x1400, $0x38;
	[tilespmem:$0x1E800] =	vst v63  }
0x18: {  	_ =	swait.ge [sflag:s16], $0x2800  }
0x19: {  	[sflag:s16] =	ssyncset.done $0x0  }
0x1a: {  	[sflag:s16] =	ssyncadd.s32 $0xFFFFD800  }
0x1b: {  	_ =	swait.ge [sflag:s17], $0x1400  }
0x1c: {  	[sflag:s17] =	ssyncset.done $0x0  }
0x1d: {  	[sflag:s17] =	ssyncadd.s32 $0xFFFFEC00  }
0x1e: {  	_ =	swait.ge [sflag:s18], $0x1400  }
0x1f: {  	[sflag:s18] =	ssyncset.done $0x0  }
0x20: {  	[sflag:s18] =	ssyncadd.s32 $0xFFFFEC00  }
0x21: {  	[bflag:$0x0] =	sbarrier.arrive $0xFFFF  }
0x22: {  	[tilespmem:s20], [sflag:$0x1] =	stream.indirect.gather [hbm4b:s4+s19], $0x80, s3, s19, $0xb8;
	[tilespmem:$0x1E800] =	vst v63  }
0x23: {  	_ = 	snop  }
0x24: {  	[tilespmem:s22], [sflag:$0x2] =	stream.indirect.gather [hbm4b:s4+s19], $0x80, s21, s19, $0xb8;
	[tilespmem:$0x1E800] =	vst v63  }
0x25: {  	_ =	swait.ge [sflag:s17], $0x3E80  }
0x26: {  	[sflag:s17] =	ssyncset.done $0x0  }
0x27: {  	s29 =	simm.s32 $0x1400;
	[sflag:s17] =	ssyncadd.s32 $0xFFFFC180  }
0x28: {  	[spmem:s2] =	stream.indirect.scatter.add.f32 [tilespmem:s20], [sflag:$0x3], $0x80, s29, s19, $0xb8;
	[tilespmem:$0x1E800] =	vst v63  }
0x29: {  	_ =	swait.ge [sflag:s18], $0x3E80  }
0x2a: {  	[sflag:s18] =	ssyncset.done $0x0  }
0x2b: {  	s29 =	simm.s32 $0x1480;
	[sflag:s18] =	ssyncadd.s32 $0xFFFFC180  }
0x2c: {  	[spmem:s2] =	stream.indirect.scatter.add.f32 [tilespmem:s22], [sflag:$0x4], $0x80, s29, s19, $0xb8;
	[tilespmem:$0x1E800] =	vst v63  }
0x2d: {  	_ =	swait.ge [sflag:s16], $0x3E80  }
0x2e: {  	[sflag:s16] =	ssyncset.done $0x0  }
0x2f: {  	s29 =	simm.s32 $0x100;
	[sflag:s16] =	ssyncadd.s32 $0xFFFFC180  }
0x30: {  	[tilespmem:s20], [sflag:$0x1] =	stream.indirect.gather [hbm4b:s4+s19], $0x80, s29, s19, $0xb8;
	[tilespmem:$0x1E800] =	vst v63  }
0x31: {  	_ =	swait.ge [sflag:s23], $0x3E80  }
0x32: {  	[sflag:s23] =	ssyncset.done $0x0  }
0x33: {  	s30 =	simm.s32 $0x180;
	s29 =	simm.s32 $0x400;
	[sflag:s23] =	ssyncadd.s32 $0xFFFFC180  }
.LBB2_2:
0x34: {  	[tilespmem:s22], [sflag:$0x2] =	stream.indirect.gather [hbm4b:s4+s19], $0x80, s30, s19, $0xb8;
	[tilespmem:$0x1E800] =	vst v63  }
0x35: {  	s30 =	smov.u32 s29  }
0x36: {  	p0 =	sne.s32 s29, $0x4800;
	s29 =	sadd.s32 $0x400, s29;
	_ =	swait.ge [sflag:s17], $0x3E80  }
0x37: {  	s30 =	sshra.s32 s30, $0x2;
	[sflag:s17] =	ssyncset.done $0x0  }
0x38: {  	s31 =	sadd.s32 $0x1400, s30;
	[sflag:s17] =	ssyncadd.s32 $0xFFFFC180  }
0x39: {  	[spmem:s2] =	stream.indirect.scatter.add.f32 [tilespmem:s20], [sflag:$0x3], $0x80, s31, s19, $0xb8;
	[tilespmem:$0x1E800] =	vst v63  }
0x3a: {  	_ =	swait.ge [sflag:s18], $0x3E80  }
0x3b: {  	[sflag:s18] =	ssyncset.done $0x0  }
0x3c: {  	s31 =	sadd.s32 $0x1480, s30;
	[sflag:s18] =	ssyncadd.s32 $0xFFFFC180  }
0x3d: {  	[spmem:s2] =	stream.indirect.scatter.add.f32 [tilespmem:s22], [sflag:$0x4], $0x80, s31, s19, $0xb8;
	[tilespmem:$0x1E800] =	vst v63  }
0x3e: {  	_ =	swait.ge [sflag:s16], $0x3E80  }
0x3f: {  	[sflag:s16] =	ssyncset.done $0x0  }
.Ltmp0:
0x40: {  	s31 =	sadd.s32 $0x100, s30;
	[sflag:s16] =	ssyncadd.s32 $0xFFFFC180;
	(pc) =	sbr.rel @p0 .LBB2_2-.Ltmp0, $4  }
0x41: {  	[tilespmem:s20], [sflag:$0x1] =	stream.indirect.gather [hbm4b:s4+s19], $0x80, s31, s19, $0xb8;
	[tilespmem:$0x1E800] =	vst v63  }
0x42: {  	_ =	swait.ge [sflag:s23], $0x3E80  }
0x43: {  	[sflag:s23] =	ssyncset.done $0x0  }
0x44: {  	s30 =	sadd.s32 $0x180, s30;
	[sflag:s23] =	ssyncadd.s32 $0xFFFFC180  }
0x45: {  	[tilespmem:s22], [sflag:$0x2] =	stream.indirect.gather [hbm4b:s4+s19], $0x80, s30, s19, $0xb8;
	[tilespmem:$0x1E800] =	vst v63  }
0x46: {  	_ =	swait.ge [sflag:s17], $0x3E80  }
0x47: {  	[sflag:s17] =	ssyncset.done $0x0  }
0x48: {  	[sflag:s17] =	ssyncadd.s32 $0xFFFFC180  }
0x49: {  	[spmem:s2] =	stream.indirect.scatter.add.f32 [tilespmem:s20], [sflag:$0x3], $0x80, s24, s19, $0xb8;
	[tilespmem:$0x1E800] =	vst v63  }
0x4a: {  	_ =	swait.ge [sflag:s18], $0x3E80  }
0x4b: {  	[sflag:s18] =	ssyncset.done $0x0  }
0x4c: {  	[sflag:s18] =	ssyncadd.s32 $0xFFFFC180  }
0x4d: {  	[spmem:s2] =	stream.indirect.scatter.add.f32 [tilespmem:s22], [sflag:$0x4], $0x80, s25, s19, $0xb8;
	[tilespmem:$0x1E800] =	vst v63  }
0x4e: {  	_ =	swait.ge [sflag:s16], $0x3E80  }
0x4f: {  	[sflag:s16] =	ssyncset.done $0x0  }
0x50: {  	[sflag:s16] =	ssyncadd.s32 $0xFFFFC180  }
0x51: {  	_ =	swait.ge [sflag:s23], $0x3E80  }
0x52: {  	[sflag:s23] =	ssyncset.done $0x0  }
0x53: {  	s29 =	simm.s32 $0x0;
	[sflag:s23] =	ssyncadd.s32 $0xFFFFC180  }
0x54: {  	[tilespmem:s29], [sflag:$0x5] =	stream.linear.gather [hbm4b:s10+s29], $0x1400, $0x38;
	[tilespmem:$0x1E800] =	vst v63  }
0x55: {  	_ =	swait.ge [sflag:s26], $0x1400  }
0x56: {  	[sflag:s26] =	ssyncset.done $0x0  }
0x57: {  	[sflag:s26] =	ssyncadd.s32 $0xFFFFEC00  }
0x58: {  	[tilespmem:s15], [sflag:$0x5] =	stream.linear.gather [hbm4b:s11+s29], $0x1400, $0x38;
	[tilespmem:$0x1E800] =	vst v63  }
0x59: {  	_ =	swait.ge [sflag:s26], $0x1400  }
0x5a: {  	[sflag:s26] =	ssyncset.done $0x0  }
0x5b: {  	[sflag:s26] =	ssyncadd.s32 $0xFFFFEC00  }
0x5c: {  	[tilespmem:s20], [sflag:$0x1] =	stream.indirect.gather [hbm4b:s4+s19], $0x80, s29, s19, $0xb8;
	[tilespmem:$0x1E800] =	vst v63  }
0x5d: {  	_ = 	snop  }
0x5e: {  	[tilespmem:s22], [sflag:$0x2] =	stream.indirect.gather [hbm4b:s4+s19], $0x80, s21, s19, $0xb8;
	[tilespmem:$0x1E800] =	vst v63  }
0x5f: {  	_ =	swait.ge [sflag:s17], $0x3E80  }
0x60: {  	[sflag:s17] =	ssyncset.done $0x0  }
0x61: {  	s29 =	simm.s32 $0x1400;
	[sflag:s17] =	ssyncadd.s32 $0xFFFFC180  }
0x62: {  	[spmem:s2] =	stream.indirect.scatter.add.f32 [tilespmem:s20], [sflag:$0x3], $0x80, s29, s19, $0xb8;
	[tilespmem:$0x1E800] =	vst v63  }
0x63: {  	_ =	swait.ge [sflag:s18], $0x3E80  }
0x64: {  	[sflag:s18] =	ssyncset.done $0x0  }
0x65: {  	s29 =	simm.s32 $0x1480;
	[sflag:s18] =	ssyncadd.s32 $0xFFFFC180  }
0x66: {  	[spmem:s2] =	stream.indirect.scatter.add.f32 [tilespmem:s22], [sflag:$0x4], $0x80, s29, s19, $0xb8;
	[tilespmem:$0x1E800] =	vst v63  }
0x67: {  	_ =	swait.ge [sflag:s16], $0x3E80  }
0x68: {  	[sflag:s16] =	ssyncset.done $0x0  }
0x69: {  	s29 =	simm.s32 $0x100;
	[sflag:s16] =	ssyncadd.s32 $0xFFFFC180  }
0x6a: {  	[tilespmem:s20], [sflag:$0x1] =	stream.indirect.gather [hbm4b:s4+s19], $0x80, s29, s19, $0xb8;
	[tilespmem:$0x1E800] =	vst v63  }
0x6b: {  	_ =	swait.ge [sflag:s23], $0x3E80  }
0x6c: {  	[sflag:s23] =	ssyncset.done $0x0  }
0x6d: {  	s30 =	simm.s32 $0x180;
	s29 =	simm.s32 $0x400;
	[sflag:s23] =	ssyncadd.s32 $0xFFFFC180  }
.LBB2_4:
0x6e: {  	[tilespmem:s22], [sflag:$0x2] =	stream.indirect.gather [hbm4b:s4+s19], $0x80, s30, s19, $0xb8;
	[tilespmem:$0x1E800] =	vst v63  }
0x6f: {  	s30 =	smov.u32 s29  }
0x70: {  	p0 =	sne.s32 s29, $0x4800;
	s29 =	sadd.s32 $0x400, s29;
	_ =	swait.ge [sflag:s17], $0x3E80  }
0x71: {  	s30 =	sshra.s32 s30, $0x2;
	[sflag:s17] =	ssyncset.done $0x0  }
0x72: {  	s31 =	sadd.s32 $0x1400, s30;
	[sflag:s17] =	ssyncadd.s32 $0xFFFFC180  }
0x73: {  	[spmem:s2] =	stream.indirect.scatter.add.f32 [tilespmem:s20], [sflag:$0x3], $0x80, s31, s19, $0xb8;
	[tilespmem:$0x1E800] =	vst v63  }
0x74: {  	_ =	swait.ge [sflag:s18], $0x3E80  }
0x75: {  	[sflag:s18] =	ssyncset.done $0x0  }
0x76: {  	s31 =	sadd.s32 $0x1480, s30;
	[sflag:s18] =	ssyncadd.s32 $0xFFFFC180  }
0x77: {  	[spmem:s2] =	stream.indirect.scatter.add.f32 [tilespmem:s22], [sflag:$0x4], $0x80, s31, s19, $0xb8;
	[tilespmem:$0x1E800] =	vst v63  }
0x78: {  	_ =	swait.ge [sflag:s16], $0x3E80  }
0x79: {  	[sflag:s16] =	ssyncset.done $0x0  }
.Ltmp1:
0x7a: {  	s31 =	sadd.s32 $0x100, s30;
	[sflag:s16] =	ssyncadd.s32 $0xFFFFC180;
	(pc) =	sbr.rel @p0 .LBB2_4-.Ltmp1, $4  }
0x7b: {  	[tilespmem:s20], [sflag:$0x1] =	stream.indirect.gather [hbm4b:s4+s19], $0x80, s31, s19, $0xb8;
	[tilespmem:$0x1E800] =	vst v63  }
0x7c: {  	_ =	swait.ge [sflag:s23], $0x3E80  }
0x7d: {  	[sflag:s23] =	ssyncset.done $0x0  }
0x7e: {  	s30 =	sadd.s32 $0x180, s30;
	[sflag:s23] =	ssyncadd.s32 $0xFFFFC180  }
0x7f: {  	[tilespmem:s22], [sflag:$0x2] =	stream.indirect.gather [hbm4b:s4+s19], $0x80, s30, s19, $0xb8;
	[tilespmem:$0x1E800] =	vst v63  }
0x80: {  	_ =	swait.ge [sflag:s17], $0x3E80  }
0x81: {  	[sflag:s17] =	ssyncset.done $0x0  }
0x82: {  	[sflag:s17] =	ssyncadd.s32 $0xFFFFC180  }
0x83: {  	[spmem:s2] =	stream.indirect.scatter.add.f32 [tilespmem:s20], [sflag:$0x3], $0x80, s24, s19, $0xb8;
	[tilespmem:$0x1E800] =	vst v63  }
0x84: {  	_ =	swait.ge [sflag:s18], $0x3E80  }
0x85: {  	[sflag:s18] =	ssyncset.done $0x0  }
0x86: {  	[sflag:s18] =	ssyncadd.s32 $0xFFFFC180  }
0x87: {  	[spmem:s2] =	stream.indirect.scatter.add.f32 [tilespmem:s22], [sflag:$0x4], $0x80, s25, s19, $0xb8;
	[tilespmem:$0x1E800] =	vst v63  }
0x88: {  	_ =	swait.ge [sflag:s16], $0x3E80  }
0x89: {  	[sflag:s16] =	ssyncset.done $0x0  }
0x8a: {  	[sflag:s16] =	ssyncadd.s32 $0xFFFFC180  }
0x8b: {  	_ =	swait.ge [sflag:s23], $0x3E80  }
0x8c: {  	s28 =	sadd.s32 $0x1, s28;
	[sflag:s23] =	ssyncset.done $0x0  }
0x8d: {  	p0 =	sne.s32 s28, s13;
	[sflag:s23] =	ssyncadd.s32 $0xFFFFC180  }
.Ltmp2:
0x8e: {  	s29 =	sor.u32 $0x1C05, s6;
	[bflag:$0x0] =	sbarrier.arrive $0xFFFF;
	(pc) =	sbr.rel @p0 .LBB2_1-.Ltmp2, $4  }
0x8f: {  	[hbm:s12], [sflag:s29] =	dma.local [spmem:s14], $0x2800  }
0x90: {  	_ =	swait.ge [sflag:s26], $0x2800  }
0x91: {  	[sflag:s26] =	ssyncset.done $0x0  }
0x92: {  	[sflag:s26] =	ssyncadd.s32 $0xFFFFD800  }
0x93: {  	_ =	sfence.sel $0x180000  }
0x94: {  	[bflag:$0x0] =	sbarrier.arrive $0xFFFF  }
0x95: {  	p0 =	sne.s32 s1, $0x0;
	_ =	strace $0x90000059  }
0x96: {  	s0 =	sadd.s32 @!p0 $0x100000, s0;
	[bflag:$0x2] =	sbarrier.arrive $0xFFFF  }
0x97: {  	[sflag:s0] =	ssyncadd.tile.s32 @!p0 $0x1;
	_ =	shalt  }
.Lfunc_end2:
_tile_overlayer_lowered:
.L_overlay_start_2:
0x98: {  	(tag) =	ssettag $0x2  }
0x99: {  	s0 =	rddreg [dreg:$0x0];
	s2 =	stileid.u32  }
0x9a: {  	s1 =	rddreg [dreg:$0x1];
	p0 =	sne.s32 s2, $0x0  }
0x9b: {  	s3 =	rddreg [dreg:$0x2];
	[bflag:$0x3] =	sbarrier.arrive $0xFFFF;
	s2 =	simm.s32 @!p0 $0x1C05  }
0x9c: {  	[timem:s3], [sflag:s2] =	dma.local @!p0 [hbm:s0], s1  }
0x9d: {  	s0 =	simm.s32 @!p0 $0x5  }
0x9e: {  	_ =	swait.ge @!p0 [sflag:s0], s1  }
0x9f: {  	s1 =	ssub.s32 @!p0 $0x0, s1;
	[sflag:s0] =	ssyncset.done @!p0 $0x0  }
0xa0: {  	[sflag:s0] =	ssyncadd.s32 @!p0 s1  }
0xa1: {  	[bflag:$0x3] =	sbarrier.arrive $0xFFFF  }
0xa2: {  	_ =	shalt  }

</sc_bundles>
